<compile_context>
chip_gen: v7x
topology: tpu7x:2x2x1
jax: 0.10.2.dev20260603
libtpu: 0.0.44.dev20260713+nightly
codegen_flags: <defaults>
</compile_context>

<pallas_src>
import functools

import jax
import jax.numpy as jnp
from jax import lax
from jax.experimental import pallas as pl
from jax.experimental.pallas import tpu as pltpu
from jax.experimental.pallas import tpu_sc as plsc

NUM_CLASSES = 80
IGNORE_THRESH = 0.7
OBJ_SCALE = 5.0

_LN2 = 0.6931471805599453



def _dense_body(tgt_ref, anch_ref, *refs, H, W, N, A):
    f32 = jnp.float32
    x_refs = refs[:5 * A]
    o_ref = refs[5 * A]

    yf = lax.broadcasted_iota(jnp.int32, (H, W), 0).astype(f32)
    xf = lax.broadcasted_iota(jnp.int32, (H, W), 1).astype(f32)
    CDIV = f32(IGNORE_THRESH / (1.0 + IGNORE_THRESH))

    rows = []
    for a in range(A):
        tx = x_refs[5 * a + 0][0, 0]
        ty = x_refs[5 * a + 1][0, 0]
        tw = x_refs[5 * a + 2][0, 0]
        th = x_refs[5 * a + 3][0, 0]
        tc = x_refs[5 * a + 4][0, 0]
        wa = anch_ref[a, 0]
        ha = anch_ref[a, 1]

        px = jax.nn.sigmoid(tx) + xf
        py = jax.nn.sigmoid(ty) + yf
        pw = jnp.exp(tw) * wa
        ph = jnp.exp(th) * ha
        ax1 = px - pw / 2
        ay1 = py - ph / 2
        ax2 = px + pw / 2
        ay2 = py + ph / 2
        area_a = (ax2 - ax1) * (ay2 - ay1)

        def body(nb, carry, ax1=ax1, ay1=ay1, ax2=ax2, ay2=ay2,
                 area_a=area_a):
            ge, gt = carry
            ge_h = None
            gt_h = None
            for u in range(8):
                ni = nb * 8 + u
                gx = tgt_ref[0, ni, 0] * f32(W)
                gy = tgt_ref[0, ni, 1] * f32(H)
                gw = tgt_ref[0, ni, 2] * f32(W)
                gh = tgt_ref[0, ni, 3] * f32(H)
                bx1 = gx - gw / 2
                by1 = gy - gh / 2
                bx2 = gx + gw / 2
                by2 = gy + gh / 2
                area_b = (bx2 - bx1) * (by2 - by1) + 1e-12
                ix1 = jnp.maximum(ax1, bx1)
                iy1 = jnp.maximum(ay1, by1)
                ix2 = jnp.minimum(ax2, bx2)
                iy2 = jnp.minimum(ay2, by2)
                iw = jnp.maximum(ix2 - ix1, 0.0)
                ih = jnp.maximum(iy2 - iy1, 0.0)
                inter = iw * ih
                thr = CDIV * (area_a + area_b)
                geu = inter >= thr
                gtu = inter > thr
                ge_h = geu if ge_h is None else (ge_h | geu)
                gt_h = gtu if gt_h is None else (gt_h | gtu)
            ge = jnp.where(ge_h, 1.0, ge)
            gt = jnp.where(gt_h, 1.0, gt)
            return ge, gt

        zeros = jnp.zeros((H, W), jnp.float32)
        ge, gt = lax.fori_loop(0, N // 8, body, (zeros, zeros))

        conf = jax.nn.sigmoid(tc)
        c2 = conf * conf
        s_all = jnp.sum(c2)
        s_keep = jnp.sum(jnp.where(ge > 0.0, 0.0, c2))
        gcnt = jnp.sum(gt)

        lane = lax.broadcasted_iota(jnp.int32, (1, 128), 1)
        rows.append(jnp.where(lane == 0, s_all,
                              jnp.where(lane == 1, s_keep,
                                        jnp.where(lane == 2, gcnt, 0.0))))
    o_ref[0] = jnp.concatenate(rows, axis=0)


def _dense_call(outputs, targets, anchors, *, B, A, H, W, N, CH):
    body = functools.partial(_dense_body, H=H, W=W, N=N, A=A)
    ch_specs = [
        pl.BlockSpec((1, 1, H, W),
                     functools.partial(lambda b, ch=ch: (b, ch, 0, 0)))
        for ch in [a * CH + c for a in range(A) for c in range(5)]
    ]
    return pl.pallas_call(
        body,
        grid=(B,),
        in_specs=[
            pl.BlockSpec((1, N, 5), lambda b: (b, 0, 0),
                         memory_space=pltpu.SMEM),
            pl.BlockSpec((A, 2), lambda b: (0, 0),
                         memory_space=pltpu.SMEM),
        ] + ch_specs,
        out_specs=pl.BlockSpec((1, A, 128), lambda b: (b, 0, 0)),
        out_shape=jax.ShapeDtypeStruct((B, A, 128), jnp.float32),
    )(targets, anchors, *([outputs] * (5 * A)))



def _lane16():
    return lax.iota(jnp.int32, 16)


def _splat_i32(x):
    return jnp.zeros((16,), jnp.int32) + x


def _gat(vec, idx):
    return vec.at[idx].get(mode="promise_in_bounds")


def _splat48(chunks, j):
    jc = j // 16
    v = jnp.where(jc == 0, chunks[0], jnp.where(jc == 1, chunks[1], chunks[2]))
    return _gat(v, _splat_i32(j - jc * 16))


def _log_ladder_newton(sv):
    import math
    y = jnp.full((16,), 0.25, jnp.float32)
    for k in range(1, 10):
        y = y + jnp.where(sv > math.exp(0.5 * k), 0.5, 0.0)
    for _ in range(4):
        y = y - 1.0 + sv * jnp.exp(-y)
    return y


def _sc_body(x_hbm, tgt_hbm, anch_hbm, out_hbm,
             tg, av, idx2, rows_t, vout, sem,
             *, B, C, H, W, A, N, NC):
    f32 = jnp.float32
    i32 = jnp.int32
    HW = H * W
    CH = C // A
    NR = idx2.shape[0]
    NPAD = idx2.shape[1]
    NCHUNK = NPAD // 16
    FIREW = 1

    wid = lax.axis_index("s") * NC + lax.axis_index("c")

    @pl.when(wid < B)
    def _work():
        pltpu.sync_copy(tgt_hbm.at[wid], tg)
        pltpu.sync_copy(anch_hbm, av)

        lane = _lane16()
        avv = av[...]
        base_im = wid * (C * HW)

        cells_r, ais_r, keys_r = [], [], []
        corn = [[], [], [], [], []]
        for k in range(NCHUNK):
            sl = pl.ds(k * 16, 16)
            gx = tg[0, sl] * f32(W)
            gy = tg[1, sl] * f32(H)
            gw = tg[2, sl] * f32(W)
            gh = tg[3, sl] * f32(H)
            cxi = gx.astype(i32)
            cyi = gy.astype(i32)
            cell = cyi * W + cxi
            cxf = cxi.astype(f32)
            cyf = cyi.astype(f32)
            bx1 = gx - gw / 2
            by1 = gy - gh / 2
            bx2 = gx + gw / 2
            by2 = gy + gh / 2
            area_b = (bx2 - bx1) * (by2 - by1)
            best = jnp.full((16,), -jnp.inf, f32)
            ai = jnp.zeros((16,), i32)
            for a in range(A):
                wa = _gat(avv, _splat_i32(2 * a))
                ha = _gat(avv, _splat_i32(2 * a + 1))
                ax1 = (cxf + 0.5) - wa / 2
                ay1 = (cyf + 0.5) - ha / 2
                ax2 = (cxf + 0.5) + wa / 2
                ay2 = (cyf + 0.5) + ha / 2
                ix1 = jnp.maximum(ax1, bx1)
                iy1 = jnp.maximum(ay1, by1)
                ix2 = jnp.minimum(ax2, bx2)
                iy2 = jnp.minimum(ay2, by2)
                iw = jnp.maximum(ix2 - ix1, 0.0)
                ih = jnp.maximum(iy2 - iy1, 0.0)
                inter = iw * ih
                area_a = (ax2 - ax1) * (ay2 - ay1)
                iou = inter / (area_a + area_b - inter + 1e-12)
                upd = iou > best
                ai = jnp.where(upd, a, ai)
                best = jnp.where(upd, iou, best)
            cells_r.append(cell)
            ais_r.append(ai)
            keys_r.append(cell * 4 + ai)
            for f, v in enumerate((bx1, by1, bx2, by2, area_b)):
                corn[f].append(v)

        bases = [base_im + ais_r[k] * (CH * HW) + cells_r[k]
                 for k in range(NCHUNK)]

        def build(c, _):
            cc = jnp.minimum(c, CH - 1)
            for k in range(NCHUNK):
                idx2[c, pl.ds(k * 16, 16)] = bases[k] + cc * HW
            return 0

        lax.fori_loop(0, NR, build, 0)

        def fire(c, _):
            pltpu.async_copy(x_hbm.at[idx2.at[c]], rows_t.at[c], sem)
            return 0

        lax.fori_loop(0, NR, fire, 0)

        def drain(c, _):
            pltpu.make_async_copy(x_hbm.at[pl.ds(0, NPAD)],
                                  rows_t.at[c], sem).wait()
            return 0

        lax.fori_loop(0, NR, drain, 0)

        for k in range(NCHUNK):
            sl = pl.ds(k * 16, 16)
            gi = lane + k * 16
            act = gi < N
            key_v = keys_r[k]
            cell_v = cells_r[k]
            ai_v = ais_r[k]
            gx = tg[0, sl] * f32(W)
            gy = tg[1, sl] * f32(H)
            gw = tg[2, sl] * f32(W)
            gh = tg[3, sl] * f32(H)
            gcls = tg[4, sl]
            cxi = (tg[0, sl] * f32(W)).astype(i32)
            cyi = (tg[1, sl] * f32(H)).astype(i32)
            cxf = cxi.astype(f32)
            cyf = cyi.astype(f32)

            def wbody(j, dup):
                kj = _splat48(keys_r, j)
                return dup + jnp.where((kj == key_v) & (j > gi), 1, 0)

            dup = lax.fori_loop(0, N, wbody,
                                jnp.where(gi >= N, 1, 0))
            win = dup == 0

            v0 = rows_t[0, sl]
            v1 = rows_t[1, sl]
            v2 = rows_t[2, sl]
            v3 = rows_t[3, sl]
            v4 = rows_t[4, sl]
            sx = 1.0 / (1.0 + jnp.exp(-v0))
            sy = 1.0 / (1.0 + jnp.exp(-v1))
            ew = jnp.exp(v2)
            eh = jnp.exp(v3)
            conf = 1.0 / (1.0 + jnp.exp(-v4))
            wa = _gat(avv, 2 * ai_v)
            ha = _gat(avv, 2 * ai_v + 1)

            d0 = sx - (gx - cxf)
            d1 = sy - (gy - cyf)
            d2 = ew - gw / wa
            d3 = eh - gh / ha
            bc = d0 * d0 + d1 * d1 + d2 * d2 + d3 * d3

            px = sx + cxf
            py = sy + cyf
            pw = ew * wa
            ph = eh * ha
            ax1 = px - pw / 2
            ay1 = py - ph / 2
            ax2 = px + pw / 2
            ay2 = py + ph / 2
            area_a = (ax2 - ax1) * (ay2 - ay1)

            def ibody(j, m):
                bx1 = _splat48(corn[0], j)
                by1 = _splat48(corn[1], j)
                bx2 = _splat48(corn[2], j)
                by2 = _splat48(corn[3], j)
                area_b = _splat48(corn[4], j)
                ix1 = jnp.maximum(ax1, bx1)
                iy1 = jnp.maximum(ay1, by1)
                ix2 = jnp.minimum(ax2, bx2)
                iy2 = jnp.minimum(ay2, by2)
                iw = jnp.maximum(ix2 - ix1, 0.0)
                ih = jnp.maximum(iy2 - iy1, 0.0)
                inter = iw * ih
                iou = inter / (area_a + area_b - inter + 1e-12)
                return jnp.maximum(m, iou)

            miou = lax.fori_loop(0, N, ibody,
                                 jnp.full((16,), -jnp.inf, f32))

            ctgt = 5 + gcls.astype(i32)

            def cbody(c, carry):
                m, s, pc = carry
                v = rows_t[c, sl]
                mn = jnp.maximum(m, v)
                s = s * jnp.exp(m - mn) + jnp.exp(v - mn)
                pc = pc + jnp.where(ctgt == c, v, 0.0)
                return mn, s, pc

            m0 = rows_t[5, sl]
            pc0 = jnp.where(ctgt == 5, m0, 0.0)
            mx, ssum, pcls = lax.fori_loop(
                6, CH, cbody, (m0, jnp.full((16,), 1.0, f32), pc0))
            lse = mx + _log_ladder_newton(ssum)
            cc = lse - pcls

            c2 = conf * conf
            od = conf * OBJ_SCALE - miou * OBJ_SCALE
            oterm = od * od
            sub_i = jnp.where(miou < IGNORE_THRESH, c2, 0.0)

            vout[0, sl] = jnp.where(win, bc, 0.0)
            vout[1, sl] = jnp.where(win, cc, 0.0)
            vout[2, sl] = jnp.where(win, sub_i, 0.0)
            vout[3, sl] = jnp.where(win, c2, 0.0)
            vout[4, sl] = jnp.where(win, oterm, 0.0)

        pltpu.sync_copy(vout, out_hbm.at[wid])


def _sc_call(x_flat, tgt_t, anch_pad, *, B, C, H, W, A, N):
    NC = 2
    NPAD = tgt_t.shape[2]
    CH = C // A
    NR = -(-(CH) // 8) * 8
    mesh = plsc.VectorSubcoreMesh(core_axis_name="c", subcore_axis_name="s")
    body = functools.partial(_sc_body, B=B, C=C, H=H, W=W, A=A, N=N, NC=NC)
    k = pl.kernel(
        body,
        out_type=jax.ShapeDtypeStruct((B, 5, NPAD), jnp.float32),
        mesh=mesh,
        scratch_types=[
            pltpu.VMEM((5, NPAD), jnp.float32),
            pltpu.VMEM((16,), jnp.float32),
            pltpu.VMEM((NR, NPAD), jnp.int32),
            pltpu.VMEM((NR, NPAD), jnp.float32),
            pltpu.VMEM((5, NPAD), jnp.float32),
            pltpu.SemaphoreType.DMA,
        ],
    )
    return k(x_flat, tgt_t, anch_pad)


def kernel(outputs, targets, anchors):
    B, C, H, W = outputs.shape
    A = anchors.shape[0]
    N = targets.shape[1]
    HW = H * W
    CH = C // A

    out3 = outputs.reshape(B, C, HW)
    NPAD = -(-N // 16) * 16
    tgt_t = jnp.pad(targets.transpose(0, 2, 1), ((0, 0), (0, 0), (0, NPAD - N)))
    anch_pad = jnp.pad(anchors.reshape(-1), (0, 16 - 2 * A))
    sparse = _sc_call(out3.reshape(-1), tgt_t, anch_pad,
                      B=B, C=C, H=H, W=W, A=A, N=N)
    dense = _dense_call(outputs, targets, anchors,
                        B=B, A=A, H=H, W=W, N=N, CH=CH)

    s_all = dense[:, :, 0].sum(axis=1)
    s_keep = dense[:, :, 1].sum(axis=1)
    gtcnt = dense[:, :, 2].sum(axis=1)
    spsum = sparse.sum(axis=2)
    box_s = spsum[:, 0]
    cls_s = spsum[:, 1]
    sub_ign = spsum[:, 2]
    sub_all = spsum[:, 3]
    obj_s = spsum[:, 4]

    any_gt = gtcnt > 0
    noobj = jnp.where(any_gt, s_keep - sub_ign, s_all - sub_all)
    loss = (box_s.sum() + (noobj + obj_s).sum() + cls_s.sum()) / B
    return loss

# --- scband reference (transcript-rebuilt; emitter-appended) ---
"""Pipeline reference for scband-yolov3-loss-18193481466543 (READ-ONLY COPY).

The authoritative reference and input builder live on the scoring server;
editing this copy changes nothing except your own understanding.
"""

import jax, jax.numpy as jnp
import numpy as np

NUM_CLASSES = 80
IGNORE_THRESH = 0.7
COORD_SCALE = 1.0
NOOBJ_SCALE = 1.0
OBJ_SCALE = 5.0
CLASS_SCALE = 1.0


def _iou(a, b):
    ax1 = a[:, 0] - a[:, 2] / 2; ay1 = a[:, 1] - a[:, 3] / 2
    ax2 = a[:, 0] + a[:, 2] / 2; ay2 = a[:, 1] + a[:, 3] / 2
    bx1 = b[:, 0] - b[:, 2] / 2; by1 = b[:, 1] - b[:, 3] / 2
    bx2 = b[:, 0] + b[:, 2] / 2; by2 = b[:, 1] + b[:, 3] / 2
    ix1 = jnp.maximum(ax1[:, None], bx1[None, :])
    iy1 = jnp.maximum(ay1[:, None], by1[None, :])
    ix2 = jnp.minimum(ax2[:, None], bx2[None, :])
    iy2 = jnp.minimum(ay2[:, None], by2[None, :])
    iw = jnp.clip(ix2 - ix1, 0.0)
    ih = jnp.clip(iy2 - iy1, 0.0)
    inter = iw * ih
    area_a = (ax2 - ax1) * (ay2 - ay1)
    area_b = (bx2 - bx1) * (by2 - by1)
    return inter / (area_a[:, None] + area_b[None, :] - inter + 1e-12)


def _make_pred_boxes(outputs, anchors, num_classes):
    B, C, H, W = outputs.shape
    A = anchors.shape[0]
    out = outputs.reshape(B, A, 5 + num_classes, H, W).transpose(0, 1, 3, 4, 2)
    x_shift = jnp.broadcast_to(jnp.arange(W, dtype=outputs.dtype), (A, H, W))
    y_shift = jnp.broadcast_to(jnp.arange(H, dtype=outputs.dtype).reshape(H, 1), (A, H, W))
    w_anch = jnp.broadcast_to(anchors[:, 0].reshape(A, 1, 1), (A, H, W))
    h_anch = jnp.broadcast_to(anchors[:, 1].reshape(A, 1, 1), (A, H, W))
    px = jax.nn.sigmoid(out[..., 0]) + x_shift[None]
    py = jax.nn.sigmoid(out[..., 1]) + y_shift[None]
    pw = jnp.exp(out[..., 2]) * w_anch[None]
    ph = jnp.exp(out[..., 3]) * h_anch[None]
    pred_boxes = jnp.stack([px, py, pw, ph], axis=-1)
    pred_boxes = pred_boxes.transpose(0, 2, 3, 1, 4).reshape(B, H * W, A, 4)
    all_anchors = jnp.stack([x_shift, y_shift, w_anch, h_anch], axis=0).transpose(2, 3, 1, 0).reshape(H * W, A, 4)
    return pred_boxes, all_anchors


def _build_targets(outputs, targets, anchors, num_classes):
    B, C, H, W = outputs.shape
    A = anchors.shape[0]
    N = targets.shape[1]
    pred_boxes, anch_x1y1 = _make_pred_boxes(outputs, anchors, num_classes)
    anch_xcyc = anch_x1y1.at[..., :2].add(0.5)
    gt_num = (targets.sum(axis=2) > 0).sum(axis=1)
    scale = jnp.array([W, H, W, H], jnp.float32)

    def per_batch(pred_b, targets_b, n_b):
        gt_boxes = targets_b[:, :4] * scale
        gt_cls = targets_b[:, 4]
        valid = jnp.arange(N) < n_b
        ious = _iou(pred_b.reshape(-1, 4), gt_boxes).reshape(H * W, A, N)
        ious = jnp.where(valid[None, None, :], ious, -jnp.inf)
        max_iou = ious.max(axis=-1, keepdims=True)
        iou_mask = jnp.full((H * W, A, 1), NOOBJ_SCALE, jnp.float32)
        any_gt = jnp.any(max_iou > IGNORE_THRESH)
        iou_mask = jnp.where(any_gt & (max_iou >= IGNORE_THRESH), 0.0, iou_mask)
        overlaps = _iou(anch_xcyc.reshape(-1, 4), gt_boxes).reshape(H * W, A, N)
        iou_target = jnp.zeros((H * W, A, 1), jnp.float32)
        box_target = jnp.zeros((H * W, A, 4), jnp.float32)
        box_mask = jnp.zeros((H * W, A, 1), jnp.float32)
        class_target = jnp.zeros((H * W, A, 1), jnp.float32)
        class_mask = jnp.zeros((H * W, A, 1), jnp.float32)

        def body(ni, carry):
            iou_t, iou_m, box_t, box_m, cls_t, cls_m = carry
            w = ni < n_b
            gb = gt_boxes[ni]
            cx = jnp.floor(gb[0]).astype(jnp.int32)
            cy = jnp.floor(gb[1]).astype(jnp.int32)
            cell = cy * W + cx
            ai = jnp.argmax(overlaps[cell, :, ni]).astype(jnp.int32)
            pa = anch_x1y1[cell, ai]
            delta = jnp.stack([gb[0] - pa[0], gb[1] - pa[1], gb[2] / pa[2], gb[3] / pa[3]]).astype(jnp.float32)
            box_t = box_t.at[cell, ai].set(jnp.where(w, delta, box_t[cell, ai]))
            box_m = box_m.at[cell, ai].set(jnp.where(w, 1.0, box_m[cell, ai]))
            cls_t = cls_t.at[cell, ai].set(jnp.where(w, gt_cls[ni], cls_t[cell, ai]))
            cls_m = cls_m.at[cell, ai].set(jnp.where(w, 1.0, cls_m[cell, ai]))
            iou_t = iou_t.at[cell, ai].set(jnp.where(w, max_iou[cell, ai], iou_t[cell, ai]))
            iou_m = iou_m.at[cell, ai].set(jnp.where(w, OBJ_SCALE, iou_m[cell, ai]))
            return (iou_t, iou_m, box_t, box_m, cls_t, cls_m)

        carry = jax.lax.fori_loop(0, N, body, (iou_target, iou_mask, box_target, box_mask, class_target, class_mask))
        iou_t, iou_m, box_t, box_m, cls_t, cls_m = carry
        iou_m = jnp.where(n_b > 0, iou_m, 0.0)
        return iou_t, iou_m, box_t, box_m, cls_t, cls_m

    iou_t, iou_m, box_t, box_m, cls_t, cls_m = jax.vmap(per_batch)(pred_boxes, targets, gt_num)
    return (iou_t.reshape(-1), iou_m.reshape(-1), box_t.reshape(-1, 4),
            box_m.reshape(-1), cls_t.reshape(-1).astype(jnp.int32), cls_m.reshape(-1))


def setup_inputs(seed: int = 0):
    key = jax.random.key(seed)
    k1, k2, k3, k4 = jax.random.split(key, 4)
    B, H, W = 8, 52, 52
    outputs = jax.random.normal(k1, (B, 255, H, W), dtype=jnp.float32)
    cxcy = jax.random.uniform(k2, (B, 40, 2), minval=0.02, maxval=0.98)
    wh = jax.random.uniform(k3, (B, 40, 2), minval=0.02, maxval=0.30)
    cls = jax.random.randint(k4, (B, 40), 0, 80).astype(jnp.float32)
    targets = jnp.concatenate([cxcy, wh, cls[..., None]], axis=-1)
    anchors = jnp.array([[1.25, 1.625], [2.0, 3.75], [4.125, 2.875]], dtype=jnp.float32)
    return {"outputs": outputs, "targets": targets, "anchors": anchors}


def reference(outputs, targets, anchors):
    num_classes = NUM_CLASSES
    B, C, H, W = outputs.shape
    A = anchors.shape[0]
    iou_t, iou_m, box_t, box_m, cls_t, cls_m = _build_targets(jax.lax.stop_gradient(outputs), targets, anchors, num_classes)
    out = outputs.reshape(B, A, 5 + num_classes, H, W).transpose(0, 3, 4, 1, 2).reshape(B, -1, 5 + num_classes)
    xy = jax.nn.sigmoid(out[..., 0:2])
    wh = jnp.exp(out[..., 2:4])
    conf = jax.nn.sigmoid(out[..., 4])
    probs = out[..., 5:]
    pred_deltas = jnp.concatenate([xy, wh], axis=-1).reshape(-1, 4)
    pred_confs = conf.reshape(-1)
    pred_probs = probs.reshape(-1, num_classes)
    box_loss = jnp.sum(((pred_deltas - box_t) ** 2) * box_m[:, None])
    iou_loss = jnp.sum((pred_confs * iou_m - iou_t * iou_m) ** 2)
    logp = pred_probs - jax.scipy.special.logsumexp(pred_probs, axis=-1, keepdims=True)
    class_loss = -jnp.sum(cls_m * logp[jnp.arange(pred_probs.shape[0]), cls_t])
    loss = (COORD_SCALE * box_loss + iou_loss + CLASS_SCALE * class_loss) / B
    return loss

if __name__ == "__main__":
    import jax
    _d = setup_inputs()
    print(jax.jit(kernel)(*tuple(_d.values())))

</pallas_src>

<mosaic_0001>
#map = affine_map<(d0, d1) -> (0)>
#map1 = affine_map<(d0, d1) -> (0, 0, 0)>
module attributes {stable_mosaic.version = 14 : i64} {
  func.func @_sc_body(%arg0: i32, %arg1: i32, %arg2: memref<5516160xf32, #tpu.memory_space<hbm>>, %arg3: memref<8x5x48xf32, #tpu.memory_space<hbm>>, %arg4: memref<16xf32, #tpu.memory_space<hbm>>, %arg5: memref<8x5x48xf32, #tpu.memory_space<hbm>>, %arg6: memref<5x48xf32, #tpu.memory_space<vmem>>, %arg7: memref<16xf32, #tpu.memory_space<vmem>>, %arg8: memref<88x48xi32, #tpu.memory_space<vmem>>, %arg9: memref<88x48xf32, #tpu.memory_space<vmem>>, %arg10: memref<5x48xf32, #tpu.memory_space<vmem>>, %arg11: memref<!tpu.dma_semaphore, #tpu.memory_space<semaphore_mem>>) attributes {dimension_semantics = [#tpu.dimension_semantics<core_parallel>, #tpu.dimension_semantics<subcore_parallel>], iteration_bounds = array<i64: 2, 16>, scalar_prefetch = 0 : i64, scratch_operands = 6 : i64, tpu.core_type = #tpu.core_type<sc_vector_subcore>, window_params = [{transform_indices = #map}, {transform_indices = #map1}, {transform_indices = #map}, {transform_indices = #map1}]} {
    %mul3A = arith.constant 2 : i32
    %mul3A_0 = arith.muli %arg1, %mul3A : i32
    %add3A = arith.addi %mul3A_0, %arg0 : i32
    %lt3A = arith.constant 8 : i32
    %lt3A_1 = arith.cmpi slt, %add3A, %lt3A : i32
    %convert_element_type3A = arith.extui %lt3A_1 : i1 to i32
    %cond3A = arith.constant 0 : i32
    %cond3A_2 = arith.cmpi ne, %convert_element_type3A, %cond3A : i32
    scf.if %cond3A_2 {
      "tpu.region"() ({
        %run_scoped3A = tpu.sem_alloc : memref<!tpu.dma_semaphore, #tpu.memory_space<semaphore_mem>>
        %dma_start3A = arith.constant 0 : i32
        %dma_start3A_2245 = arith.constant 0 : i32
        %dma_start3A_2246 = tpu.memref_slice %arg3[%add3A, %dma_start3A, %dma_start3A_2245] : memref<8x5x48xf32, #tpu.memory_space<hbm>> -> memref<1x5x48xf32, #tpu.memory_space<hbm>>
        %dma_start3A_2247 = tpu.memref_squeeze %dma_start3A_2246 : memref<1x5x48xf32, #tpu.memory_space<hbm>> -> memref<5x48xf32, #tpu.memory_space<hbm>>
        %dma_start3A_2248 = arith.constant 0 : i32
        %dma_start3A_2249 = arith.constant 0 : i32
        %dma_start3A_2250 = tpu.memref_slice %arg3[%add3A, %dma_start3A_2248, %dma_start3A_2249] : memref<8x5x48xf32, #tpu.memory_space<hbm>> -> memref<1x5x48xf32, #tpu.memory_space<hbm>>
        %dma_start3A_2251 = tpu.memref_squeeze %dma_start3A_2250 : memref<1x5x48xf32, #tpu.memory_space<hbm>> -> memref<5x48xf32, #tpu.memory_space<hbm>>
        tpu.enqueue_dma source(%dma_start3A_2251 : memref<5x48xf32, #tpu.memory_space<hbm>>) target(%arg6 : memref<5x48xf32, #tpu.memory_space<vmem>>) target_semaphore(%run_scoped3A : memref<!tpu.dma_semaphore, #tpu.memory_space<semaphore_mem>>)
        %dma_wait3A = arith.constant 0 : i32
        %dma_wait3A_2252 = arith.constant 0 : i32
        %dma_wait3A_2253 = tpu.memref_slice %arg3[%add3A, %dma_wait3A, %dma_wait3A_2252] : memref<8x5x48xf32, #tpu.memory_space<hbm>> -> memref<1x5x48xf32, #tpu.memory_space<hbm>>
        %dma_wait3A_2254 = tpu.memref_squeeze %dma_wait3A_2253 : memref<1x5x48xf32, #tpu.memory_space<hbm>> -> memref<5x48xf32, #tpu.memory_space<hbm>>
        %dma_wait3A_2255 = arith.constant 0 : i32
        %dma_wait3A_2256 = arith.constant 0 : i32
        %dma_wait3A_2257 = tpu.memref_slice %arg3[%add3A, %dma_wait3A_2255, %dma_wait3A_2256] : memref<8x5x48xf32, #tpu.memory_space<hbm>> -> memref<1x5x48xf32, #tpu.memory_space<hbm>>
        %dma_wait3A_2258 = tpu.memref_squeeze %dma_wait3A_2257 : memref<1x5x48xf32, #tpu.memory_space<hbm>> -> memref<5x48xf32, #tpu.memory_space<hbm>>
        tpu.wait_dma2 semaphore(%run_scoped3A : memref<!tpu.dma_semaphore, #tpu.memory_space<semaphore_mem>>) src(%dma_wait3A_2258 : memref<5x48xf32, #tpu.memory_space<hbm>>) dst(%arg6 : memref<5x48xf32, #tpu.memory_space<vmem>>)
        tpu.yield
      }) : () -> ()
      "tpu.region"() ({
        %run_scoped3A = tpu.sem_alloc : memref<!tpu.dma_semaphore, #tpu.memory_space<semaphore_mem>>
        tpu.enqueue_dma source(%arg4 : memref<16xf32, #tpu.memory_space<hbm>>) target(%arg7 : memref<16xf32, #tpu.memory_space<vmem>>) target_semaphore(%run_scoped3A : memref<!tpu.dma_semaphore, #tpu.memory_space<semaphore_mem>>)
        tpu.wait_dma2 semaphore(%run_scoped3A : memref<!tpu.dma_semaphore, #tpu.memory_space<semaphore_mem>>) src(%arg4 : memref<16xf32, #tpu.memory_space<hbm>>) dst(%arg7 : memref<16xf32, #tpu.memory_space<vmem>>)
        tpu.yield
      }) : () -> ()
      %iota3A = tpu.iota {dimensions = array<i32: 0>} : vector<16xi32>
      %get3A = arith.constant 0 : index
      %get3A_3 = tpu.vector_load %arg7[%get3A] {strides = array<i32>} : memref<16xf32, #tpu.memory_space<vmem>>, vector<16xf32>,
      %get3A_4 = vector.shape_cast %get3A_3 : vector<16xf32> to vector<16xf32>
      %mul3A_5 = arith.constant 689520 : i32
      %mul3A_6 = arith.muli %add3A, %mul3A_5 : i32
      %get3A_7 = arith.constant 0 : i32
      %get3A_8 = arith.index_cast %get3A_7 : i32 to index
      %get3A_9 = arith.constant 0 : index
      %get3A_10 = tpu.vector_load %arg6[%get3A_8, %get3A_9] {strides = array<i32>} : memref<5x48xf32, #tpu.memory_space<vmem>>, vector<1x16xf32>,
      %get3A_11 = vector.shape_cast %get3A_10 : vector<1x16xf32> to vector<16xf32>
      %mul3A_12 = arith.constant 5.200000e+01 : f32
      %mul3A_13 = vector.broadcast %mul3A_12 : f32 to vector<16xf32>
      %mul3A_14 = arith.mulf %get3A_11, %mul3A_13 : vector<16xf32>
      %get3A_15 = arith.constant 1 : i32
      %get3A_16 = arith.index_cast %get3A_15 : i32 to index
      %get3A_17 = arith.constant 0 : index
      %get3A_18 = tpu.vector_load %arg6[%get3A_16, %get3A_17] {strides = array<i32>} : memref<5x48xf32, #tpu.memory_space<vmem>>, vector<1x16xf32>,
      %get3A_19 = vector.shape_cast %get3A_18 : vector<1x16xf32> to vector<16xf32>
      %mul3A_20 = arith.constant 5.200000e+01 : f32
      %mul3A_21 = vector.broadcast %mul3A_20 : f32 to vector<16xf32>
      %mul3A_22 = arith.mulf %get3A_19, %mul3A_21 : vector<16xf32>
      %get3A_23 = arith.constant 2 : i32
      %get3A_24 = arith.index_cast %get3A_23 : i32 to index
      %get3A_25 = arith.constant 0 : index
      %get3A_26 = tpu.vector_load %arg6[%get3A_24, %get3A_25] {strides = array<i32>} : memref<5x48xf32, #tpu.memory_space<vmem>>, vector<1x16xf32>,
      %get3A_27 = vector.shape_cast %get3A_26 : vector<1x16xf32> to vector<16xf32>
      %mul3A_28 = arith.constant 5.200000e+01 : f32
      %mul3A_29 = vector.broadcast %mul3A_28 : f32 to vector<16xf32>
      %mul3A_30 = arith.mulf %get3A_27, %mul3A_29 : vector<16xf32>
      %get3A_31 = arith.constant 3 : i32
      %get3A_32 = arith.index_cast %get3A_31 : i32 to index
      %get3A_33 = arith.constant 0 : index
      %get3A_34 = tpu.vector_load %arg6[%get3A_32, %get3A_33] {strides = array<i32>} : memref<5x48xf32, #tpu.memory_space<vmem>>, vector<1x16xf32>,
      %get3A_35 = vector.shape_cast %get3A_34 : vector<1x16xf32> to vector<16xf32>
      %mul3A_36 = arith.constant 5.200000e+01 : f32
      %mul3A_37 = vector.broadcast %mul3A_36 : f32 to vector<16xf32>
      %mul3A_38 = arith.mulf %get3A_35, %mul3A_37 : vector<16xf32>
      %convert_element_type3A_39 = arith.fptosi %mul3A_14 : vector<16xf32> to vector<16xi32>
      %convert_element_type3A_40 = arith.fptosi %mul3A_22 : vector<16xf32> to vector<16xi32>
      %mul3A_41 = arith.constant 52 : i32
      %mul3A_42 = vector.broadcast %mul3A_41 : i32 to vector<16xi32>
      %mul3A_43 = arith.muli %convert_element_type3A_40, %mul3A_42 : vector<16xi32>
      %add3A_44 = arith.addi %mul3A_43, %convert_element_type3A_39 : vector<16xi32>
      %convert_element_type3A_45 = arith.sitofp %convert_element_type3A_39 : vector<16xi32> to vector<16xf32>
      %convert_element_type3A_46 = arith.sitofp %convert_element_type3A_40 : vector<16xi32> to vector<16xf32>
      %div3A = arith.constant 2.000000e+00 : f32
      %div3A_47 = vector.broadcast %div3A : f32 to vector<16xf32>
      %div3A_48 = arith.divf %mul3A_30, %div3A_47 : vector<16xf32>
      %sub3A = arith.subf %mul3A_14, %div3A_48 : vector<16xf32>
      %div3A_49 = arith.constant 2.000000e+00 : f32
      %div3A_50 = vector.broadcast %div3A_49 : f32 to vector<16xf32>
      %div3A_51 = arith.divf %mul3A_38, %div3A_50 : vector<16xf32>
      %sub3A_52 = arith.subf %mul3A_22, %div3A_51 : vector<16xf32>
      %div3A_53 = arith.constant 2.000000e+00 : f32
      %div3A_54 = vector.broadcast %div3A_53 : f32 to vector<16xf32>
      %div3A_55 = arith.divf %mul3A_30, %div3A_54 : vector<16xf32>
      %add3A_56 = arith.addf %mul3A_14, %div3A_55 : vector<16xf32>
      %div3A_57 = arith.constant 2.000000e+00 : f32
      %div3A_58 = vector.broadcast %div3A_57 : f32 to vector<16xf32>
      %div3A_59 = arith.divf %mul3A_38, %div3A_58 : vector<16xf32>
      %add3A_60 = arith.addf %mul3A_22, %div3A_59 : vector<16xf32>
      %sub3A_61 = arith.subf %add3A_56, %sub3A : vector<16xf32>
      %sub3A_62 = arith.subf %add3A_60, %sub3A_52 : vector<16xf32>
      %mul3A_63 = arith.mulf %sub3A_61, %sub3A_62 : vector<16xf32>
      %broadcast_in_dim3A = arith.constant 0xFF800000 : f32
      %broadcast_in_dim3A_64 = vector.broadcast %broadcast_in_dim3A : f32 to vector<16xf32>
      %broadcast_in_dim3A_65 = arith.constant 0 : i32
      %broadcast_in_dim3A_66 = vector.broadcast %broadcast_in_dim3A_65 : i32 to vector<16xi32>
      %broadcast_in_dim3A_67 = arith.constant 0 : i32
      %broadcast_in_dim3A_68 = vector.broadcast %broadcast_in_dim3A_67 : i32 to vector<16xi32>
      %add3A_69 = arith.constant 0 : i32
      %add3A_70 = vector.broadcast %add3A_69 : i32 to vector<16xi32>
      %add3A_71 = arith.addi %broadcast_in_dim3A_68, %add3A_70 : vector<16xi32>
      %lt3A_72 = arith.constant 0 : i32
      %lt3A_73 = vector.broadcast %lt3A_72 : i32 to vector<16xi32>
      %lt3A_74 = arith.cmpi slt, %add3A_71, %lt3A_73 : vector<16xi32>
      %add3A_75 = arith.constant 16 : i32
      %add3A_76 = vector.broadcast %add3A_75 : i32 to vector<16xi32>
      %add3A_77 = arith.addi %add3A_71, %add3A_76 : vector<16xi32>
      %select_n3A = arith.select %lt3A_74, %add3A_77, %add3A_71 : vector<16xi1>, vector<16xi32>
      %broadcast_in_dim3A_78 = vector.shape_cast %select_n3A : vector<16xi32> to vector<16x1xi32>
      %gather3A = vector.shape_cast %broadcast_in_dim3A_78 : vector<16x1xi32> to vector<16xi32>
      %gather3A_79 = tpu.dynamic_gather %get3A_4[%gather3A] in [0] : vector<16xf32>, vector<16xi32> -> vector<16xf32>
      %broadcast_in_dim3A_80 = arith.constant 0 : i32
      %broadcast_in_dim3A_81 = vector.broadcast %broadcast_in_dim3A_80 : i32 to vector<16xi32>
      %add3A_82 = arith.constant 1 : i32
      %add3A_83 = vector.broadcast %add3A_82 : i32 to vector<16xi32>
      %add3A_84 = arith.addi %broadcast_in_dim3A_81, %add3A_83 : vector<16xi32>
      %lt3A_85 = arith.constant 0 : i32
      %lt3A_86 = vector.broadcast %lt3A_85 : i32 to vector<16xi32>
      %lt3A_87 = arith.cmpi slt, %add3A_84, %lt3A_86 : vector<16xi32>
      %add3A_88 = arith.constant 16 : i32
      %add3A_89 = vector.broadcast %add3A_88 : i32 to vector<16xi32>
      %add3A_90 = arith.addi %add3A_84, %add3A_89 : vector<16xi32>
      %select_n3A_91 = arith.select %lt3A_87, %add3A_90, %add3A_84 : vector<16xi1>, vector<16xi32>
      %broadcast_in_dim3A_92 = vector.shape_cast %select_n3A_91 : vector<16xi32> to vector<16x1xi32>
      %gather3A_93 = vector.shape_cast %broadcast_in_dim3A_92 : vector<16x1xi32> to vector<16xi32>
      %gather3A_94 = tpu.dynamic_gather %get3A_4[%gather3A_93] in [0] : vector<16xf32>, vector<16xi32> -> vector<16xf32>
      %add3A_95 = arith.constant 5.000000e-01 : f32
      %add3A_96 = vector.broadcast %add3A_95 : f32 to vector<16xf32>
      %add3A_97 = arith.addf %convert_element_type3A_45, %add3A_96 : vector<16xf32>
      %div3A_98 = arith.constant 2.000000e+00 : f32
      %div3A_99 = vector.broadcast %div3A_98 : f32 to vector<16xf32>
      %div3A_100 = arith.divf %gather3A_79, %div3A_99 : vector<16xf32>
      %sub3A_101 = arith.subf %add3A_97, %div3A_100 : vector<16xf32>
      %add3A_102 = arith.constant 5.000000e-01 : f32
      %add3A_103 = vector.broadcast %add3A_102 : f32 to vector<16xf32>
      %add3A_104 = arith.addf %convert_element_type3A_46, %add3A_103 : vector<16xf32>
      %div3A_105 = arith.constant 2.000000e+00 : f32
      %div3A_106 = vector.broadcast %div3A_105 : f32 to vector<16xf32>
      %div3A_107 = arith.divf %gather3A_94, %div3A_106 : vector<16xf32>
      %sub3A_108 = arith.subf %add3A_104, %div3A_107 : vector<16xf32>
      %add3A_109 = arith.constant 5.000000e-01 : f32
      %add3A_110 = vector.broadcast %add3A_109 : f32 to vector<16xf32>
      %add3A_111 = arith.addf %convert_element_type3A_45, %add3A_110 : vector<16xf32>
      %div3A_112 = arith.constant 2.000000e+00 : f32
      %div3A_113 = vector.broadcast %div3A_112 : f32 to vector<16xf32>
      %div3A_114 = arith.divf %gather3A_79, %div3A_113 : vector<16xf32>
      %add3A_115 = arith.addf %add3A_111, %div3A_114 : vector<16xf32>
      %add3A_116 = arith.constant 5.000000e-01 : f32
      %add3A_117 = vector.broadcast %add3A_116 : f32 to vector<16xf32>
      %add3A_118 = arith.addf %convert_element_type3A_46, %add3A_117 : vector<16xf32>
      %div3A_119 = arith.constant 2.000000e+00 : f32
      %div3A_120 = vector.broadcast %div3A_119 : f32 to vector<16xf32>
      %div3A_121 = arith.divf %gather3A_94, %div3A_120 : vector<16xf32>
      %add3A_122 = arith.addf %add3A_118, %div3A_121 : vector<16xf32>
      %max3A = arith.maximumf %sub3A_101, %sub3A : vector<16xf32>
      %max3A_123 = arith.maximumf %sub3A_108, %sub3A_52 : vector<16xf32>
      %min3A = arith.minimumf %add3A_115, %add3A_56 : vector<16xf32>
      %min3A_124 = arith.minimumf %add3A_122, %add3A_60 : vector<16xf32>
      %sub3A_125 = arith.subf %min3A, %max3A : vector<16xf32>
      %max3A_126 = arith.constant 0.000000e+00 : f32
      %max3A_127 = vector.broadcast %max3A_126 : f32 to vector<16xf32>
      %max3A_128 = arith.maximumf %sub3A_125, %max3A_127 : vector<16xf32>
      %sub3A_129 = arith.subf %min3A_124, %max3A_123 : vector<16xf32>
      %max3A_130 = arith.constant 0.000000e+00 : f32
      %max3A_131 = vector.broadcast %max3A_130 : f32 to vector<16xf32>
      %max3A_132 = arith.maximumf %sub3A_129, %max3A_131 : vector<16xf32>
      %mul3A_133 = arith.mulf %max3A_128, %max3A_132 : vector<16xf32>
      %sub3A_134 = arith.subf %add3A_115, %sub3A_101 : vector<16xf32>
      %sub3A_135 = arith.subf %add3A_122, %sub3A_108 : vector<16xf32>
      %mul3A_136 = arith.mulf %sub3A_134, %sub3A_135 : vector<16xf32>
      %add3A_137 = arith.addf %mul3A_136, %mul3A_63 : vector<16xf32>
      %sub3A_138 = arith.subf %add3A_137, %mul3A_133 : vector<16xf32>
      %add3A_139 = arith.constant 9.99999996E-13 : f32
      %add3A_140 = vector.broadcast %add3A_139 : f32 to vector<16xf32>
      %add3A_141 = arith.addf %sub3A_138, %add3A_140 : vector<16xf32>
      %div3A_142 = arith.divf %mul3A_133, %add3A_141 : vector<16xf32>
      %gt3A = arith.cmpf ogt, %div3A_142, %broadcast_in_dim3A_64 : vector<16xf32>
      %jit3A = arith.constant 0 : i32
      %broadcast_in_dim3A_143 = vector.broadcast %jit3A : i32 to vector<16xi32>
      %select_n3A_144 = arith.select %gt3A, %broadcast_in_dim3A_143, %broadcast_in_dim3A_66 : vector<16xi1>, vector<16xi32>
      %select_n3A_145 = arith.select %gt3A, %div3A_142, %broadcast_in_dim3A_64 : vector<16xi1>, vector<16xf32>
      %broadcast_in_dim3A_146 = arith.constant 0 : i32
      %broadcast_in_dim3A_147 = vector.broadcast %broadcast_in_dim3A_146 : i32 to vector<16xi32>
      %add3A_148 = arith.constant 2 : i32
      %add3A_149 = vector.broadcast %add3A_148 : i32 to vector<16xi32>
      %add3A_150 = arith.addi %broadcast_in_dim3A_147, %add3A_149 : vector<16xi32>
      %lt3A_151 = arith.constant 0 : i32
      %lt3A_152 = vector.broadcast %lt3A_151 : i32 to vector<16xi32>
      %lt3A_153 = arith.cmpi slt, %add3A_150, %lt3A_152 : vector<16xi32>
      %add3A_154 = arith.constant 16 : i32
      %add3A_155 = vector.broadcast %add3A_154 : i32 to vector<16xi32>
      %add3A_156 = arith.addi %add3A_150, %add3A_155 : vector<16xi32>
      %select_n3A_157 = arith.select %lt3A_153, %add3A_156, %add3A_150 : vector<16xi1>, vector<16xi32>
      %broadcast_in_dim3A_158 = vector.shape_cast %select_n3A_157 : vector<16xi32> to vector<16x1xi32>
      %gather3A_159 = vector.shape_cast %broadcast_in_dim3A_158 : vector<16x1xi32> to vector<16xi32>
      %gather3A_160 = tpu.dynamic_gather %get3A_4[%gather3A_159] in [0] : vector<16xf32>, vector<16xi32> -> vector<16xf32>
      %broadcast_in_dim3A_161 = arith.constant 0 : i32
      %broadcast_in_dim3A_162 = vector.broadcast %broadcast_in_dim3A_161 : i32 to vector<16xi32>
      %add3A_163 = arith.constant 3 : i32
      %add3A_164 = vector.broadcast %add3A_163 : i32 to vector<16xi32>
      %add3A_165 = arith.addi %broadcast_in_dim3A_162, %add3A_164 : vector<16xi32>
      %lt3A_166 = arith.constant 0 : i32
      %lt3A_167 = vector.broadcast %lt3A_166 : i32 to vector<16xi32>
      %lt3A_168 = arith.cmpi slt, %add3A_165, %lt3A_167 : vector<16xi32>
      %add3A_169 = arith.constant 16 : i32
      %add3A_170 = vector.broadcast %add3A_169 : i32 to vector<16xi32>
      %add3A_171 = arith.addi %add3A_165, %add3A_170 : vector<16xi32>
      %select_n3A_172 = arith.select %lt3A_168, %add3A_171, %add3A_165 : vector<16xi1>, vector<16xi32>
      %broadcast_in_dim3A_173 = vector.shape_cast %select_n3A_172 : vector<16xi32> to vector<16x1xi32>
      %gather3A_174 = vector.shape_cast %broadcast_in_dim3A_173 : vector<16x1xi32> to vector<16xi32>
      %gather3A_175 = tpu.dynamic_gather %get3A_4[%gather3A_174] in [0] : vector<16xf32>, vector<16xi32> -> vector<16xf32>
      %add3A_176 = arith.constant 5.000000e-01 : f32
      %add3A_177 = vector.broadcast %add3A_176 : f32 to vector<16xf32>
      %add3A_178 = arith.addf %convert_element_type3A_45, %add3A_177 : vector<16xf32>
      %div3A_179 = arith.constant 2.000000e+00 : f32
      %div3A_180 = vector.broadcast %div3A_179 : f32 to vector<16xf32>
      %div3A_181 = arith.divf %gather3A_160, %div3A_180 : vector<16xf32>
      %sub3A_182 = arith.subf %add3A_178, %div3A_181 : vector<16xf32>
      %add3A_183 = arith.constant 5.000000e-01 : f32
      %add3A_184 = vector.broadcast %add3A_183 : f32 to vector<16xf32>
      %add3A_185 = arith.addf %convert_element_type3A_46, %add3A_184 : vector<16xf32>
      %div3A_186 = arith.constant 2.000000e+00 : f32
      %div3A_187 = vector.broadcast %div3A_186 : f32 to vector<16xf32>
      %div3A_188 = arith.divf %gather3A_175, %div3A_187 : vector<16xf32>
      %sub3A_189 = arith.subf %add3A_185, %div3A_188 : vector<16xf32>
      %add3A_190 = arith.constant 5.000000e-01 : f32
      %add3A_191 = vector.broadcast %add3A_190 : f32 to vector<16xf32>
      %add3A_192 = arith.addf %convert_element_type3A_45, %add3A_191 : vector<16xf32>
      %div3A_193 = arith.constant 2.000000e+00 : f32
      %div3A_194 = vector.broadcast %div3A_193 : f32 to vector<16xf32>
      %div3A_195 = arith.divf %gather3A_160, %div3A_194 : vector<16xf32>
      %add3A_196 = arith.addf %add3A_192, %div3A_195 : vector<16xf32>
      %add3A_197 = arith.constant 5.000000e-01 : f32
      %add3A_198 = vector.broadcast %add3A_197 : f32 to vector<16xf32>
      %add3A_199 = arith.addf %convert_element_type3A_46, %add3A_198 : vector<16xf32>
      %div3A_200 = arith.constant 2.000000e+00 : f32
      %div3A_201 = vector.broadcast %div3A_200 : f32 to vector<16xf32>
      %div3A_202 = arith.divf %gather3A_175, %div3A_201 : vector<16xf32>
      %add3A_203 = arith.addf %add3A_199, %div3A_202 : vector<16xf32>
      %max3A_204 = arith.maximumf %sub3A_182, %sub3A : vector<16xf32>
      %max3A_205 = arith.maximumf %sub3A_189, %sub3A_52 : vector<16xf32>
      %min3A_206 = arith.minimumf %add3A_196, %add3A_56 : vector<16xf32>
      %min3A_207 = arith.minimumf %add3A_203, %add3A_60 : vector<16xf32>
      %sub3A_208 = arith.subf %min3A_206, %max3A_204 : vector<16xf32>
      %max3A_209 = arith.constant 0.000000e+00 : f32
      %max3A_210 = vector.broadcast %max3A_209 : f32 to vector<16xf32>
      %max3A_211 = arith.maximumf %sub3A_208, %max3A_210 : vector<16xf32>
      %sub3A_212 = arith.subf %min3A_207, %max3A_205 : vector<16xf32>
      %max3A_213 = arith.constant 0.000000e+00 : f32
      %max3A_214 = vector.broadcast %max3A_213 : f32 to vector<16xf32>
      %max3A_215 = arith.maximumf %sub3A_212, %max3A_214 : vector<16xf32>
      %mul3A_216 = arith.mulf %max3A_211, %max3A_215 : vector<16xf32>
      %sub3A_217 = arith.subf %add3A_196, %sub3A_182 : vector<16xf32>
      %sub3A_218 = arith.subf %add3A_203, %sub3A_189 : vector<16xf32>
      %mul3A_219 = arith.mulf %sub3A_217, %sub3A_218 : vector<16xf32>
      %add3A_220 = arith.addf %mul3A_219, %mul3A_63 : vector<16xf32>
      %sub3A_221 = arith.subf %add3A_220, %mul3A_216 : vector<16xf32>
      %add3A_222 = arith.constant 9.99999996E-13 : f32
      %add3A_223 = vector.broadcast %add3A_222 : f32 to vector<16xf32>
      %add3A_224 = arith.addf %sub3A_221, %add3A_223 : vector<16xf32>
      %div3A_225 = arith.divf %mul3A_216, %add3A_224 : vector<16xf32>
      %gt3A_226 = arith.cmpf ogt, %div3A_225, %select_n3A_145 : vector<16xf32>
      %jit3A_227 = arith.constant 1 : i32
      %broadcast_in_dim3A_228 = vector.broadcast %jit3A_227 : i32 to vector<16xi32>
      %select_n3A_229 = arith.select %gt3A_226, %broadcast_in_dim3A_228, %select_n3A_144 : vector<16xi1>, vector<16xi32>
      %select_n3A_230 = arith.select %gt3A_226, %div3A_225, %select_n3A_145 : vector<16xi1>, vector<16xf32>
      %broadcast_in_dim3A_231 = arith.constant 0 : i32
      %broadcast_in_dim3A_232 = vector.broadcast %broadcast_in_dim3A_231 : i32 to vector<16xi32>
      %add3A_233 = arith.constant 4 : i32
      %add3A_234 = vector.broadcast %add3A_233 : i32 to vector<16xi32>
      %add3A_235 = arith.addi %broadcast_in_dim3A_232, %add3A_234 : vector<16xi32>
      %lt3A_236 = arith.constant 0 : i32
      %lt3A_237 = vector.broadcast %lt3A_236 : i32 to vector<16xi32>
      %lt3A_238 = arith.cmpi slt, %add3A_235, %lt3A_237 : vector<16xi32>
      %add3A_239 = arith.constant 16 : i32
      %add3A_240 = vector.broadcast %add3A_239 : i32 to vector<16xi32>
      %add3A_241 = arith.addi %add3A_235, %add3A_240 : vector<16xi32>
      %select_n3A_242 = arith.select %lt3A_238, %add3A_241, %add3A_235 : vector<16xi1>, vector<16xi32>
      %broadcast_in_dim3A_243 = vector.shape_cast %select_n3A_242 : vector<16xi32> to vector<16x1xi32>
      %gather3A_244 = vector.shape_cast %broadcast_in_dim3A_243 : vector<16x1xi32> to vector<16xi32>
      %gather3A_245 = tpu.dynamic_gather %get3A_4[%gather3A_244] in [0] : vector<16xf32>, vector<16xi32> -> vector<16xf32>
      %broadcast_in_dim3A_246 = arith.constant 0 : i32
      %broadcast_in_dim3A_247 = vector.broadcast %broadcast_in_dim3A_246 : i32 to vector<16xi32>
      %add3A_248 = arith.constant 5 : i32
      %add3A_249 = vector.broadcast %add3A_248 : i32 to vector<16xi32>
      %add3A_250 = arith.addi %broadcast_in_dim3A_247, %add3A_249 : vector<16xi32>
      %lt3A_251 = arith.constant 0 : i32
      %lt3A_252 = vector.broadcast %lt3A_251 : i32 to vector<16xi32>
      %lt3A_253 = arith.cmpi slt, %add3A_250, %lt3A_252 : vector<16xi32>
      %add3A_254 = arith.constant 16 : i32
      %add3A_255 = vector.broadcast %add3A_254 : i32 to vector<16xi32>
      %add3A_256 = arith.addi %add3A_250, %add3A_255 : vector<16xi32>
      %select_n3A_257 = arith.select %lt3A_253, %add3A_256, %add3A_250 : vector<16xi1>, vector<16xi32>
      %broadcast_in_dim3A_258 = vector.shape_cast %select_n3A_257 : vector<16xi32> to vector<16x1xi32>
      %gather3A_259 = vector.shape_cast %broadcast_in_dim3A_258 : vector<16x1xi32> to vector<16xi32>
      %gather3A_260 = tpu.dynamic_gather %get3A_4[%gather3A_259] in [0] : vector<16xf32>, vector<16xi32> -> vector<16xf32>
      %add3A_261 = arith.constant 5.000000e-01 : f32
      %add3A_262 = vector.broadcast %add3A_261 : f32 to vector<16xf32>
      %add3A_263 = arith.addf %convert_element_type3A_45, %add3A_262 : vector<16xf32>
      %div3A_264 = arith.constant 2.000000e+00 : f32
      %div3A_265 = vector.broadcast %div3A_264 : f32 to vector<16xf32>
      %div3A_266 = arith.divf %gather3A_245, %div3A_265 : vector<16xf32>
      %sub3A_267 = arith.subf %add3A_263, %div3A_266 : vector<16xf32>
      %add3A_268 = arith.constant 5.000000e-01 : f32
      %add3A_269 = vector.broadcast %add3A_268 : f32 to vector<16xf32>
      %add3A_270 = arith.addf %convert_element_type3A_46, %add3A_269 : vector<16xf32>
      %div3A_271 = arith.constant 2.000000e+00 : f32
      %div3A_272 = vector.broadcast %div3A_271 : f32 to vector<16xf32>
      %div3A_273 = arith.divf %gather3A_260, %div3A_272 : vector<16xf32>
      %sub3A_274 = arith.subf %add3A_270, %div3A_273 : vector<16xf32>
      %add3A_275 = arith.constant 5.000000e-01 : f32
      %add3A_276 = vector.broadcast %add3A_275 : f32 to vector<16xf32>
      %add3A_277 = arith.addf %convert_element_type3A_45, %add3A_276 : vector<16xf32>
      %div3A_278 = arith.constant 2.000000e+00 : f32
      %div3A_279 = vector.broadcast %div3A_278 : f32 to vector<16xf32>
      %div3A_280 = arith.divf %gather3A_245, %div3A_279 : vector<16xf32>
      %add3A_281 = arith.addf %add3A_277, %div3A_280 : vector<16xf32>
      %add3A_282 = arith.constant 5.000000e-01 : f32
      %add3A_283 = vector.broadcast %add3A_282 : f32 to vector<16xf32>
      %add3A_284 = arith.addf %convert_element_type3A_46, %add3A_283 : vector<16xf32>
      %div3A_285 = arith.constant 2.000000e+00 : f32
      %div3A_286 = vector.broadcast %div3A_285 : f32 to vector<16xf32>
      %div3A_287 = arith.divf %gather3A_260, %div3A_286 : vector<16xf32>
      %add3A_288 = arith.addf %add3A_284, %div3A_287 : vector<16xf32>
      %max3A_289 = arith.maximumf %sub3A_267, %sub3A : vector<16xf32>
      %max3A_290 = arith.maximumf %sub3A_274, %sub3A_52 : vector<16xf32>
      %min3A_291 = arith.minimumf %add3A_281, %add3A_56 : vector<16xf32>
      %min3A_292 = arith.minimumf %add3A_288, %add3A_60 : vector<16xf32>
      %sub3A_293 = arith.subf %min3A_291, %max3A_289 : vector<16xf32>
      %max3A_294 = arith.constant 0.000000e+00 : f32
      %max3A_295 = vector.broadcast %max3A_294 : f32 to vector<16xf32>
      %max3A_296 = arith.maximumf %sub3A_293, %max3A_295 : vector<16xf32>
      %sub3A_297 = arith.subf %min3A_292, %max3A_290 : vector<16xf32>
      %max3A_298 = arith.constant 0.000000e+00 : f32
      %max3A_299 = vector.broadcast %max3A_298 : f32 to vector<16xf32>
      %max3A_300 = arith.maximumf %sub3A_297, %max3A_299 : vector<16xf32>
      %mul3A_301 = arith.mulf %max3A_296, %max3A_300 : vector<16xf32>
      %sub3A_302 = arith.subf %add3A_281, %sub3A_267 : vector<16xf32>
      %sub3A_303 = arith.subf %add3A_288, %sub3A_274 : vector<16xf32>
      %mul3A_304 = arith.mulf %sub3A_302, %sub3A_303 : vector<16xf32>
      %add3A_305 = arith.addf %mul3A_304, %mul3A_63 : vector<16xf32>
      %sub3A_306 = arith.subf %add3A_305, %mul3A_301 : vector<16xf32>
      %add3A_307 = arith.constant 9.99999996E-13 : f32
      %add3A_308 = vector.broadcast %add3A_307 : f32 to vector<16xf32>
      %add3A_309 = arith.addf %sub3A_306, %add3A_308 : vector<16xf32>
      %div3A_310 = arith.divf %mul3A_301, %add3A_309 : vector<16xf32>
      %gt3A_311 = arith.cmpf ogt, %div3A_310, %select_n3A_230 : vector<16xf32>
      %jit3A_312 = arith.constant 2 : i32
      %broadcast_in_dim3A_313 = vector.broadcast %jit3A_312 : i32 to vector<16xi32>
      %select_n3A_314 = arith.select %gt3A_311, %broadcast_in_dim3A_313, %select_n3A_229 : vector<16xi1>, vector<16xi32>
      %select_n3A_315 = arith.select %gt3A_311, %div3A_310, %select_n3A_230 : vector<16xi1>, vector<16xf32>
      %mul3A_316 = arith.constant 4 : i32
      %mul3A_317 = vector.broadcast %mul3A_316 : i32 to vector<16xi32>
      %mul3A_318 = arith.muli %add3A_44, %mul3A_317 : vector<16xi32>
      %add3A_319 = arith.addi %mul3A_318, %select_n3A_314 : vector<16xi32>
      %get3A_320 = arith.constant 0 : i32
      %get3A_321 = arith.index_cast %get3A_320 : i32 to index
      %get3A_322 = arith.constant 16 : index
      %get3A_323 = tpu.vector_load %arg6[%get3A_321, %get3A_322] {strides = array<i32>} : memref<5x48xf32, #tpu.memory_space<vmem>>, vector<1x16xf32>,
      %get3A_324 = vector.shape_cast %get3A_323 : vector<1x16xf32> to vector<16xf32>
      %mul3A_325 = arith.constant 5.200000e+01 : f32
      %mul3A_326 = vector.broadcast %mul3A_325 : f32 to vector<16xf32>
      %mul3A_327 = arith.mulf %get3A_324, %mul3A_326 : vector<16xf32>
      %get3A_328 = arith.constant 1 : i32
      %get3A_329 = arith.index_cast %get3A_328 : i32 to index
      %get3A_330 = arith.constant 16 : index
      %get3A_331 = tpu.vector_load %arg6[%get3A_329, %get3A_330] {strides = array<i32>} : memref<5x48xf32, #tpu.memory_space<vmem>>, vector<1x16xf32>,
      %get3A_332 = vector.shape_cast %get3A_331 : vector<1x16xf32> to vector<16xf32>
      %mul3A_333 = arith.constant 5.200000e+01 : f32
      %mul3A_334 = vector.broadcast %mul3A_333 : f32 to vector<16xf32>
      %mul3A_335 = arith.mulf %get3A_332, %mul3A_334 : vector<16xf32>
      %get3A_336 = arith.constant 2 : i32
      %get3A_337 = arith.index_cast %get3A_336 : i32 to index
      %get3A_338 = arith.constant 16 : index
      %get3A_339 = tpu.vector_load %arg6[%get3A_337, %get3A_338] {strides = array<i32>} : memref<5x48xf32, #tpu.memory_space<vmem>>, vector<1x16xf32>,
      %get3A_340 = vector.shape_cast %get3A_339 : vector<1x16xf32> to vector<16xf32>
      %mul3A_341 = arith.constant 5.200000e+01 : f32
      %mul3A_342 = vector.broadcast %mul3A_341 : f32 to vector<16xf32>
      %mul3A_343 = arith.mulf %get3A_340, %mul3A_342 : vector<16xf32>
      %get3A_344 = arith.constant 3 : i32
      %get3A_345 = arith.index_cast %get3A_344 : i32 to index
      %get3A_346 = arith.constant 16 : index
      %get3A_347 = tpu.vector_load %arg6[%get3A_345, %get3A_346] {strides = array<i32>} : memref<5x48xf32, #tpu.memory_space<vmem>>, vector<1x16xf32>,
      %get3A_348 = vector.shape_cast %get3A_347 : vector<1x16xf32> to vector<16xf32>
      %mul3A_349 = arith.constant 5.200000e+01 : f32
      %mul3A_350 = vector.broadcast %mul3A_349 : f32 to vector<16xf32>
      %mul3A_351 = arith.mulf %get3A_348, %mul3A_350 : vector<16xf32>
      %convert_element_type3A_352 = arith.fptosi %mul3A_327 : vector<16xf32> to vector<16xi32>
      %convert_element_type3A_353 = arith.fptosi %mul3A_335 : vector<16xf32> to vector<16xi32>
      %mul3A_354 = arith.constant 52 : i32
      %mul3A_355 = vector.broadcast %mul3A_354 : i32 to vector<16xi32>
      %mul3A_356 = arith.muli %convert_element_type3A_353, %mul3A_355 : vector<16xi32>
      %add3A_357 = arith.addi %mul3A_356, %convert_element_type3A_352 : vector<16xi32>
      %convert_element_type3A_358 = arith.sitofp %convert_element_type3A_352 : vector<16xi32> to vector<16xf32>
      %convert_element_type3A_359 = arith.sitofp %convert_element_type3A_353 : vector<16xi32> to vector<16xf32>
      %div3A_360 = arith.constant 2.000000e+00 : f32
      %div3A_361 = vector.broadcast %div3A_360 : f32 to vector<16xf32>
      %div3A_362 = arith.divf %mul3A_343, %div3A_361 : vector<16xf32>
      %sub3A_363 = arith.subf %mul3A_327, %div3A_362 : vector<16xf32>
      %div3A_364 = arith.constant 2.000000e+00 : f32
      %div3A_365 = vector.broadcast %div3A_364 : f32 to vector<16xf32>
      %div3A_366 = arith.divf %mul3A_351, %div3A_365 : vector<16xf32>
      %sub3A_367 = arith.subf %mul3A_335, %div3A_366 : vector<16xf32>
      %div3A_368 = arith.constant 2.000000e+00 : f32
      %div3A_369 = vector.broadcast %div3A_368 : f32 to vector<16xf32>
      %div3A_370 = arith.divf %mul3A_343, %div3A_369 : vector<16xf32>
      %add3A_371 = arith.addf %mul3A_327, %div3A_370 : vector<16xf32>
      %div3A_372 = arith.constant 2.000000e+00 : f32
      %div3A_373 = vector.broadcast %div3A_372 : f32 to vector<16xf32>
      %div3A_374 = arith.divf %mul3A_351, %div3A_373 : vector<16xf32>
      %add3A_375 = arith.addf %mul3A_335, %div3A_374 : vector<16xf32>
      %sub3A_376 = arith.subf %add3A_371, %sub3A_363 : vector<16xf32>
      %sub3A_377 = arith.subf %add3A_375, %sub3A_367 : vector<16xf32>
      %mul3A_378 = arith.mulf %sub3A_376, %sub3A_377 : vector<16xf32>
      %broadcast_in_dim3A_379 = arith.constant 0xFF800000 : f32
      %broadcast_in_dim3A_380 = vector.broadcast %broadcast_in_dim3A_379 : f32 to vector<16xf32>
      %broadcast_in_dim3A_381 = arith.constant 0 : i32
      %broadcast_in_dim3A_382 = vector.broadcast %broadcast_in_dim3A_381 : i32 to vector<16xi32>
      %broadcast_in_dim3A_383 = arith.constant 0 : i32
      %broadcast_in_dim3A_384 = vector.broadcast %broadcast_in_dim3A_383 : i32 to vector<16xi32>
      %add3A_385 = arith.constant 0 : i32
      %add3A_386 = vector.broadcast %add3A_385 : i32 to vector<16xi32>
      %add3A_387 = arith.addi %broadcast_in_dim3A_384, %add3A_386 : vector<16xi32>
      %lt3A_388 = arith.constant 0 : i32
      %lt3A_389 = vector.broadcast %lt3A_388 : i32 to vector<16xi32>
      %lt3A_390 = arith.cmpi slt, %add3A_387, %lt3A_389 : vector<16xi32>
      %add3A_391 = arith.constant 16 : i32
      %add3A_392 = vector.broadcast %add3A_391 : i32 to vector<16xi32>
      %add3A_393 = arith.addi %add3A_387, %add3A_392 : vector<16xi32>
      %select_n3A_394 = arith.select %lt3A_390, %add3A_393, %add3A_387 : vector<16xi1>, vector<16xi32>
      %broadcast_in_dim3A_395 = vector.shape_cast %select_n3A_394 : vector<16xi32> to vector<16x1xi32>
      %gather3A_396 = vector.shape_cast %broadcast_in_dim3A_395 : vector<16x1xi32> to vector<16xi32>
      %gather3A_397 = tpu.dynamic_gather %get3A_4[%gather3A_396] in [0] : vector<16xf32>, vector<16xi32> -> vector<16xf32>
      %broadcast_in_dim3A_398 = arith.constant 0 : i32
      %broadcast_in_dim3A_399 = vector.broadcast %broadcast_in_dim3A_398 : i32 to vector<16xi32>
      %add3A_400 = arith.constant 1 : i32
      %add3A_401 = vector.broadcast %add3A_400 : i32 to vector<16xi32>
      %add3A_402 = arith.addi %broadcast_in_dim3A_399, %add3A_401 : vector<16xi32>
      %lt3A_403 = arith.constant 0 : i32
      %lt3A_404 = vector.broadcast %lt3A_403 : i32 to vector<16xi32>
      %lt3A_405 = arith.cmpi slt, %add3A_402, %lt3A_404 : vector<16xi32>
      %add3A_406 = arith.constant 16 : i32
      %add3A_407 = vector.broadcast %add3A_406 : i32 to vector<16xi32>
      %add3A_408 = arith.addi %add3A_402, %add3A_407 : vector<16xi32>
      %select_n3A_409 = arith.select %lt3A_405, %add3A_408, %add3A_402 : vector<16xi1>, vector<16xi32>
      %broadcast_in_dim3A_410 = vector.shape_cast %select_n3A_409 : vector<16xi32> to vector<16x1xi32>
      %gather3A_411 = vector.shape_cast %broadcast_in_dim3A_410 : vector<16x1xi32> to vector<16xi32>
      %gather3A_412 = tpu.dynamic_gather %get3A_4[%gather3A_411] in [0] : vector<16xf32>, vector<16xi32> -> vector<16xf32>
      %add3A_413 = arith.constant 5.000000e-01 : f32
      %add3A_414 = vector.broadcast %add3A_413 : f32 to vector<16xf32>
      %add3A_415 = arith.addf %convert_element_type3A_358, %add3A_414 : vector<16xf32>
      %div3A_416 = arith.constant 2.000000e+00 : f32
      %div3A_417 = vector.broadcast %div3A_416 : f32 to vector<16xf32>
      %div3A_418 = arith.divf %gather3A_397, %div3A_417 : vector<16xf32>
      %sub3A_419 = arith.subf %add3A_415, %div3A_418 : vector<16xf32>
      %add3A_420 = arith.constant 5.000000e-01 : f32
      %add3A_421 = vector.broadcast %add3A_420 : f32 to vector<16xf32>
      %add3A_422 = arith.addf %convert_element_type3A_359, %add3A_421 : vector<16xf32>
      %div3A_423 = arith.constant 2.000000e+00 : f32
      %div3A_424 = vector.broadcast %div3A_423 : f32 to vector<16xf32>
      %div3A_425 = arith.divf %gather3A_412, %div3A_424 : vector<16xf32>
      %sub3A_426 = arith.subf %add3A_422, %div3A_425 : vector<16xf32>
      %add3A_427 = arith.constant 5.000000e-01 : f32
      %add3A_428 = vector.broadcast %add3A_427 : f32 to vector<16xf32>
      %add3A_429 = arith.addf %convert_element_type3A_358, %add3A_428 : vector<16xf32>
      %div3A_430 = arith.constant 2.000000e+00 : f32
      %div3A_431 = vector.broadcast %div3A_430 : f32 to vector<16xf32>
      %div3A_432 = arith.divf %gather3A_397, %div3A_431 : vector<16xf32>
      %add3A_433 = arith.addf %add3A_429, %div3A_432 : vector<16xf32>
      %add3A_434 = arith.constant 5.000000e-01 : f32
      %add3A_435 = vector.broadcast %add3A_434 : f32 to vector<16xf32>
      %add3A_436 = arith.addf %convert_element_type3A_359, %add3A_435 : vector<16xf32>
      %div3A_437 = arith.constant 2.000000e+00 : f32
      %div3A_438 = vector.broadcast %div3A_437 : f32 to vector<16xf32>
      %div3A_439 = arith.divf %gather3A_412, %div3A_438 : vector<16xf32>
      %add3A_440 = arith.addf %add3A_436, %div3A_439 : vector<16xf32>
      %max3A_441 = arith.maximumf %sub3A_419, %sub3A_363 : vector<16xf32>
      %max3A_442 = arith.maximumf %sub3A_426, %sub3A_367 : vector<16xf32>
      %min3A_443 = arith.minimumf %add3A_433, %add3A_371 : vector<16xf32>
      %min3A_444 = arith.minimumf %add3A_440, %add3A_375 : vector<16xf32>
      %sub3A_445 = arith.subf %min3A_443, %max3A_441 : vector<16xf32>
      %max3A_446 = arith.constant 0.000000e+00 : f32
      %max3A_447 = vector.broadcast %max3A_446 : f32 to vector<16xf32>
      %max3A_448 = arith.maximumf %sub3A_445, %max3A_447 : vector<16xf32>
      %sub3A_449 = arith.subf %min3A_444, %max3A_442 : vector<16xf32>
      %max3A_450 = arith.constant 0.000000e+00 : f32
      %max3A_451 = vector.broadcast %max3A_450 : f32 to vector<16xf32>
      %max3A_452 = arith.maximumf %sub3A_449, %max3A_451 : vector<16xf32>
      %mul3A_453 = arith.mulf %max3A_448, %max3A_452 : vector<16xf32>
      %sub3A_454 = arith.subf %add3A_433, %sub3A_419 : vector<16xf32>
      %sub3A_455 = arith.subf %add3A_440, %sub3A_426 : vector<16xf32>
      %mul3A_456 = arith.mulf %sub3A_454, %sub3A_455 : vector<16xf32>
      %add3A_457 = arith.addf %mul3A_456, %mul3A_378 : vector<16xf32>
      %sub3A_458 = arith.subf %add3A_457, %mul3A_453 : vector<16xf32>
      %add3A_459 = arith.constant 9.99999996E-13 : f32
      %add3A_460 = vector.broadcast %add3A_459 : f32 to vector<16xf32>
      %add3A_461 = arith.addf %sub3A_458, %add3A_460 : vector<16xf32>
      %div3A_462 = arith.divf %mul3A_453, %add3A_461 : vector<16xf32>
      %gt3A_463 = arith.cmpf ogt, %div3A_462, %broadcast_in_dim3A_380 : vector<16xf32>
      %jit3A_464 = arith.constant 0 : i32
      %broadcast_in_dim3A_465 = vector.broadcast %jit3A_464 : i32 to vector<16xi32>
      %select_n3A_466 = arith.select %gt3A_463, %broadcast_in_dim3A_465, %broadcast_in_dim3A_382 : vector<16xi1>, vector<16xi32>
      %select_n3A_467 = arith.select %gt3A_463, %div3A_462, %broadcast_in_dim3A_380 : vector<16xi1>, vector<16xf32>
      %broadcast_in_dim3A_468 = arith.constant 0 : i32
      %broadcast_in_dim3A_469 = vector.broadcast %broadcast_in_dim3A_468 : i32 to vector<16xi32>
      %add3A_470 = arith.constant 2 : i32
      %add3A_471 = vector.broadcast %add3A_470 : i32 to vector<16xi32>
      %add3A_472 = arith.addi %broadcast_in_dim3A_469, %add3A_471 : vector<16xi32>
      %lt3A_473 = arith.constant 0 : i32
      %lt3A_474 = vector.broadcast %lt3A_473 : i32 to vector<16xi32>
      %lt3A_475 = arith.cmpi slt, %add3A_472, %lt3A_474 : vector<16xi32>
      %add3A_476 = arith.constant 16 : i32
      %add3A_477 = vector.broadcast %add3A_476 : i32 to vector<16xi32>
      %add3A_478 = arith.addi %add3A_472, %add3A_477 : vector<16xi32>
      %select_n3A_479 = arith.select %lt3A_475, %add3A_478, %add3A_472 : vector<16xi1>, vector<16xi32>
      %broadcast_in_dim3A_480 = vector.shape_cast %select_n3A_479 : vector<16xi32> to vector<16x1xi32>
      %gather3A_481 = vector.shape_cast %broadcast_in_dim3A_480 : vector<16x1xi32> to vector<16xi32>
      %gather3A_482 = tpu.dynamic_gather %get3A_4[%gather3A_481] in [0] : vector<16xf32>, vector<16xi32> -> vector<16xf32>
      %broadcast_in_dim3A_483 = arith.constant 0 : i32
      %broadcast_in_dim3A_484 = vector.broadcast %broadcast_in_dim3A_483 : i32 to vector<16xi32>
      %add3A_485 = arith.constant 3 : i32
      %add3A_486 = vector.broadcast %add3A_485 : i32 to vector<16xi32>
      %add3A_487 = arith.addi %broadcast_in_dim3A_484, %add3A_486 : vector<16xi32>
      %lt3A_488 = arith.constant 0 : i32
      %lt3A_489 = vector.broadcast %lt3A_488 : i32 to vector<16xi32>
      %lt3A_490 = arith.cmpi slt, %add3A_487, %lt3A_489 : vector<16xi32>
      %add3A_491 = arith.constant 16 : i32
      %add3A_492 = vector.broadcast %add3A_491 : i32 to vector<16xi32>
      %add3A_493 = arith.addi %add3A_487, %add3A_492 : vector<16xi32>
      %select_n3A_494 = arith.select %lt3A_490, %add3A_493, %add3A_487 : vector<16xi1>, vector<16xi32>
      %broadcast_in_dim3A_495 = vector.shape_cast %select_n3A_494 : vector<16xi32> to vector<16x1xi32>
      %gather3A_496 = vector.shape_cast %broadcast_in_dim3A_495 : vector<16x1xi32> to vector<16xi32>
      %gather3A_497 = tpu.dynamic_gather %get3A_4[%gather3A_496] in [0] : vector<16xf32>, vector<16xi32> -> vector<16xf32>
      %add3A_498 = arith.constant 5.000000e-01 : f32
      %add3A_499 = vector.broadcast %add3A_498 : f32 to vector<16xf32>
      %add3A_500 = arith.addf %convert_element_type3A_358, %add3A_499 : vector<16xf32>
      %div3A_501 = arith.constant 2.000000e+00 : f32
      %div3A_502 = vector.broadcast %div3A_501 : f32 to vector<16xf32>
      %div3A_503 = arith.divf %gather3A_482, %div3A_502 : vector<16xf32>
      %sub3A_504 = arith.subf %add3A_500, %div3A_503 : vector<16xf32>
      %add3A_505 = arith.constant 5.000000e-01 : f32
      %add3A_506 = vector.broadcast %add3A_505 : f32 to vector<16xf32>
      %add3A_507 = arith.addf %convert_element_type3A_359, %add3A_506 : vector<16xf32>
      %div3A_508 = arith.constant 2.000000e+00 : f32
      %div3A_509 = vector.broadcast %div3A_508 : f32 to vector<16xf32>
      %div3A_510 = arith.divf %gather3A_497, %div3A_509 : vector<16xf32>
      %sub3A_511 = arith.subf %add3A_507, %div3A_510 : vector<16xf32>
      %add3A_512 = arith.constant 5.000000e-01 : f32
      %add3A_513 = vector.broadcast %add3A_512 : f32 to vector<16xf32>
      %add3A_514 = arith.addf %convert_element_type3A_358, %add3A_513 : vector<16xf32>
      %div3A_515 = arith.constant 2.000000e+00 : f32
      %div3A_516 = vector.broadcast %div3A_515 : f32 to vector<16xf32>
      %div3A_517 = arith.divf %gather3A_482, %div3A_516 : vector<16xf32>
      %add3A_518 = arith.addf %add3A_514, %div3A_517 : vector<16xf32>
      %add3A_519 = arith.constant 5.000000e-01 : f32
      %add3A_520 = vector.broadcast %add3A_519 : f32 to vector<16xf32>
      %add3A_521 = arith.addf %convert_element_type3A_359, %add3A_520 : vector<16xf32>
      %div3A_522 = arith.constant 2.000000e+00 : f32
      %div3A_523 = vector.broadcast %div3A_522 : f32 to vector<16xf32>
      %div3A_524 = arith.divf %gather3A_497, %div3A_523 : vector<16xf32>
      %add3A_525 = arith.addf %add3A_521, %div3A_524 : vector<16xf32>
      %max3A_526 = arith.maximumf %sub3A_504, %sub3A_363 : vector<16xf32>
      %max3A_527 = arith.maximumf %sub3A_511, %sub3A_367 : vector<16xf32>
      %min3A_528 = arith.minimumf %add3A_518, %add3A_371 : vector<16xf32>
      %min3A_529 = arith.minimumf %add3A_525, %add3A_375 : vector<16xf32>
      %sub3A_530 = arith.subf %min3A_528, %max3A_526 : vector<16xf32>
      %max3A_531 = arith.constant 0.000000e+00 : f32
      %max3A_532 = vector.broadcast %max3A_531 : f32 to vector<16xf32>
      %max3A_533 = arith.maximumf %sub3A_530, %max3A_532 : vector<16xf32>
      %sub3A_534 = arith.subf %min3A_529, %max3A_527 : vector<16xf32>
      %max3A_535 = arith.constant 0.000000e+00 : f32
      %max3A_536 = vector.broadcast %max3A_535 : f32 to vector<16xf32>
      %max3A_537 = arith.maximumf %sub3A_534, %max3A_536 : vector<16xf32>
      %mul3A_538 = arith.mulf %max3A_533, %max3A_537 : vector<16xf32>
      %sub3A_539 = arith.subf %add3A_518, %sub3A_504 : vector<16xf32>
      %sub3A_540 = arith.subf %add3A_525, %sub3A_511 : vector<16xf32>
      %mul3A_541 = arith.mulf %sub3A_539, %sub3A_540 : vector<16xf32>
      %add3A_542 = arith.addf %mul3A_541, %mul3A_378 : vector<16xf32>
      %sub3A_543 = arith.subf %add3A_542, %mul3A_538 : vector<16xf32>
      %add3A_544 = arith.constant 9.99999996E-13 : f32
      %add3A_545 = vector.broadcast %add3A_544 : f32 to vector<16xf32>
      %add3A_546 = arith.addf %sub3A_543, %add3A_545 : vector<16xf32>
      %div3A_547 = arith.divf %mul3A_538, %add3A_546 : vector<16xf32>
      %gt3A_548 = arith.cmpf ogt, %div3A_547, %select_n3A_467 : vector<16xf32>
      %jit3A_549 = arith.constant 1 : i32
      %broadcast_in_dim3A_550 = vector.broadcast %jit3A_549 : i32 to vector<16xi32>
      %select_n3A_551 = arith.select %gt3A_548, %broadcast_in_dim3A_550, %select_n3A_466 : vector<16xi1>, vector<16xi32>
      %select_n3A_552 = arith.select %gt3A_548, %div3A_547, %select_n3A_467 : vector<16xi1>, vector<16xf32>
      %broadcast_in_dim3A_553 = arith.constant 0 : i32
      %broadcast_in_dim3A_554 = vector.broadcast %broadcast_in_dim3A_553 : i32 to vector<16xi32>
      %add3A_555 = arith.constant 4 : i32
      %add3A_556 = vector.broadcast %add3A_555 : i32 to vector<16xi32>
      %add3A_557 = arith.addi %broadcast_in_dim3A_554, %add3A_556 : vector<16xi32>
      %lt3A_558 = arith.constant 0 : i32
      %lt3A_559 = vector.broadcast %lt3A_558 : i32 to vector<16xi32>
      %lt3A_560 = arith.cmpi slt, %add3A_557, %lt3A_559 : vector<16xi32>
      %add3A_561 = arith.constant 16 : i32
      %add3A_562 = vector.broadcast %add3A_561 : i32 to vector<16xi32>
      %add3A_563 = arith.addi %add3A_557, %add3A_562 : vector<16xi32>
      %select_n3A_564 = arith.select %lt3A_560, %add3A_563, %add3A_557 : vector<16xi1>, vector<16xi32>
      %broadcast_in_dim3A_565 = vector.shape_cast %select_n3A_564 : vector<16xi32> to vector<16x1xi32>
      %gather3A_566 = vector.shape_cast %broadcast_in_dim3A_565 : vector<16x1xi32> to vector<16xi32>
      %gather3A_567 = tpu.dynamic_gather %get3A_4[%gather3A_566] in [0] : vector<16xf32>, vector<16xi32> -> vector<16xf32>
      %broadcast_in_dim3A_568 = arith.constant 0 : i32
      %broadcast_in_dim3A_569 = vector.broadcast %broadcast_in_dim3A_568 : i32 to vector<16xi32>
      %add3A_570 = arith.constant 5 : i32
      %add3A_571 = vector.broadcast %add3A_570 : i32 to vector<16xi32>
      %add3A_572 = arith.addi %broadcast_in_dim3A_569, %add3A_571 : vector<16xi32>
      %lt3A_573 = arith.constant 0 : i32
      %lt3A_574 = vector.broadcast %lt3A_573 : i32 to vector<16xi32>
      %lt3A_575 = arith.cmpi slt, %add3A_572, %lt3A_574 : vector<16xi32>
      %add3A_576 = arith.constant 16 : i32
      %add3A_577 = vector.broadcast %add3A_576 : i32 to vector<16xi32>
      %add3A_578 = arith.addi %add3A_572, %add3A_577 : vector<16xi32>
      %select_n3A_579 = arith.select %lt3A_575, %add3A_578, %add3A_572 : vector<16xi1>, vector<16xi32>
      %broadcast_in_dim3A_580 = vector.shape_cast %select_n3A_579 : vector<16xi32> to vector<16x1xi32>
      %gather3A_581 = vector.shape_cast %broadcast_in_dim3A_580 : vector<16x1xi32> to vector<16xi32>
      %gather3A_582 = tpu.dynamic_gather %get3A_4[%gather3A_581] in [0] : vector<16xf32>, vector<16xi32> -> vector<16xf32>
      %add3A_583 = arith.constant 5.000000e-01 : f32
      %add3A_584 = vector.broadcast %add3A_583 : f32 to vector<16xf32>
      %add3A_585 = arith.addf %convert_element_type3A_358, %add3A_584 : vector<16xf32>
      %div3A_586 = arith.constant 2.000000e+00 : f32
      %div3A_587 = vector.broadcast %div3A_586 : f32 to vector<16xf32>
      %div3A_588 = arith.divf %gather3A_567, %div3A_587 : vector<16xf32>
      %sub3A_589 = arith.subf %add3A_585, %div3A_588 : vector<16xf32>
      %add3A_590 = arith.constant 5.000000e-01 : f32
      %add3A_591 = vector.broadcast %add3A_590 : f32 to vector<16xf32>
      %add3A_592 = arith.addf %convert_element_type3A_359, %add3A_591 : vector<16xf32>
      %div3A_593 = arith.constant 2.000000e+00 : f32
      %div3A_594 = vector.broadcast %div3A_593 : f32 to vector<16xf32>
      %div3A_595 = arith.divf %gather3A_582, %div3A_594 : vector<16xf32>
      %sub3A_596 = arith.subf %add3A_592, %div3A_595 : vector<16xf32>
      %add3A_597 = arith.constant 5.000000e-01 : f32
      %add3A_598 = vector.broadcast %add3A_597 : f32 to vector<16xf32>
      %add3A_599 = arith.addf %convert_element_type3A_358, %add3A_598 : vector<16xf32>
      %div3A_600 = arith.constant 2.000000e+00 : f32
      %div3A_601 = vector.broadcast %div3A_600 : f32 to vector<16xf32>
      %div3A_602 = arith.divf %gather3A_567, %div3A_601 : vector<16xf32>
      %add3A_603 = arith.addf %add3A_599, %div3A_602 : vector<16xf32>
      %add3A_604 = arith.constant 5.000000e-01 : f32
      %add3A_605 = vector.broadcast %add3A_604 : f32 to vector<16xf32>
      %add3A_606 = arith.addf %convert_element_type3A_359, %add3A_605 : vector<16xf32>
      %div3A_607 = arith.constant 2.000000e+00 : f32
      %div3A_608 = vector.broadcast %div3A_607 : f32 to vector<16xf32>
      %div3A_609 = arith.divf %gather3A_582, %div3A_608 : vector<16xf32>
      %add3A_610 = arith.addf %add3A_606, %div3A_609 : vector<16xf32>
      %max3A_611 = arith.maximumf %sub3A_589, %sub3A_363 : vector<16xf32>
      %max3A_612 = arith.maximumf %sub3A_596, %sub3A_367 : vector<16xf32>
      %min3A_613 = arith.minimumf %add3A_603, %add3A_371 : vector<16xf32>
      %min3A_614 = arith.minimumf %add3A_610, %add3A_375 : vector<16xf32>
      %sub3A_615 = arith.subf %min3A_613, %max3A_611 : vector<16xf32>
      %max3A_616 = arith.constant 0.000000e+00 : f32
      %max3A_617 = vector.broadcast %max3A_616 : f32 to vector<16xf32>
      %max3A_618 = arith.maximumf %sub3A_615, %max3A_617 : vector<16xf32>
      %sub3A_619 = arith.subf %min3A_614, %max3A_612 : vector<16xf32>
      %max3A_620 = arith.constant 0.000000e+00 : f32
      %max3A_621 = vector.broadcast %max3A_620 : f32 to vector<16xf32>
      %max3A_622 = arith.maximumf %sub3A_619, %max3A_621 : vector<16xf32>
      %mul3A_623 = arith.mulf %max3A_618, %max3A_622 : vector<16xf32>
      %sub3A_624 = arith.subf %add3A_603, %sub3A_589 : vector<16xf32>
      %sub3A_625 = arith.subf %add3A_610, %sub3A_596 : vector<16xf32>
      %mul3A_626 = arith.mulf %sub3A_624, %sub3A_625 : vector<16xf32>
      %add3A_627 = arith.addf %mul3A_626, %mul3A_378 : vector<16xf32>
      %sub3A_628 = arith.subf %add3A_627, %mul3A_623 : vector<16xf32>
      %add3A_629 = arith.constant 9.99999996E-13 : f32
      %add3A_630 = vector.broadcast %add3A_629 : f32 to vector<16xf32>
      %add3A_631 = arith.addf %sub3A_628, %add3A_630 : vector<16xf32>
      %div3A_632 = arith.divf %mul3A_623, %add3A_631 : vector<16xf32>
      %gt3A_633 = arith.cmpf ogt, %div3A_632, %select_n3A_552 : vector<16xf32>
      %jit3A_634 = arith.constant 2 : i32
      %broadcast_in_dim3A_635 = vector.broadcast %jit3A_634 : i32 to vector<16xi32>
      %select_n3A_636 = arith.select %gt3A_633, %broadcast_in_dim3A_635, %select_n3A_551 : vector<16xi1>, vector<16xi32>
      %select_n3A_637 = arith.select %gt3A_633, %div3A_632, %select_n3A_552 : vector<16xi1>, vector<16xf32>
      %mul3A_638 = arith.constant 4 : i32
      %mul3A_639 = vector.broadcast %mul3A_638 : i32 to vector<16xi32>
      %mul3A_640 = arith.muli %add3A_357, %mul3A_639 : vector<16xi32>
      %add3A_641 = arith.addi %mul3A_640, %select_n3A_636 : vector<16xi32>
      %get3A_642 = arith.constant 0 : i32
      %get3A_643 = arith.index_cast %get3A_642 : i32 to index
      %get3A_644 = arith.constant 32 : index
      %get3A_645 = tpu.vector_load %arg6[%get3A_643, %get3A_644] {strides = array<i32>} : memref<5x48xf32, #tpu.memory_space<vmem>>, vector<1x16xf32>,
      %get3A_646 = vector.shape_cast %get3A_645 : vector<1x16xf32> to vector<16xf32>
      %mul3A_647 = arith.constant 5.200000e+01 : f32
      %mul3A_648 = vector.broadcast %mul3A_647 : f32 to vector<16xf32>
      %mul3A_649 = arith.mulf %get3A_646, %mul3A_648 : vector<16xf32>
      %get3A_650 = arith.constant 1 : i32
      %get3A_651 = arith.index_cast %get3A_650 : i32 to index
      %get3A_652 = arith.constant 32 : index
      %get3A_653 = tpu.vector_load %arg6[%get3A_651, %get3A_652] {strides = array<i32>} : memref<5x48xf32, #tpu.memory_space<vmem>>, vector<1x16xf32>,
      %get3A_654 = vector.shape_cast %get3A_653 : vector<1x16xf32> to vector<16xf32>
      %mul3A_655 = arith.constant 5.200000e+01 : f32
      %mul3A_656 = vector.broadcast %mul3A_655 : f32 to vector<16xf32>
      %mul3A_657 = arith.mulf %get3A_654, %mul3A_656 : vector<16xf32>
      %get3A_658 = arith.constant 2 : i32
      %get3A_659 = arith.index_cast %get3A_658 : i32 to index
      %get3A_660 = arith.constant 32 : index
      %get3A_661 = tpu.vector_load %arg6[%get3A_659, %get3A_660] {strides = array<i32>} : memref<5x48xf32, #tpu.memory_space<vmem>>, vector<1x16xf32>,
      %get3A_662 = vector.shape_cast %get3A_661 : vector<1x16xf32> to vector<16xf32>
      %mul3A_663 = arith.constant 5.200000e+01 : f32
      %mul3A_664 = vector.broadcast %mul3A_663 : f32 to vector<16xf32>
      %mul3A_665 = arith.mulf %get3A_662, %mul3A_664 : vector<16xf32>
      %get3A_666 = arith.constant 3 : i32
      %get3A_667 = arith.index_cast %get3A_666 : i32 to index
      %get3A_668 = arith.constant 32 : index
      %get3A_669 = tpu.vector_load %arg6[%get3A_667, %get3A_668] {strides = array<i32>} : memref<5x48xf32, #tpu.memory_space<vmem>>, vector<1x16xf32>,
      %get3A_670 = vector.shape_cast %get3A_669 : vector<1x16xf32> to vector<16xf32>
      %mul3A_671 = arith.constant 5.200000e+01 : f32
      %mul3A_672 = vector.broadcast %mul3A_671 : f32 to vector<16xf32>
      %mul3A_673 = arith.mulf %get3A_670, %mul3A_672 : vector<16xf32>
      %convert_element_type3A_674 = arith.fptosi %mul3A_649 : vector<16xf32> to vector<16xi32>
      %convert_element_type3A_675 = arith.fptosi %mul3A_657 : vector<16xf32> to vector<16xi32>
      %mul3A_676 = arith.constant 52 : i32
      %mul3A_677 = vector.broadcast %mul3A_676 : i32 to vector<16xi32>
      %mul3A_678 = arith.muli %convert_element_type3A_675, %mul3A_677 : vector<16xi32>
      %add3A_679 = arith.addi %mul3A_678, %convert_element_type3A_674 : vector<16xi32>
      %convert_element_type3A_680 = arith.sitofp %convert_element_type3A_674 : vector<16xi32> to vector<16xf32>
      %convert_element_type3A_681 = arith.sitofp %convert_element_type3A_675 : vector<16xi32> to vector<16xf32>
      %div3A_682 = arith.constant 2.000000e+00 : f32
      %div3A_683 = vector.broadcast %div3A_682 : f32 to vector<16xf32>
      %div3A_684 = arith.divf %mul3A_665, %div3A_683 : vector<16xf32>
      %sub3A_685 = arith.subf %mul3A_649, %div3A_684 : vector<16xf32>
      %div3A_686 = arith.constant 2.000000e+00 : f32
      %div3A_687 = vector.broadcast %div3A_686 : f32 to vector<16xf32>
      %div3A_688 = arith.divf %mul3A_673, %div3A_687 : vector<16xf32>
      %sub3A_689 = arith.subf %mul3A_657, %div3A_688 : vector<16xf32>
      %div3A_690 = arith.constant 2.000000e+00 : f32
      %div3A_691 = vector.broadcast %div3A_690 : f32 to vector<16xf32>
      %div3A_692 = arith.divf %mul3A_665, %div3A_691 : vector<16xf32>
      %add3A_693 = arith.addf %mul3A_649, %div3A_692 : vector<16xf32>
      %div3A_694 = arith.constant 2.000000e+00 : f32
      %div3A_695 = vector.broadcast %div3A_694 : f32 to vector<16xf32>
      %div3A_696 = arith.divf %mul3A_673, %div3A_695 : vector<16xf32>
      %add3A_697 = arith.addf %mul3A_657, %div3A_696 : vector<16xf32>
      %sub3A_698 = arith.subf %add3A_693, %sub3A_685 : vector<16xf32>
      %sub3A_699 = arith.subf %add3A_697, %sub3A_689 : vector<16xf32>
      %mul3A_700 = arith.mulf %sub3A_698, %sub3A_699 : vector<16xf32>
      %broadcast_in_dim3A_701 = arith.constant 0xFF800000 : f32
      %broadcast_in_dim3A_702 = vector.broadcast %broadcast_in_dim3A_701 : f32 to vector<16xf32>
      %broadcast_in_dim3A_703 = arith.constant 0 : i32
      %broadcast_in_dim3A_704 = vector.broadcast %broadcast_in_dim3A_703 : i32 to vector<16xi32>
      %broadcast_in_dim3A_705 = arith.constant 0 : i32
      %broadcast_in_dim3A_706 = vector.broadcast %broadcast_in_dim3A_705 : i32 to vector<16xi32>
      %add3A_707 = arith.constant 0 : i32
      %add3A_708 = vector.broadcast %add3A_707 : i32 to vector<16xi32>
      %add3A_709 = arith.addi %broadcast_in_dim3A_706, %add3A_708 : vector<16xi32>
      %lt3A_710 = arith.constant 0 : i32
      %lt3A_711 = vector.broadcast %lt3A_710 : i32 to vector<16xi32>
      %lt3A_712 = arith.cmpi slt, %add3A_709, %lt3A_711 : vector<16xi32>
      %add3A_713 = arith.constant 16 : i32
      %add3A_714 = vector.broadcast %add3A_713 : i32 to vector<16xi32>
      %add3A_715 = arith.addi %add3A_709, %add3A_714 : vector<16xi32>
      %select_n3A_716 = arith.select %lt3A_712, %add3A_715, %add3A_709 : vector<16xi1>, vector<16xi32>
      %broadcast_in_dim3A_717 = vector.shape_cast %select_n3A_716 : vector<16xi32> to vector<16x1xi32>
      %gather3A_718 = vector.shape_cast %broadcast_in_dim3A_717 : vector<16x1xi32> to vector<16xi32>
      %gather3A_719 = tpu.dynamic_gather %get3A_4[%gather3A_718] in [0] : vector<16xf32>, vector<16xi32> -> vector<16xf32>
      %broadcast_in_dim3A_720 = arith.constant 0 : i32
      %broadcast_in_dim3A_721 = vector.broadcast %broadcast_in_dim3A_720 : i32 to vector<16xi32>
      %add3A_722 = arith.constant 1 : i32
      %add3A_723 = vector.broadcast %add3A_722 : i32 to vector<16xi32>
      %add3A_724 = arith.addi %broadcast_in_dim3A_721, %add3A_723 : vector<16xi32>
      %lt3A_725 = arith.constant 0 : i32
      %lt3A_726 = vector.broadcast %lt3A_725 : i32 to vector<16xi32>
      %lt3A_727 = arith.cmpi slt, %add3A_724, %lt3A_726 : vector<16xi32>
      %add3A_728 = arith.constant 16 : i32
      %add3A_729 = vector.broadcast %add3A_728 : i32 to vector<16xi32>
      %add3A_730 = arith.addi %add3A_724, %add3A_729 : vector<16xi32>
      %select_n3A_731 = arith.select %lt3A_727, %add3A_730, %add3A_724 : vector<16xi1>, vector<16xi32>
      %broadcast_in_dim3A_732 = vector.shape_cast %select_n3A_731 : vector<16xi32> to vector<16x1xi32>
      %gather3A_733 = vector.shape_cast %broadcast_in_dim3A_732 : vector<16x1xi32> to vector<16xi32>
      %gather3A_734 = tpu.dynamic_gather %get3A_4[%gather3A_733] in [0] : vector<16xf32>, vector<16xi32> -> vector<16xf32>
      %add3A_735 = arith.constant 5.000000e-01 : f32
      %add3A_736 = vector.broadcast %add3A_735 : f32 to vector<16xf32>
      %add3A_737 = arith.addf %convert_element_type3A_680, %add3A_736 : vector<16xf32>
      %div3A_738 = arith.constant 2.000000e+00 : f32
      %div3A_739 = vector.broadcast %div3A_738 : f32 to vector<16xf32>
      %div3A_740 = arith.divf %gather3A_719, %div3A_739 : vector<16xf32>
      %sub3A_741 = arith.subf %add3A_737, %div3A_740 : vector<16xf32>
      %add3A_742 = arith.constant 5.000000e-01 : f32
      %add3A_743 = vector.broadcast %add3A_742 : f32 to vector<16xf32>
      %add3A_744 = arith.addf %convert_element_type3A_681, %add3A_743 : vector<16xf32>
      %div3A_745 = arith.constant 2.000000e+00 : f32
      %div3A_746 = vector.broadcast %div3A_745 : f32 to vector<16xf32>
      %div3A_747 = arith.divf %gather3A_734, %div3A_746 : vector<16xf32>
      %sub3A_748 = arith.subf %add3A_744, %div3A_747 : vector<16xf32>
      %add3A_749 = arith.constant 5.000000e-01 : f32
      %add3A_750 = vector.broadcast %add3A_749 : f32 to vector<16xf32>
      %add3A_751 = arith.addf %convert_element_type3A_680, %add3A_750 : vector<16xf32>
      %div3A_752 = arith.constant 2.000000e+00 : f32
      %div3A_753 = vector.broadcast %div3A_752 : f32 to vector<16xf32>
      %div3A_754 = arith.divf %gather3A_719, %div3A_753 : vector<16xf32>
      %add3A_755 = arith.addf %add3A_751, %div3A_754 : vector<16xf32>
      %add3A_756 = arith.constant 5.000000e-01 : f32
      %add3A_757 = vector.broadcast %add3A_756 : f32 to vector<16xf32>
      %add3A_758 = arith.addf %convert_element_type3A_681, %add3A_757 : vector<16xf32>
      %div3A_759 = arith.constant 2.000000e+00 : f32
      %div3A_760 = vector.broadcast %div3A_759 : f32 to vector<16xf32>
      %div3A_761 = arith.divf %gather3A_734, %div3A_760 : vector<16xf32>
      %add3A_762 = arith.addf %add3A_758, %div3A_761 : vector<16xf32>
      %max3A_763 = arith.maximumf %sub3A_741, %sub3A_685 : vector<16xf32>
      %max3A_764 = arith.maximumf %sub3A_748, %sub3A_689 : vector<16xf32>
      %min3A_765 = arith.minimumf %add3A_755, %add3A_693 : vector<16xf32>
      %min3A_766 = arith.minimumf %add3A_762, %add3A_697 : vector<16xf32>
      %sub3A_767 = arith.subf %min3A_765, %max3A_763 : vector<16xf32>
      %max3A_768 = arith.constant 0.000000e+00 : f32
      %max3A_769 = vector.broadcast %max3A_768 : f32 to vector<16xf32>
      %max3A_770 = arith.maximumf %sub3A_767, %max3A_769 : vector<16xf32>
      %sub3A_771 = arith.subf %min3A_766, %max3A_764 : vector<16xf32>
      %max3A_772 = arith.constant 0.000000e+00 : f32
      %max3A_773 = vector.broadcast %max3A_772 : f32 to vector<16xf32>
      %max3A_774 = arith.maximumf %sub3A_771, %max3A_773 : vector<16xf32>
      %mul3A_775 = arith.mulf %max3A_770, %max3A_774 : vector<16xf32>
      %sub3A_776 = arith.subf %add3A_755, %sub3A_741 : vector<16xf32>
      %sub3A_777 = arith.subf %add3A_762, %sub3A_748 : vector<16xf32>
      %mul3A_778 = arith.mulf %sub3A_776, %sub3A_777 : vector<16xf32>
      %add3A_779 = arith.addf %mul3A_778, %mul3A_700 : vector<16xf32>
      %sub3A_780 = arith.subf %add3A_779, %mul3A_775 : vector<16xf32>
      %add3A_781 = arith.constant 9.99999996E-13 : f32
      %add3A_782 = vector.broadcast %add3A_781 : f32 to vector<16xf32>
      %add3A_783 = arith.addf %sub3A_780, %add3A_782 : vector<16xf32>
      %div3A_784 = arith.divf %mul3A_775, %add3A_783 : vector<16xf32>
      %gt3A_785 = arith.cmpf ogt, %div3A_784, %broadcast_in_dim3A_702 : vector<16xf32>
      %jit3A_786 = arith.constant 0 : i32
      %broadcast_in_dim3A_787 = vector.broadcast %jit3A_786 : i32 to vector<16xi32>
      %select_n3A_788 = arith.select %gt3A_785, %broadcast_in_dim3A_787, %broadcast_in_dim3A_704 : vector<16xi1>, vector<16xi32>
      %select_n3A_789 = arith.select %gt3A_785, %div3A_784, %broadcast_in_dim3A_702 : vector<16xi1>, vector<16xf32>
      %broadcast_in_dim3A_790 = arith.constant 0 : i32
      %broadcast_in_dim3A_791 = vector.broadcast %broadcast_in_dim3A_790 : i32 to vector<16xi32>
      %add3A_792 = arith.constant 2 : i32
      %add3A_793 = vector.broadcast %add3A_792 : i32 to vector<16xi32>
      %add3A_794 = arith.addi %broadcast_in_dim3A_791, %add3A_793 : vector<16xi32>
      %lt3A_795 = arith.constant 0 : i32
      %lt3A_796 = vector.broadcast %lt3A_795 : i32 to vector<16xi32>
      %lt3A_797 = arith.cmpi slt, %add3A_794, %lt3A_796 : vector<16xi32>
      %add3A_798 = arith.constant 16 : i32
      %add3A_799 = vector.broadcast %add3A_798 : i32 to vector<16xi32>
      %add3A_800 = arith.addi %add3A_794, %add3A_799 : vector<16xi32>
      %select_n3A_801 = arith.select %lt3A_797, %add3A_800, %add3A_794 : vector<16xi1>, vector<16xi32>
      %broadcast_in_dim3A_802 = vector.shape_cast %select_n3A_801 : vector<16xi32> to vector<16x1xi32>
      %gather3A_803 = vector.shape_cast %broadcast_in_dim3A_802 : vector<16x1xi32> to vector<16xi32>
      %gather3A_804 = tpu.dynamic_gather %get3A_4[%gather3A_803] in [0] : vector<16xf32>, vector<16xi32> -> vector<16xf32>
      %broadcast_in_dim3A_805 = arith.constant 0 : i32
      %broadcast_in_dim3A_806 = vector.broadcast %broadcast_in_dim3A_805 : i32 to vector<16xi32>
      %add3A_807 = arith.constant 3 : i32
      %add3A_808 = vector.broadcast %add3A_807 : i32 to vector<16xi32>
      %add3A_809 = arith.addi %broadcast_in_dim3A_806, %add3A_808 : vector<16xi32>
      %lt3A_810 = arith.constant 0 : i32
      %lt3A_811 = vector.broadcast %lt3A_810 : i32 to vector<16xi32>
      %lt3A_812 = arith.cmpi slt, %add3A_809, %lt3A_811 : vector<16xi32>
      %add3A_813 = arith.constant 16 : i32
      %add3A_814 = vector.broadcast %add3A_813 : i32 to vector<16xi32>
      %add3A_815 = arith.addi %add3A_809, %add3A_814 : vector<16xi32>
      %select_n3A_816 = arith.select %lt3A_812, %add3A_815, %add3A_809 : vector<16xi1>, vector<16xi32>
      %broadcast_in_dim3A_817 = vector.shape_cast %select_n3A_816 : vector<16xi32> to vector<16x1xi32>
      %gather3A_818 = vector.shape_cast %broadcast_in_dim3A_817 : vector<16x1xi32> to vector<16xi32>
      %gather3A_819 = tpu.dynamic_gather %get3A_4[%gather3A_818] in [0] : vector<16xf32>, vector<16xi32> -> vector<16xf32>
      %add3A_820 = arith.constant 5.000000e-01 : f32
      %add3A_821 = vector.broadcast %add3A_820 : f32 to vector<16xf32>
      %add3A_822 = arith.addf %convert_element_type3A_680, %add3A_821 : vector<16xf32>
      %div3A_823 = arith.constant 2.000000e+00 : f32
      %div3A_824 = vector.broadcast %div3A_823 : f32 to vector<16xf32>
      %div3A_825 = arith.divf %gather3A_804, %div3A_824 : vector<16xf32>
      %sub3A_826 = arith.subf %add3A_822, %div3A_825 : vector<16xf32>
      %add3A_827 = arith.constant 5.000000e-01 : f32
      %add3A_828 = vector.broadcast %add3A_827 : f32 to vector<16xf32>
      %add3A_829 = arith.addf %convert_element_type3A_681, %add3A_828 : vector<16xf32>
      %div3A_830 = arith.constant 2.000000e+00 : f32
      %div3A_831 = vector.broadcast %div3A_830 : f32 to vector<16xf32>
      %div3A_832 = arith.divf %gather3A_819, %div3A_831 : vector<16xf32>
      %sub3A_833 = arith.subf %add3A_829, %div3A_832 : vector<16xf32>
      %add3A_834 = arith.constant 5.000000e-01 : f32
      %add3A_835 = vector.broadcast %add3A_834 : f32 to vector<16xf32>
      %add3A_836 = arith.addf %convert_element_type3A_680, %add3A_835 : vector<16xf32>
      %div3A_837 = arith.constant 2.000000e+00 : f32
      %div3A_838 = vector.broadcast %div3A_837 : f32 to vector<16xf32>
      %div3A_839 = arith.divf %gather3A_804, %div3A_838 : vector<16xf32>
      %add3A_840 = arith.addf %add3A_836, %div3A_839 : vector<16xf32>
      %add3A_841 = arith.constant 5.000000e-01 : f32
      %add3A_842 = vector.broadcast %add3A_841 : f32 to vector<16xf32>
      %add3A_843 = arith.addf %convert_element_type3A_681, %add3A_842 : vector<16xf32>
      %div3A_844 = arith.constant 2.000000e+00 : f32
      %div3A_845 = vector.broadcast %div3A_844 : f32 to vector<16xf32>
      %div3A_846 = arith.divf %gather3A_819, %div3A_845 : vector<16xf32>
      %add3A_847 = arith.addf %add3A_843, %div3A_846 : vector<16xf32>
      %max3A_848 = arith.maximumf %sub3A_826, %sub3A_685 : vector<16xf32>
      %max3A_849 = arith.maximumf %sub3A_833, %sub3A_689 : vector<16xf32>
      %min3A_850 = arith.minimumf %add3A_840, %add3A_693 : vector<16xf32>
      %min3A_851 = arith.minimumf %add3A_847, %add3A_697 : vector<16xf32>
      %sub3A_852 = arith.subf %min3A_850, %max3A_848 : vector<16xf32>
      %max3A_853 = arith.constant 0.000000e+00 : f32
      %max3A_854 = vector.broadcast %max3A_853 : f32 to vector<16xf32>
      %max3A_855 = arith.maximumf %sub3A_852, %max3A_854 : vector<16xf32>
      %sub3A_856 = arith.subf %min3A_851, %max3A_849 : vector<16xf32>
      %max3A_857 = arith.constant 0.000000e+00 : f32
      %max3A_858 = vector.broadcast %max3A_857 : f32 to vector<16xf32>
      %max3A_859 = arith.maximumf %sub3A_856, %max3A_858 : vector<16xf32>
      %mul3A_860 = arith.mulf %max3A_855, %max3A_859 : vector<16xf32>
      %sub3A_861 = arith.subf %add3A_840, %sub3A_826 : vector<16xf32>
      %sub3A_862 = arith.subf %add3A_847, %sub3A_833 : vector<16xf32>
      %mul3A_863 = arith.mulf %sub3A_861, %sub3A_862 : vector<16xf32>
      %add3A_864 = arith.addf %mul3A_863, %mul3A_700 : vector<16xf32>
      %sub3A_865 = arith.subf %add3A_864, %mul3A_860 : vector<16xf32>
      %add3A_866 = arith.constant 9.99999996E-13 : f32
      %add3A_867 = vector.broadcast %add3A_866 : f32 to vector<16xf32>
      %add3A_868 = arith.addf %sub3A_865, %add3A_867 : vector<16xf32>
      %div3A_869 = arith.divf %mul3A_860, %add3A_868 : vector<16xf32>
      %gt3A_870 = arith.cmpf ogt, %div3A_869, %select_n3A_789 : vector<16xf32>
      %jit3A_871 = arith.constant 1 : i32
      %broadcast_in_dim3A_872 = vector.broadcast %jit3A_871 : i32 to vector<16xi32>
      %select_n3A_873 = arith.select %gt3A_870, %broadcast_in_dim3A_872, %select_n3A_788 : vector<16xi1>, vector<16xi32>
      %select_n3A_874 = arith.select %gt3A_870, %div3A_869, %select_n3A_789 : vector<16xi1>, vector<16xf32>
      %broadcast_in_dim3A_875 = arith.constant 0 : i32
      %broadcast_in_dim3A_876 = vector.broadcast %broadcast_in_dim3A_875 : i32 to vector<16xi32>
      %add3A_877 = arith.constant 4 : i32
      %add3A_878 = vector.broadcast %add3A_877 : i32 to vector<16xi32>
      %add3A_879 = arith.addi %broadcast_in_dim3A_876, %add3A_878 : vector<16xi32>
      %lt3A_880 = arith.constant 0 : i32
      %lt3A_881 = vector.broadcast %lt3A_880 : i32 to vector<16xi32>
      %lt3A_882 = arith.cmpi slt, %add3A_879, %lt3A_881 : vector<16xi32>
      %add3A_883 = arith.constant 16 : i32
      %add3A_884 = vector.broadcast %add3A_883 : i32 to vector<16xi32>
      %add3A_885 = arith.addi %add3A_879, %add3A_884 : vector<16xi32>
      %select_n3A_886 = arith.select %lt3A_882, %add3A_885, %add3A_879 : vector<16xi1>, vector<16xi32>
      %broadcast_in_dim3A_887 = vector.shape_cast %select_n3A_886 : vector<16xi32> to vector<16x1xi32>
      %gather3A_888 = vector.shape_cast %broadcast_in_dim3A_887 : vector<16x1xi32> to vector<16xi32>
      %gather3A_889 = tpu.dynamic_gather %get3A_4[%gather3A_888] in [0] : vector<16xf32>, vector<16xi32> -> vector<16xf32>
      %broadcast_in_dim3A_890 = arith.constant 0 : i32
      %broadcast_in_dim3A_891 = vector.broadcast %broadcast_in_dim3A_890 : i32 to vector<16xi32>
      %add3A_892 = arith.constant 5 : i32
      %add3A_893 = vector.broadcast %add3A_892 : i32 to vector<16xi32>
      %add3A_894 = arith.addi %broadcast_in_dim3A_891, %add3A_893 : vector<16xi32>
      %lt3A_895 = arith.constant 0 : i32
      %lt3A_896 = vector.broadcast %lt3A_895 : i32 to vector<16xi32>
      %lt3A_897 = arith.cmpi slt, %add3A_894, %lt3A_896 : vector<16xi32>
      %add3A_898 = arith.constant 16 : i32
      %add3A_899 = vector.broadcast %add3A_898 : i32 to vector<16xi32>
      %add3A_900 = arith.addi %add3A_894, %add3A_899 : vector<16xi32>
      %select_n3A_901 = arith.select %lt3A_897, %add3A_900, %add3A_894 : vector<16xi1>, vector<16xi32>
      %broadcast_in_dim3A_902 = vector.shape_cast %select_n3A_901 : vector<16xi32> to vector<16x1xi32>
      %gather3A_903 = vector.shape_cast %broadcast_in_dim3A_902 : vector<16x1xi32> to vector<16xi32>
      %gather3A_904 = tpu.dynamic_gather %get3A_4[%gather3A_903] in [0] : vector<16xf32>, vector<16xi32> -> vector<16xf32>
      %add3A_905 = arith.constant 5.000000e-01 : f32
      %add3A_906 = vector.broadcast %add3A_905 : f32 to vector<16xf32>
      %add3A_907 = arith.addf %convert_element_type3A_680, %add3A_906 : vector<16xf32>
      %div3A_908 = arith.constant 2.000000e+00 : f32
      %div3A_909 = vector.broadcast %div3A_908 : f32 to vector<16xf32>
      %div3A_910 = arith.divf %gather3A_889, %div3A_909 : vector<16xf32>
      %sub3A_911 = arith.subf %add3A_907, %div3A_910 : vector<16xf32>
      %add3A_912 = arith.constant 5.000000e-01 : f32
      %add3A_913 = vector.broadcast %add3A_912 : f32 to vector<16xf32>
      %add3A_914 = arith.addf %convert_element_type3A_681, %add3A_913 : vector<16xf32>
      %div3A_915 = arith.constant 2.000000e+00 : f32
      %div3A_916 = vector.broadcast %div3A_915 : f32 to vector<16xf32>
      %div3A_917 = arith.divf %gather3A_904, %div3A_916 : vector<16xf32>
      %sub3A_918 = arith.subf %add3A_914, %div3A_917 : vector<16xf32>
      %add3A_919 = arith.constant 5.000000e-01 : f32
      %add3A_920 = vector.broadcast %add3A_919 : f32 to vector<16xf32>
      %add3A_921 = arith.addf %convert_element_type3A_680, %add3A_920 : vector<16xf32>
      %div3A_922 = arith.constant 2.000000e+00 : f32
      %div3A_923 = vector.broadcast %div3A_922 : f32 to vector<16xf32>
      %div3A_924 = arith.divf %gather3A_889, %div3A_923 : vector<16xf32>
      %add3A_925 = arith.addf %add3A_921, %div3A_924 : vector<16xf32>
      %add3A_926 = arith.constant 5.000000e-01 : f32
      %add3A_927 = vector.broadcast %add3A_926 : f32 to vector<16xf32>
      %add3A_928 = arith.addf %convert_element_type3A_681, %add3A_927 : vector<16xf32>
      %div3A_929 = arith.constant 2.000000e+00 : f32
      %div3A_930 = vector.broadcast %div3A_929 : f32 to vector<16xf32>
      %div3A_931 = arith.divf %gather3A_904, %div3A_930 : vector<16xf32>
      %add3A_932 = arith.addf %add3A_928, %div3A_931 : vector<16xf32>
      %max3A_933 = arith.maximumf %sub3A_911, %sub3A_685 : vector<16xf32>
      %max3A_934 = arith.maximumf %sub3A_918, %sub3A_689 : vector<16xf32>
      %min3A_935 = arith.minimumf %add3A_925, %add3A_693 : vector<16xf32>
      %min3A_936 = arith.minimumf %add3A_932, %add3A_697 : vector<16xf32>
      %sub3A_937 = arith.subf %min3A_935, %max3A_933 : vector<16xf32>
      %max3A_938 = arith.constant 0.000000e+00 : f32
      %max3A_939 = vector.broadcast %max3A_938 : f32 to vector<16xf32>
      %max3A_940 = arith.maximumf %sub3A_937, %max3A_939 : vector<16xf32>
      %sub3A_941 = arith.subf %min3A_936, %max3A_934 : vector<16xf32>
      %max3A_942 = arith.constant 0.000000e+00 : f32
      %max3A_943 = vector.broadcast %max3A_942 : f32 to vector<16xf32>
      %max3A_944 = arith.maximumf %sub3A_941, %max3A_943 : vector<16xf32>
      %mul3A_945 = arith.mulf %max3A_940, %max3A_944 : vector<16xf32>
      %sub3A_946 = arith.subf %add3A_925, %sub3A_911 : vector<16xf32>
      %sub3A_947 = arith.subf %add3A_932, %sub3A_918 : vector<16xf32>
      %mul3A_948 = arith.mulf %sub3A_946, %sub3A_947 : vector<16xf32>
      %add3A_949 = arith.addf %mul3A_948, %mul3A_700 : vector<16xf32>
      %sub3A_950 = arith.subf %add3A_949, %mul3A_945 : vector<16xf32>
      %add3A_951 = arith.constant 9.99999996E-13 : f32
      %add3A_952 = vector.broadcast %add3A_951 : f32 to vector<16xf32>
      %add3A_953 = arith.addf %sub3A_950, %add3A_952 : vector<16xf32>
      %div3A_954 = arith.divf %mul3A_945, %add3A_953 : vector<16xf32>
      %gt3A_955 = arith.cmpf ogt, %div3A_954, %select_n3A_874 : vector<16xf32>
      %jit3A_956 = arith.constant 2 : i32
      %broadcast_in_dim3A_957 = vector.broadcast %jit3A_956 : i32 to vector<16xi32>
      %select_n3A_958 = arith.select %gt3A_955, %broadcast_in_dim3A_957, %select_n3A_873 : vector<16xi1>, vector<16xi32>
      %select_n3A_959 = arith.select %gt3A_955, %div3A_954, %select_n3A_874 : vector<16xi1>, vector<16xf32>
      %mul3A_960 = arith.constant 4 : i32
      %mul3A_961 = vector.broadcast %mul3A_960 : i32 to vector<16xi32>
      %mul3A_962 = arith.muli %add3A_679, %mul3A_961 : vector<16xi32>
      %add3A_963 = arith.addi %mul3A_962, %select_n3A_958 : vector<16xi32>
      %mul3A_964 = arith.constant 229840 : i32
      %mul3A_965 = vector.broadcast %mul3A_964 : i32 to vector<16xi32>
      %mul3A_966 = arith.muli %select_n3A_314, %mul3A_965 : vector<16xi32>
      %add3A_967 = vector.broadcast %mul3A_6 : i32 to vector<16xi32>
      %add3A_968 = arith.addi %add3A_967, %mul3A_966 : vector<16xi32>
      %add3A_969 = arith.addi %add3A_968, %add3A_44 : vector<16xi32>
      %mul3A_970 = arith.constant 229840 : i32
      %mul3A_971 = vector.broadcast %mul3A_970 : i32 to vector<16xi32>
      %mul3A_972 = arith.muli %select_n3A_636, %mul3A_971 : vector<16xi32>
      %add3A_973 = vector.broadcast %mul3A_6 : i32 to vector<16xi32>
      %add3A_974 = arith.addi %add3A_973, %mul3A_972 : vector<16xi32>
      %add3A_975 = arith.addi %add3A_974, %add3A_357 : vector<16xi32>
      %mul3A_976 = arith.constant 229840 : i32
      %mul3A_977 = vector.broadcast %mul3A_976 : i32 to vector<16xi32>
      %mul3A_978 = arith.muli %select_n3A_958, %mul3A_977 : vector<16xi32>
      %add3A_979 = vector.broadcast %mul3A_6 : i32 to vector<16xi32>
      %add3A_980 = arith.addi %add3A_979, %mul3A_978 : vector<16xi32>
      %add3A_981 = arith.addi %add3A_980, %add3A_679 : vector<16xi32>
      %scan3A = arith.constant 0 : i32
      %scan3A_982 = arith.constant 0 : i32
      %scan3A_983 = arith.constant 88 : i32
      %scan3A_984 = arith.addi %scan3A_982, %scan3A_983 : i32
      %scan3A_985 = arith.constant 1 : i32
      %scan3A_986 = scf.for %scan3A_2245 = %scan3A_982 to %scan3A_984 step %scan3A_985 iter_args(%scan3A_2246 = %scan3A) -> (i32)  : i32 {
        %min3A_2247 = arith.constant 84 : i32
        %min3A_2248 = arith.minsi %scan3A_2245, %min3A_2247 : i32
        %mul3A_2249 = arith.constant 2704 : i32
        %mul3A_2250 = arith.muli %min3A_2248, %mul3A_2249 : i32
        %add3A_2251 = vector.broadcast %mul3A_2250 : i32 to vector<16xi32>
        %add3A_2252 = arith.addi %add3A_969, %add3A_2251 : vector<16xi32>
        %swap3A_2253 = arith.index_cast %scan3A_2245 : i32 to index
        %swap3A_2254 = arith.constant 0 : index
        %swap3A_2255 = tpu.vector_load %arg8[%swap3A_2253, %swap3A_2254] {strides = array<i32>} : memref<88x48xi32, #tpu.memory_space<vmem>>, vector<1x16xi32>,
        %swap3A_2256 = vector.shape_cast %swap3A_2255 : vector<1x16xi32> to vector<16xi32>
        %swap3A_2257 = vector.shape_cast %add3A_2252 : vector<16xi32> to vector<1x16xi32>
        tpu.vector_store %arg8[%swap3A_2253, %swap3A_2254], %swap3A_2257 {strides = array<i32>} : memref<88x48xi32, #tpu.memory_space<vmem>>, vector<1x16xi32>,
        %mul3A_2258 = arith.constant 2704 : i32
        %mul3A_2259 = arith.muli %min3A_2248, %mul3A_2258 : i32
        %add3A_2260 = vector.broadcast %mul3A_2259 : i32 to vector<16xi32>
        %add3A_2261 = arith.addi %add3A_975, %add3A_2260 : vector<16xi32>
        %swap3A_2262 = arith.index_cast %scan3A_2245 : i32 to index
        %swap3A_2263 = arith.constant 16 : index
        %swap3A_2264 = tpu.vector_load %arg8[%swap3A_2262, %swap3A_2263] {strides = array<i32>} : memref<88x48xi32, #tpu.memory_space<vmem>>, vector<1x16xi32>,
        %swap3A_2265 = vector.shape_cast %swap3A_2264 : vector<1x16xi32> to vector<16xi32>
        %swap3A_2266 = vector.shape_cast %add3A_2261 : vector<16xi32> to vector<1x16xi32>
        tpu.vector_store %arg8[%swap3A_2262, %swap3A_2263], %swap3A_2266 {strides = array<i32>} : memref<88x48xi32, #tpu.memory_space<vmem>>, vector<1x16xi32>,
        %mul3A_2267 = arith.constant 2704 : i32
        %mul3A_2268 = arith.muli %min3A_2248, %mul3A_2267 : i32
        %add3A_2269 = vector.broadcast %mul3A_2268 : i32 to vector<16xi32>
        %add3A_2270 = arith.addi %add3A_981, %add3A_2269 : vector<16xi32>
        %swap3A_2271 = arith.index_cast %scan3A_2245 : i32 to index
        %swap3A_2272 = arith.constant 32 : index
        %swap3A_2273 = tpu.vector_load %arg8[%swap3A_2271, %swap3A_2272] {strides = array<i32>} : memref<88x48xi32, #tpu.memory_space<vmem>>, vector<1x16xi32>,
        %swap3A_2274 = vector.shape_cast %swap3A_2273 : vector<1x16xi32> to vector<16xi32>
        %swap3A_2275 = vector.shape_cast %add3A_2270 : vector<16xi32> to vector<1x16xi32>
        tpu.vector_store %arg8[%swap3A_2271, %swap3A_2272], %swap3A_2275 {strides = array<i32>} : memref<88x48xi32, #tpu.memory_space<vmem>>, vector<1x16xi32>,
        %scan3A_2276 = arith.constant 0 : i32
        scf.yield %scan3A_2276 : i32
      }
      %scan3A_987 = arith.constant 88 : i32
      %scan3A_988 = arith.constant 0 : i32
      %scan3A_989 = arith.constant 0 : i32
      %scan3A_990 = arith.constant 88 : i32
      %scan3A_991 = arith.addi %scan3A_989, %scan3A_990 : i32
      %scan3A_992 = arith.constant 1 : i32
      %scan3A_993 = scf.for %scan3A_2245 = %scan3A_989 to %scan3A_991 step %scan3A_992 iter_args(%scan3A_2246 = %scan3A_988) -> (i32)  : i32 {
        %dma_start3A = arith.constant 0 : i32
        %dma_start3A_2247 = tpu.memref_slice %arg9[%scan3A_2245, %dma_start3A] : memref<88x48xf32, #tpu.memory_space<vmem>> -> memref<1x48xf32, #tpu.memory_space<vmem>>
        %dma_start3A_2248 = tpu.memref_squeeze %dma_start3A_2247 : memref<1x48xf32, #tpu.memory_space<vmem>> -> memref<48xf32, #tpu.memory_space<vmem>>
        %dma_start3A_2249 = arith.constant 0 : i32
        %dma_start3A_2250 = tpu.memref_slice %arg8[%scan3A_2245, %dma_start3A_2249] : memref<88x48xi32, #tpu.memory_space<vmem>> -> memref<1x48xi32, #tpu.memory_space<vmem>>
        %dma_start3A_2251 = tpu.memref_squeeze %dma_start3A_2250 : memref<1x48xi32, #tpu.memory_space<vmem>> -> memref<48xi32, #tpu.memory_space<vmem>>
        %dma_start3A_2252 = arith.constant 0 : i32
        %dma_start3A_2253 = tpu.memref_slice %arg2[%dma_start3A_2252] : memref<5516160xf32, #tpu.memory_space<hbm>> -> memref<5516160xf32, #tpu.memory_space<hbm>>
        tpu.enqueue_indirect_dma source(%dma_start3A_2253 : memref<5516160xf32, #tpu.memory_space<hbm>>) target(%dma_start3A_2248 : memref<48xf32, #tpu.memory_space<vmem>>) offsets(%dma_start3A_2251 : memref<48xi32, #tpu.memory_space<vmem>>) semaphore(%arg11 : memref<!tpu.dma_semaphore, #tpu.memory_space<semaphore_mem>>)
        %scan3A_2254 = arith.constant 0 : i32
        scf.yield %scan3A_2254 : i32
      }
      %scan3A_994 = arith.constant 88 : i32
      %scan3A_995 = arith.constant 0 : i32
      %scan3A_996 = arith.constant 0 : i32
      %scan3A_997 = arith.constant 88 : i32
      %scan3A_998 = arith.addi %scan3A_996, %scan3A_997 : i32
      %scan3A_999 = arith.constant 1 : i32
      %scan3A_1000 = scf.for %scan3A_2245 = %scan3A_996 to %scan3A_998 step %scan3A_999 iter_args(%scan3A_2246 = %scan3A_995) -> (i32)  : i32 {
        %dma_wait3A = arith.constant 0 : i32
        %dma_wait3A_2247 = tpu.memref_slice %arg9[%scan3A_2245, %dma_wait3A] : memref<88x48xf32, #tpu.memory_space<vmem>> -> memref<1x48xf32, #tpu.memory_space<vmem>>
        %dma_wait3A_2248 = tpu.memref_squeeze %dma_wait3A_2247 : memref<1x48xf32, #tpu.memory_space<vmem>> -> memref<48xf32, #tpu.memory_space<vmem>>
        %dma_wait3A_2249 = arith.constant 0 : i32
        %dma_wait3A_2250 = tpu.memref_slice %arg2[%dma_wait3A_2249] : memref<5516160xf32, #tpu.memory_space<hbm>> -> memref<48xf32, #tpu.memory_space<hbm>>
        %dma_wait3A_2251 = arith.constant 0 : i32
        %dma_wait3A_2252 = tpu.memref_slice %arg9[%scan3A_2245, %dma_wait3A_2251] : memref<88x48xf32, #tpu.memory_space<vmem>> -> memref<1x48xf32, #tpu.memory_space<vmem>>
        %dma_wait3A_2253 = tpu.memref_squeeze %dma_wait3A_2252 : memref<1x48xf32, #tpu.memory_space<vmem>> -> memref<48xf32, #tpu.memory_space<vmem>>
        %dma_wait3A_2254 = arith.constant 0 : i32
        %dma_wait3A_2255 = tpu.memref_slice %arg2[%dma_wait3A_2254] : memref<5516160xf32, #tpu.memory_space<hbm>> -> memref<48xf32, #tpu.memory_space<hbm>>
        tpu.wait_dma2 semaphore(%arg11 : memref<!tpu.dma_semaphore, #tpu.memory_space<semaphore_mem>>) src(%dma_wait3A_2255 : memref<48xf32, #tpu.memory_space<hbm>>) dst(%dma_wait3A_2253 : memref<48xf32, #tpu.memory_space<vmem>>)
        %scan3A_2256 = arith.constant 0 : i32
        scf.yield %scan3A_2256 : i32
      }
      %scan3A_1001 = arith.constant 88 : i32
      %add3A_1002 = arith.constant 0 : i32
      %add3A_1003 = vector.broadcast %add3A_1002 : i32 to vector<16xi32>
      %add3A_1004 = arith.addi %iota3A, %add3A_1003 : vector<16xi32>
      %lt3A_1005 = arith.constant 40 : i32
      %lt3A_1006 = vector.broadcast %lt3A_1005 : i32 to vector<16xi32>
      %lt3A_1007 = arith.cmpi slt, %add3A_1004, %lt3A_1006 : vector<16xi32>
      %get3A_1008 = arith.constant 0 : i32
      %get3A_1009 = arith.index_cast %get3A_1008 : i32 to index
      %get3A_1010 = arith.constant 0 : index
      %get3A_1011 = tpu.vector_load %arg6[%get3A_1009, %get3A_1010] {strides = array<i32>} : memref<5x48xf32, #tpu.memory_space<vmem>>, vector<1x16xf32>,
      %get3A_1012 = vector.shape_cast %get3A_1011 : vector<1x16xf32> to vector<16xf32>
      %mul3A_1013 = arith.constant 5.200000e+01 : f32
      %mul3A_1014 = vector.broadcast %mul3A_1013 : f32 to vector<16xf32>
      %mul3A_1015 = arith.mulf %get3A_1012, %mul3A_1014 : vector<16xf32>
      %get3A_1016 = arith.constant 1 : i32
      %get3A_1017 = arith.index_cast %get3A_1016 : i32 to index
      %get3A_1018 = arith.constant 0 : index
      %get3A_1019 = tpu.vector_load %arg6[%get3A_1017, %get3A_1018] {strides = array<i32>} : memref<5x48xf32, #tpu.memory_space<vmem>>, vector<1x16xf32>,
      %get3A_1020 = vector.shape_cast %get3A_1019 : vector<1x16xf32> to vector<16xf32>
      %mul3A_1021 = arith.constant 5.200000e+01 : f32
      %mul3A_1022 = vector.broadcast %mul3A_1021 : f32 to vector<16xf32>
      %mul3A_1023 = arith.mulf %get3A_1020, %mul3A_1022 : vector<16xf32>
      %get3A_1024 = arith.constant 2 : i32
      %get3A_1025 = arith.index_cast %get3A_1024 : i32 to index
      %get3A_1026 = arith.constant 0 : index
      %get3A_1027 = tpu.vector_load %arg6[%get3A_1025, %get3A_1026] {strides = array<i32>} : memref<5x48xf32, #tpu.memory_space<vmem>>, vector<1x16xf32>,
      %get3A_1028 = vector.shape_cast %get3A_1027 : vector<1x16xf32> to vector<16xf32>
      %mul3A_1029 = arith.constant 5.200000e+01 : f32
      %mul3A_1030 = vector.broadcast %mul3A_1029 : f32 to vector<16xf32>
      %mul3A_1031 = arith.mulf %get3A_1028, %mul3A_1030 : vector<16xf32>
      %get3A_1032 = arith.constant 3 : i32
      %get3A_1033 = arith.index_cast %get3A_1032 : i32 to index
      %get3A_1034 = arith.constant 0 : index
      %get3A_1035 = tpu.vector_load %arg6[%get3A_1033, %get3A_1034] {strides = array<i32>} : memref<5x48xf32, #tpu.memory_space<vmem>>, vector<1x16xf32>,
      %get3A_1036 = vector.shape_cast %get3A_1035 : vector<1x16xf32> to vector<16xf32>
      %mul3A_1037 = arith.constant 5.200000e+01 : f32
      %mul3A_1038 = vector.broadcast %mul3A_1037 : f32 to vector<16xf32>
      %mul3A_1039 = arith.mulf %get3A_1036, %mul3A_1038 : vector<16xf32>
      %get3A_1040 = arith.constant 4 : i32
      %get3A_1041 = arith.index_cast %get3A_1040 : i32 to index
      %get3A_1042 = arith.constant 0 : index
      %get3A_1043 = tpu.vector_load %arg6[%get3A_1041, %get3A_1042] {strides = array<i32>} : memref<5x48xf32, #tpu.memory_space<vmem>>, vector<1x16xf32>,
      %get3A_1044 = vector.shape_cast %get3A_1043 : vector<1x16xf32> to vector<16xf32>
      %get3A_1045 = arith.constant 0 : i32
      %get3A_1046 = arith.index_cast %get3A_1045 : i32 to index
      %get3A_1047 = arith.constant 0 : index
      %get3A_1048 = tpu.vector_load %arg6[%get3A_1046, %get3A_1047] {strides = array<i32>} : memref<5x48xf32, #tpu.memory_space<vmem>>, vector<1x16xf32>,
      %get3A_1049 = vector.shape_cast %get3A_1048 : vector<1x16xf32> to vector<16xf32>
      %mul3A_1050 = arith.constant 5.200000e+01 : f32
      %mul3A_1051 = vector.broadcast %mul3A_1050 : f32 to vector<16xf32>
      %mul3A_1052 = arith.mulf %get3A_1049, %mul3A_1051 : vector<16xf32>
      %convert_element_type3A_1053 = arith.fptosi %mul3A_1052 : vector<16xf32> to vector<16xi32>
      %get3A_1054 = arith.constant 1 : i32
      %get3A_1055 = arith.index_cast %get3A_1054 : i32 to index
      %get3A_1056 = arith.constant 0 : index
      %get3A_1057 = tpu.vector_load %arg6[%get3A_1055, %get3A_1056] {strides = array<i32>} : memref<5x48xf32, #tpu.memory_space<vmem>>, vector<1x16xf32>,
      %get3A_1058 = vector.shape_cast %get3A_1057 : vector<1x16xf32> to vector<16xf32>
      %mul3A_1059 = arith.constant 5.200000e+01 : f32
      %mul3A_1060 = vector.broadcast %mul3A_1059 : f32 to vector<16xf32>
      %mul3A_1061 = arith.mulf %get3A_1058, %mul3A_1060 : vector<16xf32>
      %convert_element_type3A_1062 = arith.fptosi %mul3A_1061 : vector<16xf32> to vector<16xi32>
      %convert_element_type3A_1063 = arith.sitofp %convert_element_type3A_1053 : vector<16xi32> to vector<16xf32>
      %convert_element_type3A_1064 = arith.sitofp %convert_element_type3A_1062 : vector<16xi32> to vector<16xf32>
      %ge3A = arith.constant 40 : i32
      %ge3A_1065 = vector.broadcast %ge3A : i32 to vector<16xi32>
      %ge3A_1066 = arith.cmpi sge, %add3A_1004, %ge3A_1065 : vector<16xi32>
      %jit3A_1067 = arith.constant 1 : i32
      %jit3A_1068 = arith.constant 0 : i32
      %broadcast_in_dim3A_1069 = vector.broadcast %jit3A_1067 : i32 to vector<16xi32>
      %broadcast_in_dim3A_1070 = vector.broadcast %jit3A_1068 : i32 to vector<16xi32>
      %select_n3A_1071 = arith.select %ge3A_1066, %broadcast_in_dim3A_1069, %broadcast_in_dim3A_1070 : vector<16xi1>, vector<16xi32>
      %scan3A_1072 = arith.constant 0 : i32
      %scan3A_1073 = arith.constant 40 : i32
      %scan3A_1074 = arith.addi %scan3A_1072, %scan3A_1073 : i32
      %scan3A_1075 = arith.constant 1 : i32
      %scan3A_1076 = scf.for %scan3A_2245 = %scan3A_1072 to %scan3A_1074 step %scan3A_1075 iter_args(%scan3A_2246 = %select_n3A_1071) -> (vector<16xi32>)  : i32 {
        %jit3A_2247 = arith.constant 16 : i32
        %div3A_2248 = arith.divsi %scan3A_2245, %jit3A_2247 : i32
        %sign3A = arith.constant 0 : i32
        %sign3A_2249 = arith.cmpi sgt, %scan3A_2245, %sign3A : i32
        %sign3A_2250 = arith.extui %sign3A_2249 : i1 to i32
        %sign3A_2251 = arith.constant 0 : i32
        %sign3A_2252 = arith.cmpi slt, %scan3A_2245, %sign3A_2251 : i32
        %sign3A_2253 = arith.extui %sign3A_2252 : i1 to i32
        %sign3A_2254 = arith.subi %sign3A_2250, %sign3A_2253 : i32
        %sign3A_2255 = arith.constant 0 : i32
        %sign3A_2256 = arith.cmpi sgt, %jit3A_2247, %sign3A_2255 : i32
        %sign3A_2257 = arith.extui %sign3A_2256 : i1 to i32
        %sign3A_2258 = arith.constant 0 : i32
        %sign3A_2259 = arith.cmpi slt, %jit3A_2247, %sign3A_2258 : i32
        %sign3A_2260 = arith.extui %sign3A_2259 : i1 to i32
        %sign3A_2261 = arith.subi %sign3A_2257, %sign3A_2260 : i32
        %ne3A = arith.cmpi ne, %sign3A_2254, %sign3A_2261 : i32
        %rem3A = arith.remsi %scan3A_2245, %jit3A_2247 : i32
        %ne3A_2262 = arith.constant 0 : i32
        %ne3A_2263 = arith.cmpi ne, %rem3A, %ne3A_2262 : i32
        %and3A = arith.andi %ne3A, %ne3A_2263 : i1
        %sub3A_2264 = arith.constant 1 : i32
        %sub3A_2265 = arith.subi %div3A_2248, %sub3A_2264 : i32
        %select_n3A_2266 = arith.select %and3A, %sub3A_2265, %div3A_2248 : i32
        %eq3A_2267 = arith.constant 0 : i32
        %eq3A_2268 = arith.cmpi eq, %select_n3A_2266, %eq3A_2267 : i32
        %eq3A_2269 = arith.constant 1 : i32
        %eq3A_2270 = arith.cmpi eq, %select_n3A_2266, %eq3A_2269 : i32
        %select_n3A_2271 = arith.select %eq3A_2270, %add3A_641, %add3A_963 : vector<16xi32>
        %select_n3A_2272 = arith.select %eq3A_2268, %add3A_319, %select_n3A_2271 : vector<16xi32>
        %mul3A_2273 = arith.constant 16 : i32
        %mul3A_2274 = arith.muli %select_n3A_2266, %mul3A_2273 : i32
        %sub3A_2275 = arith.subi %scan3A_2245, %mul3A_2274 : i32
        %broadcast_in_dim3A_2276 = arith.constant 0 : i32
        %broadcast_in_dim3A_2277 = vector.broadcast %broadcast_in_dim3A_2276 : i32 to vector<16xi32>
        %add3A_2278 = vector.broadcast %sub3A_2275 : i32 to vector<16xi32>
        %add3A_2279 = arith.addi %broadcast_in_dim3A_2277, %add3A_2278 : vector<16xi32>
        %lt3A_2280 = arith.constant 0 : i32
        %lt3A_2281 = vector.broadcast %lt3A_2280 : i32 to vector<16xi32>
        %lt3A_2282 = arith.cmpi slt, %add3A_2279, %lt3A_2281 : vector<16xi32>
        %add3A_2283 = arith.constant 16 : i32
        %add3A_2284 = vector.broadcast %add3A_2283 : i32 to vector<16xi32>
        %add3A_2285 = arith.addi %add3A_2279, %add3A_2284 : vector<16xi32>
        %select_n3A_2286 = arith.select %lt3A_2282, %add3A_2285, %add3A_2279 : vector<16xi1>, vector<16xi32>
        %broadcast_in_dim3A_2287 = vector.shape_cast %select_n3A_2286 : vector<16xi32> to vector<16x1xi32>
        %gather3A_2288 = vector.shape_cast %broadcast_in_dim3A_2287 : vector<16x1xi32> to vector<16xi32>
        %gather3A_2289 = tpu.dynamic_gather %select_n3A_2272[%gather3A_2288] in [0] : vector<16xi32>, vector<16xi32> -> vector<16xi32>
        %eq3A_2290 = arith.cmpi eq, %gather3A_2289, %add3A_319 : vector<16xi32>
        %gt3A_2291 = vector.broadcast %scan3A_2245 : i32 to vector<16xi32>
        %gt3A_2292 = arith.cmpi sgt, %gt3A_2291, %add3A_1004 : vector<16xi32>
        %and3A_2293 = arith.andi %eq3A_2290, %gt3A_2292 : vector<16xi1>
        %jit3A_2294 = arith.constant 1 : i32
        %jit3A_2295 = arith.constant 0 : i32
        %broadcast_in_dim3A_2296 = vector.broadcast %jit3A_2294 : i32 to vector<16xi32>
        %broadcast_in_dim3A_2297 = vector.broadcast %jit3A_2295 : i32 to vector<16xi32>
        %select_n3A_2298 = arith.select %and3A_2293, %broadcast_in_dim3A_2296, %broadcast_in_dim3A_2297 : vector<16xi1>, vector<16xi32>
        %add3A_2299 = arith.addi %scan3A_2246, %select_n3A_2298 : vector<16xi32>
        scf.yield %add3A_2299 : vector<16xi32>
      }
      %scan3A_1077 = arith.constant 40 : i32
      %eq3A = arith.constant 0 : i32
      %eq3A_1078 = vector.broadcast %eq3A : i32 to vector<16xi32>
      %eq3A_1079 = arith.cmpi eq, %scan3A_1076, %eq3A_1078 : vector<16xi32>
      %get3A_1080 = arith.constant 0 : i32
      %get3A_1081 = arith.index_cast %get3A_1080 : i32 to index
      %get3A_1082 = arith.constant 0 : index
      %get3A_1083 = tpu.vector_load %arg9[%get3A_1081, %get3A_1082] {strides = array<i32>} : memref<88x48xf32, #tpu.memory_space<vmem>>, vector<1x16xf32>,
      %get3A_1084 = vector.shape_cast %get3A_1083 : vector<1x16xf32> to vector<16xf32>
      %get3A_1085 = arith.constant 1 : i32
      %get3A_1086 = arith.index_cast %get3A_1085 : i32 to index
      %get3A_1087 = arith.constant 0 : index
      %get3A_1088 = tpu.vector_load %arg9[%get3A_1086, %get3A_1087] {strides = array<i32>} : memref<88x48xf32, #tpu.memory_space<vmem>>, vector<1x16xf32>,
      %get3A_1089 = vector.shape_cast %get3A_1088 : vector<1x16xf32> to vector<16xf32>
      %get3A_1090 = arith.constant 2 : i32
      %get3A_1091 = arith.index_cast %get3A_1090 : i32 to index
      %get3A_1092 = arith.constant 0 : index
      %get3A_1093 = tpu.vector_load %arg9[%get3A_1091, %get3A_1092] {strides = array<i32>} : memref<88x48xf32, #tpu.memory_space<vmem>>, vector<1x16xf32>,
      %get3A_1094 = vector.shape_cast %get3A_1093 : vector<1x16xf32> to vector<16xf32>
      %get3A_1095 = arith.constant 3 : i32
      %get3A_1096 = arith.index_cast %get3A_1095 : i32 to index
      %get3A_1097 = arith.constant 0 : index
      %get3A_1098 = tpu.vector_load %arg9[%get3A_1096, %get3A_1097] {strides = array<i32>} : memref<88x48xf32, #tpu.memory_space<vmem>>, vector<1x16xf32>,
      %get3A_1099 = vector.shape_cast %get3A_1098 : vector<1x16xf32> to vector<16xf32>
      %get3A_1100 = arith.constant 4 : i32
      %get3A_1101 = arith.index_cast %get3A_1100 : i32 to index
      %get3A_1102 = arith.constant 0 : index
      %get3A_1103 = tpu.vector_load %arg9[%get3A_1101, %get3A_1102] {strides = array<i32>} : memref<88x48xf32, #tpu.memory_space<vmem>>, vector<1x16xf32>,
      %get3A_1104 = vector.shape_cast %get3A_1103 : vector<1x16xf32> to vector<16xf32>
      %neg3A = arith.constant 0.000000e+00 : f32
      %neg3A_1105 = vector.broadcast %neg3A : f32 to vector<16xf32>
      %neg3A_1106 = arith.subf %neg3A_1105, %get3A_1084 : vector<16xf32>
      %exp3A = math.exp %neg3A_1106 : vector<16xf32>
      %add3A_1107 = arith.constant 1.000000e+00 : f32
      %add3A_1108 = vector.broadcast %add3A_1107 : f32 to vector<16xf32>
      %add3A_1109 = arith.addf %add3A_1108, %exp3A : vector<16xf32>
      %div3A_1110 = arith.constant 1.000000e+00 : f32
      %div3A_1111 = vector.broadcast %div3A_1110 : f32 to vector<16xf32>
      %div3A_1112 = arith.divf %div3A_1111, %add3A_1109 : vector<16xf32>
      %neg3A_1113 = arith.constant 0.000000e+00 : f32
      %neg3A_1114 = vector.broadcast %neg3A_1113 : f32 to vector<16xf32>
      %neg3A_1115 = arith.subf %neg3A_1114, %get3A_1089 : vector<16xf32>
      %exp3A_1116 = math.exp %neg3A_1115 : vector<16xf32>
      %add3A_1117 = arith.constant 1.000000e+00 : f32
      %add3A_1118 = vector.broadcast %add3A_1117 : f32 to vector<16xf32>
      %add3A_1119 = arith.addf %add3A_1118, %exp3A_1116 : vector<16xf32>
      %div3A_1120 = arith.constant 1.000000e+00 : f32
      %div3A_1121 = vector.broadcast %div3A_1120 : f32 to vector<16xf32>
      %div3A_1122 = arith.divf %div3A_1121, %add3A_1119 : vector<16xf32>
      %exp3A_1123 = math.exp %get3A_1094 : vector<16xf32>
      %exp3A_1124 = math.exp %get3A_1099 : vector<16xf32>
      %neg3A_1125 = arith.constant 0.000000e+00 : f32
      %neg3A_1126 = vector.broadcast %neg3A_1125 : f32 to vector<16xf32>
      %neg3A_1127 = arith.subf %neg3A_1126, %get3A_1104 : vector<16xf32>
      %exp3A_1128 = math.exp %neg3A_1127 : vector<16xf32>
      %add3A_1129 = arith.constant 1.000000e+00 : f32
      %add3A_1130 = vector.broadcast %add3A_1129 : f32 to vector<16xf32>
      %add3A_1131 = arith.addf %add3A_1130, %exp3A_1128 : vector<16xf32>
      %div3A_1132 = arith.constant 1.000000e+00 : f32
      %div3A_1133 = vector.broadcast %div3A_1132 : f32 to vector<16xf32>
      %div3A_1134 = arith.divf %div3A_1133, %add3A_1131 : vector<16xf32>
      %mul3A_1135 = arith.constant 2 : i32
      %mul3A_1136 = vector.broadcast %mul3A_1135 : i32 to vector<16xi32>
      %mul3A_1137 = arith.muli %mul3A_1136, %select_n3A_314 : vector<16xi32>
      %lt3A_1138 = arith.constant 0 : i32
      %lt3A_1139 = vector.broadcast %lt3A_1138 : i32 to vector<16xi32>
      %lt3A_1140 = arith.cmpi slt, %mul3A_1137, %lt3A_1139 : vector<16xi32>
      %add3A_1141 = arith.constant 16 : i32
      %add3A_1142 = vector.broadcast %add3A_1141 : i32 to vector<16xi32>
      %add3A_1143 = arith.addi %mul3A_1137, %add3A_1142 : vector<16xi32>
      %select_n3A_1144 = arith.select %lt3A_1140, %add3A_1143, %mul3A_1137 : vector<16xi1>, vector<16xi32>
      %broadcast_in_dim3A_1145 = vector.shape_cast %select_n3A_1144 : vector<16xi32> to vector<16x1xi32>
      %gather3A_1146 = vector.shape_cast %broadcast_in_dim3A_1145 : vector<16x1xi32> to vector<16xi32>
      %gather3A_1147 = tpu.dynamic_gather %get3A_4[%gather3A_1146] in [0] : vector<16xf32>, vector<16xi32> -> vector<16xf32>
      %mul3A_1148 = arith.constant 2 : i32
      %mul3A_1149 = vector.broadcast %mul3A_1148 : i32 to vector<16xi32>
      %mul3A_1150 = arith.muli %mul3A_1149, %select_n3A_314 : vector<16xi32>
      %add3A_1151 = arith.constant 1 : i32
      %add3A_1152 = vector.broadcast %add3A_1151 : i32 to vector<16xi32>
      %add3A_1153 = arith.addi %mul3A_1150, %add3A_1152 : vector<16xi32>
      %lt3A_1154 = arith.constant 0 : i32
      %lt3A_1155 = vector.broadcast %lt3A_1154 : i32 to vector<16xi32>
      %lt3A_1156 = arith.cmpi slt, %add3A_1153, %lt3A_1155 : vector<16xi32>
      %add3A_1157 = arith.constant 16 : i32
      %add3A_1158 = vector.broadcast %add3A_1157 : i32 to vector<16xi32>
      %add3A_1159 = arith.addi %add3A_1153, %add3A_1158 : vector<16xi32>
      %select_n3A_1160 = arith.select %lt3A_1156, %add3A_1159, %add3A_1153 : vector<16xi1>, vector<16xi32>
      %broadcast_in_dim3A_1161 = vector.shape_cast %select_n3A_1160 : vector<16xi32> to vector<16x1xi32>
      %gather3A_1162 = vector.shape_cast %broadcast_in_dim3A_1161 : vector<16x1xi32> to vector<16xi32>
      %gather3A_1163 = tpu.dynamic_gather %get3A_4[%gather3A_1162] in [0] : vector<16xf32>, vector<16xi32> -> vector<16xf32>
      %sub3A_1164 = arith.subf %mul3A_1015, %convert_element_type3A_1063 : vector<16xf32>
      %sub3A_1165 = arith.subf %div3A_1112, %sub3A_1164 : vector<16xf32>
      %sub3A_1166 = arith.subf %mul3A_1023, %convert_element_type3A_1064 : vector<16xf32>
      %sub3A_1167 = arith.subf %div3A_1122, %sub3A_1166 : vector<16xf32>
      %div3A_1168 = arith.divf %mul3A_1031, %gather3A_1147 : vector<16xf32>
      %sub3A_1169 = arith.subf %exp3A_1123, %div3A_1168 : vector<16xf32>
      %div3A_1170 = arith.divf %mul3A_1039, %gather3A_1163 : vector<16xf32>
      %sub3A_1171 = arith.subf %exp3A_1124, %div3A_1170 : vector<16xf32>
      %mul3A_1172 = arith.mulf %sub3A_1165, %sub3A_1165 : vector<16xf32>
      %mul3A_1173 = arith.mulf %sub3A_1167, %sub3A_1167 : vector<16xf32>
      %add3A_1174 = arith.addf %mul3A_1172, %mul3A_1173 : vector<16xf32>
      %mul3A_1175 = arith.mulf %sub3A_1169, %sub3A_1169 : vector<16xf32>
      %add3A_1176 = arith.addf %add3A_1174, %mul3A_1175 : vector<16xf32>
      %mul3A_1177 = arith.mulf %sub3A_1171, %sub3A_1171 : vector<16xf32>
      %add3A_1178 = arith.addf %add3A_1176, %mul3A_1177 : vector<16xf32>
      %add3A_1179 = arith.addf %div3A_1112, %convert_element_type3A_1063 : vector<16xf32>
      %add3A_1180 = arith.addf %div3A_1122, %convert_element_type3A_1064 : vector<16xf32>
      %mul3A_1181 = arith.mulf %exp3A_1123, %gather3A_1147 : vector<16xf32>
      %mul3A_1182 = arith.mulf %exp3A_1124, %gather3A_1163 : vector<16xf32>
      %div3A_1183 = arith.constant 2.000000e+00 : f32
      %div3A_1184 = vector.broadcast %div3A_1183 : f32 to vector<16xf32>
      %div3A_1185 = arith.divf %mul3A_1181, %div3A_1184 : vector<16xf32>
      %sub3A_1186 = arith.subf %add3A_1179, %div3A_1185 : vector<16xf32>
      %div3A_1187 = arith.constant 2.000000e+00 : f32
      %div3A_1188 = vector.broadcast %div3A_1187 : f32 to vector<16xf32>
      %div3A_1189 = arith.divf %mul3A_1182, %div3A_1188 : vector<16xf32>
      %sub3A_1190 = arith.subf %add3A_1180, %div3A_1189 : vector<16xf32>
      %div3A_1191 = arith.constant 2.000000e+00 : f32
      %div3A_1192 = vector.broadcast %div3A_1191 : f32 to vector<16xf32>
      %div3A_1193 = arith.divf %mul3A_1181, %div3A_1192 : vector<16xf32>
      %add3A_1194 = arith.addf %add3A_1179, %div3A_1193 : vector<16xf32>
      %div3A_1195 = arith.constant 2.000000e+00 : f32
      %div3A_1196 = vector.broadcast %div3A_1195 : f32 to vector<16xf32>
      %div3A_1197 = arith.divf %mul3A_1182, %div3A_1196 : vector<16xf32>
      %add3A_1198 = arith.addf %add3A_1180, %div3A_1197 : vector<16xf32>
      %sub3A_1199 = arith.subf %add3A_1194, %sub3A_1186 : vector<16xf32>
      %sub3A_1200 = arith.subf %add3A_1198, %sub3A_1190 : vector<16xf32>
      %mul3A_1201 = arith.mulf %sub3A_1199, %sub3A_1200 : vector<16xf32>
      %broadcast_in_dim3A_1202 = arith.constant 0xFF800000 : f32
      %broadcast_in_dim3A_1203 = vector.broadcast %broadcast_in_dim3A_1202 : f32 to vector<16xf32>
      %scan3A_1204 = arith.constant 0 : i32
      %scan3A_1205 = arith.constant 40 : i32
      %scan3A_1206 = arith.addi %scan3A_1204, %scan3A_1205 : i32
      %scan3A_1207 = arith.constant 1 : i32
      %scan3A_1208 = scf.for %scan3A_2245 = %scan3A_1204 to %scan3A_1206 step %scan3A_1207 iter_args(%scan3A_2246 = %broadcast_in_dim3A_1203) -> (vector<16xf32>)  : i32 {
        %jit3A_2247 = arith.constant 16 : i32
        %div3A_2248 = arith.divsi %scan3A_2245, %jit3A_2247 : i32
        %sign3A = arith.constant 0 : i32
        %sign3A_2249 = arith.cmpi sgt, %scan3A_2245, %sign3A : i32
        %sign3A_2250 = arith.extui %sign3A_2249 : i1 to i32
        %sign3A_2251 = arith.constant 0 : i32
        %sign3A_2252 = arith.cmpi slt, %scan3A_2245, %sign3A_2251 : i32
        %sign3A_2253 = arith.extui %sign3A_2252 : i1 to i32
        %sign3A_2254 = arith.subi %sign3A_2250, %sign3A_2253 : i32
        %sign3A_2255 = arith.constant 0 : i32
        %sign3A_2256 = arith.cmpi sgt, %jit3A_2247, %sign3A_2255 : i32
        %sign3A_2257 = arith.extui %sign3A_2256 : i1 to i32
        %sign3A_2258 = arith.constant 0 : i32
        %sign3A_2259 = arith.cmpi slt, %jit3A_2247, %sign3A_2258 : i32
        %sign3A_2260 = arith.extui %sign3A_2259 : i1 to i32
        %sign3A_2261 = arith.subi %sign3A_2257, %sign3A_2260 : i32
        %ne3A = arith.cmpi ne, %sign3A_2254, %sign3A_2261 : i32
        %rem3A = arith.remsi %scan3A_2245, %jit3A_2247 : i32
        %ne3A_2262 = arith.constant 0 : i32
        %ne3A_2263 = arith.cmpi ne, %rem3A, %ne3A_2262 : i32
        %and3A = arith.andi %ne3A, %ne3A_2263 : i1
        %sub3A_2264 = arith.constant 1 : i32
        %sub3A_2265 = arith.subi %div3A_2248, %sub3A_2264 : i32
        %select_n3A_2266 = arith.select %and3A, %sub3A_2265, %div3A_2248 : i32
        %eq3A_2267 = arith.constant 0 : i32
        %eq3A_2268 = arith.cmpi eq, %select_n3A_2266, %eq3A_2267 : i32
        %eq3A_2269 = arith.constant 1 : i32
        %eq3A_2270 = arith.cmpi eq, %select_n3A_2266, %eq3A_2269 : i32
        %select_n3A_2271 = arith.select %eq3A_2270, %sub3A_363, %sub3A_685 : vector<16xf32>
        %select_n3A_2272 = arith.select %eq3A_2268, %sub3A, %select_n3A_2271 : vector<16xf32>
        %mul3A_2273 = arith.constant 16 : i32
        %mul3A_2274 = arith.muli %select_n3A_2266, %mul3A_2273 : i32
        %sub3A_2275 = arith.subi %scan3A_2245, %mul3A_2274 : i32
        %broadcast_in_dim3A_2276 = arith.constant 0 : i32
        %broadcast_in_dim3A_2277 = vector.broadcast %broadcast_in_dim3A_2276 : i32 to vector<16xi32>
        %add3A_2278 = vector.broadcast %sub3A_2275 : i32 to vector<16xi32>
        %add3A_2279 = arith.addi %broadcast_in_dim3A_2277, %add3A_2278 : vector<16xi32>
        %lt3A_2280 = arith.constant 0 : i32
        %lt3A_2281 = vector.broadcast %lt3A_2280 : i32 to vector<16xi32>
        %lt3A_2282 = arith.cmpi slt, %add3A_2279, %lt3A_2281 : vector<16xi32>
        %add3A_2283 = arith.constant 16 : i32
        %add3A_2284 = vector.broadcast %add3A_2283 : i32 to vector<16xi32>
        %add3A_2285 = arith.addi %add3A_2279, %add3A_2284 : vector<16xi32>
        %select_n3A_2286 = arith.select %lt3A_2282, %add3A_2285, %add3A_2279 : vector<16xi1>, vector<16xi32>
        %broadcast_in_dim3A_2287 = vector.shape_cast %select_n3A_2286 : vector<16xi32> to vector<16x1xi32>
        %gather3A_2288 = vector.shape_cast %broadcast_in_dim3A_2287 : vector<16x1xi32> to vector<16xi32>
        %gather3A_2289 = tpu.dynamic_gather %select_n3A_2272[%gather3A_2288] in [0] : vector<16xf32>, vector<16xi32> -> vector<16xf32>
        %jit3A_2290 = arith.constant 16 : i32
        %div3A_2291 = arith.divsi %scan3A_2245, %jit3A_2290 : i32
        %sign3A_2292 = arith.constant 0 : i32
        %sign3A_2293 = arith.cmpi sgt, %scan3A_2245, %sign3A_2292 : i32
        %sign3A_2294 = arith.extui %sign3A_2293 : i1 to i32
        %sign3A_2295 = arith.constant 0 : i32
        %sign3A_2296 = arith.cmpi slt, %scan3A_2245, %sign3A_2295 : i32
        %sign3A_2297 = arith.extui %sign3A_2296 : i1 to i32
        %sign3A_2298 = arith.subi %sign3A_2294, %sign3A_2297 : i32
        %sign3A_2299 = arith.constant 0 : i32
        %sign3A_2300 = arith.cmpi sgt, %jit3A_2290, %sign3A_2299 : i32
        %sign3A_2301 = arith.extui %sign3A_2300 : i1 to i32
        %sign3A_2302 = arith.constant 0 : i32
        %sign3A_2303 = arith.cmpi slt, %jit3A_2290, %sign3A_2302 : i32
        %sign3A_2304 = arith.extui %sign3A_2303 : i1 to i32
        %sign3A_2305 = arith.subi %sign3A_2301, %sign3A_2304 : i32
        %ne3A_2306 = arith.cmpi ne, %sign3A_2298, %sign3A_2305 : i32
        %rem3A_2307 = arith.remsi %scan3A_2245, %jit3A_2290 : i32
        %ne3A_2308 = arith.constant 0 : i32
        %ne3A_2309 = arith.cmpi ne, %rem3A_2307, %ne3A_2308 : i32
        %and3A_2310 = arith.andi %ne3A_2306, %ne3A_2309 : i1
        %sub3A_2311 = arith.constant 1 : i32
        %sub3A_2312 = arith.subi %div3A_2291, %sub3A_2311 : i32
        %select_n3A_2313 = arith.select %and3A_2310, %sub3A_2312, %div3A_2291 : i32
        %eq3A_2314 = arith.constant 0 : i32
        %eq3A_2315 = arith.cmpi eq, %select_n3A_2313, %eq3A_2314 : i32
        %eq3A_2316 = arith.constant 1 : i32
        %eq3A_2317 = arith.cmpi eq, %select_n3A_2313, %eq3A_2316 : i32
        %select_n3A_2318 = arith.select %eq3A_2317, %sub3A_367, %sub3A_689 : vector<16xf32>
        %select_n3A_2319 = arith.select %eq3A_2315, %sub3A_52, %select_n3A_2318 : vector<16xf32>
        %mul3A_2320 = arith.constant 16 : i32
        %mul3A_2321 = arith.muli %select_n3A_2313, %mul3A_2320 : i32
        %sub3A_2322 = arith.subi %scan3A_2245, %mul3A_2321 : i32
        %broadcast_in_dim3A_2323 = arith.constant 0 : i32
        %broadcast_in_dim3A_2324 = vector.broadcast %broadcast_in_dim3A_2323 : i32 to vector<16xi32>
        %add3A_2325 = vector.broadcast %sub3A_2322 : i32 to vector<16xi32>
        %add3A_2326 = arith.addi %broadcast_in_dim3A_2324, %add3A_2325 : vector<16xi32>
        %lt3A_2327 = arith.constant 0 : i32
        %lt3A_2328 = vector.broadcast %lt3A_2327 : i32 to vector<16xi32>
        %lt3A_2329 = arith.cmpi slt, %add3A_2326, %lt3A_2328 : vector<16xi32>
        %add3A_2330 = arith.constant 16 : i32
        %add3A_2331 = vector.broadcast %add3A_2330 : i32 to vector<16xi32>
        %add3A_2332 = arith.addi %add3A_2326, %add3A_2331 : vector<16xi32>
        %select_n3A_2333 = arith.select %lt3A_2329, %add3A_2332, %add3A_2326 : vector<16xi1>, vector<16xi32>
        %broadcast_in_dim3A_2334 = vector.shape_cast %select_n3A_2333 : vector<16xi32> to vector<16x1xi32>
        %gather3A_2335 = vector.shape_cast %broadcast_in_dim3A_2334 : vector<16x1xi32> to vector<16xi32>
        %gather3A_2336 = tpu.dynamic_gather %select_n3A_2319[%gather3A_2335] in [0] : vector<16xf32>, vector<16xi32> -> vector<16xf32>
        %jit3A_2337 = arith.constant 16 : i32
        %div3A_2338 = arith.divsi %scan3A_2245, %jit3A_2337 : i32
        %sign3A_2339 = arith.constant 0 : i32
        %sign3A_2340 = arith.cmpi sgt, %scan3A_2245, %sign3A_2339 : i32
        %sign3A_2341 = arith.extui %sign3A_2340 : i1 to i32
        %sign3A_2342 = arith.constant 0 : i32
        %sign3A_2343 = arith.cmpi slt, %scan3A_2245, %sign3A_2342 : i32
        %sign3A_2344 = arith.extui %sign3A_2343 : i1 to i32
        %sign3A_2345 = arith.subi %sign3A_2341, %sign3A_2344 : i32
        %sign3A_2346 = arith.constant 0 : i32
        %sign3A_2347 = arith.cmpi sgt, %jit3A_2337, %sign3A_2346 : i32
        %sign3A_2348 = arith.extui %sign3A_2347 : i1 to i32
        %sign3A_2349 = arith.constant 0 : i32
        %sign3A_2350 = arith.cmpi slt, %jit3A_2337, %sign3A_2349 : i32
        %sign3A_2351 = arith.extui %sign3A_2350 : i1 to i32
        %sign3A_2352 = arith.subi %sign3A_2348, %sign3A_2351 : i32
        %ne3A_2353 = arith.cmpi ne, %sign3A_2345, %sign3A_2352 : i32
        %rem3A_2354 = arith.remsi %scan3A_2245, %jit3A_2337 : i32
        %ne3A_2355 = arith.constant 0 : i32
        %ne3A_2356 = arith.cmpi ne, %rem3A_2354, %ne3A_2355 : i32
        %and3A_2357 = arith.andi %ne3A_2353, %ne3A_2356 : i1
        %sub3A_2358 = arith.constant 1 : i32
        %sub3A_2359 = arith.subi %div3A_2338, %sub3A_2358 : i32
        %select_n3A_2360 = arith.select %and3A_2357, %sub3A_2359, %div3A_2338 : i32
        %eq3A_2361 = arith.constant 0 : i32
        %eq3A_2362 = arith.cmpi eq, %select_n3A_2360, %eq3A_2361 : i32
        %eq3A_2363 = arith.constant 1 : i32
        %eq3A_2364 = arith.cmpi eq, %select_n3A_2360, %eq3A_2363 : i32
        %select_n3A_2365 = arith.select %eq3A_2364, %add3A_371, %add3A_693 : vector<16xf32>
        %select_n3A_2366 = arith.select %eq3A_2362, %add3A_56, %select_n3A_2365 : vector<16xf32>
        %mul3A_2367 = arith.constant 16 : i32
        %mul3A_2368 = arith.muli %select_n3A_2360, %mul3A_2367 : i32
        %sub3A_2369 = arith.subi %scan3A_2245, %mul3A_2368 : i32
        %broadcast_in_dim3A_2370 = arith.constant 0 : i32
        %broadcast_in_dim3A_2371 = vector.broadcast %broadcast_in_dim3A_2370 : i32 to vector<16xi32>
        %add3A_2372 = vector.broadcast %sub3A_2369 : i32 to vector<16xi32>
        %add3A_2373 = arith.addi %broadcast_in_dim3A_2371, %add3A_2372 : vector<16xi32>
        %lt3A_2374 = arith.constant 0 : i32
        %lt3A_2375 = vector.broadcast %lt3A_2374 : i32 to vector<16xi32>
        %lt3A_2376 = arith.cmpi slt, %add3A_2373, %lt3A_2375 : vector<16xi32>
        %add3A_2377 = arith.constant 16 : i32
        %add3A_2378 = vector.broadcast %add3A_2377 : i32 to vector<16xi32>
        %add3A_2379 = arith.addi %add3A_2373, %add3A_2378 : vector<16xi32>
        %select_n3A_2380 = arith.select %lt3A_2376, %add3A_2379, %add3A_2373 : vector<16xi1>, vector<16xi32>
        %broadcast_in_dim3A_2381 = vector.shape_cast %select_n3A_2380 : vector<16xi32> to vector<16x1xi32>
        %gather3A_2382 = vector.shape_cast %broadcast_in_dim3A_2381 : vector<16x1xi32> to vector<16xi32>
        %gather3A_2383 = tpu.dynamic_gather %select_n3A_2366[%gather3A_2382] in [0] : vector<16xf32>, vector<16xi32> -> vector<16xf32>
        %jit3A_2384 = arith.constant 16 : i32
        %div3A_2385 = arith.divsi %scan3A_2245, %jit3A_2384 : i32
        %sign3A_2386 = arith.constant 0 : i32
        %sign3A_2387 = arith.cmpi sgt, %scan3A_2245, %sign3A_2386 : i32
        %sign3A_2388 = arith.extui %sign3A_2387 : i1 to i32
        %sign3A_2389 = arith.constant 0 : i32
        %sign3A_2390 = arith.cmpi slt, %scan3A_2245, %sign3A_2389 : i32
        %sign3A_2391 = arith.extui %sign3A_2390 : i1 to i32
        %sign3A_2392 = arith.subi %sign3A_2388, %sign3A_2391 : i32
        %sign3A_2393 = arith.constant 0 : i32
        %sign3A_2394 = arith.cmpi sgt, %jit3A_2384, %sign3A_2393 : i32
        %sign3A_2395 = arith.extui %sign3A_2394 : i1 to i32
        %sign3A_2396 = arith.constant 0 : i32
        %sign3A_2397 = arith.cmpi slt, %jit3A_2384, %sign3A_2396 : i32
        %sign3A_2398 = arith.extui %sign3A_2397 : i1 to i32
        %sign3A_2399 = arith.subi %sign3A_2395, %sign3A_2398 : i32
        %ne3A_2400 = arith.cmpi ne, %sign3A_2392, %sign3A_2399 : i32
        %rem3A_2401 = arith.remsi %scan3A_2245, %jit3A_2384 : i32
        %ne3A_2402 = arith.constant 0 : i32
        %ne3A_2403 = arith.cmpi ne, %rem3A_2401, %ne3A_2402 : i32
        %and3A_2404 = arith.andi %ne3A_2400, %ne3A_2403 : i1
        %sub3A_2405 = arith.constant 1 : i32
        %sub3A_2406 = arith.subi %div3A_2385, %sub3A_2405 : i32
        %select_n3A_2407 = arith.select %and3A_2404, %sub3A_2406, %div3A_2385 : i32
        %eq3A_2408 = arith.constant 0 : i32
        %eq3A_2409 = arith.cmpi eq, %select_n3A_2407, %eq3A_2408 : i32
        %eq3A_2410 = arith.constant 1 : i32
        %eq3A_2411 = arith.cmpi eq, %select_n3A_2407, %eq3A_2410 : i32
        %select_n3A_2412 = arith.select %eq3A_2411, %add3A_375, %add3A_697 : vector<16xf32>
        %select_n3A_2413 = arith.select %eq3A_2409, %add3A_60, %select_n3A_2412 : vector<16xf32>
        %mul3A_2414 = arith.constant 16 : i32
        %mul3A_2415 = arith.muli %select_n3A_2407, %mul3A_2414 : i32
        %sub3A_2416 = arith.subi %scan3A_2245, %mul3A_2415 : i32
        %broadcast_in_dim3A_2417 = arith.constant 0 : i32
        %broadcast_in_dim3A_2418 = vector.broadcast %broadcast_in_dim3A_2417 : i32 to vector<16xi32>
        %add3A_2419 = vector.broadcast %sub3A_2416 : i32 to vector<16xi32>
        %add3A_2420 = arith.addi %broadcast_in_dim3A_2418, %add3A_2419 : vector<16xi32>
        %lt3A_2421 = arith.constant 0 : i32
        %lt3A_2422 = vector.broadcast %lt3A_2421 : i32 to vector<16xi32>
        %lt3A_2423 = arith.cmpi slt, %add3A_2420, %lt3A_2422 : vector<16xi32>
        %add3A_2424 = arith.constant 16 : i32
        %add3A_2425 = vector.broadcast %add3A_2424 : i32 to vector<16xi32>
        %add3A_2426 = arith.addi %add3A_2420, %add3A_2425 : vector<16xi32>
        %select_n3A_2427 = arith.select %lt3A_2423, %add3A_2426, %add3A_2420 : vector<16xi1>, vector<16xi32>
        %broadcast_in_dim3A_2428 = vector.shape_cast %select_n3A_2427 : vector<16xi32> to vector<16x1xi32>
        %gather3A_2429 = vector.shape_cast %broadcast_in_dim3A_2428 : vector<16x1xi32> to vector<16xi32>
        %gather3A_2430 = tpu.dynamic_gather %select_n3A_2413[%gather3A_2429] in [0] : vector<16xf32>, vector<16xi32> -> vector<16xf32>
        %jit3A_2431 = arith.constant 16 : i32
        %div3A_2432 = arith.divsi %scan3A_2245, %jit3A_2431 : i32
        %sign3A_2433 = arith.constant 0 : i32
        %sign3A_2434 = arith.cmpi sgt, %scan3A_2245, %sign3A_2433 : i32
        %sign3A_2435 = arith.extui %sign3A_2434 : i1 to i32
        %sign3A_2436 = arith.constant 0 : i32
        %sign3A_2437 = arith.cmpi slt, %scan3A_2245, %sign3A_2436 : i32
        %sign3A_2438 = arith.extui %sign3A_2437 : i1 to i32
        %sign3A_2439 = arith.subi %sign3A_2435, %sign3A_2438 : i32
        %sign3A_2440 = arith.constant 0 : i32
        %sign3A_2441 = arith.cmpi sgt, %jit3A_2431, %sign3A_2440 : i32
        %sign3A_2442 = arith.extui %sign3A_2441 : i1 to i32
        %sign3A_2443 = arith.constant 0 : i32
        %sign3A_2444 = arith.cmpi slt, %jit3A_2431, %sign3A_2443 : i32
        %sign3A_2445 = arith.extui %sign3A_2444 : i1 to i32
        %sign3A_2446 = arith.subi %sign3A_2442, %sign3A_2445 : i32
        %ne3A_2447 = arith.cmpi ne, %sign3A_2439, %sign3A_2446 : i32
        %rem3A_2448 = arith.remsi %scan3A_2245, %jit3A_2431 : i32
        %ne3A_2449 = arith.constant 0 : i32
        %ne3A_2450 = arith.cmpi ne, %rem3A_2448, %ne3A_2449 : i32
        %and3A_2451 = arith.andi %ne3A_2447, %ne3A_2450 : i1
        %sub3A_2452 = arith.constant 1 : i32
        %sub3A_2453 = arith.subi %div3A_2432, %sub3A_2452 : i32
        %select_n3A_2454 = arith.select %and3A_2451, %sub3A_2453, %div3A_2432 : i32
        %eq3A_2455 = arith.constant 0 : i32
        %eq3A_2456 = arith.cmpi eq, %select_n3A_2454, %eq3A_2455 : i32
        %eq3A_2457 = arith.constant 1 : i32
        %eq3A_2458 = arith.cmpi eq, %select_n3A_2454, %eq3A_2457 : i32
        %select_n3A_2459 = arith.select %eq3A_2458, %mul3A_378, %mul3A_700 : vector<16xf32>
        %select_n3A_2460 = arith.select %eq3A_2456, %mul3A_63, %select_n3A_2459 : vector<16xf32>
        %mul3A_2461 = arith.constant 16 : i32
        %mul3A_2462 = arith.muli %select_n3A_2454, %mul3A_2461 : i32
        %sub3A_2463 = arith.subi %scan3A_2245, %mul3A_2462 : i32
        %broadcast_in_dim3A_2464 = arith.constant 0 : i32
        %broadcast_in_dim3A_2465 = vector.broadcast %broadcast_in_dim3A_2464 : i32 to vector<16xi32>
        %add3A_2466 = vector.broadcast %sub3A_2463 : i32 to vector<16xi32>
        %add3A_2467 = arith.addi %broadcast_in_dim3A_2465, %add3A_2466 : vector<16xi32>
        %lt3A_2468 = arith.constant 0 : i32
        %lt3A_2469 = vector.broadcast %lt3A_2468 : i32 to vector<16xi32>
        %lt3A_2470 = arith.cmpi slt, %add3A_2467, %lt3A_2469 : vector<16xi32>
        %add3A_2471 = arith.constant 16 : i32
        %add3A_2472 = vector.broadcast %add3A_2471 : i32 to vector<16xi32>
        %add3A_2473 = arith.addi %add3A_2467, %add3A_2472 : vector<16xi32>
        %select_n3A_2474 = arith.select %lt3A_2470, %add3A_2473, %add3A_2467 : vector<16xi1>, vector<16xi32>
        %broadcast_in_dim3A_2475 = vector.shape_cast %select_n3A_2474 : vector<16xi32> to vector<16x1xi32>
        %gather3A_2476 = vector.shape_cast %broadcast_in_dim3A_2475 : vector<16x1xi32> to vector<16xi32>
        %gather3A_2477 = tpu.dynamic_gather %select_n3A_2460[%gather3A_2476] in [0] : vector<16xf32>, vector<16xi32> -> vector<16xf32>
        %max3A_2478 = arith.maximumf %sub3A_1186, %gather3A_2289 : vector<16xf32>
        %max3A_2479 = arith.maximumf %sub3A_1190, %gather3A_2336 : vector<16xf32>
        %min3A_2480 = arith.minimumf %add3A_1194, %gather3A_2383 : vector<16xf32>
        %min3A_2481 = arith.minimumf %add3A_1198, %gather3A_2430 : vector<16xf32>
        %sub3A_2482 = arith.subf %min3A_2480, %max3A_2478 : vector<16xf32>
        %max3A_2483 = arith.constant 0.000000e+00 : f32
        %max3A_2484 = vector.broadcast %max3A_2483 : f32 to vector<16xf32>
        %max3A_2485 = arith.maximumf %sub3A_2482, %max3A_2484 : vector<16xf32>
        %sub3A_2486 = arith.subf %min3A_2481, %max3A_2479 : vector<16xf32>
        %max3A_2487 = arith.constant 0.000000e+00 : f32
        %max3A_2488 = vector.broadcast %max3A_2487 : f32 to vector<16xf32>
        %max3A_2489 = arith.maximumf %sub3A_2486, %max3A_2488 : vector<16xf32>
        %mul3A_2490 = arith.mulf %max3A_2485, %max3A_2489 : vector<16xf32>
        %add3A_2491 = arith.addf %mul3A_1201, %gather3A_2477 : vector<16xf32>
        %sub3A_2492 = arith.subf %add3A_2491, %mul3A_2490 : vector<16xf32>
        %add3A_2493 = arith.constant 9.99999996E-13 : f32
        %add3A_2494 = vector.broadcast %add3A_2493 : f32 to vector<16xf32>
        %add3A_2495 = arith.addf %sub3A_2492, %add3A_2494 : vector<16xf32>
        %div3A_2496 = arith.divf %mul3A_2490, %add3A_2495 : vector<16xf32>
        %max3A_2497 = arith.maximumf %scan3A_2246, %div3A_2496 : vector<16xf32>
        scf.yield %max3A_2497 : vector<16xf32>
      }
      %scan3A_1209 = arith.constant 40 : i32
      %convert_element_type3A_1210 = arith.fptosi %get3A_1044 : vector<16xf32> to vector<16xi32>
      %add3A_1211 = arith.constant 5 : i32
      %add3A_1212 = vector.broadcast %add3A_1211 : i32 to vector<16xi32>
      %add3A_1213 = arith.addi %add3A_1212, %convert_element_type3A_1210 : vector<16xi32>
      %get3A_1214 = arith.constant 5 : i32
      %get3A_1215 = arith.index_cast %get3A_1214 : i32 to index
      %get3A_1216 = arith.constant 0 : index
      %get3A_1217 = tpu.vector_load %arg9[%get3A_1215, %get3A_1216] {strides = array<i32>} : memref<88x48xf32, #tpu.memory_space<vmem>>, vector<1x16xf32>,
      %get3A_1218 = vector.shape_cast %get3A_1217 : vector<1x16xf32> to vector<16xf32>
      %eq3A_1219 = arith.constant 5 : i32
      %eq3A_1220 = vector.broadcast %eq3A_1219 : i32 to vector<16xi32>
      %eq3A_1221 = arith.cmpi eq, %add3A_1213, %eq3A_1220 : vector<16xi32>
      %jit3A_1222 = arith.constant 0.000000e+00 : f32
      %broadcast_in_dim3A_1223 = vector.broadcast %jit3A_1222 : f32 to vector<16xf32>
      %select_n3A_1224 = arith.select %eq3A_1221, %get3A_1218, %broadcast_in_dim3A_1223 : vector<16xi1>, vector<16xf32>
      %broadcast_in_dim3A_1225 = arith.constant 1.000000e+00 : f32
      %broadcast_in_dim3A_1226 = vector.broadcast %broadcast_in_dim3A_1225 : f32 to vector<16xf32>
      %scan3A_1227 = arith.constant 6 : i32
      %scan3A_1228 = arith.constant 79 : i32
      %scan3A_1229 = arith.addi %scan3A_1227, %scan3A_1228 : i32
      %scan3A_1230 = arith.constant 1 : i32
      %scan3A_1231:3 = scf.for %scan3A_2245 = %scan3A_1227 to %scan3A_1229 step %scan3A_1230 iter_args(%scan3A_2246 = %get3A_1218, %scan3A_2247 = %broadcast_in_dim3A_1226, %scan3A_2248 = %select_n3A_1224) -> (vector<16xf32>, vector<16xf32>, vector<16xf32>)  : i32 {
        %get3A_2249 = arith.index_cast %scan3A_2245 : i32 to index
        %get3A_2250 = arith.constant 0 : index
        %get3A_2251 = tpu.vector_load %arg9[%get3A_2249, %get3A_2250] {strides = array<i32>} : memref<88x48xf32, #tpu.memory_space<vmem>>, vector<1x16xf32>,
        %get3A_2252 = vector.shape_cast %get3A_2251 : vector<1x16xf32> to vector<16xf32>
        %max3A_2253 = arith.maximumf %scan3A_2246, %get3A_2252 : vector<16xf32>
        %sub3A_2254 = arith.subf %scan3A_2246, %max3A_2253 : vector<16xf32>
        %exp3A_2255 = math.exp %sub3A_2254 : vector<16xf32>
        %mul3A_2256 = arith.mulf %scan3A_2247, %exp3A_2255 : vector<16xf32>
        %sub3A_2257 = arith.subf %get3A_2252, %max3A_2253 : vector<16xf32>
        %exp3A_2258 = math.exp %sub3A_2257 : vector<16xf32>
        %add3A_2259 = arith.addf %mul3A_2256, %exp3A_2258 : vector<16xf32>
        %eq3A_2260 = vector.broadcast %scan3A_2245 : i32 to vector<16xi32>
        %eq3A_2261 = arith.cmpi eq, %add3A_1213, %eq3A_2260 : vector<16xi32>
        %jit3A_2262 = arith.constant 0.000000e+00 : f32
        %broadcast_in_dim3A_2263 = vector.broadcast %jit3A_2262 : f32 to vector<16xf32>
        %select_n3A_2264 = arith.select %eq3A_2261, %get3A_2252, %broadcast_in_dim3A_2263 : vector<16xi1>, vector<16xf32>
        %add3A_2265 = arith.addf %scan3A_2248, %select_n3A_2264 : vector<16xf32>
        scf.yield %max3A_2253, %add3A_2259, %add3A_2265 : vector<16xf32>, vector<16xf32>, vector<16xf32>
      }
      %scan3A_1232 = arith.constant 79 : i32
      %broadcast_in_dim3A_1233 = arith.constant 2.500000e-01 : f32
      %broadcast_in_dim3A_1234 = vector.broadcast %broadcast_in_dim3A_1233 : f32 to vector<16xf32>
      %gt3A_1235 = arith.constant 1.64872122 : f32
      %gt3A_1236 = vector.broadcast %gt3A_1235 : f32 to vector<16xf32>
      %gt3A_1237 = arith.cmpf ogt, %scan3A_1231#1, %gt3A_1236 : vector<16xf32>
      %jit3A_1238 = arith.constant 5.000000e-01 : f32
      %jit3A_1239 = arith.constant 0.000000e+00 : f32
      %broadcast_in_dim3A_1240 = vector.broadcast %jit3A_1238 : f32 to vector<16xf32>
      %broadcast_in_dim3A_1241 = vector.broadcast %jit3A_1239 : f32 to vector<16xf32>
      %select_n3A_1242 = arith.select %gt3A_1237, %broadcast_in_dim3A_1240, %broadcast_in_dim3A_1241 : vector<16xi1>, vector<16xf32>
      %add3A_1243 = arith.addf %broadcast_in_dim3A_1234, %select_n3A_1242 : vector<16xf32>
      %gt3A_1244 = arith.constant 2.71828175 : f32
      %gt3A_1245 = vector.broadcast %gt3A_1244 : f32 to vector<16xf32>
      %gt3A_1246 = arith.cmpf ogt, %scan3A_1231#1, %gt3A_1245 : vector<16xf32>
      %jit3A_1247 = arith.constant 5.000000e-01 : f32
      %jit3A_1248 = arith.constant 0.000000e+00 : f32
      %broadcast_in_dim3A_1249 = vector.broadcast %jit3A_1247 : f32 to vector<16xf32>
      %broadcast_in_dim3A_1250 = vector.broadcast %jit3A_1248 : f32 to vector<16xf32>
      %select_n3A_1251 = arith.select %gt3A_1246, %broadcast_in_dim3A_1249, %broadcast_in_dim3A_1250 : vector<16xi1>, vector<16xf32>
      %add3A_1252 = arith.addf %add3A_1243, %select_n3A_1251 : vector<16xf32>
      %gt3A_1253 = arith.constant 4.48168898 : f32
      %gt3A_1254 = vector.broadcast %gt3A_1253 : f32 to vector<16xf32>
      %gt3A_1255 = arith.cmpf ogt, %scan3A_1231#1, %gt3A_1254 : vector<16xf32>
      %jit3A_1256 = arith.constant 5.000000e-01 : f32
      %jit3A_1257 = arith.constant 0.000000e+00 : f32
      %broadcast_in_dim3A_1258 = vector.broadcast %jit3A_1256 : f32 to vector<16xf32>
      %broadcast_in_dim3A_1259 = vector.broadcast %jit3A_1257 : f32 to vector<16xf32>
      %select_n3A_1260 = arith.select %gt3A_1255, %broadcast_in_dim3A_1258, %broadcast_in_dim3A_1259 : vector<16xi1>, vector<16xf32>
      %add3A_1261 = arith.addf %add3A_1252, %select_n3A_1260 : vector<16xf32>
      %gt3A_1262 = arith.constant 7.3890562 : f32
      %gt3A_1263 = vector.broadcast %gt3A_1262 : f32 to vector<16xf32>
      %gt3A_1264 = arith.cmpf ogt, %scan3A_1231#1, %gt3A_1263 : vector<16xf32>
      %jit3A_1265 = arith.constant 5.000000e-01 : f32
      %jit3A_1266 = arith.constant 0.000000e+00 : f32
      %broadcast_in_dim3A_1267 = vector.broadcast %jit3A_1265 : f32 to vector<16xf32>
      %broadcast_in_dim3A_1268 = vector.broadcast %jit3A_1266 : f32 to vector<16xf32>
      %select_n3A_1269 = arith.select %gt3A_1264, %broadcast_in_dim3A_1267, %broadcast_in_dim3A_1268 : vector<16xi1>, vector<16xf32>
      %add3A_1270 = arith.addf %add3A_1261, %select_n3A_1269 : vector<16xf32>
      %gt3A_1271 = arith.constant 12.1824942 : f32
      %gt3A_1272 = vector.broadcast %gt3A_1271 : f32 to vector<16xf32>
      %gt3A_1273 = arith.cmpf ogt, %scan3A_1231#1, %gt3A_1272 : vector<16xf32>
      %jit3A_1274 = arith.constant 5.000000e-01 : f32
      %jit3A_1275 = arith.constant 0.000000e+00 : f32
      %broadcast_in_dim3A_1276 = vector.broadcast %jit3A_1274 : f32 to vector<16xf32>
      %broadcast_in_dim3A_1277 = vector.broadcast %jit3A_1275 : f32 to vector<16xf32>
      %select_n3A_1278 = arith.select %gt3A_1273, %broadcast_in_dim3A_1276, %broadcast_in_dim3A_1277 : vector<16xi1>, vector<16xf32>
      %add3A_1279 = arith.addf %add3A_1270, %select_n3A_1278 : vector<16xf32>
      %gt3A_1280 = arith.constant 20.085537 : f32
      %gt3A_1281 = vector.broadcast %gt3A_1280 : f32 to vector<16xf32>
      %gt3A_1282 = arith.cmpf ogt, %scan3A_1231#1, %gt3A_1281 : vector<16xf32>
      %jit3A_1283 = arith.constant 5.000000e-01 : f32
      %jit3A_1284 = arith.constant 0.000000e+00 : f32
      %broadcast_in_dim3A_1285 = vector.broadcast %jit3A_1283 : f32 to vector<16xf32>
      %broadcast_in_dim3A_1286 = vector.broadcast %jit3A_1284 : f32 to vector<16xf32>
      %select_n3A_1287 = arith.select %gt3A_1282, %broadcast_in_dim3A_1285, %broadcast_in_dim3A_1286 : vector<16xi1>, vector<16xf32>
      %add3A_1288 = arith.addf %add3A_1279, %select_n3A_1287 : vector<16xf32>
      %gt3A_1289 = arith.constant 33.1154518 : f32
      %gt3A_1290 = vector.broadcast %gt3A_1289 : f32 to vector<16xf32>
      %gt3A_1291 = arith.cmpf ogt, %scan3A_1231#1, %gt3A_1290 : vector<16xf32>
      %jit3A_1292 = arith.constant 5.000000e-01 : f32
      %jit3A_1293 = arith.constant 0.000000e+00 : f32
      %broadcast_in_dim3A_1294 = vector.broadcast %jit3A_1292 : f32 to vector<16xf32>
      %broadcast_in_dim3A_1295 = vector.broadcast %jit3A_1293 : f32 to vector<16xf32>
      %select_n3A_1296 = arith.select %gt3A_1291, %broadcast_in_dim3A_1294, %broadcast_in_dim3A_1295 : vector<16xi1>, vector<16xf32>
      %add3A_1297 = arith.addf %add3A_1288, %select_n3A_1296 : vector<16xf32>
      %gt3A_1298 = arith.constant 54.5981483 : f32
      %gt3A_1299 = vector.broadcast %gt3A_1298 : f32 to vector<16xf32>
      %gt3A_1300 = arith.cmpf ogt, %scan3A_1231#1, %gt3A_1299 : vector<16xf32>
      %jit3A_1301 = arith.constant 5.000000e-01 : f32
      %jit3A_1302 = arith.constant 0.000000e+00 : f32
      %broadcast_in_dim3A_1303 = vector.broadcast %jit3A_1301 : f32 to vector<16xf32>
      %broadcast_in_dim3A_1304 = vector.broadcast %jit3A_1302 : f32 to vector<16xf32>
      %select_n3A_1305 = arith.select %gt3A_1300, %broadcast_in_dim3A_1303, %broadcast_in_dim3A_1304 : vector<16xi1>, vector<16xf32>
      %add3A_1306 = arith.addf %add3A_1297, %select_n3A_1305 : vector<16xf32>
      %gt3A_1307 = arith.constant 90.017128 : f32
      %gt3A_1308 = vector.broadcast %gt3A_1307 : f32 to vector<16xf32>
      %gt3A_1309 = arith.cmpf ogt, %scan3A_1231#1, %gt3A_1308 : vector<16xf32>
      %jit3A_1310 = arith.constant 5.000000e-01 : f32
      %jit3A_1311 = arith.constant 0.000000e+00 : f32
      %broadcast_in_dim3A_1312 = vector.broadcast %jit3A_1310 : f32 to vector<16xf32>
      %broadcast_in_dim3A_1313 = vector.broadcast %jit3A_1311 : f32 to vector<16xf32>
      %select_n3A_1314 = arith.select %gt3A_1309, %broadcast_in_dim3A_1312, %broadcast_in_dim3A_1313 : vector<16xi1>, vector<16xf32>
      %add3A_1315 = arith.addf %add3A_1306, %select_n3A_1314 : vector<16xf32>
      %sub3A_1316 = arith.constant 1.000000e+00 : f32
      %sub3A_1317 = vector.broadcast %sub3A_1316 : f32 to vector<16xf32>
      %sub3A_1318 = arith.subf %add3A_1315, %sub3A_1317 : vector<16xf32>
      %neg3A_1319 = arith.constant 0.000000e+00 : f32
      %neg3A_1320 = vector.broadcast %neg3A_1319 : f32 to vector<16xf32>
      %neg3A_1321 = arith.subf %neg3A_1320, %add3A_1315 : vector<16xf32>
      %exp3A_1322 = math.exp %neg3A_1321 : vector<16xf32>
      %mul3A_1323 = arith.mulf %scan3A_1231#1, %exp3A_1322 : vector<16xf32>
      %add3A_1324 = arith.addf %sub3A_1318, %mul3A_1323 : vector<16xf32>
      %sub3A_1325 = arith.constant 1.000000e+00 : f32
      %sub3A_1326 = vector.broadcast %sub3A_1325 : f32 to vector<16xf32>
      %sub3A_1327 = arith.subf %add3A_1324, %sub3A_1326 : vector<16xf32>
      %neg3A_1328 = arith.constant 0.000000e+00 : f32
      %neg3A_1329 = vector.broadcast %neg3A_1328 : f32 to vector<16xf32>
      %neg3A_1330 = arith.subf %neg3A_1329, %add3A_1324 : vector<16xf32>
      %exp3A_1331 = math.exp %neg3A_1330 : vector<16xf32>
      %mul3A_1332 = arith.mulf %scan3A_1231#1, %exp3A_1331 : vector<16xf32>
      %add3A_1333 = arith.addf %sub3A_1327, %mul3A_1332 : vector<16xf32>
      %sub3A_1334 = arith.constant 1.000000e+00 : f32
      %sub3A_1335 = vector.broadcast %sub3A_1334 : f32 to vector<16xf32>
      %sub3A_1336 = arith.subf %add3A_1333, %sub3A_1335 : vector<16xf32>
      %neg3A_1337 = arith.constant 0.000000e+00 : f32
      %neg3A_1338 = vector.broadcast %neg3A_1337 : f32 to vector<16xf32>
      %neg3A_1339 = arith.subf %neg3A_1338, %add3A_1333 : vector<16xf32>
      %exp3A_1340 = math.exp %neg3A_1339 : vector<16xf32>
      %mul3A_1341 = arith.mulf %scan3A_1231#1, %exp3A_1340 : vector<16xf32>
      %add3A_1342 = arith.addf %sub3A_1336, %mul3A_1341 : vector<16xf32>
      %sub3A_1343 = arith.constant 1.000000e+00 : f32
      %sub3A_1344 = vector.broadcast %sub3A_1343 : f32 to vector<16xf32>
      %sub3A_1345 = arith.subf %add3A_1342, %sub3A_1344 : vector<16xf32>
      %neg3A_1346 = arith.constant 0.000000e+00 : f32
      %neg3A_1347 = vector.broadcast %neg3A_1346 : f32 to vector<16xf32>
      %neg3A_1348 = arith.subf %neg3A_1347, %add3A_1342 : vector<16xf32>
      %exp3A_1349 = math.exp %neg3A_1348 : vector<16xf32>
      %mul3A_1350 = arith.mulf %scan3A_1231#1, %exp3A_1349 : vector<16xf32>
      %add3A_1351 = arith.addf %sub3A_1345, %mul3A_1350 : vector<16xf32>
      %add3A_1352 = arith.addf %scan3A_1231#0, %add3A_1351 : vector<16xf32>
      %sub3A_1353 = arith.subf %add3A_1352, %scan3A_1231#2 : vector<16xf32>
      %mul3A_1354 = arith.mulf %div3A_1134, %div3A_1134 : vector<16xf32>
      %mul3A_1355 = arith.constant 5.000000e+00 : f32
      %mul3A_1356 = vector.broadcast %mul3A_1355 : f32 to vector<16xf32>
      %mul3A_1357 = arith.mulf %div3A_1134, %mul3A_1356 : vector<16xf32>
      %mul3A_1358 = arith.constant 5.000000e+00 : f32
      %mul3A_1359 = vector.broadcast %mul3A_1358 : f32 to vector<16xf32>
      %mul3A_1360 = arith.mulf %scan3A_1208, %mul3A_1359 : vector<16xf32>
      %sub3A_1361 = arith.subf %mul3A_1357, %mul3A_1360 : vector<16xf32>
      %mul3A_1362 = arith.mulf %sub3A_1361, %sub3A_1361 : vector<16xf32>
      %lt3A_1363 = arith.constant 0.699999988 : f32
      %lt3A_1364 = vector.broadcast %lt3A_1363 : f32 to vector<16xf32>
      %lt3A_1365 = arith.cmpf olt, %scan3A_1208, %lt3A_1364 : vector<16xf32>
      %jit3A_1366 = arith.constant 0.000000e+00 : f32
      %broadcast_in_dim3A_1367 = vector.broadcast %jit3A_1366 : f32 to vector<16xf32>
      %select_n3A_1368 = arith.select %lt3A_1365, %mul3A_1354, %broadcast_in_dim3A_1367 : vector<16xi1>, vector<16xf32>
      %jit3A_1369 = arith.constant 0.000000e+00 : f32
      %broadcast_in_dim3A_1370 = vector.broadcast %jit3A_1369 : f32 to vector<16xf32>
      %select_n3A_1371 = arith.select %eq3A_1079, %add3A_1178, %broadcast_in_dim3A_1370 : vector<16xi1>, vector<16xf32>
      %swap3A = arith.constant 0 : i32
      %swap3A_1372 = arith.index_cast %swap3A : i32 to index
      %swap3A_1373 = arith.constant 0 : index
      %swap3A_1374 = tpu.vector_load %arg10[%swap3A_1372, %swap3A_1373] {strides = array<i32>} : memref<5x48xf32, #tpu.memory_space<vmem>>, vector<1x16xf32>,
      %swap3A_1375 = vector.shape_cast %swap3A_1374 : vector<1x16xf32> to vector<16xf32>
      %swap3A_1376 = vector.shape_cast %select_n3A_1371 : vector<16xf32> to vector<1x16xf32>
      tpu.vector_store %arg10[%swap3A_1372, %swap3A_1373], %swap3A_1376 {strides = array<i32>} : memref<5x48xf32, #tpu.memory_space<vmem>>, vector<1x16xf32>,
      %jit3A_1377 = arith.constant 0.000000e+00 : f32
      %broadcast_in_dim3A_1378 = vector.broadcast %jit3A_1377 : f32 to vector<16xf32>
      %select_n3A_1379 = arith.select %eq3A_1079, %sub3A_1353, %broadcast_in_dim3A_1378 : vector<16xi1>, vector<16xf32>
      %swap3A_1380 = arith.constant 1 : i32
      %swap3A_1381 = arith.index_cast %swap3A_1380 : i32 to index
      %swap3A_1382 = arith.constant 0 : index
      %swap3A_1383 = tpu.vector_load %arg10[%swap3A_1381, %swap3A_1382] {strides = array<i32>} : memref<5x48xf32, #tpu.memory_space<vmem>>, vector<1x16xf32>,
      %swap3A_1384 = vector.shape_cast %swap3A_1383 : vector<1x16xf32> to vector<16xf32>
      %swap3A_1385 = vector.shape_cast %select_n3A_1379 : vector<16xf32> to vector<1x16xf32>
      tpu.vector_store %arg10[%swap3A_1381, %swap3A_1382], %swap3A_1385 {strides = array<i32>} : memref<5x48xf32, #tpu.memory_space<vmem>>, vector<1x16xf32>,
      %jit3A_1386 = arith.constant 0.000000e+00 : f32
      %broadcast_in_dim3A_1387 = vector.broadcast %jit3A_1386 : f32 to vector<16xf32>
      %select_n3A_1388 = arith.select %eq3A_1079, %select_n3A_1368, %broadcast_in_dim3A_1387 : vector<16xi1>, vector<16xf32>
      %swap3A_1389 = arith.constant 2 : i32
      %swap3A_1390 = arith.index_cast %swap3A_1389 : i32 to index
      %swap3A_1391 = arith.constant 0 : index
      %swap3A_1392 = tpu.vector_load %arg10[%swap3A_1390, %swap3A_1391] {strides = array<i32>} : memref<5x48xf32, #tpu.memory_space<vmem>>, vector<1x16xf32>,
      %swap3A_1393 = vector.shape_cast %swap3A_1392 : vector<1x16xf32> to vector<16xf32>
      %swap3A_1394 = vector.shape_cast %select_n3A_1388 : vector<16xf32> to vector<1x16xf32>
      tpu.vector_store %arg10[%swap3A_1390, %swap3A_1391], %swap3A_1394 {strides = array<i32>} : memref<5x48xf32, #tpu.memory_space<vmem>>, vector<1x16xf32>,
      %jit3A_1395 = arith.constant 0.000000e+00 : f32
      %broadcast_in_dim3A_1396 = vector.broadcast %jit3A_1395 : f32 to vector<16xf32>
      %select_n3A_1397 = arith.select %eq3A_1079, %mul3A_1354, %broadcast_in_dim3A_1396 : vector<16xi1>, vector<16xf32>
      %swap3A_1398 = arith.constant 3 : i32
      %swap3A_1399 = arith.index_cast %swap3A_1398 : i32 to index
      %swap3A_1400 = arith.constant 0 : index
      %swap3A_1401 = tpu.vector_load %arg10[%swap3A_1399, %swap3A_1400] {strides = array<i32>} : memref<5x48xf32, #tpu.memory_space<vmem>>, vector<1x16xf32>,
      %swap3A_1402 = vector.shape_cast %swap3A_1401 : vector<1x16xf32> to vector<16xf32>
      %swap3A_1403 = vector.shape_cast %select_n3A_1397 : vector<16xf32> to vector<1x16xf32>
      tpu.vector_store %arg10[%swap3A_1399, %swap3A_1400], %swap3A_1403 {strides = array<i32>} : memref<5x48xf32, #tpu.memory_space<vmem>>, vector<1x16xf32>,
      %jit3A_1404 = arith.constant 0.000000e+00 : f32
      %broadcast_in_dim3A_1405 = vector.broadcast %jit3A_1404 : f32 to vector<16xf32>
      %select_n3A_1406 = arith.select %eq3A_1079, %mul3A_1362, %broadcast_in_dim3A_1405 : vector<16xi1>, vector<16xf32>
      %swap3A_1407 = arith.constant 4 : i32
      %swap3A_1408 = arith.index_cast %swap3A_1407 : i32 to index
      %swap3A_1409 = arith.constant 0 : index
      %swap3A_1410 = tpu.vector_load %arg10[%swap3A_1408, %swap3A_1409] {strides = array<i32>} : memref<5x48xf32, #tpu.memory_space<vmem>>, vector<1x16xf32>,
      %swap3A_1411 = vector.shape_cast %swap3A_1410 : vector<1x16xf32> to vector<16xf32>
      %swap3A_1412 = vector.shape_cast %select_n3A_1406 : vector<16xf32> to vector<1x16xf32>
      tpu.vector_store %arg10[%swap3A_1408, %swap3A_1409], %swap3A_1412 {strides = array<i32>} : memref<5x48xf32, #tpu.memory_space<vmem>>, vector<1x16xf32>,
      %add3A_1413 = arith.constant 16 : i32
      %add3A_1414 = vector.broadcast %add3A_1413 : i32 to vector<16xi32>
      %add3A_1415 = arith.addi %iota3A, %add3A_1414 : vector<16xi32>
      %lt3A_1416 = arith.constant 40 : i32
      %lt3A_1417 = vector.broadcast %lt3A_1416 : i32 to vector<16xi32>
      %lt3A_1418 = arith.cmpi slt, %add3A_1415, %lt3A_1417 : vector<16xi32>
      %get3A_1419 = arith.constant 0 : i32
      %get3A_1420 = arith.index_cast %get3A_1419 : i32 to index
      %get3A_1421 = arith.constant 16 : index
      %get3A_1422 = tpu.vector_load %arg6[%get3A_1420, %get3A_1421] {strides = array<i32>} : memref<5x48xf32, #tpu.memory_space<vmem>>, vector<1x16xf32>,
      %get3A_1423 = vector.shape_cast %get3A_1422 : vector<1x16xf32> to vector<16xf32>
      %mul3A_1424 = arith.constant 5.200000e+01 : f32
      %mul3A_1425 = vector.broadcast %mul3A_1424 : f32 to vector<16xf32>
      %mul3A_1426 = arith.mulf %get3A_1423, %mul3A_1425 : vector<16xf32>
      %get3A_1427 = arith.constant 1 : i32
      %get3A_1428 = arith.index_cast %get3A_1427 : i32 to index
      %get3A_1429 = arith.constant 16 : index
      %get3A_1430 = tpu.vector_load %arg6[%get3A_1428, %get3A_1429] {strides = array<i32>} : memref<5x48xf32, #tpu.memory_space<vmem>>, vector<1x16xf32>,
      %get3A_1431 = vector.shape_cast %get3A_1430 : vector<1x16xf32> to vector<16xf32>
      %mul3A_1432 = arith.constant 5.200000e+01 : f32
      %mul3A_1433 = vector.broadcast %mul3A_1432 : f32 to vector<16xf32>
      %mul3A_1434 = arith.mulf %get3A_1431, %mul3A_1433 : vector<16xf32>
      %get3A_1435 = arith.constant 2 : i32
      %get3A_1436 = arith.index_cast %get3A_1435 : i32 to index
      %get3A_1437 = arith.constant 16 : index
      %get3A_1438 = tpu.vector_load %arg6[%get3A_1436, %get3A_1437] {strides = array<i32>} : memref<5x48xf32, #tpu.memory_space<vmem>>, vector<1x16xf32>,
      %get3A_1439 = vector.shape_cast %get3A_1438 : vector<1x16xf32> to vector<16xf32>
      %mul3A_1440 = arith.constant 5.200000e+01 : f32
      %mul3A_1441 = vector.broadcast %mul3A_1440 : f32 to vector<16xf32>
      %mul3A_1442 = arith.mulf %get3A_1439, %mul3A_1441 : vector<16xf32>
      %get3A_1443 = arith.constant 3 : i32
      %get3A_1444 = arith.index_cast %get3A_1443 : i32 to index
      %get3A_1445 = arith.constant 16 : index
      %get3A_1446 = tpu.vector_load %arg6[%get3A_1444, %get3A_1445] {strides = array<i32>} : memref<5x48xf32, #tpu.memory_space<vmem>>, vector<1x16xf32>,
      %get3A_1447 = vector.shape_cast %get3A_1446 : vector<1x16xf32> to vector<16xf32>
      %mul3A_1448 = arith.constant 5.200000e+01 : f32
      %mul3A_1449 = vector.broadcast %mul3A_1448 : f32 to vector<16xf32>
      %mul3A_1450 = arith.mulf %get3A_1447, %mul3A_1449 : vector<16xf32>
      %get3A_1451 = arith.constant 4 : i32
      %get3A_1452 = arith.index_cast %get3A_1451 : i32 to index
      %get3A_1453 = arith.constant 16 : index
      %get3A_1454 = tpu.vector_load %arg6[%get3A_1452, %get3A_1453] {strides = array<i32>} : memref<5x48xf32, #tpu.memory_space<vmem>>, vector<1x16xf32>,
      %get3A_1455 = vector.shape_cast %get3A_1454 : vector<1x16xf32> to vector<16xf32>
      %get3A_1456 = arith.constant 0 : i32
      %get3A_1457 = arith.index_cast %get3A_1456 : i32 to index
      %get3A_1458 = arith.constant 16 : index
      %get3A_1459 = tpu.vector_load %arg6[%get3A_1457, %get3A_1458] {strides = array<i32>} : memref<5x48xf32, #tpu.memory_space<vmem>>, vector<1x16xf32>,
      %get3A_1460 = vector.shape_cast %get3A_1459 : vector<1x16xf32> to vector<16xf32>
      %mul3A_1461 = arith.constant 5.200000e+01 : f32
      %mul3A_1462 = vector.broadcast %mul3A_1461 : f32 to vector<16xf32>
      %mul3A_1463 = arith.mulf %get3A_1460, %mul3A_1462 : vector<16xf32>
      %convert_element_type3A_1464 = arith.fptosi %mul3A_1463 : vector<16xf32> to vector<16xi32>
      %get3A_1465 = arith.constant 1 : i32
      %get3A_1466 = arith.index_cast %get3A_1465 : i32 to index
      %get3A_1467 = arith.constant 16 : index
      %get3A_1468 = tpu.vector_load %arg6[%get3A_1466, %get3A_1467] {strides = array<i32>} : memref<5x48xf32, #tpu.memory_space<vmem>>, vector<1x16xf32>,
      %get3A_1469 = vector.shape_cast %get3A_1468 : vector<1x16xf32> to vector<16xf32>
      %mul3A_1470 = arith.constant 5.200000e+01 : f32
      %mul3A_1471 = vector.broadcast %mul3A_1470 : f32 to vector<16xf32>
      %mul3A_1472 = arith.mulf %get3A_1469, %mul3A_1471 : vector<16xf32>
      %convert_element_type3A_1473 = arith.fptosi %mul3A_1472 : vector<16xf32> to vector<16xi32>
      %convert_element_type3A_1474 = arith.sitofp %convert_element_type3A_1464 : vector<16xi32> to vector<16xf32>
      %convert_element_type3A_1475 = arith.sitofp %convert_element_type3A_1473 : vector<16xi32> to vector<16xf32>
      %ge3A_1476 = arith.constant 40 : i32
      %ge3A_1477 = vector.broadcast %ge3A_1476 : i32 to vector<16xi32>
      %ge3A_1478 = arith.cmpi sge, %add3A_1415, %ge3A_1477 : vector<16xi32>
      %jit3A_1479 = arith.constant 1 : i32
      %jit3A_1480 = arith.constant 0 : i32
      %broadcast_in_dim3A_1481 = vector.broadcast %jit3A_1479 : i32 to vector<16xi32>
      %broadcast_in_dim3A_1482 = vector.broadcast %jit3A_1480 : i32 to vector<16xi32>
      %select_n3A_1483 = arith.select %ge3A_1478, %broadcast_in_dim3A_1481, %broadcast_in_dim3A_1482 : vector<16xi1>, vector<16xi32>
      %scan3A_1484 = arith.constant 0 : i32
      %scan3A_1485 = arith.constant 40 : i32
      %scan3A_1486 = arith.addi %scan3A_1484, %scan3A_1485 : i32
      %scan3A_1487 = arith.constant 1 : i32
      %scan3A_1488 = scf.for %scan3A_2245 = %scan3A_1484 to %scan3A_1486 step %scan3A_1487 iter_args(%scan3A_2246 = %select_n3A_1483) -> (vector<16xi32>)  : i32 {
        %jit3A_2247 = arith.constant 16 : i32
        %div3A_2248 = arith.divsi %scan3A_2245, %jit3A_2247 : i32
        %sign3A = arith.constant 0 : i32
        %sign3A_2249 = arith.cmpi sgt, %scan3A_2245, %sign3A : i32
        %sign3A_2250 = arith.extui %sign3A_2249 : i1 to i32
        %sign3A_2251 = arith.constant 0 : i32
        %sign3A_2252 = arith.cmpi slt, %scan3A_2245, %sign3A_2251 : i32
        %sign3A_2253 = arith.extui %sign3A_2252 : i1 to i32
        %sign3A_2254 = arith.subi %sign3A_2250, %sign3A_2253 : i32
        %sign3A_2255 = arith.constant 0 : i32
        %sign3A_2256 = arith.cmpi sgt, %jit3A_2247, %sign3A_2255 : i32
        %sign3A_2257 = arith.extui %sign3A_2256 : i1 to i32
        %sign3A_2258 = arith.constant 0 : i32
        %sign3A_2259 = arith.cmpi slt, %jit3A_2247, %sign3A_2258 : i32
        %sign3A_2260 = arith.extui %sign3A_2259 : i1 to i32
        %sign3A_2261 = arith.subi %sign3A_2257, %sign3A_2260 : i32
        %ne3A = arith.cmpi ne, %sign3A_2254, %sign3A_2261 : i32
        %rem3A = arith.remsi %scan3A_2245, %jit3A_2247 : i32
        %ne3A_2262 = arith.constant 0 : i32
        %ne3A_2263 = arith.cmpi ne, %rem3A, %ne3A_2262 : i32
        %and3A = arith.andi %ne3A, %ne3A_2263 : i1
        %sub3A_2264 = arith.constant 1 : i32
        %sub3A_2265 = arith.subi %div3A_2248, %sub3A_2264 : i32
        %select_n3A_2266 = arith.select %and3A, %sub3A_2265, %div3A_2248 : i32
        %eq3A_2267 = arith.constant 0 : i32
        %eq3A_2268 = arith.cmpi eq, %select_n3A_2266, %eq3A_2267 : i32
        %eq3A_2269 = arith.constant 1 : i32
        %eq3A_2270 = arith.cmpi eq, %select_n3A_2266, %eq3A_2269 : i32
        %select_n3A_2271 = arith.select %eq3A_2270, %add3A_641, %add3A_963 : vector<16xi32>
        %select_n3A_2272 = arith.select %eq3A_2268, %add3A_319, %select_n3A_2271 : vector<16xi32>
        %mul3A_2273 = arith.constant 16 : i32
        %mul3A_2274 = arith.muli %select_n3A_2266, %mul3A_2273 : i32
        %sub3A_2275 = arith.subi %scan3A_2245, %mul3A_2274 : i32
        %broadcast_in_dim3A_2276 = arith.constant 0 : i32
        %broadcast_in_dim3A_2277 = vector.broadcast %broadcast_in_dim3A_2276 : i32 to vector<16xi32>
        %add3A_2278 = vector.broadcast %sub3A_2275 : i32 to vector<16xi32>
        %add3A_2279 = arith.addi %broadcast_in_dim3A_2277, %add3A_2278 : vector<16xi32>
        %lt3A_2280 = arith.constant 0 : i32
        %lt3A_2281 = vector.broadcast %lt3A_2280 : i32 to vector<16xi32>
        %lt3A_2282 = arith.cmpi slt, %add3A_2279, %lt3A_2281 : vector<16xi32>
        %add3A_2283 = arith.constant 16 : i32
        %add3A_2284 = vector.broadcast %add3A_2283 : i32 to vector<16xi32>
        %add3A_2285 = arith.addi %add3A_2279, %add3A_2284 : vector<16xi32>
        %select_n3A_2286 = arith.select %lt3A_2282, %add3A_2285, %add3A_2279 : vector<16xi1>, vector<16xi32>
        %broadcast_in_dim3A_2287 = vector.shape_cast %select_n3A_2286 : vector<16xi32> to vector<16x1xi32>
        %gather3A_2288 = vector.shape_cast %broadcast_in_dim3A_2287 : vector<16x1xi32> to vector<16xi32>
        %gather3A_2289 = tpu.dynamic_gather %select_n3A_2272[%gather3A_2288] in [0] : vector<16xi32>, vector<16xi32> -> vector<16xi32>
        %eq3A_2290 = arith.cmpi eq, %gather3A_2289, %add3A_641 : vector<16xi32>
        %gt3A_2291 = vector.broadcast %scan3A_2245 : i32 to vector<16xi32>
        %gt3A_2292 = arith.cmpi sgt, %gt3A_2291, %add3A_1415 : vector<16xi32>
        %and3A_2293 = arith.andi %eq3A_2290, %gt3A_2292 : vector<16xi1>
        %jit3A_2294 = arith.constant 1 : i32
        %jit3A_2295 = arith.constant 0 : i32
        %broadcast_in_dim3A_2296 = vector.broadcast %jit3A_2294 : i32 to vector<16xi32>
        %broadcast_in_dim3A_2297 = vector.broadcast %jit3A_2295 : i32 to vector<16xi32>
        %select_n3A_2298 = arith.select %and3A_2293, %broadcast_in_dim3A_2296, %broadcast_in_dim3A_2297 : vector<16xi1>, vector<16xi32>
        %add3A_2299 = arith.addi %scan3A_2246, %select_n3A_2298 : vector<16xi32>
        scf.yield %add3A_2299 : vector<16xi32>
      }
      %scan3A_1489 = arith.constant 40 : i32
      %eq3A_1490 = arith.constant 0 : i32
      %eq3A_1491 = vector.broadcast %eq3A_1490 : i32 to vector<16xi32>
      %eq3A_1492 = arith.cmpi eq, %scan3A_1488, %eq3A_1491 : vector<16xi32>
      %get3A_1493 = arith.constant 0 : i32
      %get3A_1494 = arith.index_cast %get3A_1493 : i32 to index
      %get3A_1495 = arith.constant 16 : index
      %get3A_1496 = tpu.vector_load %arg9[%get3A_1494, %get3A_1495] {strides = array<i32>} : memref<88x48xf32, #tpu.memory_space<vmem>>, vector<1x16xf32>,
      %get3A_1497 = vector.shape_cast %get3A_1496 : vector<1x16xf32> to vector<16xf32>
      %get3A_1498 = arith.constant 1 : i32
      %get3A_1499 = arith.index_cast %get3A_1498 : i32 to index
      %get3A_1500 = arith.constant 16 : index
      %get3A_1501 = tpu.vector_load %arg9[%get3A_1499, %get3A_1500] {strides = array<i32>} : memref<88x48xf32, #tpu.memory_space<vmem>>, vector<1x16xf32>,
      %get3A_1502 = vector.shape_cast %get3A_1501 : vector<1x16xf32> to vector<16xf32>
      %get3A_1503 = arith.constant 2 : i32
      %get3A_1504 = arith.index_cast %get3A_1503 : i32 to index
      %get3A_1505 = arith.constant 16 : index
      %get3A_1506 = tpu.vector_load %arg9[%get3A_1504, %get3A_1505] {strides = array<i32>} : memref<88x48xf32, #tpu.memory_space<vmem>>, vector<1x16xf32>,
      %get3A_1507 = vector.shape_cast %get3A_1506 : vector<1x16xf32> to vector<16xf32>
      %get3A_1508 = arith.constant 3 : i32
      %get3A_1509 = arith.index_cast %get3A_1508 : i32 to index
      %get3A_1510 = arith.constant 16 : index
      %get3A_1511 = tpu.vector_load %arg9[%get3A_1509, %get3A_1510] {strides = array<i32>} : memref<88x48xf32, #tpu.memory_space<vmem>>, vector<1x16xf32>,
      %get3A_1512 = vector.shape_cast %get3A_1511 : vector<1x16xf32> to vector<16xf32>
      %get3A_1513 = arith.constant 4 : i32
      %get3A_1514 = arith.index_cast %get3A_1513 : i32 to index
      %get3A_1515 = arith.constant 16 : index
      %get3A_1516 = tpu.vector_load %arg9[%get3A_1514, %get3A_1515] {strides = array<i32>} : memref<88x48xf32, #tpu.memory_space<vmem>>, vector<1x16xf32>,
      %get3A_1517 = vector.shape_cast %get3A_1516 : vector<1x16xf32> to vector<16xf32>
      %neg3A_1518 = arith.constant 0.000000e+00 : f32
      %neg3A_1519 = vector.broadcast %neg3A_1518 : f32 to vector<16xf32>
      %neg3A_1520 = arith.subf %neg3A_1519, %get3A_1497 : vector<16xf32>
      %exp3A_1521 = math.exp %neg3A_1520 : vector<16xf32>
      %add3A_1522 = arith.constant 1.000000e+00 : f32
      %add3A_1523 = vector.broadcast %add3A_1522 : f32 to vector<16xf32>
      %add3A_1524 = arith.addf %add3A_1523, %exp3A_1521 : vector<16xf32>
      %div3A_1525 = arith.constant 1.000000e+00 : f32
      %div3A_1526 = vector.broadcast %div3A_1525 : f32 to vector<16xf32>
      %div3A_1527 = arith.divf %div3A_1526, %add3A_1524 : vector<16xf32>
      %neg3A_1528 = arith.constant 0.000000e+00 : f32
      %neg3A_1529 = vector.broadcast %neg3A_1528 : f32 to vector<16xf32>
      %neg3A_1530 = arith.subf %neg3A_1529, %get3A_1502 : vector<16xf32>
      %exp3A_1531 = math.exp %neg3A_1530 : vector<16xf32>
      %add3A_1532 = arith.constant 1.000000e+00 : f32
      %add3A_1533 = vector.broadcast %add3A_1532 : f32 to vector<16xf32>
      %add3A_1534 = arith.addf %add3A_1533, %exp3A_1531 : vector<16xf32>
      %div3A_1535 = arith.constant 1.000000e+00 : f32
      %div3A_1536 = vector.broadcast %div3A_1535 : f32 to vector<16xf32>
      %div3A_1537 = arith.divf %div3A_1536, %add3A_1534 : vector<16xf32>
      %exp3A_1538 = math.exp %get3A_1507 : vector<16xf32>
      %exp3A_1539 = math.exp %get3A_1512 : vector<16xf32>
      %neg3A_1540 = arith.constant 0.000000e+00 : f32
      %neg3A_1541 = vector.broadcast %neg3A_1540 : f32 to vector<16xf32>
      %neg3A_1542 = arith.subf %neg3A_1541, %get3A_1517 : vector<16xf32>
      %exp3A_1543 = math.exp %neg3A_1542 : vector<16xf32>
      %add3A_1544 = arith.constant 1.000000e+00 : f32
      %add3A_1545 = vector.broadcast %add3A_1544 : f32 to vector<16xf32>
      %add3A_1546 = arith.addf %add3A_1545, %exp3A_1543 : vector<16xf32>
      %div3A_1547 = arith.constant 1.000000e+00 : f32
      %div3A_1548 = vector.broadcast %div3A_1547 : f32 to vector<16xf32>
      %div3A_1549 = arith.divf %div3A_1548, %add3A_1546 : vector<16xf32>
      %mul3A_1550 = arith.constant 2 : i32
      %mul3A_1551 = vector.broadcast %mul3A_1550 : i32 to vector<16xi32>
      %mul3A_1552 = arith.muli %mul3A_1551, %select_n3A_636 : vector<16xi32>
      %lt3A_1553 = arith.constant 0 : i32
      %lt3A_1554 = vector.broadcast %lt3A_1553 : i32 to vector<16xi32>
      %lt3A_1555 = arith.cmpi slt, %mul3A_1552, %lt3A_1554 : vector<16xi32>
      %add3A_1556 = arith.constant 16 : i32
      %add3A_1557 = vector.broadcast %add3A_1556 : i32 to vector<16xi32>
      %add3A_1558 = arith.addi %mul3A_1552, %add3A_1557 : vector<16xi32>
      %select_n3A_1559 = arith.select %lt3A_1555, %add3A_1558, %mul3A_1552 : vector<16xi1>, vector<16xi32>
      %broadcast_in_dim3A_1560 = vector.shape_cast %select_n3A_1559 : vector<16xi32> to vector<16x1xi32>
      %gather3A_1561 = vector.shape_cast %broadcast_in_dim3A_1560 : vector<16x1xi32> to vector<16xi32>
      %gather3A_1562 = tpu.dynamic_gather %get3A_4[%gather3A_1561] in [0] : vector<16xf32>, vector<16xi32> -> vector<16xf32>
      %mul3A_1563 = arith.constant 2 : i32
      %mul3A_1564 = vector.broadcast %mul3A_1563 : i32 to vector<16xi32>
      %mul3A_1565 = arith.muli %mul3A_1564, %select_n3A_636 : vector<16xi32>
      %add3A_1566 = arith.constant 1 : i32
      %add3A_1567 = vector.broadcast %add3A_1566 : i32 to vector<16xi32>
      %add3A_1568 = arith.addi %mul3A_1565, %add3A_1567 : vector<16xi32>
      %lt3A_1569 = arith.constant 0 : i32
      %lt3A_1570 = vector.broadcast %lt3A_1569 : i32 to vector<16xi32>
      %lt3A_1571 = arith.cmpi slt, %add3A_1568, %lt3A_1570 : vector<16xi32>
      %add3A_1572 = arith.constant 16 : i32
      %add3A_1573 = vector.broadcast %add3A_1572 : i32 to vector<16xi32>
      %add3A_1574 = arith.addi %add3A_1568, %add3A_1573 : vector<16xi32>
      %select_n3A_1575 = arith.select %lt3A_1571, %add3A_1574, %add3A_1568 : vector<16xi1>, vector<16xi32>
      %broadcast_in_dim3A_1576 = vector.shape_cast %select_n3A_1575 : vector<16xi32> to vector<16x1xi32>
      %gather3A_1577 = vector.shape_cast %broadcast_in_dim3A_1576 : vector<16x1xi32> to vector<16xi32>
      %gather3A_1578 = tpu.dynamic_gather %get3A_4[%gather3A_1577] in [0] : vector<16xf32>, vector<16xi32> -> vector<16xf32>
      %sub3A_1579 = arith.subf %mul3A_1426, %convert_element_type3A_1474 : vector<16xf32>
      %sub3A_1580 = arith.subf %div3A_1527, %sub3A_1579 : vector<16xf32>
      %sub3A_1581 = arith.subf %mul3A_1434, %convert_element_type3A_1475 : vector<16xf32>
      %sub3A_1582 = arith.subf %div3A_1537, %sub3A_1581 : vector<16xf32>
      %div3A_1583 = arith.divf %mul3A_1442, %gather3A_1562 : vector<16xf32>
      %sub3A_1584 = arith.subf %exp3A_1538, %div3A_1583 : vector<16xf32>
      %div3A_1585 = arith.divf %mul3A_1450, %gather3A_1578 : vector<16xf32>
      %sub3A_1586 = arith.subf %exp3A_1539, %div3A_1585 : vector<16xf32>
      %mul3A_1587 = arith.mulf %sub3A_1580, %sub3A_1580 : vector<16xf32>
      %mul3A_1588 = arith.mulf %sub3A_1582, %sub3A_1582 : vector<16xf32>
      %add3A_1589 = arith.addf %mul3A_1587, %mul3A_1588 : vector<16xf32>
      %mul3A_1590 = arith.mulf %sub3A_1584, %sub3A_1584 : vector<16xf32>
      %add3A_1591 = arith.addf %add3A_1589, %mul3A_1590 : vector<16xf32>
      %mul3A_1592 = arith.mulf %sub3A_1586, %sub3A_1586 : vector<16xf32>
      %add3A_1593 = arith.addf %add3A_1591, %mul3A_1592 : vector<16xf32>
      %add3A_1594 = arith.addf %div3A_1527, %convert_element_type3A_1474 : vector<16xf32>
      %add3A_1595 = arith.addf %div3A_1537, %convert_element_type3A_1475 : vector<16xf32>
      %mul3A_1596 = arith.mulf %exp3A_1538, %gather3A_1562 : vector<16xf32>
      %mul3A_1597 = arith.mulf %exp3A_1539, %gather3A_1578 : vector<16xf32>
      %div3A_1598 = arith.constant 2.000000e+00 : f32
      %div3A_1599 = vector.broadcast %div3A_1598 : f32 to vector<16xf32>
      %div3A_1600 = arith.divf %mul3A_1596, %div3A_1599 : vector<16xf32>
      %sub3A_1601 = arith.subf %add3A_1594, %div3A_1600 : vector<16xf32>
      %div3A_1602 = arith.constant 2.000000e+00 : f32
      %div3A_1603 = vector.broadcast %div3A_1602 : f32 to vector<16xf32>
      %div3A_1604 = arith.divf %mul3A_1597, %div3A_1603 : vector<16xf32>
      %sub3A_1605 = arith.subf %add3A_1595, %div3A_1604 : vector<16xf32>
      %div3A_1606 = arith.constant 2.000000e+00 : f32
      %div3A_1607 = vector.broadcast %div3A_1606 : f32 to vector<16xf32>
      %div3A_1608 = arith.divf %mul3A_1596, %div3A_1607 : vector<16xf32>
      %add3A_1609 = arith.addf %add3A_1594, %div3A_1608 : vector<16xf32>
      %div3A_1610 = arith.constant 2.000000e+00 : f32
      %div3A_1611 = vector.broadcast %div3A_1610 : f32 to vector<16xf32>
      %div3A_1612 = arith.divf %mul3A_1597, %div3A_1611 : vector<16xf32>
      %add3A_1613 = arith.addf %add3A_1595, %div3A_1612 : vector<16xf32>
      %sub3A_1614 = arith.subf %add3A_1609, %sub3A_1601 : vector<16xf32>
      %sub3A_1615 = arith.subf %add3A_1613, %sub3A_1605 : vector<16xf32>
      %mul3A_1616 = arith.mulf %sub3A_1614, %sub3A_1615 : vector<16xf32>
      %broadcast_in_dim3A_1617 = arith.constant 0xFF800000 : f32
      %broadcast_in_dim3A_1618 = vector.broadcast %broadcast_in_dim3A_1617 : f32 to vector<16xf32>
      %scan3A_1619 = arith.constant 0 : i32
      %scan3A_1620 = arith.constant 40 : i32
      %scan3A_1621 = arith.addi %scan3A_1619, %scan3A_1620 : i32
      %scan3A_1622 = arith.constant 1 : i32
      %scan3A_1623 = scf.for %scan3A_2245 = %scan3A_1619 to %scan3A_1621 step %scan3A_1622 iter_args(%scan3A_2246 = %broadcast_in_dim3A_1618) -> (vector<16xf32>)  : i32 {
        %jit3A_2247 = arith.constant 16 : i32
        %div3A_2248 = arith.divsi %scan3A_2245, %jit3A_2247 : i32
        %sign3A = arith.constant 0 : i32
        %sign3A_2249 = arith.cmpi sgt, %scan3A_2245, %sign3A : i32
        %sign3A_2250 = arith.extui %sign3A_2249 : i1 to i32
        %sign3A_2251 = arith.constant 0 : i32
        %sign3A_2252 = arith.cmpi slt, %scan3A_2245, %sign3A_2251 : i32
        %sign3A_2253 = arith.extui %sign3A_2252 : i1 to i32
        %sign3A_2254 = arith.subi %sign3A_2250, %sign3A_2253 : i32
        %sign3A_2255 = arith.constant 0 : i32
        %sign3A_2256 = arith.cmpi sgt, %jit3A_2247, %sign3A_2255 : i32
        %sign3A_2257 = arith.extui %sign3A_2256 : i1 to i32
        %sign3A_2258 = arith.constant 0 : i32
        %sign3A_2259 = arith.cmpi slt, %jit3A_2247, %sign3A_2258 : i32
        %sign3A_2260 = arith.extui %sign3A_2259 : i1 to i32
        %sign3A_2261 = arith.subi %sign3A_2257, %sign3A_2260 : i32
        %ne3A = arith.cmpi ne, %sign3A_2254, %sign3A_2261 : i32
        %rem3A = arith.remsi %scan3A_2245, %jit3A_2247 : i32
        %ne3A_2262 = arith.constant 0 : i32
        %ne3A_2263 = arith.cmpi ne, %rem3A, %ne3A_2262 : i32
        %and3A = arith.andi %ne3A, %ne3A_2263 : i1
        %sub3A_2264 = arith.constant 1 : i32
        %sub3A_2265 = arith.subi %div3A_2248, %sub3A_2264 : i32
        %select_n3A_2266 = arith.select %and3A, %sub3A_2265, %div3A_2248 : i32
        %eq3A_2267 = arith.constant 0 : i32
        %eq3A_2268 = arith.cmpi eq, %select_n3A_2266, %eq3A_2267 : i32
        %eq3A_2269 = arith.constant 1 : i32
        %eq3A_2270 = arith.cmpi eq, %select_n3A_2266, %eq3A_2269 : i32
        %select_n3A_2271 = arith.select %eq3A_2270, %sub3A_363, %sub3A_685 : vector<16xf32>
        %select_n3A_2272 = arith.select %eq3A_2268, %sub3A, %select_n3A_2271 : vector<16xf32>
        %mul3A_2273 = arith.constant 16 : i32
        %mul3A_2274 = arith.muli %select_n3A_2266, %mul3A_2273 : i32
        %sub3A_2275 = arith.subi %scan3A_2245, %mul3A_2274 : i32
        %broadcast_in_dim3A_2276 = arith.constant 0 : i32
        %broadcast_in_dim3A_2277 = vector.broadcast %broadcast_in_dim3A_2276 : i32 to vector<16xi32>
        %add3A_2278 = vector.broadcast %sub3A_2275 : i32 to vector<16xi32>
        %add3A_2279 = arith.addi %broadcast_in_dim3A_2277, %add3A_2278 : vector<16xi32>
        %lt3A_2280 = arith.constant 0 : i32
        %lt3A_2281 = vector.broadcast %lt3A_2280 : i32 to vector<16xi32>
        %lt3A_2282 = arith.cmpi slt, %add3A_2279, %lt3A_2281 : vector<16xi32>
        %add3A_2283 = arith.constant 16 : i32
        %add3A_2284 = vector.broadcast %add3A_2283 : i32 to vector<16xi32>
        %add3A_2285 = arith.addi %add3A_2279, %add3A_2284 : vector<16xi32>
        %select_n3A_2286 = arith.select %lt3A_2282, %add3A_2285, %add3A_2279 : vector<16xi1>, vector<16xi32>
        %broadcast_in_dim3A_2287 = vector.shape_cast %select_n3A_2286 : vector<16xi32> to vector<16x1xi32>
        %gather3A_2288 = vector.shape_cast %broadcast_in_dim3A_2287 : vector<16x1xi32> to vector<16xi32>
        %gather3A_2289 = tpu.dynamic_gather %select_n3A_2272[%gather3A_2288] in [0] : vector<16xf32>, vector<16xi32> -> vector<16xf32>
        %jit3A_2290 = arith.constant 16 : i32
        %div3A_2291 = arith.divsi %scan3A_2245, %jit3A_2290 : i32
        %sign3A_2292 = arith.constant 0 : i32
        %sign3A_2293 = arith.cmpi sgt, %scan3A_2245, %sign3A_2292 : i32
        %sign3A_2294 = arith.extui %sign3A_2293 : i1 to i32
        %sign3A_2295 = arith.constant 0 : i32
        %sign3A_2296 = arith.cmpi slt, %scan3A_2245, %sign3A_2295 : i32
        %sign3A_2297 = arith.extui %sign3A_2296 : i1 to i32
        %sign3A_2298 = arith.subi %sign3A_2294, %sign3A_2297 : i32
        %sign3A_2299 = arith.constant 0 : i32
        %sign3A_2300 = arith.cmpi sgt, %jit3A_2290, %sign3A_2299 : i32
        %sign3A_2301 = arith.extui %sign3A_2300 : i1 to i32
        %sign3A_2302 = arith.constant 0 : i32
        %sign3A_2303 = arith.cmpi slt, %jit3A_2290, %sign3A_2302 : i32
        %sign3A_2304 = arith.extui %sign3A_2303 : i1 to i32
        %sign3A_2305 = arith.subi %sign3A_2301, %sign3A_2304 : i32
        %ne3A_2306 = arith.cmpi ne, %sign3A_2298, %sign3A_2305 : i32
        %rem3A_2307 = arith.remsi %scan3A_2245, %jit3A_2290 : i32
        %ne3A_2308 = arith.constant 0 : i32
        %ne3A_2309 = arith.cmpi ne, %rem3A_2307, %ne3A_2308 : i32
        %and3A_2310 = arith.andi %ne3A_2306, %ne3A_2309 : i1
        %sub3A_2311 = arith.constant 1 : i32
        %sub3A_2312 = arith.subi %div3A_2291, %sub3A_2311 : i32
        %select_n3A_2313 = arith.select %and3A_2310, %sub3A_2312, %div3A_2291 : i32
        %eq3A_2314 = arith.constant 0 : i32
        %eq3A_2315 = arith.cmpi eq, %select_n3A_2313, %eq3A_2314 : i32
        %eq3A_2316 = arith.constant 1 : i32
        %eq3A_2317 = arith.cmpi eq, %select_n3A_2313, %eq3A_2316 : i32
        %select_n3A_2318 = arith.select %eq3A_2317, %sub3A_367, %sub3A_689 : vector<16xf32>
        %select_n3A_2319 = arith.select %eq3A_2315, %sub3A_52, %select_n3A_2318 : vector<16xf32>
        %mul3A_2320 = arith.constant 16 : i32
        %mul3A_2321 = arith.muli %select_n3A_2313, %mul3A_2320 : i32
        %sub3A_2322 = arith.subi %scan3A_2245, %mul3A_2321 : i32
        %broadcast_in_dim3A_2323 = arith.constant 0 : i32
        %broadcast_in_dim3A_2324 = vector.broadcast %broadcast_in_dim3A_2323 : i32 to vector<16xi32>
        %add3A_2325 = vector.broadcast %sub3A_2322 : i32 to vector<16xi32>
        %add3A_2326 = arith.addi %broadcast_in_dim3A_2324, %add3A_2325 : vector<16xi32>
        %lt3A_2327 = arith.constant 0 : i32
        %lt3A_2328 = vector.broadcast %lt3A_2327 : i32 to vector<16xi32>
        %lt3A_2329 = arith.cmpi slt, %add3A_2326, %lt3A_2328 : vector<16xi32>
        %add3A_2330 = arith.constant 16 : i32
        %add3A_2331 = vector.broadcast %add3A_2330 : i32 to vector<16xi32>
        %add3A_2332 = arith.addi %add3A_2326, %add3A_2331 : vector<16xi32>
        %select_n3A_2333 = arith.select %lt3A_2329, %add3A_2332, %add3A_2326 : vector<16xi1>, vector<16xi32>
        %broadcast_in_dim3A_2334 = vector.shape_cast %select_n3A_2333 : vector<16xi32> to vector<16x1xi32>
        %gather3A_2335 = vector.shape_cast %broadcast_in_dim3A_2334 : vector<16x1xi32> to vector<16xi32>
        %gather3A_2336 = tpu.dynamic_gather %select_n3A_2319[%gather3A_2335] in [0] : vector<16xf32>, vector<16xi32> -> vector<16xf32>
        %jit3A_2337 = arith.constant 16 : i32
        %div3A_2338 = arith.divsi %scan3A_2245, %jit3A_2337 : i32
        %sign3A_2339 = arith.constant 0 : i32
        %sign3A_2340 = arith.cmpi sgt, %scan3A_2245, %sign3A_2339 : i32
        %sign3A_2341 = arith.extui %sign3A_2340 : i1 to i32
        %sign3A_2342 = arith.constant 0 : i32
        %sign3A_2343 = arith.cmpi slt, %scan3A_2245, %sign3A_2342 : i32
        %sign3A_2344 = arith.extui %sign3A_2343 : i1 to i32
        %sign3A_2345 = arith.subi %sign3A_2341, %sign3A_2344 : i32
        %sign3A_2346 = arith.constant 0 : i32
        %sign3A_2347 = arith.cmpi sgt, %jit3A_2337, %sign3A_2346 : i32
        %sign3A_2348 = arith.extui %sign3A_2347 : i1 to i32
        %sign3A_2349 = arith.constant 0 : i32
        %sign3A_2350 = arith.cmpi slt, %jit3A_2337, %sign3A_2349 : i32
        %sign3A_2351 = arith.extui %sign3A_2350 : i1 to i32
        %sign3A_2352 = arith.subi %sign3A_2348, %sign3A_2351 : i32
        %ne3A_2353 = arith.cmpi ne, %sign3A_2345, %sign3A_2352 : i32
        %rem3A_2354 = arith.remsi %scan3A_2245, %jit3A_2337 : i32
        %ne3A_2355 = arith.constant 0 : i32
        %ne3A_2356 = arith.cmpi ne, %rem3A_2354, %ne3A_2355 : i32
        %and3A_2357 = arith.andi %ne3A_2353, %ne3A_2356 : i1
        %sub3A_2358 = arith.constant 1 : i32
        %sub3A_2359 = arith.subi %div3A_2338, %sub3A_2358 : i32
        %select_n3A_2360 = arith.select %and3A_2357, %sub3A_2359, %div3A_2338 : i32
        %eq3A_2361 = arith.constant 0 : i32
        %eq3A_2362 = arith.cmpi eq, %select_n3A_2360, %eq3A_2361 : i32
        %eq3A_2363 = arith.constant 1 : i32
        %eq3A_2364 = arith.cmpi eq, %select_n3A_2360, %eq3A_2363 : i32
        %select_n3A_2365 = arith.select %eq3A_2364, %add3A_371, %add3A_693 : vector<16xf32>
        %select_n3A_2366 = arith.select %eq3A_2362, %add3A_56, %select_n3A_2365 : vector<16xf32>
        %mul3A_2367 = arith.constant 16 : i32
        %mul3A_2368 = arith.muli %select_n3A_2360, %mul3A_2367 : i32
        %sub3A_2369 = arith.subi %scan3A_2245, %mul3A_2368 : i32
        %broadcast_in_dim3A_2370 = arith.constant 0 : i32
        %broadcast_in_dim3A_2371 = vector.broadcast %broadcast_in_dim3A_2370 : i32 to vector<16xi32>
        %add3A_2372 = vector.broadcast %sub3A_2369 : i32 to vector<16xi32>
        %add3A_2373 = arith.addi %broadcast_in_dim3A_2371, %add3A_2372 : vector<16xi32>
        %lt3A_2374 = arith.constant 0 : i32
        %lt3A_2375 = vector.broadcast %lt3A_2374 : i32 to vector<16xi32>
        %lt3A_2376 = arith.cmpi slt, %add3A_2373, %lt3A_2375 : vector<16xi32>
        %add3A_2377 = arith.constant 16 : i32
        %add3A_2378 = vector.broadcast %add3A_2377 : i32 to vector<16xi32>
        %add3A_2379 = arith.addi %add3A_2373, %add3A_2378 : vector<16xi32>
        %select_n3A_2380 = arith.select %lt3A_2376, %add3A_2379, %add3A_2373 : vector<16xi1>, vector<16xi32>
        %broadcast_in_dim3A_2381 = vector.shape_cast %select_n3A_2380 : vector<16xi32> to vector<16x1xi32>
        %gather3A_2382 = vector.shape_cast %broadcast_in_dim3A_2381 : vector<16x1xi32> to vector<16xi32>
        %gather3A_2383 = tpu.dynamic_gather %select_n3A_2366[%gather3A_2382] in [0] : vector<16xf32>, vector<16xi32> -> vector<16xf32>
        %jit3A_2384 = arith.constant 16 : i32
        %div3A_2385 = arith.divsi %scan3A_2245, %jit3A_2384 : i32
        %sign3A_2386 = arith.constant 0 : i32
        %sign3A_2387 = arith.cmpi sgt, %scan3A_2245, %sign3A_2386 : i32
        %sign3A_2388 = arith.extui %sign3A_2387 : i1 to i32
        %sign3A_2389 = arith.constant 0 : i32
        %sign3A_2390 = arith.cmpi slt, %scan3A_2245, %sign3A_2389 : i32
        %sign3A_2391 = arith.extui %sign3A_2390 : i1 to i32
        %sign3A_2392 = arith.subi %sign3A_2388, %sign3A_2391 : i32
        %sign3A_2393 = arith.constant 0 : i32
        %sign3A_2394 = arith.cmpi sgt, %jit3A_2384, %sign3A_2393 : i32
        %sign3A_2395 = arith.extui %sign3A_2394 : i1 to i32
        %sign3A_2396 = arith.constant 0 : i32
        %sign3A_2397 = arith.cmpi slt, %jit3A_2384, %sign3A_2396 : i32
        %sign3A_2398 = arith.extui %sign3A_2397 : i1 to i32
        %sign3A_2399 = arith.subi %sign3A_2395, %sign3A_2398 : i32
        %ne3A_2400 = arith.cmpi ne, %sign3A_2392, %sign3A_2399 : i32
        %rem3A_2401 = arith.remsi %scan3A_2245, %jit3A_2384 : i32
        %ne3A_2402 = arith.constant 0 : i32
        %ne3A_2403 = arith.cmpi ne, %rem3A_2401, %ne3A_2402 : i32
        %and3A_2404 = arith.andi %ne3A_2400, %ne3A_2403 : i1
        %sub3A_2405 = arith.constant 1 : i32
        %sub3A_2406 = arith.subi %div3A_2385, %sub3A_2405 : i32
        %select_n3A_2407 = arith.select %and3A_2404, %sub3A_2406, %div3A_2385 : i32
        %eq3A_2408 = arith.constant 0 : i32
        %eq3A_2409 = arith.cmpi eq, %select_n3A_2407, %eq3A_2408 : i32
        %eq3A_2410 = arith.constant 1 : i32
        %eq3A_2411 = arith.cmpi eq, %select_n3A_2407, %eq3A_2410 : i32
        %select_n3A_2412 = arith.select %eq3A_2411, %add3A_375, %add3A_697 : vector<16xf32>
        %select_n3A_2413 = arith.select %eq3A_2409, %add3A_60, %select_n3A_2412 : vector<16xf32>
        %mul3A_2414 = arith.constant 16 : i32
        %mul3A_2415 = arith.muli %select_n3A_2407, %mul3A_2414 : i32
        %sub3A_2416 = arith.subi %scan3A_2245, %mul3A_2415 : i32
        %broadcast_in_dim3A_2417 = arith.constant 0 : i32
        %broadcast_in_dim3A_2418 = vector.broadcast %broadcast_in_dim3A_2417 : i32 to vector<16xi32>
        %add3A_2419 = vector.broadcast %sub3A_2416 : i32 to vector<16xi32>
        %add3A_2420 = arith.addi %broadcast_in_dim3A_2418, %add3A_2419 : vector<16xi32>
        %lt3A_2421 = arith.constant 0 : i32
        %lt3A_2422 = vector.broadcast %lt3A_2421 : i32 to vector<16xi32>
        %lt3A_2423 = arith.cmpi slt, %add3A_2420, %lt3A_2422 : vector<16xi32>
        %add3A_2424 = arith.constant 16 : i32
        %add3A_2425 = vector.broadcast %add3A_2424 : i32 to vector<16xi32>
        %add3A_2426 = arith.addi %add3A_2420, %add3A_2425 : vector<16xi32>
        %select_n3A_2427 = arith.select %lt3A_2423, %add3A_2426, %add3A_2420 : vector<16xi1>, vector<16xi32>
        %broadcast_in_dim3A_2428 = vector.shape_cast %select_n3A_2427 : vector<16xi32> to vector<16x1xi32>
        %gather3A_2429 = vector.shape_cast %broadcast_in_dim3A_2428 : vector<16x1xi32> to vector<16xi32>
        %gather3A_2430 = tpu.dynamic_gather %select_n3A_2413[%gather3A_2429] in [0] : vector<16xf32>, vector<16xi32> -> vector<16xf32>
        %jit3A_2431 = arith.constant 16 : i32
        %div3A_2432 = arith.divsi %scan3A_2245, %jit3A_2431 : i32
        %sign3A_2433 = arith.constant 0 : i32
        %sign3A_2434 = arith.cmpi sgt, %scan3A_2245, %sign3A_2433 : i32
        %sign3A_2435 = arith.extui %sign3A_2434 : i1 to i32
        %sign3A_2436 = arith.constant 0 : i32
        %sign3A_2437 = arith.cmpi slt, %scan3A_2245, %sign3A_2436 : i32
        %sign3A_2438 = arith.extui %sign3A_2437 : i1 to i32
        %sign3A_2439 = arith.subi %sign3A_2435, %sign3A_2438 : i32
        %sign3A_2440 = arith.constant 0 : i32
        %sign3A_2441 = arith.cmpi sgt, %jit3A_2431, %sign3A_2440 : i32
        %sign3A_2442 = arith.extui %sign3A_2441 : i1 to i32
        %sign3A_2443 = arith.constant 0 : i32
        %sign3A_2444 = arith.cmpi slt, %jit3A_2431, %sign3A_2443 : i32
        %sign3A_2445 = arith.extui %sign3A_2444 : i1 to i32
        %sign3A_2446 = arith.subi %sign3A_2442, %sign3A_2445 : i32
        %ne3A_2447 = arith.cmpi ne, %sign3A_2439, %sign3A_2446 : i32
        %rem3A_2448 = arith.remsi %scan3A_2245, %jit3A_2431 : i32
        %ne3A_2449 = arith.constant 0 : i32
        %ne3A_2450 = arith.cmpi ne, %rem3A_2448, %ne3A_2449 : i32
        %and3A_2451 = arith.andi %ne3A_2447, %ne3A_2450 : i1
        %sub3A_2452 = arith.constant 1 : i32
        %sub3A_2453 = arith.subi %div3A_2432, %sub3A_2452 : i32
        %select_n3A_2454 = arith.select %and3A_2451, %sub3A_2453, %div3A_2432 : i32
        %eq3A_2455 = arith.constant 0 : i32
        %eq3A_2456 = arith.cmpi eq, %select_n3A_2454, %eq3A_2455 : i32
        %eq3A_2457 = arith.constant 1 : i32
        %eq3A_2458 = arith.cmpi eq, %select_n3A_2454, %eq3A_2457 : i32
        %select_n3A_2459 = arith.select %eq3A_2458, %mul3A_378, %mul3A_700 : vector<16xf32>
        %select_n3A_2460 = arith.select %eq3A_2456, %mul3A_63, %select_n3A_2459 : vector<16xf32>
        %mul3A_2461 = arith.constant 16 : i32
        %mul3A_2462 = arith.muli %select_n3A_2454, %mul3A_2461 : i32
        %sub3A_2463 = arith.subi %scan3A_2245, %mul3A_2462 : i32
        %broadcast_in_dim3A_2464 = arith.constant 0 : i32
        %broadcast_in_dim3A_2465 = vector.broadcast %broadcast_in_dim3A_2464 : i32 to vector<16xi32>
        %add3A_2466 = vector.broadcast %sub3A_2463 : i32 to vector<16xi32>
        %add3A_2467 = arith.addi %broadcast_in_dim3A_2465, %add3A_2466 : vector<16xi32>
        %lt3A_2468 = arith.constant 0 : i32
        %lt3A_2469 = vector.broadcast %lt3A_2468 : i32 to vector<16xi32>
        %lt3A_2470 = arith.cmpi slt, %add3A_2467, %lt3A_2469 : vector<16xi32>
        %add3A_2471 = arith.constant 16 : i32
        %add3A_2472 = vector.broadcast %add3A_2471 : i32 to vector<16xi32>
        %add3A_2473 = arith.addi %add3A_2467, %add3A_2472 : vector<16xi32>
        %select_n3A_2474 = arith.select %lt3A_2470, %add3A_2473, %add3A_2467 : vector<16xi1>, vector<16xi32>
        %broadcast_in_dim3A_2475 = vector.shape_cast %select_n3A_2474 : vector<16xi32> to vector<16x1xi32>
        %gather3A_2476 = vector.shape_cast %broadcast_in_dim3A_2475 : vector<16x1xi32> to vector<16xi32>
        %gather3A_2477 = tpu.dynamic_gather %select_n3A_2460[%gather3A_2476] in [0] : vector<16xf32>, vector<16xi32> -> vector<16xf32>
        %max3A_2478 = arith.maximumf %sub3A_1601, %gather3A_2289 : vector<16xf32>
        %max3A_2479 = arith.maximumf %sub3A_1605, %gather3A_2336 : vector<16xf32>
        %min3A_2480 = arith.minimumf %add3A_1609, %gather3A_2383 : vector<16xf32>
        %min3A_2481 = arith.minimumf %add3A_1613, %gather3A_2430 : vector<16xf32>
        %sub3A_2482 = arith.subf %min3A_2480, %max3A_2478 : vector<16xf32>
        %max3A_2483 = arith.constant 0.000000e+00 : f32
        %max3A_2484 = vector.broadcast %max3A_2483 : f32 to vector<16xf32>
        %max3A_2485 = arith.maximumf %sub3A_2482, %max3A_2484 : vector<16xf32>
        %sub3A_2486 = arith.subf %min3A_2481, %max3A_2479 : vector<16xf32>
        %max3A_2487 = arith.constant 0.000000e+00 : f32
        %max3A_2488 = vector.broadcast %max3A_2487 : f32 to vector<16xf32>
        %max3A_2489 = arith.maximumf %sub3A_2486, %max3A_2488 : vector<16xf32>
        %mul3A_2490 = arith.mulf %max3A_2485, %max3A_2489 : vector<16xf32>
        %add3A_2491 = arith.addf %mul3A_1616, %gather3A_2477 : vector<16xf32>
        %sub3A_2492 = arith.subf %add3A_2491, %mul3A_2490 : vector<16xf32>
        %add3A_2493 = arith.constant 9.99999996E-13 : f32
        %add3A_2494 = vector.broadcast %add3A_2493 : f32 to vector<16xf32>
        %add3A_2495 = arith.addf %sub3A_2492, %add3A_2494 : vector<16xf32>
        %div3A_2496 = arith.divf %mul3A_2490, %add3A_2495 : vector<16xf32>
        %max3A_2497 = arith.maximumf %scan3A_2246, %div3A_2496 : vector<16xf32>
        scf.yield %max3A_2497 : vector<16xf32>
      }
      %scan3A_1624 = arith.constant 40 : i32
      %convert_element_type3A_1625 = arith.fptosi %get3A_1455 : vector<16xf32> to vector<16xi32>
      %add3A_1626 = arith.constant 5 : i32
      %add3A_1627 = vector.broadcast %add3A_1626 : i32 to vector<16xi32>
      %add3A_1628 = arith.addi %add3A_1627, %convert_element_type3A_1625 : vector<16xi32>
      %get3A_1629 = arith.constant 5 : i32
      %get3A_1630 = arith.index_cast %get3A_1629 : i32 to index
      %get3A_1631 = arith.constant 16 : index
      %get3A_1632 = tpu.vector_load %arg9[%get3A_1630, %get3A_1631] {strides = array<i32>} : memref<88x48xf32, #tpu.memory_space<vmem>>, vector<1x16xf32>,
      %get3A_1633 = vector.shape_cast %get3A_1632 : vector<1x16xf32> to vector<16xf32>
      %eq3A_1634 = arith.constant 5 : i32
      %eq3A_1635 = vector.broadcast %eq3A_1634 : i32 to vector<16xi32>
      %eq3A_1636 = arith.cmpi eq, %add3A_1628, %eq3A_1635 : vector<16xi32>
      %jit3A_1637 = arith.constant 0.000000e+00 : f32
      %broadcast_in_dim3A_1638 = vector.broadcast %jit3A_1637 : f32 to vector<16xf32>
      %select_n3A_1639 = arith.select %eq3A_1636, %get3A_1633, %broadcast_in_dim3A_1638 : vector<16xi1>, vector<16xf32>
      %broadcast_in_dim3A_1640 = arith.constant 1.000000e+00 : f32
      %broadcast_in_dim3A_1641 = vector.broadcast %broadcast_in_dim3A_1640 : f32 to vector<16xf32>
      %scan3A_1642 = arith.constant 6 : i32
      %scan3A_1643 = arith.constant 79 : i32
      %scan3A_1644 = arith.addi %scan3A_1642, %scan3A_1643 : i32
      %scan3A_1645 = arith.constant 1 : i32
      %scan3A_1646:3 = scf.for %scan3A_2245 = %scan3A_1642 to %scan3A_1644 step %scan3A_1645 iter_args(%scan3A_2246 = %get3A_1633, %scan3A_2247 = %broadcast_in_dim3A_1641, %scan3A_2248 = %select_n3A_1639) -> (vector<16xf32>, vector<16xf32>, vector<16xf32>)  : i32 {
        %get3A_2249 = arith.index_cast %scan3A_2245 : i32 to index
        %get3A_2250 = arith.constant 16 : index
        %get3A_2251 = tpu.vector_load %arg9[%get3A_2249, %get3A_2250] {strides = array<i32>} : memref<88x48xf32, #tpu.memory_space<vmem>>, vector<1x16xf32>,
        %get3A_2252 = vector.shape_cast %get3A_2251 : vector<1x16xf32> to vector<16xf32>
        %max3A_2253 = arith.maximumf %scan3A_2246, %get3A_2252 : vector<16xf32>
        %sub3A_2254 = arith.subf %scan3A_2246, %max3A_2253 : vector<16xf32>
        %exp3A_2255 = math.exp %sub3A_2254 : vector<16xf32>
        %mul3A_2256 = arith.mulf %scan3A_2247, %exp3A_2255 : vector<16xf32>
        %sub3A_2257 = arith.subf %get3A_2252, %max3A_2253 : vector<16xf32>
        %exp3A_2258 = math.exp %sub3A_2257 : vector<16xf32>
        %add3A_2259 = arith.addf %mul3A_2256, %exp3A_2258 : vector<16xf32>
        %eq3A_2260 = vector.broadcast %scan3A_2245 : i32 to vector<16xi32>
        %eq3A_2261 = arith.cmpi eq, %add3A_1628, %eq3A_2260 : vector<16xi32>
        %jit3A_2262 = arith.constant 0.000000e+00 : f32
        %broadcast_in_dim3A_2263 = vector.broadcast %jit3A_2262 : f32 to vector<16xf32>
        %select_n3A_2264 = arith.select %eq3A_2261, %get3A_2252, %broadcast_in_dim3A_2263 : vector<16xi1>, vector<16xf32>
        %add3A_2265 = arith.addf %scan3A_2248, %select_n3A_2264 : vector<16xf32>
        scf.yield %max3A_2253, %add3A_2259, %add3A_2265 : vector<16xf32>, vector<16xf32>, vector<16xf32>
      }
      %scan3A_1647 = arith.constant 79 : i32
      %broadcast_in_dim3A_1648 = arith.constant 2.500000e-01 : f32
      %broadcast_in_dim3A_1649 = vector.broadcast %broadcast_in_dim3A_1648 : f32 to vector<16xf32>
      %gt3A_1650 = arith.constant 1.64872122 : f32
      %gt3A_1651 = vector.broadcast %gt3A_1650 : f32 to vector<16xf32>
      %gt3A_1652 = arith.cmpf ogt, %scan3A_1646#1, %gt3A_1651 : vector<16xf32>
      %jit3A_1653 = arith.constant 5.000000e-01 : f32
      %jit3A_1654 = arith.constant 0.000000e+00 : f32
      %broadcast_in_dim3A_1655 = vector.broadcast %jit3A_1653 : f32 to vector<16xf32>
      %broadcast_in_dim3A_1656 = vector.broadcast %jit3A_1654 : f32 to vector<16xf32>
      %select_n3A_1657 = arith.select %gt3A_1652, %broadcast_in_dim3A_1655, %broadcast_in_dim3A_1656 : vector<16xi1>, vector<16xf32>
      %add3A_1658 = arith.addf %broadcast_in_dim3A_1649, %select_n3A_1657 : vector<16xf32>
      %gt3A_1659 = arith.constant 2.71828175 : f32
      %gt3A_1660 = vector.broadcast %gt3A_1659 : f32 to vector<16xf32>
      %gt3A_1661 = arith.cmpf ogt, %scan3A_1646#1, %gt3A_1660 : vector<16xf32>
      %jit3A_1662 = arith.constant 5.000000e-01 : f32
      %jit3A_1663 = arith.constant 0.000000e+00 : f32
      %broadcast_in_dim3A_1664 = vector.broadcast %jit3A_1662 : f32 to vector<16xf32>
      %broadcast_in_dim3A_1665 = vector.broadcast %jit3A_1663 : f32 to vector<16xf32>
      %select_n3A_1666 = arith.select %gt3A_1661, %broadcast_in_dim3A_1664, %broadcast_in_dim3A_1665 : vector<16xi1>, vector<16xf32>
      %add3A_1667 = arith.addf %add3A_1658, %select_n3A_1666 : vector<16xf32>
      %gt3A_1668 = arith.constant 4.48168898 : f32
      %gt3A_1669 = vector.broadcast %gt3A_1668 : f32 to vector<16xf32>
      %gt3A_1670 = arith.cmpf ogt, %scan3A_1646#1, %gt3A_1669 : vector<16xf32>
      %jit3A_1671 = arith.constant 5.000000e-01 : f32
      %jit3A_1672 = arith.constant 0.000000e+00 : f32
      %broadcast_in_dim3A_1673 = vector.broadcast %jit3A_1671 : f32 to vector<16xf32>
      %broadcast_in_dim3A_1674 = vector.broadcast %jit3A_1672 : f32 to vector<16xf32>
      %select_n3A_1675 = arith.select %gt3A_1670, %broadcast_in_dim3A_1673, %broadcast_in_dim3A_1674 : vector<16xi1>, vector<16xf32>
      %add3A_1676 = arith.addf %add3A_1667, %select_n3A_1675 : vector<16xf32>
      %gt3A_1677 = arith.constant 7.3890562 : f32
      %gt3A_1678 = vector.broadcast %gt3A_1677 : f32 to vector<16xf32>
      %gt3A_1679 = arith.cmpf ogt, %scan3A_1646#1, %gt3A_1678 : vector<16xf32>
      %jit3A_1680 = arith.constant 5.000000e-01 : f32
      %jit3A_1681 = arith.constant 0.000000e+00 : f32
      %broadcast_in_dim3A_1682 = vector.broadcast %jit3A_1680 : f32 to vector<16xf32>
      %broadcast_in_dim3A_1683 = vector.broadcast %jit3A_1681 : f32 to vector<16xf32>
      %select_n3A_1684 = arith.select %gt3A_1679, %broadcast_in_dim3A_1682, %broadcast_in_dim3A_1683 : vector<16xi1>, vector<16xf32>
      %add3A_1685 = arith.addf %add3A_1676, %select_n3A_1684 : vector<16xf32>
      %gt3A_1686 = arith.constant 12.1824942 : f32
      %gt3A_1687 = vector.broadcast %gt3A_1686 : f32 to vector<16xf32>
      %gt3A_1688 = arith.cmpf ogt, %scan3A_1646#1, %gt3A_1687 : vector<16xf32>
      %jit3A_1689 = arith.constant 5.000000e-01 : f32
      %jit3A_1690 = arith.constant 0.000000e+00 : f32
      %broadcast_in_dim3A_1691 = vector.broadcast %jit3A_1689 : f32 to vector<16xf32>
      %broadcast_in_dim3A_1692 = vector.broadcast %jit3A_1690 : f32 to vector<16xf32>
      %select_n3A_1693 = arith.select %gt3A_1688, %broadcast_in_dim3A_1691, %broadcast_in_dim3A_1692 : vector<16xi1>, vector<16xf32>
      %add3A_1694 = arith.addf %add3A_1685, %select_n3A_1693 : vector<16xf32>
      %gt3A_1695 = arith.constant 20.085537 : f32
      %gt3A_1696 = vector.broadcast %gt3A_1695 : f32 to vector<16xf32>
      %gt3A_1697 = arith.cmpf ogt, %scan3A_1646#1, %gt3A_1696 : vector<16xf32>
      %jit3A_1698 = arith.constant 5.000000e-01 : f32
      %jit3A_1699 = arith.constant 0.000000e+00 : f32
      %broadcast_in_dim3A_1700 = vector.broadcast %jit3A_1698 : f32 to vector<16xf32>
      %broadcast_in_dim3A_1701 = vector.broadcast %jit3A_1699 : f32 to vector<16xf32>
      %select_n3A_1702 = arith.select %gt3A_1697, %broadcast_in_dim3A_1700, %broadcast_in_dim3A_1701 : vector<16xi1>, vector<16xf32>
      %add3A_1703 = arith.addf %add3A_1694, %select_n3A_1702 : vector<16xf32>
      %gt3A_1704 = arith.constant 33.1154518 : f32
      %gt3A_1705 = vector.broadcast %gt3A_1704 : f32 to vector<16xf32>
      %gt3A_1706 = arith.cmpf ogt, %scan3A_1646#1, %gt3A_1705 : vector<16xf32>
      %jit3A_1707 = arith.constant 5.000000e-01 : f32
      %jit3A_1708 = arith.constant 0.000000e+00 : f32
      %broadcast_in_dim3A_1709 = vector.broadcast %jit3A_1707 : f32 to vector<16xf32>
      %broadcast_in_dim3A_1710 = vector.broadcast %jit3A_1708 : f32 to vector<16xf32>
      %select_n3A_1711 = arith.select %gt3A_1706, %broadcast_in_dim3A_1709, %broadcast_in_dim3A_1710 : vector<16xi1>, vector<16xf32>
      %add3A_1712 = arith.addf %add3A_1703, %select_n3A_1711 : vector<16xf32>
      %gt3A_1713 = arith.constant 54.5981483 : f32
      %gt3A_1714 = vector.broadcast %gt3A_1713 : f32 to vector<16xf32>
      %gt3A_1715 = arith.cmpf ogt, %scan3A_1646#1, %gt3A_1714 : vector<16xf32>
      %jit3A_1716 = arith.constant 5.000000e-01 : f32
      %jit3A_1717 = arith.constant 0.000000e+00 : f32
      %broadcast_in_dim3A_1718 = vector.broadcast %jit3A_1716 : f32 to vector<16xf32>
      %broadcast_in_dim3A_1719 = vector.broadcast %jit3A_1717 : f32 to vector<16xf32>
      %select_n3A_1720 = arith.select %gt3A_1715, %broadcast_in_dim3A_1718, %broadcast_in_dim3A_1719 : vector<16xi1>, vector<16xf32>
      %add3A_1721 = arith.addf %add3A_1712, %select_n3A_1720 : vector<16xf32>
      %gt3A_1722 = arith.constant 90.017128 : f32
      %gt3A_1723 = vector.broadcast %gt3A_1722 : f32 to vector<16xf32>
      %gt3A_1724 = arith.cmpf ogt, %scan3A_1646#1, %gt3A_1723 : vector<16xf32>
      %jit3A_1725 = arith.constant 5.000000e-01 : f32
      %jit3A_1726 = arith.constant 0.000000e+00 : f32
      %broadcast_in_dim3A_1727 = vector.broadcast %jit3A_1725 : f32 to vector<16xf32>
      %broadcast_in_dim3A_1728 = vector.broadcast %jit3A_1726 : f32 to vector<16xf32>
      %select_n3A_1729 = arith.select %gt3A_1724, %broadcast_in_dim3A_1727, %broadcast_in_dim3A_1728 : vector<16xi1>, vector<16xf32>
      %add3A_1730 = arith.addf %add3A_1721, %select_n3A_1729 : vector<16xf32>
      %sub3A_1731 = arith.constant 1.000000e+00 : f32
      %sub3A_1732 = vector.broadcast %sub3A_1731 : f32 to vector<16xf32>
      %sub3A_1733 = arith.subf %add3A_1730, %sub3A_1732 : vector<16xf32>
      %neg3A_1734 = arith.constant 0.000000e+00 : f32
      %neg3A_1735 = vector.broadcast %neg3A_1734 : f32 to vector<16xf32>
      %neg3A_1736 = arith.subf %neg3A_1735, %add3A_1730 : vector<16xf32>
      %exp3A_1737 = math.exp %neg3A_1736 : vector<16xf32>
      %mul3A_1738 = arith.mulf %scan3A_1646#1, %exp3A_1737 : vector<16xf32>
      %add3A_1739 = arith.addf %sub3A_1733, %mul3A_1738 : vector<16xf32>
      %sub3A_1740 = arith.constant 1.000000e+00 : f32
      %sub3A_1741 = vector.broadcast %sub3A_1740 : f32 to vector<16xf32>
      %sub3A_1742 = arith.subf %add3A_1739, %sub3A_1741 : vector<16xf32>
      %neg3A_1743 = arith.constant 0.000000e+00 : f32
      %neg3A_1744 = vector.broadcast %neg3A_1743 : f32 to vector<16xf32>
      %neg3A_1745 = arith.subf %neg3A_1744, %add3A_1739 : vector<16xf32>
      %exp3A_1746 = math.exp %neg3A_1745 : vector<16xf32>
      %mul3A_1747 = arith.mulf %scan3A_1646#1, %exp3A_1746 : vector<16xf32>
      %add3A_1748 = arith.addf %sub3A_1742, %mul3A_1747 : vector<16xf32>
      %sub3A_1749 = arith.constant 1.000000e+00 : f32
      %sub3A_1750 = vector.broadcast %sub3A_1749 : f32 to vector<16xf32>
      %sub3A_1751 = arith.subf %add3A_1748, %sub3A_1750 : vector<16xf32>
      %neg3A_1752 = arith.constant 0.000000e+00 : f32
      %neg3A_1753 = vector.broadcast %neg3A_1752 : f32 to vector<16xf32>
      %neg3A_1754 = arith.subf %neg3A_1753, %add3A_1748 : vector<16xf32>
      %exp3A_1755 = math.exp %neg3A_1754 : vector<16xf32>
      %mul3A_1756 = arith.mulf %scan3A_1646#1, %exp3A_1755 : vector<16xf32>
      %add3A_1757 = arith.addf %sub3A_1751, %mul3A_1756 : vector<16xf32>
      %sub3A_1758 = arith.constant 1.000000e+00 : f32
      %sub3A_1759 = vector.broadcast %sub3A_1758 : f32 to vector<16xf32>
      %sub3A_1760 = arith.subf %add3A_1757, %sub3A_1759 : vector<16xf32>
      %neg3A_1761 = arith.constant 0.000000e+00 : f32
      %neg3A_1762 = vector.broadcast %neg3A_1761 : f32 to vector<16xf32>
      %neg3A_1763 = arith.subf %neg3A_1762, %add3A_1757 : vector<16xf32>
      %exp3A_1764 = math.exp %neg3A_1763 : vector<16xf32>
      %mul3A_1765 = arith.mulf %scan3A_1646#1, %exp3A_1764 : vector<16xf32>
      %add3A_1766 = arith.addf %sub3A_1760, %mul3A_1765 : vector<16xf32>
      %add3A_1767 = arith.addf %scan3A_1646#0, %add3A_1766 : vector<16xf32>
      %sub3A_1768 = arith.subf %add3A_1767, %scan3A_1646#2 : vector<16xf32>
      %mul3A_1769 = arith.mulf %div3A_1549, %div3A_1549 : vector<16xf32>
      %mul3A_1770 = arith.constant 5.000000e+00 : f32
      %mul3A_1771 = vector.broadcast %mul3A_1770 : f32 to vector<16xf32>
      %mul3A_1772 = arith.mulf %div3A_1549, %mul3A_1771 : vector<16xf32>
      %mul3A_1773 = arith.constant 5.000000e+00 : f32
      %mul3A_1774 = vector.broadcast %mul3A_1773 : f32 to vector<16xf32>
      %mul3A_1775 = arith.mulf %scan3A_1623, %mul3A_1774 : vector<16xf32>
      %sub3A_1776 = arith.subf %mul3A_1772, %mul3A_1775 : vector<16xf32>
      %mul3A_1777 = arith.mulf %sub3A_1776, %sub3A_1776 : vector<16xf32>
      %lt3A_1778 = arith.constant 0.699999988 : f32
      %lt3A_1779 = vector.broadcast %lt3A_1778 : f32 to vector<16xf32>
      %lt3A_1780 = arith.cmpf olt, %scan3A_1623, %lt3A_1779 : vector<16xf32>
      %jit3A_1781 = arith.constant 0.000000e+00 : f32
      %broadcast_in_dim3A_1782 = vector.broadcast %jit3A_1781 : f32 to vector<16xf32>
      %select_n3A_1783 = arith.select %lt3A_1780, %mul3A_1769, %broadcast_in_dim3A_1782 : vector<16xi1>, vector<16xf32>
      %jit3A_1784 = arith.constant 0.000000e+00 : f32
      %broadcast_in_dim3A_1785 = vector.broadcast %jit3A_1784 : f32 to vector<16xf32>
      %select_n3A_1786 = arith.select %eq3A_1492, %add3A_1593, %broadcast_in_dim3A_1785 : vector<16xi1>, vector<16xf32>
      %swap3A_1787 = arith.constant 0 : i32
      %swap3A_1788 = arith.index_cast %swap3A_1787 : i32 to index
      %swap3A_1789 = arith.constant 16 : index
      %swap3A_1790 = tpu.vector_load %arg10[%swap3A_1788, %swap3A_1789] {strides = array<i32>} : memref<5x48xf32, #tpu.memory_space<vmem>>, vector<1x16xf32>,
      %swap3A_1791 = vector.shape_cast %swap3A_1790 : vector<1x16xf32> to vector<16xf32>
      %swap3A_1792 = vector.shape_cast %select_n3A_1786 : vector<16xf32> to vector<1x16xf32>
      tpu.vector_store %arg10[%swap3A_1788, %swap3A_1789], %swap3A_1792 {strides = array<i32>} : memref<5x48xf32, #tpu.memory_space<vmem>>, vector<1x16xf32>,
      %jit3A_1793 = arith.constant 0.000000e+00 : f32
      %broadcast_in_dim3A_1794 = vector.broadcast %jit3A_1793 : f32 to vector<16xf32>
      %select_n3A_1795 = arith.select %eq3A_1492, %sub3A_1768, %broadcast_in_dim3A_1794 : vector<16xi1>, vector<16xf32>
      %swap3A_1796 = arith.constant 1 : i32
      %swap3A_1797 = arith.index_cast %swap3A_1796 : i32 to index
      %swap3A_1798 = arith.constant 16 : index
      %swap3A_1799 = tpu.vector_load %arg10[%swap3A_1797, %swap3A_1798] {strides = array<i32>} : memref<5x48xf32, #tpu.memory_space<vmem>>, vector<1x16xf32>,
      %swap3A_1800 = vector.shape_cast %swap3A_1799 : vector<1x16xf32> to vector<16xf32>
      %swap3A_1801 = vector.shape_cast %select_n3A_1795 : vector<16xf32> to vector<1x16xf32>
      tpu.vector_store %arg10[%swap3A_1797, %swap3A_1798], %swap3A_1801 {strides = array<i32>} : memref<5x48xf32, #tpu.memory_space<vmem>>, vector<1x16xf32>,
      %jit3A_1802 = arith.constant 0.000000e+00 : f32
      %broadcast_in_dim3A_1803 = vector.broadcast %jit3A_1802 : f32 to vector<16xf32>
      %select_n3A_1804 = arith.select %eq3A_1492, %select_n3A_1783, %broadcast_in_dim3A_1803 : vector<16xi1>, vector<16xf32>
      %swap3A_1805 = arith.constant 2 : i32
      %swap3A_1806 = arith.index_cast %swap3A_1805 : i32 to index
      %swap3A_1807 = arith.constant 16 : index
      %swap3A_1808 = tpu.vector_load %arg10[%swap3A_1806, %swap3A_1807] {strides = array<i32>} : memref<5x48xf32, #tpu.memory_space<vmem>>, vector<1x16xf32>,
      %swap3A_1809 = vector.shape_cast %swap3A_1808 : vector<1x16xf32> to vector<16xf32>
      %swap3A_1810 = vector.shape_cast %select_n3A_1804 : vector<16xf32> to vector<1x16xf32>
      tpu.vector_store %arg10[%swap3A_1806, %swap3A_1807], %swap3A_1810 {strides = array<i32>} : memref<5x48xf32, #tpu.memory_space<vmem>>, vector<1x16xf32>,
      %jit3A_1811 = arith.constant 0.000000e+00 : f32
      %broadcast_in_dim3A_1812 = vector.broadcast %jit3A_1811 : f32 to vector<16xf32>
      %select_n3A_1813 = arith.select %eq3A_1492, %mul3A_1769, %broadcast_in_dim3A_1812 : vector<16xi1>, vector<16xf32>
      %swap3A_1814 = arith.constant 3 : i32
      %swap3A_1815 = arith.index_cast %swap3A_1814 : i32 to index
      %swap3A_1816 = arith.constant 16 : index
      %swap3A_1817 = tpu.vector_load %arg10[%swap3A_1815, %swap3A_1816] {strides = array<i32>} : memref<5x48xf32, #tpu.memory_space<vmem>>, vector<1x16xf32>,
      %swap3A_1818 = vector.shape_cast %swap3A_1817 : vector<1x16xf32> to vector<16xf32>
      %swap3A_1819 = vector.shape_cast %select_n3A_1813 : vector<16xf32> to vector<1x16xf32>
      tpu.vector_store %arg10[%swap3A_1815, %swap3A_1816], %swap3A_1819 {strides = array<i32>} : memref<5x48xf32, #tpu.memory_space<vmem>>, vector<1x16xf32>,
      %jit3A_1820 = arith.constant 0.000000e+00 : f32
      %broadcast_in_dim3A_1821 = vector.broadcast %jit3A_1820 : f32 to vector<16xf32>
      %select_n3A_1822 = arith.select %eq3A_1492, %mul3A_1777, %broadcast_in_dim3A_1821 : vector<16xi1>, vector<16xf32>
      %swap3A_1823 = arith.constant 4 : i32
      %swap3A_1824 = arith.index_cast %swap3A_1823 : i32 to index
      %swap3A_1825 = arith.constant 16 : index
      %swap3A_1826 = tpu.vector_load %arg10[%swap3A_1824, %swap3A_1825] {strides = array<i32>} : memref<5x48xf32, #tpu.memory_space<vmem>>, vector<1x16xf32>,
      %swap3A_1827 = vector.shape_cast %swap3A_1826 : vector<1x16xf32> to vector<16xf32>
      %swap3A_1828 = vector.shape_cast %select_n3A_1822 : vector<16xf32> to vector<1x16xf32>
      tpu.vector_store %arg10[%swap3A_1824, %swap3A_1825], %swap3A_1828 {strides = array<i32>} : memref<5x48xf32, #tpu.memory_space<vmem>>, vector<1x16xf32>,
      %add3A_1829 = arith.constant 32 : i32
      %add3A_1830 = vector.broadcast %add3A_1829 : i32 to vector<16xi32>
      %add3A_1831 = arith.addi %iota3A, %add3A_1830 : vector<16xi32>
      %lt3A_1832 = arith.constant 40 : i32
      %lt3A_1833 = vector.broadcast %lt3A_1832 : i32 to vector<16xi32>
      %lt3A_1834 = arith.cmpi slt, %add3A_1831, %lt3A_1833 : vector<16xi32>
      %get3A_1835 = arith.constant 0 : i32
      %get3A_1836 = arith.index_cast %get3A_1835 : i32 to index
      %get3A_1837 = arith.constant 32 : index
      %get3A_1838 = tpu.vector_load %arg6[%get3A_1836, %get3A_1837] {strides = array<i32>} : memref<5x48xf32, #tpu.memory_space<vmem>>, vector<1x16xf32>,
      %get3A_1839 = vector.shape_cast %get3A_1838 : vector<1x16xf32> to vector<16xf32>
      %mul3A_1840 = arith.constant 5.200000e+01 : f32
      %mul3A_1841 = vector.broadcast %mul3A_1840 : f32 to vector<16xf32>
      %mul3A_1842 = arith.mulf %get3A_1839, %mul3A_1841 : vector<16xf32>
      %get3A_1843 = arith.constant 1 : i32
      %get3A_1844 = arith.index_cast %get3A_1843 : i32 to index
      %get3A_1845 = arith.constant 32 : index
      %get3A_1846 = tpu.vector_load %arg6[%get3A_1844, %get3A_1845] {strides = array<i32>} : memref<5x48xf32, #tpu.memory_space<vmem>>, vector<1x16xf32>,
      %get3A_1847 = vector.shape_cast %get3A_1846 : vector<1x16xf32> to vector<16xf32>
      %mul3A_1848 = arith.constant 5.200000e+01 : f32
      %mul3A_1849 = vector.broadcast %mul3A_1848 : f32 to vector<16xf32>
      %mul3A_1850 = arith.mulf %get3A_1847, %mul3A_1849 : vector<16xf32>
      %get3A_1851 = arith.constant 2 : i32
      %get3A_1852 = arith.index_cast %get3A_1851 : i32 to index
      %get3A_1853 = arith.constant 32 : index
      %get3A_1854 = tpu.vector_load %arg6[%get3A_1852, %get3A_1853] {strides = array<i32>} : memref<5x48xf32, #tpu.memory_space<vmem>>, vector<1x16xf32>,
      %get3A_1855 = vector.shape_cast %get3A_1854 : vector<1x16xf32> to vector<16xf32>
      %mul3A_1856 = arith.constant 5.200000e+01 : f32
      %mul3A_1857 = vector.broadcast %mul3A_1856 : f32 to vector<16xf32>
      %mul3A_1858 = arith.mulf %get3A_1855, %mul3A_1857 : vector<16xf32>
      %get3A_1859 = arith.constant 3 : i32
      %get3A_1860 = arith.index_cast %get3A_1859 : i32 to index
      %get3A_1861 = arith.constant 32 : index
      %get3A_1862 = tpu.vector_load %arg6[%get3A_1860, %get3A_1861] {strides = array<i32>} : memref<5x48xf32, #tpu.memory_space<vmem>>, vector<1x16xf32>,
      %get3A_1863 = vector.shape_cast %get3A_1862 : vector<1x16xf32> to vector<16xf32>
      %mul3A_1864 = arith.constant 5.200000e+01 : f32
      %mul3A_1865 = vector.broadcast %mul3A_1864 : f32 to vector<16xf32>
      %mul3A_1866 = arith.mulf %get3A_1863, %mul3A_1865 : vector<16xf32>
      %get3A_1867 = arith.constant 4 : i32
      %get3A_1868 = arith.index_cast %get3A_1867 : i32 to index
      %get3A_1869 = arith.constant 32 : index
      %get3A_1870 = tpu.vector_load %arg6[%get3A_1868, %get3A_1869] {strides = array<i32>} : memref<5x48xf32, #tpu.memory_space<vmem>>, vector<1x16xf32>,
      %get3A_1871 = vector.shape_cast %get3A_1870 : vector<1x16xf32> to vector<16xf32>
      %get3A_1872 = arith.constant 0 : i32
      %get3A_1873 = arith.index_cast %get3A_1872 : i32 to index
      %get3A_1874 = arith.constant 32 : index
      %get3A_1875 = tpu.vector_load %arg6[%get3A_1873, %get3A_1874] {strides = array<i32>} : memref<5x48xf32, #tpu.memory_space<vmem>>, vector<1x16xf32>,
      %get3A_1876 = vector.shape_cast %get3A_1875 : vector<1x16xf32> to vector<16xf32>
      %mul3A_1877 = arith.constant 5.200000e+01 : f32
      %mul3A_1878 = vector.broadcast %mul3A_1877 : f32 to vector<16xf32>
      %mul3A_1879 = arith.mulf %get3A_1876, %mul3A_1878 : vector<16xf32>
      %convert_element_type3A_1880 = arith.fptosi %mul3A_1879 : vector<16xf32> to vector<16xi32>
      %get3A_1881 = arith.constant 1 : i32
      %get3A_1882 = arith.index_cast %get3A_1881 : i32 to index
      %get3A_1883 = arith.constant 32 : index
      %get3A_1884 = tpu.vector_load %arg6[%get3A_1882, %get3A_1883] {strides = array<i32>} : memref<5x48xf32, #tpu.memory_space<vmem>>, vector<1x16xf32>,
      %get3A_1885 = vector.shape_cast %get3A_1884 : vector<1x16xf32> to vector<16xf32>
      %mul3A_1886 = arith.constant 5.200000e+01 : f32
      %mul3A_1887 = vector.broadcast %mul3A_1886 : f32 to vector<16xf32>
      %mul3A_1888 = arith.mulf %get3A_1885, %mul3A_1887 : vector<16xf32>
      %convert_element_type3A_1889 = arith.fptosi %mul3A_1888 : vector<16xf32> to vector<16xi32>
      %convert_element_type3A_1890 = arith.sitofp %convert_element_type3A_1880 : vector<16xi32> to vector<16xf32>
      %convert_element_type3A_1891 = arith.sitofp %convert_element_type3A_1889 : vector<16xi32> to vector<16xf32>
      %ge3A_1892 = arith.constant 40 : i32
      %ge3A_1893 = vector.broadcast %ge3A_1892 : i32 to vector<16xi32>
      %ge3A_1894 = arith.cmpi sge, %add3A_1831, %ge3A_1893 : vector<16xi32>
      %jit3A_1895 = arith.constant 1 : i32
      %jit3A_1896 = arith.constant 0 : i32
      %broadcast_in_dim3A_1897 = vector.broadcast %jit3A_1895 : i32 to vector<16xi32>
      %broadcast_in_dim3A_1898 = vector.broadcast %jit3A_1896 : i32 to vector<16xi32>
      %select_n3A_1899 = arith.select %ge3A_1894, %broadcast_in_dim3A_1897, %broadcast_in_dim3A_1898 : vector<16xi1>, vector<16xi32>
      %scan3A_1900 = arith.constant 0 : i32
      %scan3A_1901 = arith.constant 40 : i32
      %scan3A_1902 = arith.addi %scan3A_1900, %scan3A_1901 : i32
      %scan3A_1903 = arith.constant 1 : i32
      %scan3A_1904 = scf.for %scan3A_2245 = %scan3A_1900 to %scan3A_1902 step %scan3A_1903 iter_args(%scan3A_2246 = %select_n3A_1899) -> (vector<16xi32>)  : i32 {
        %jit3A_2247 = arith.constant 16 : i32
        %div3A_2248 = arith.divsi %scan3A_2245, %jit3A_2247 : i32
        %sign3A = arith.constant 0 : i32
        %sign3A_2249 = arith.cmpi sgt, %scan3A_2245, %sign3A : i32
        %sign3A_2250 = arith.extui %sign3A_2249 : i1 to i32
        %sign3A_2251 = arith.constant 0 : i32
        %sign3A_2252 = arith.cmpi slt, %scan3A_2245, %sign3A_2251 : i32
        %sign3A_2253 = arith.extui %sign3A_2252 : i1 to i32
        %sign3A_2254 = arith.subi %sign3A_2250, %sign3A_2253 : i32
        %sign3A_2255 = arith.constant 0 : i32
        %sign3A_2256 = arith.cmpi sgt, %jit3A_2247, %sign3A_2255 : i32
        %sign3A_2257 = arith.extui %sign3A_2256 : i1 to i32
        %sign3A_2258 = arith.constant 0 : i32
        %sign3A_2259 = arith.cmpi slt, %jit3A_2247, %sign3A_2258 : i32
        %sign3A_2260 = arith.extui %sign3A_2259 : i1 to i32
        %sign3A_2261 = arith.subi %sign3A_2257, %sign3A_2260 : i32
        %ne3A = arith.cmpi ne, %sign3A_2254, %sign3A_2261 : i32
        %rem3A = arith.remsi %scan3A_2245, %jit3A_2247 : i32
        %ne3A_2262 = arith.constant 0 : i32
        %ne3A_2263 = arith.cmpi ne, %rem3A, %ne3A_2262 : i32
        %and3A = arith.andi %ne3A, %ne3A_2263 : i1
        %sub3A_2264 = arith.constant 1 : i32
        %sub3A_2265 = arith.subi %div3A_2248, %sub3A_2264 : i32
        %select_n3A_2266 = arith.select %and3A, %sub3A_2265, %div3A_2248 : i32
        %eq3A_2267 = arith.constant 0 : i32
        %eq3A_2268 = arith.cmpi eq, %select_n3A_2266, %eq3A_2267 : i32
        %eq3A_2269 = arith.constant 1 : i32
        %eq3A_2270 = arith.cmpi eq, %select_n3A_2266, %eq3A_2269 : i32
        %select_n3A_2271 = arith.select %eq3A_2270, %add3A_641, %add3A_963 : vector<16xi32>
        %select_n3A_2272 = arith.select %eq3A_2268, %add3A_319, %select_n3A_2271 : vector<16xi32>
        %mul3A_2273 = arith.constant 16 : i32
        %mul3A_2274 = arith.muli %select_n3A_2266, %mul3A_2273 : i32
        %sub3A_2275 = arith.subi %scan3A_2245, %mul3A_2274 : i32
        %broadcast_in_dim3A_2276 = arith.constant 0 : i32
        %broadcast_in_dim3A_2277 = vector.broadcast %broadcast_in_dim3A_2276 : i32 to vector<16xi32>
        %add3A_2278 = vector.broadcast %sub3A_2275 : i32 to vector<16xi32>
        %add3A_2279 = arith.addi %broadcast_in_dim3A_2277, %add3A_2278 : vector<16xi32>
        %lt3A_2280 = arith.constant 0 : i32
        %lt3A_2281 = vector.broadcast %lt3A_2280 : i32 to vector<16xi32>
        %lt3A_2282 = arith.cmpi slt, %add3A_2279, %lt3A_2281 : vector<16xi32>
        %add3A_2283 = arith.constant 16 : i32
        %add3A_2284 = vector.broadcast %add3A_2283 : i32 to vector<16xi32>
        %add3A_2285 = arith.addi %add3A_2279, %add3A_2284 : vector<16xi32>
        %select_n3A_2286 = arith.select %lt3A_2282, %add3A_2285, %add3A_2279 : vector<16xi1>, vector<16xi32>
        %broadcast_in_dim3A_2287 = vector.shape_cast %select_n3A_2286 : vector<16xi32> to vector<16x1xi32>
        %gather3A_2288 = vector.shape_cast %broadcast_in_dim3A_2287 : vector<16x1xi32> to vector<16xi32>
        %gather3A_2289 = tpu.dynamic_gather %select_n3A_2272[%gather3A_2288] in [0] : vector<16xi32>, vector<16xi32> -> vector<16xi32>
        %eq3A_2290 = arith.cmpi eq, %gather3A_2289, %add3A_963 : vector<16xi32>
        %gt3A_2291 = vector.broadcast %scan3A_2245 : i32 to vector<16xi32>
        %gt3A_2292 = arith.cmpi sgt, %gt3A_2291, %add3A_1831 : vector<16xi32>
        %and3A_2293 = arith.andi %eq3A_2290, %gt3A_2292 : vector<16xi1>
        %jit3A_2294 = arith.constant 1 : i32
        %jit3A_2295 = arith.constant 0 : i32
        %broadcast_in_dim3A_2296 = vector.broadcast %jit3A_2294 : i32 to vector<16xi32>
        %broadcast_in_dim3A_2297 = vector.broadcast %jit3A_2295 : i32 to vector<16xi32>
        %select_n3A_2298 = arith.select %and3A_2293, %broadcast_in_dim3A_2296, %broadcast_in_dim3A_2297 : vector<16xi1>, vector<16xi32>
        %add3A_2299 = arith.addi %scan3A_2246, %select_n3A_2298 : vector<16xi32>
        scf.yield %add3A_2299 : vector<16xi32>
      }
      %scan3A_1905 = arith.constant 40 : i32
      %eq3A_1906 = arith.constant 0 : i32
      %eq3A_1907 = vector.broadcast %eq3A_1906 : i32 to vector<16xi32>
      %eq3A_1908 = arith.cmpi eq, %scan3A_1904, %eq3A_1907 : vector<16xi32>
      %get3A_1909 = arith.constant 0 : i32
      %get3A_1910 = arith.index_cast %get3A_1909 : i32 to index
      %get3A_1911 = arith.constant 32 : index
      %get3A_1912 = tpu.vector_load %arg9[%get3A_1910, %get3A_1911] {strides = array<i32>} : memref<88x48xf32, #tpu.memory_space<vmem>>, vector<1x16xf32>,
      %get3A_1913 = vector.shape_cast %get3A_1912 : vector<1x16xf32> to vector<16xf32>
      %get3A_1914 = arith.constant 1 : i32
      %get3A_1915 = arith.index_cast %get3A_1914 : i32 to index
      %get3A_1916 = arith.constant 32 : index
      %get3A_1917 = tpu.vector_load %arg9[%get3A_1915, %get3A_1916] {strides = array<i32>} : memref<88x48xf32, #tpu.memory_space<vmem>>, vector<1x16xf32>,
      %get3A_1918 = vector.shape_cast %get3A_1917 : vector<1x16xf32> to vector<16xf32>
      %get3A_1919 = arith.constant 2 : i32
      %get3A_1920 = arith.index_cast %get3A_1919 : i32 to index
      %get3A_1921 = arith.constant 32 : index
      %get3A_1922 = tpu.vector_load %arg9[%get3A_1920, %get3A_1921] {strides = array<i32>} : memref<88x48xf32, #tpu.memory_space<vmem>>, vector<1x16xf32>,
      %get3A_1923 = vector.shape_cast %get3A_1922 : vector<1x16xf32> to vector<16xf32>
      %get3A_1924 = arith.constant 3 : i32
      %get3A_1925 = arith.index_cast %get3A_1924 : i32 to index
      %get3A_1926 = arith.constant 32 : index
      %get3A_1927 = tpu.vector_load %arg9[%get3A_1925, %get3A_1926] {strides = array<i32>} : memref<88x48xf32, #tpu.memory_space<vmem>>, vector<1x16xf32>,
      %get3A_1928 = vector.shape_cast %get3A_1927 : vector<1x16xf32> to vector<16xf32>
      %get3A_1929 = arith.constant 4 : i32
      %get3A_1930 = arith.index_cast %get3A_1929 : i32 to index
      %get3A_1931 = arith.constant 32 : index
      %get3A_1932 = tpu.vector_load %arg9[%get3A_1930, %get3A_1931] {strides = array<i32>} : memref<88x48xf32, #tpu.memory_space<vmem>>, vector<1x16xf32>,
      %get3A_1933 = vector.shape_cast %get3A_1932 : vector<1x16xf32> to vector<16xf32>
      %neg3A_1934 = arith.constant 0.000000e+00 : f32
      %neg3A_1935 = vector.broadcast %neg3A_1934 : f32 to vector<16xf32>
      %neg3A_1936 = arith.subf %neg3A_1935, %get3A_1913 : vector<16xf32>
      %exp3A_1937 = math.exp %neg3A_1936 : vector<16xf32>
      %add3A_1938 = arith.constant 1.000000e+00 : f32
      %add3A_1939 = vector.broadcast %add3A_1938 : f32 to vector<16xf32>
      %add3A_1940 = arith.addf %add3A_1939, %exp3A_1937 : vector<16xf32>
      %div3A_1941 = arith.constant 1.000000e+00 : f32
      %div3A_1942 = vector.broadcast %div3A_1941 : f32 to vector<16xf32>
      %div3A_1943 = arith.divf %div3A_1942, %add3A_1940 : vector<16xf32>
      %neg3A_1944 = arith.constant 0.000000e+00 : f32
      %neg3A_1945 = vector.broadcast %neg3A_1944 : f32 to vector<16xf32>
      %neg3A_1946 = arith.subf %neg3A_1945, %get3A_1918 : vector<16xf32>
      %exp3A_1947 = math.exp %neg3A_1946 : vector<16xf32>
      %add3A_1948 = arith.constant 1.000000e+00 : f32
      %add3A_1949 = vector.broadcast %add3A_1948 : f32 to vector<16xf32>
      %add3A_1950 = arith.addf %add3A_1949, %exp3A_1947 : vector<16xf32>
      %div3A_1951 = arith.constant 1.000000e+00 : f32
      %div3A_1952 = vector.broadcast %div3A_1951 : f32 to vector<16xf32>
      %div3A_1953 = arith.divf %div3A_1952, %add3A_1950 : vector<16xf32>
      %exp3A_1954 = math.exp %get3A_1923 : vector<16xf32>
      %exp3A_1955 = math.exp %get3A_1928 : vector<16xf32>
      %neg3A_1956 = arith.constant 0.000000e+00 : f32
      %neg3A_1957 = vector.broadcast %neg3A_1956 : f32 to vector<16xf32>
      %neg3A_1958 = arith.subf %neg3A_1957, %get3A_1933 : vector<16xf32>
      %exp3A_1959 = math.exp %neg3A_1958 : vector<16xf32>
      %add3A_1960 = arith.constant 1.000000e+00 : f32
      %add3A_1961 = vector.broadcast %add3A_1960 : f32 to vector<16xf32>
      %add3A_1962 = arith.addf %add3A_1961, %exp3A_1959 : vector<16xf32>
      %div3A_1963 = arith.constant 1.000000e+00 : f32
      %div3A_1964 = vector.broadcast %div3A_1963 : f32 to vector<16xf32>
      %div3A_1965 = arith.divf %div3A_1964, %add3A_1962 : vector<16xf32>
      %mul3A_1966 = arith.constant 2 : i32
      %mul3A_1967 = vector.broadcast %mul3A_1966 : i32 to vector<16xi32>
      %mul3A_1968 = arith.muli %mul3A_1967, %select_n3A_958 : vector<16xi32>
      %lt3A_1969 = arith.constant 0 : i32
      %lt3A_1970 = vector.broadcast %lt3A_1969 : i32 to vector<16xi32>
      %lt3A_1971 = arith.cmpi slt, %mul3A_1968, %lt3A_1970 : vector<16xi32>
      %add3A_1972 = arith.constant 16 : i32
      %add3A_1973 = vector.broadcast %add3A_1972 : i32 to vector<16xi32>
      %add3A_1974 = arith.addi %mul3A_1968, %add3A_1973 : vector<16xi32>
      %select_n3A_1975 = arith.select %lt3A_1971, %add3A_1974, %mul3A_1968 : vector<16xi1>, vector<16xi32>
      %broadcast_in_dim3A_1976 = vector.shape_cast %select_n3A_1975 : vector<16xi32> to vector<16x1xi32>
      %gather3A_1977 = vector.shape_cast %broadcast_in_dim3A_1976 : vector<16x1xi32> to vector<16xi32>
      %gather3A_1978 = tpu.dynamic_gather %get3A_4[%gather3A_1977] in [0] : vector<16xf32>, vector<16xi32> -> vector<16xf32>
      %mul3A_1979 = arith.constant 2 : i32
      %mul3A_1980 = vector.broadcast %mul3A_1979 : i32 to vector<16xi32>
      %mul3A_1981 = arith.muli %mul3A_1980, %select_n3A_958 : vector<16xi32>
      %add3A_1982 = arith.constant 1 : i32
      %add3A_1983 = vector.broadcast %add3A_1982 : i32 to vector<16xi32>
      %add3A_1984 = arith.addi %mul3A_1981, %add3A_1983 : vector<16xi32>
      %lt3A_1985 = arith.constant 0 : i32
      %lt3A_1986 = vector.broadcast %lt3A_1985 : i32 to vector<16xi32>
      %lt3A_1987 = arith.cmpi slt, %add3A_1984, %lt3A_1986 : vector<16xi32>
      %add3A_1988 = arith.constant 16 : i32
      %add3A_1989 = vector.broadcast %add3A_1988 : i32 to vector<16xi32>
      %add3A_1990 = arith.addi %add3A_1984, %add3A_1989 : vector<16xi32>
      %select_n3A_1991 = arith.select %lt3A_1987, %add3A_1990, %add3A_1984 : vector<16xi1>, vector<16xi32>
      %broadcast_in_dim3A_1992 = vector.shape_cast %select_n3A_1991 : vector<16xi32> to vector<16x1xi32>
      %gather3A_1993 = vector.shape_cast %broadcast_in_dim3A_1992 : vector<16x1xi32> to vector<16xi32>
      %gather3A_1994 = tpu.dynamic_gather %get3A_4[%gather3A_1993] in [0] : vector<16xf32>, vector<16xi32> -> vector<16xf32>
      %sub3A_1995 = arith.subf %mul3A_1842, %convert_element_type3A_1890 : vector<16xf32>
      %sub3A_1996 = arith.subf %div3A_1943, %sub3A_1995 : vector<16xf32>
      %sub3A_1997 = arith.subf %mul3A_1850, %convert_element_type3A_1891 : vector<16xf32>
      %sub3A_1998 = arith.subf %div3A_1953, %sub3A_1997 : vector<16xf32>
      %div3A_1999 = arith.divf %mul3A_1858, %gather3A_1978 : vector<16xf32>
      %sub3A_2000 = arith.subf %exp3A_1954, %div3A_1999 : vector<16xf32>
      %div3A_2001 = arith.divf %mul3A_1866, %gather3A_1994 : vector<16xf32>
      %sub3A_2002 = arith.subf %exp3A_1955, %div3A_2001 : vector<16xf32>
      %mul3A_2003 = arith.mulf %sub3A_1996, %sub3A_1996 : vector<16xf32>
      %mul3A_2004 = arith.mulf %sub3A_1998, %sub3A_1998 : vector<16xf32>
      %add3A_2005 = arith.addf %mul3A_2003, %mul3A_2004 : vector<16xf32>
      %mul3A_2006 = arith.mulf %sub3A_2000, %sub3A_2000 : vector<16xf32>
      %add3A_2007 = arith.addf %add3A_2005, %mul3A_2006 : vector<16xf32>
      %mul3A_2008 = arith.mulf %sub3A_2002, %sub3A_2002 : vector<16xf32>
      %add3A_2009 = arith.addf %add3A_2007, %mul3A_2008 : vector<16xf32>
      %add3A_2010 = arith.addf %div3A_1943, %convert_element_type3A_1890 : vector<16xf32>
      %add3A_2011 = arith.addf %div3A_1953, %convert_element_type3A_1891 : vector<16xf32>
      %mul3A_2012 = arith.mulf %exp3A_1954, %gather3A_1978 : vector<16xf32>
      %mul3A_2013 = arith.mulf %exp3A_1955, %gather3A_1994 : vector<16xf32>
      %div3A_2014 = arith.constant 2.000000e+00 : f32
      %div3A_2015 = vector.broadcast %div3A_2014 : f32 to vector<16xf32>
      %div3A_2016 = arith.divf %mul3A_2012, %div3A_2015 : vector<16xf32>
      %sub3A_2017 = arith.subf %add3A_2010, %div3A_2016 : vector<16xf32>
      %div3A_2018 = arith.constant 2.000000e+00 : f32
      %div3A_2019 = vector.broadcast %div3A_2018 : f32 to vector<16xf32>
      %div3A_2020 = arith.divf %mul3A_2013, %div3A_2019 : vector<16xf32>
      %sub3A_2021 = arith.subf %add3A_2011, %div3A_2020 : vector<16xf32>
      %div3A_2022 = arith.constant 2.000000e+00 : f32
      %div3A_2023 = vector.broadcast %div3A_2022 : f32 to vector<16xf32>
      %div3A_2024 = arith.divf %mul3A_2012, %div3A_2023 : vector<16xf32>
      %add3A_2025 = arith.addf %add3A_2010, %div3A_2024 : vector<16xf32>
      %div3A_2026 = arith.constant 2.000000e+00 : f32
      %div3A_2027 = vector.broadcast %div3A_2026 : f32 to vector<16xf32>
      %div3A_2028 = arith.divf %mul3A_2013, %div3A_2027 : vector<16xf32>
      %add3A_2029 = arith.addf %add3A_2011, %div3A_2028 : vector<16xf32>
      %sub3A_2030 = arith.subf %add3A_2025, %sub3A_2017 : vector<16xf32>
      %sub3A_2031 = arith.subf %add3A_2029, %sub3A_2021 : vector<16xf32>
      %mul3A_2032 = arith.mulf %sub3A_2030, %sub3A_2031 : vector<16xf32>
      %broadcast_in_dim3A_2033 = arith.constant 0xFF800000 : f32
      %broadcast_in_dim3A_2034 = vector.broadcast %broadcast_in_dim3A_2033 : f32 to vector<16xf32>
      %scan3A_2035 = arith.constant 0 : i32
      %scan3A_2036 = arith.constant 40 : i32
      %scan3A_2037 = arith.addi %scan3A_2035, %scan3A_2036 : i32
      %scan3A_2038 = arith.constant 1 : i32
      %scan3A_2039 = scf.for %scan3A_2245 = %scan3A_2035 to %scan3A_2037 step %scan3A_2038 iter_args(%scan3A_2246 = %broadcast_in_dim3A_2034) -> (vector<16xf32>)  : i32 {
        %jit3A_2247 = arith.constant 16 : i32
        %div3A_2248 = arith.divsi %scan3A_2245, %jit3A_2247 : i32
        %sign3A = arith.constant 0 : i32
        %sign3A_2249 = arith.cmpi sgt, %scan3A_2245, %sign3A : i32
        %sign3A_2250 = arith.extui %sign3A_2249 : i1 to i32
        %sign3A_2251 = arith.constant 0 : i32
        %sign3A_2252 = arith.cmpi slt, %scan3A_2245, %sign3A_2251 : i32
        %sign3A_2253 = arith.extui %sign3A_2252 : i1 to i32
        %sign3A_2254 = arith.subi %sign3A_2250, %sign3A_2253 : i32
        %sign3A_2255 = arith.constant 0 : i32
        %sign3A_2256 = arith.cmpi sgt, %jit3A_2247, %sign3A_2255 : i32
        %sign3A_2257 = arith.extui %sign3A_2256 : i1 to i32
        %sign3A_2258 = arith.constant 0 : i32
        %sign3A_2259 = arith.cmpi slt, %jit3A_2247, %sign3A_2258 : i32
        %sign3A_2260 = arith.extui %sign3A_2259 : i1 to i32
        %sign3A_2261 = arith.subi %sign3A_2257, %sign3A_2260 : i32
        %ne3A = arith.cmpi ne, %sign3A_2254, %sign3A_2261 : i32
        %rem3A = arith.remsi %scan3A_2245, %jit3A_2247 : i32
        %ne3A_2262 = arith.constant 0 : i32
        %ne3A_2263 = arith.cmpi ne, %rem3A, %ne3A_2262 : i32
        %and3A = arith.andi %ne3A, %ne3A_2263 : i1
        %sub3A_2264 = arith.constant 1 : i32
        %sub3A_2265 = arith.subi %div3A_2248, %sub3A_2264 : i32
        %select_n3A_2266 = arith.select %and3A, %sub3A_2265, %div3A_2248 : i32
        %eq3A_2267 = arith.constant 0 : i32
        %eq3A_2268 = arith.cmpi eq, %select_n3A_2266, %eq3A_2267 : i32
        %eq3A_2269 = arith.constant 1 : i32
        %eq3A_2270 = arith.cmpi eq, %select_n3A_2266, %eq3A_2269 : i32
        %select_n3A_2271 = arith.select %eq3A_2270, %sub3A_363, %sub3A_685 : vector<16xf32>
        %select_n3A_2272 = arith.select %eq3A_2268, %sub3A, %select_n3A_2271 : vector<16xf32>
        %mul3A_2273 = arith.constant 16 : i32
        %mul3A_2274 = arith.muli %select_n3A_2266, %mul3A_2273 : i32
        %sub3A_2275 = arith.subi %scan3A_2245, %mul3A_2274 : i32
        %broadcast_in_dim3A_2276 = arith.constant 0 : i32
        %broadcast_in_dim3A_2277 = vector.broadcast %broadcast_in_dim3A_2276 : i32 to vector<16xi32>
        %add3A_2278 = vector.broadcast %sub3A_2275 : i32 to vector<16xi32>
        %add3A_2279 = arith.addi %broadcast_in_dim3A_2277, %add3A_2278 : vector<16xi32>
        %lt3A_2280 = arith.constant 0 : i32
        %lt3A_2281 = vector.broadcast %lt3A_2280 : i32 to vector<16xi32>
        %lt3A_2282 = arith.cmpi slt, %add3A_2279, %lt3A_2281 : vector<16xi32>
        %add3A_2283 = arith.constant 16 : i32
        %add3A_2284 = vector.broadcast %add3A_2283 : i32 to vector<16xi32>
        %add3A_2285 = arith.addi %add3A_2279, %add3A_2284 : vector<16xi32>
        %select_n3A_2286 = arith.select %lt3A_2282, %add3A_2285, %add3A_2279 : vector<16xi1>, vector<16xi32>
        %broadcast_in_dim3A_2287 = vector.shape_cast %select_n3A_2286 : vector<16xi32> to vector<16x1xi32>
        %gather3A_2288 = vector.shape_cast %broadcast_in_dim3A_2287 : vector<16x1xi32> to vector<16xi32>
        %gather3A_2289 = tpu.dynamic_gather %select_n3A_2272[%gather3A_2288] in [0] : vector<16xf32>, vector<16xi32> -> vector<16xf32>
        %jit3A_2290 = arith.constant 16 : i32
        %div3A_2291 = arith.divsi %scan3A_2245, %jit3A_2290 : i32
        %sign3A_2292 = arith.constant 0 : i32
        %sign3A_2293 = arith.cmpi sgt, %scan3A_2245, %sign3A_2292 : i32
        %sign3A_2294 = arith.extui %sign3A_2293 : i1 to i32
        %sign3A_2295 = arith.constant 0 : i32
        %sign3A_2296 = arith.cmpi slt, %scan3A_2245, %sign3A_2295 : i32
        %sign3A_2297 = arith.extui %sign3A_2296 : i1 to i32
        %sign3A_2298 = arith.subi %sign3A_2294, %sign3A_2297 : i32
        %sign3A_2299 = arith.constant 0 : i32
        %sign3A_2300 = arith.cmpi sgt, %jit3A_2290, %sign3A_2299 : i32
        %sign3A_2301 = arith.extui %sign3A_2300 : i1 to i32
        %sign3A_2302 = arith.constant 0 : i32
        %sign3A_2303 = arith.cmpi slt, %jit3A_2290, %sign3A_2302 : i32
        %sign3A_2304 = arith.extui %sign3A_2303 : i1 to i32
        %sign3A_2305 = arith.subi %sign3A_2301, %sign3A_2304 : i32
        %ne3A_2306 = arith.cmpi ne, %sign3A_2298, %sign3A_2305 : i32
        %rem3A_2307 = arith.remsi %scan3A_2245, %jit3A_2290 : i32
        %ne3A_2308 = arith.constant 0 : i32
        %ne3A_2309 = arith.cmpi ne, %rem3A_2307, %ne3A_2308 : i32
        %and3A_2310 = arith.andi %ne3A_2306, %ne3A_2309 : i1
        %sub3A_2311 = arith.constant 1 : i32
        %sub3A_2312 = arith.subi %div3A_2291, %sub3A_2311 : i32
        %select_n3A_2313 = arith.select %and3A_2310, %sub3A_2312, %div3A_2291 : i32
        %eq3A_2314 = arith.constant 0 : i32
        %eq3A_2315 = arith.cmpi eq, %select_n3A_2313, %eq3A_2314 : i32
        %eq3A_2316 = arith.constant 1 : i32
        %eq3A_2317 = arith.cmpi eq, %select_n3A_2313, %eq3A_2316 : i32
        %select_n3A_2318 = arith.select %eq3A_2317, %sub3A_367, %sub3A_689 : vector<16xf32>
        %select_n3A_2319 = arith.select %eq3A_2315, %sub3A_52, %select_n3A_2318 : vector<16xf32>
        %mul3A_2320 = arith.constant 16 : i32
        %mul3A_2321 = arith.muli %select_n3A_2313, %mul3A_2320 : i32
        %sub3A_2322 = arith.subi %scan3A_2245, %mul3A_2321 : i32
        %broadcast_in_dim3A_2323 = arith.constant 0 : i32
        %broadcast_in_dim3A_2324 = vector.broadcast %broadcast_in_dim3A_2323 : i32 to vector<16xi32>
        %add3A_2325 = vector.broadcast %sub3A_2322 : i32 to vector<16xi32>
        %add3A_2326 = arith.addi %broadcast_in_dim3A_2324, %add3A_2325 : vector<16xi32>
        %lt3A_2327 = arith.constant 0 : i32
        %lt3A_2328 = vector.broadcast %lt3A_2327 : i32 to vector<16xi32>
        %lt3A_2329 = arith.cmpi slt, %add3A_2326, %lt3A_2328 : vector<16xi32>
        %add3A_2330 = arith.constant 16 : i32
        %add3A_2331 = vector.broadcast %add3A_2330 : i32 to vector<16xi32>
        %add3A_2332 = arith.addi %add3A_2326, %add3A_2331 : vector<16xi32>
        %select_n3A_2333 = arith.select %lt3A_2329, %add3A_2332, %add3A_2326 : vector<16xi1>, vector<16xi32>
        %broadcast_in_dim3A_2334 = vector.shape_cast %select_n3A_2333 : vector<16xi32> to vector<16x1xi32>
        %gather3A_2335 = vector.shape_cast %broadcast_in_dim3A_2334 : vector<16x1xi32> to vector<16xi32>
        %gather3A_2336 = tpu.dynamic_gather %select_n3A_2319[%gather3A_2335] in [0] : vector<16xf32>, vector<16xi32> -> vector<16xf32>
        %jit3A_2337 = arith.constant 16 : i32
        %div3A_2338 = arith.divsi %scan3A_2245, %jit3A_2337 : i32
        %sign3A_2339 = arith.constant 0 : i32
        %sign3A_2340 = arith.cmpi sgt, %scan3A_2245, %sign3A_2339 : i32
        %sign3A_2341 = arith.extui %sign3A_2340 : i1 to i32
        %sign3A_2342 = arith.constant 0 : i32
        %sign3A_2343 = arith.cmpi slt, %scan3A_2245, %sign3A_2342 : i32
        %sign3A_2344 = arith.extui %sign3A_2343 : i1 to i32
        %sign3A_2345 = arith.subi %sign3A_2341, %sign3A_2344 : i32
        %sign3A_2346 = arith.constant 0 : i32
        %sign3A_2347 = arith.cmpi sgt, %jit3A_2337, %sign3A_2346 : i32
        %sign3A_2348 = arith.extui %sign3A_2347 : i1 to i32
        %sign3A_2349 = arith.constant 0 : i32
        %sign3A_2350 = arith.cmpi slt, %jit3A_2337, %sign3A_2349 : i32
        %sign3A_2351 = arith.extui %sign3A_2350 : i1 to i32
        %sign3A_2352 = arith.subi %sign3A_2348, %sign3A_2351 : i32
        %ne3A_2353 = arith.cmpi ne, %sign3A_2345, %sign3A_2352 : i32
        %rem3A_2354 = arith.remsi %scan3A_2245, %jit3A_2337 : i32
        %ne3A_2355 = arith.constant 0 : i32
        %ne3A_2356 = arith.cmpi ne, %rem3A_2354, %ne3A_2355 : i32
        %and3A_2357 = arith.andi %ne3A_2353, %ne3A_2356 : i1
        %sub3A_2358 = arith.constant 1 : i32
        %sub3A_2359 = arith.subi %div3A_2338, %sub3A_2358 : i32
        %select_n3A_2360 = arith.select %and3A_2357, %sub3A_2359, %div3A_2338 : i32
        %eq3A_2361 = arith.constant 0 : i32
        %eq3A_2362 = arith.cmpi eq, %select_n3A_2360, %eq3A_2361 : i32
        %eq3A_2363 = arith.constant 1 : i32
        %eq3A_2364 = arith.cmpi eq, %select_n3A_2360, %eq3A_2363 : i32
        %select_n3A_2365 = arith.select %eq3A_2364, %add3A_371, %add3A_693 : vector<16xf32>
        %select_n3A_2366 = arith.select %eq3A_2362, %add3A_56, %select_n3A_2365 : vector<16xf32>
        %mul3A_2367 = arith.constant 16 : i32
        %mul3A_2368 = arith.muli %select_n3A_2360, %mul3A_2367 : i32
        %sub3A_2369 = arith.subi %scan3A_2245, %mul3A_2368 : i32
        %broadcast_in_dim3A_2370 = arith.constant 0 : i32
        %broadcast_in_dim3A_2371 = vector.broadcast %broadcast_in_dim3A_2370 : i32 to vector<16xi32>
        %add3A_2372 = vector.broadcast %sub3A_2369 : i32 to vector<16xi32>
        %add3A_2373 = arith.addi %broadcast_in_dim3A_2371, %add3A_2372 : vector<16xi32>
        %lt3A_2374 = arith.constant 0 : i32
        %lt3A_2375 = vector.broadcast %lt3A_2374 : i32 to vector<16xi32>
        %lt3A_2376 = arith.cmpi slt, %add3A_2373, %lt3A_2375 : vector<16xi32>
        %add3A_2377 = arith.constant 16 : i32
        %add3A_2378 = vector.broadcast %add3A_2377 : i32 to vector<16xi32>
        %add3A_2379 = arith.addi %add3A_2373, %add3A_2378 : vector<16xi32>
        %select_n3A_2380 = arith.select %lt3A_2376, %add3A_2379, %add3A_2373 : vector<16xi1>, vector<16xi32>
        %broadcast_in_dim3A_2381 = vector.shape_cast %select_n3A_2380 : vector<16xi32> to vector<16x1xi32>
        %gather3A_2382 = vector.shape_cast %broadcast_in_dim3A_2381 : vector<16x1xi32> to vector<16xi32>
        %gather3A_2383 = tpu.dynamic_gather %select_n3A_2366[%gather3A_2382] in [0] : vector<16xf32>, vector<16xi32> -> vector<16xf32>
        %jit3A_2384 = arith.constant 16 : i32
        %div3A_2385 = arith.divsi %scan3A_2245, %jit3A_2384 : i32
        %sign3A_2386 = arith.constant 0 : i32
        %sign3A_2387 = arith.cmpi sgt, %scan3A_2245, %sign3A_2386 : i32
        %sign3A_2388 = arith.extui %sign3A_2387 : i1 to i32
        %sign3A_2389 = arith.constant 0 : i32
        %sign3A_2390 = arith.cmpi slt, %scan3A_2245, %sign3A_2389 : i32
        %sign3A_2391 = arith.extui %sign3A_2390 : i1 to i32
        %sign3A_2392 = arith.subi %sign3A_2388, %sign3A_2391 : i32
        %sign3A_2393 = arith.constant 0 : i32
        %sign3A_2394 = arith.cmpi sgt, %jit3A_2384, %sign3A_2393 : i32
        %sign3A_2395 = arith.extui %sign3A_2394 : i1 to i32
        %sign3A_2396 = arith.constant 0 : i32
        %sign3A_2397 = arith.cmpi slt, %jit3A_2384, %sign3A_2396 : i32
        %sign3A_2398 = arith.extui %sign3A_2397 : i1 to i32
        %sign3A_2399 = arith.subi %sign3A_2395, %sign3A_2398 : i32
        %ne3A_2400 = arith.cmpi ne, %sign3A_2392, %sign3A_2399 : i32
        %rem3A_2401 = arith.remsi %scan3A_2245, %jit3A_2384 : i32
        %ne3A_2402 = arith.constant 0 : i32
        %ne3A_2403 = arith.cmpi ne, %rem3A_2401, %ne3A_2402 : i32
        %and3A_2404 = arith.andi %ne3A_2400, %ne3A_2403 : i1
        %sub3A_2405 = arith.constant 1 : i32
        %sub3A_2406 = arith.subi %div3A_2385, %sub3A_2405 : i32
        %select_n3A_2407 = arith.select %and3A_2404, %sub3A_2406, %div3A_2385 : i32
        %eq3A_2408 = arith.constant 0 : i32
        %eq3A_2409 = arith.cmpi eq, %select_n3A_2407, %eq3A_2408 : i32
        %eq3A_2410 = arith.constant 1 : i32
        %eq3A_2411 = arith.cmpi eq, %select_n3A_2407, %eq3A_2410 : i32
        %select_n3A_2412 = arith.select %eq3A_2411, %add3A_375, %add3A_697 : vector<16xf32>
        %select_n3A_2413 = arith.select %eq3A_2409, %add3A_60, %select_n3A_2412 : vector<16xf32>
        %mul3A_2414 = arith.constant 16 : i32
        %mul3A_2415 = arith.muli %select_n3A_2407, %mul3A_2414 : i32
        %sub3A_2416 = arith.subi %scan3A_2245, %mul3A_2415 : i32
        %broadcast_in_dim3A_2417 = arith.constant 0 : i32
        %broadcast_in_dim3A_2418 = vector.broadcast %broadcast_in_dim3A_2417 : i32 to vector<16xi32>
        %add3A_2419 = vector.broadcast %sub3A_2416 : i32 to vector<16xi32>
        %add3A_2420 = arith.addi %broadcast_in_dim3A_2418, %add3A_2419 : vector<16xi32>
        %lt3A_2421 = arith.constant 0 : i32
        %lt3A_2422 = vector.broadcast %lt3A_2421 : i32 to vector<16xi32>
        %lt3A_2423 = arith.cmpi slt, %add3A_2420, %lt3A_2422 : vector<16xi32>
        %add3A_2424 = arith.constant 16 : i32
        %add3A_2425 = vector.broadcast %add3A_2424 : i32 to vector<16xi32>
        %add3A_2426 = arith.addi %add3A_2420, %add3A_2425 : vector<16xi32>
        %select_n3A_2427 = arith.select %lt3A_2423, %add3A_2426, %add3A_2420 : vector<16xi1>, vector<16xi32>
        %broadcast_in_dim3A_2428 = vector.shape_cast %select_n3A_2427 : vector<16xi32> to vector<16x1xi32>
        %gather3A_2429 = vector.shape_cast %broadcast_in_dim3A_2428 : vector<16x1xi32> to vector<16xi32>
        %gather3A_2430 = tpu.dynamic_gather %select_n3A_2413[%gather3A_2429] in [0] : vector<16xf32>, vector<16xi32> -> vector<16xf32>
        %jit3A_2431 = arith.constant 16 : i32
        %div3A_2432 = arith.divsi %scan3A_2245, %jit3A_2431 : i32
        %sign3A_2433 = arith.constant 0 : i32
        %sign3A_2434 = arith.cmpi sgt, %scan3A_2245, %sign3A_2433 : i32
        %sign3A_2435 = arith.extui %sign3A_2434 : i1 to i32
        %sign3A_2436 = arith.constant 0 : i32
        %sign3A_2437 = arith.cmpi slt, %scan3A_2245, %sign3A_2436 : i32
        %sign3A_2438 = arith.extui %sign3A_2437 : i1 to i32
        %sign3A_2439 = arith.subi %sign3A_2435, %sign3A_2438 : i32
        %sign3A_2440 = arith.constant 0 : i32
        %sign3A_2441 = arith.cmpi sgt, %jit3A_2431, %sign3A_2440 : i32
        %sign3A_2442 = arith.extui %sign3A_2441 : i1 to i32
        %sign3A_2443 = arith.constant 0 : i32
        %sign3A_2444 = arith.cmpi slt, %jit3A_2431, %sign3A_2443 : i32
        %sign3A_2445 = arith.extui %sign3A_2444 : i1 to i32
        %sign3A_2446 = arith.subi %sign3A_2442, %sign3A_2445 : i32
        %ne3A_2447 = arith.cmpi ne, %sign3A_2439, %sign3A_2446 : i32
        %rem3A_2448 = arith.remsi %scan3A_2245, %jit3A_2431 : i32
        %ne3A_2449 = arith.constant 0 : i32
        %ne3A_2450 = arith.cmpi ne, %rem3A_2448, %ne3A_2449 : i32
        %and3A_2451 = arith.andi %ne3A_2447, %ne3A_2450 : i1
        %sub3A_2452 = arith.constant 1 : i32
        %sub3A_2453 = arith.subi %div3A_2432, %sub3A_2452 : i32
        %select_n3A_2454 = arith.select %and3A_2451, %sub3A_2453, %div3A_2432 : i32
        %eq3A_2455 = arith.constant 0 : i32
        %eq3A_2456 = arith.cmpi eq, %select_n3A_2454, %eq3A_2455 : i32
        %eq3A_2457 = arith.constant 1 : i32
        %eq3A_2458 = arith.cmpi eq, %select_n3A_2454, %eq3A_2457 : i32
        %select_n3A_2459 = arith.select %eq3A_2458, %mul3A_378, %mul3A_700 : vector<16xf32>
        %select_n3A_2460 = arith.select %eq3A_2456, %mul3A_63, %select_n3A_2459 : vector<16xf32>
        %mul3A_2461 = arith.constant 16 : i32
        %mul3A_2462 = arith.muli %select_n3A_2454, %mul3A_2461 : i32
        %sub3A_2463 = arith.subi %scan3A_2245, %mul3A_2462 : i32
        %broadcast_in_dim3A_2464 = arith.constant 0 : i32
        %broadcast_in_dim3A_2465 = vector.broadcast %broadcast_in_dim3A_2464 : i32 to vector<16xi32>
        %add3A_2466 = vector.broadcast %sub3A_2463 : i32 to vector<16xi32>
        %add3A_2467 = arith.addi %broadcast_in_dim3A_2465, %add3A_2466 : vector<16xi32>
        %lt3A_2468 = arith.constant 0 : i32
        %lt3A_2469 = vector.broadcast %lt3A_2468 : i32 to vector<16xi32>
        %lt3A_2470 = arith.cmpi slt, %add3A_2467, %lt3A_2469 : vector<16xi32>
        %add3A_2471 = arith.constant 16 : i32
        %add3A_2472 = vector.broadcast %add3A_2471 : i32 to vector<16xi32>
        %add3A_2473 = arith.addi %add3A_2467, %add3A_2472 : vector<16xi32>
        %select_n3A_2474 = arith.select %lt3A_2470, %add3A_2473, %add3A_2467 : vector<16xi1>, vector<16xi32>
        %broadcast_in_dim3A_2475 = vector.shape_cast %select_n3A_2474 : vector<16xi32> to vector<16x1xi32>
        %gather3A_2476 = vector.shape_cast %broadcast_in_dim3A_2475 : vector<16x1xi32> to vector<16xi32>
        %gather3A_2477 = tpu.dynamic_gather %select_n3A_2460[%gather3A_2476] in [0] : vector<16xf32>, vector<16xi32> -> vector<16xf32>
        %max3A_2478 = arith.maximumf %sub3A_2017, %gather3A_2289 : vector<16xf32>
        %max3A_2479 = arith.maximumf %sub3A_2021, %gather3A_2336 : vector<16xf32>
        %min3A_2480 = arith.minimumf %add3A_2025, %gather3A_2383 : vector<16xf32>
        %min3A_2481 = arith.minimumf %add3A_2029, %gather3A_2430 : vector<16xf32>
        %sub3A_2482 = arith.subf %min3A_2480, %max3A_2478 : vector<16xf32>
        %max3A_2483 = arith.constant 0.000000e+00 : f32
        %max3A_2484 = vector.broadcast %max3A_2483 : f32 to vector<16xf32>
        %max3A_2485 = arith.maximumf %sub3A_2482, %max3A_2484 : vector<16xf32>
        %sub3A_2486 = arith.subf %min3A_2481, %max3A_2479 : vector<16xf32>
        %max3A_2487 = arith.constant 0.000000e+00 : f32
        %max3A_2488 = vector.broadcast %max3A_2487 : f32 to vector<16xf32>
        %max3A_2489 = arith.maximumf %sub3A_2486, %max3A_2488 : vector<16xf32>
        %mul3A_2490 = arith.mulf %max3A_2485, %max3A_2489 : vector<16xf32>
        %add3A_2491 = arith.addf %mul3A_2032, %gather3A_2477 : vector<16xf32>
        %sub3A_2492 = arith.subf %add3A_2491, %mul3A_2490 : vector<16xf32>
        %add3A_2493 = arith.constant 9.99999996E-13 : f32
        %add3A_2494 = vector.broadcast %add3A_2493 : f32 to vector<16xf32>
        %add3A_2495 = arith.addf %sub3A_2492, %add3A_2494 : vector<16xf32>
        %div3A_2496 = arith.divf %mul3A_2490, %add3A_2495 : vector<16xf32>
        %max3A_2497 = arith.maximumf %scan3A_2246, %div3A_2496 : vector<16xf32>
        scf.yield %max3A_2497 : vector<16xf32>
      }
      %scan3A_2040 = arith.constant 40 : i32
      %convert_element_type3A_2041 = arith.fptosi %get3A_1871 : vector<16xf32> to vector<16xi32>
      %add3A_2042 = arith.constant 5 : i32
      %add3A_2043 = vector.broadcast %add3A_2042 : i32 to vector<16xi32>
      %add3A_2044 = arith.addi %add3A_2043, %convert_element_type3A_2041 : vector<16xi32>
      %get3A_2045 = arith.constant 5 : i32
      %get3A_2046 = arith.index_cast %get3A_2045 : i32 to index
      %get3A_2047 = arith.constant 32 : index
      %get3A_2048 = tpu.vector_load %arg9[%get3A_2046, %get3A_2047] {strides = array<i32>} : memref<88x48xf32, #tpu.memory_space<vmem>>, vector<1x16xf32>,
      %get3A_2049 = vector.shape_cast %get3A_2048 : vector<1x16xf32> to vector<16xf32>
      %eq3A_2050 = arith.constant 5 : i32
      %eq3A_2051 = vector.broadcast %eq3A_2050 : i32 to vector<16xi32>
      %eq3A_2052 = arith.cmpi eq, %add3A_2044, %eq3A_2051 : vector<16xi32>
      %jit3A_2053 = arith.constant 0.000000e+00 : f32
      %broadcast_in_dim3A_2054 = vector.broadcast %jit3A_2053 : f32 to vector<16xf32>
      %select_n3A_2055 = arith.select %eq3A_2052, %get3A_2049, %broadcast_in_dim3A_2054 : vector<16xi1>, vector<16xf32>
      %broadcast_in_dim3A_2056 = arith.constant 1.000000e+00 : f32
      %broadcast_in_dim3A_2057 = vector.broadcast %broadcast_in_dim3A_2056 : f32 to vector<16xf32>
      %scan3A_2058 = arith.constant 6 : i32
      %scan3A_2059 = arith.constant 79 : i32
      %scan3A_2060 = arith.addi %scan3A_2058, %scan3A_2059 : i32
      %scan3A_2061 = arith.constant 1 : i32
      %scan3A_2062:3 = scf.for %scan3A_2245 = %scan3A_2058 to %scan3A_2060 step %scan3A_2061 iter_args(%scan3A_2246 = %get3A_2049, %scan3A_2247 = %broadcast_in_dim3A_2057, %scan3A_2248 = %select_n3A_2055) -> (vector<16xf32>, vector<16xf32>, vector<16xf32>)  : i32 {
        %get3A_2249 = arith.index_cast %scan3A_2245 : i32 to index
        %get3A_2250 = arith.constant 32 : index
        %get3A_2251 = tpu.vector_load %arg9[%get3A_2249, %get3A_2250] {strides = array<i32>} : memref<88x48xf32, #tpu.memory_space<vmem>>, vector<1x16xf32>,
        %get3A_2252 = vector.shape_cast %get3A_2251 : vector<1x16xf32> to vector<16xf32>
        %max3A_2253 = arith.maximumf %scan3A_2246, %get3A_2252 : vector<16xf32>
        %sub3A_2254 = arith.subf %scan3A_2246, %max3A_2253 : vector<16xf32>
        %exp3A_2255 = math.exp %sub3A_2254 : vector<16xf32>
        %mul3A_2256 = arith.mulf %scan3A_2247, %exp3A_2255 : vector<16xf32>
        %sub3A_2257 = arith.subf %get3A_2252, %max3A_2253 : vector<16xf32>
        %exp3A_2258 = math.exp %sub3A_2257 : vector<16xf32>
        %add3A_2259 = arith.addf %mul3A_2256, %exp3A_2258 : vector<16xf32>
        %eq3A_2260 = vector.broadcast %scan3A_2245 : i32 to vector<16xi32>
        %eq3A_2261 = arith.cmpi eq, %add3A_2044, %eq3A_2260 : vector<16xi32>
        %jit3A_2262 = arith.constant 0.000000e+00 : f32
        %broadcast_in_dim3A_2263 = vector.broadcast %jit3A_2262 : f32 to vector<16xf32>
        %select_n3A_2264 = arith.select %eq3A_2261, %get3A_2252, %broadcast_in_dim3A_2263 : vector<16xi1>, vector<16xf32>
        %add3A_2265 = arith.addf %scan3A_2248, %select_n3A_2264 : vector<16xf32>
        scf.yield %max3A_2253, %add3A_2259, %add3A_2265 : vector<16xf32>, vector<16xf32>, vector<16xf32>
      }
      %scan3A_2063 = arith.constant 79 : i32
      %broadcast_in_dim3A_2064 = arith.constant 2.500000e-01 : f32
      %broadcast_in_dim3A_2065 = vector.broadcast %broadcast_in_dim3A_2064 : f32 to vector<16xf32>
      %gt3A_2066 = arith.constant 1.64872122 : f32
      %gt3A_2067 = vector.broadcast %gt3A_2066 : f32 to vector<16xf32>
      %gt3A_2068 = arith.cmpf ogt, %scan3A_2062#1, %gt3A_2067 : vector<16xf32>
      %jit3A_2069 = arith.constant 5.000000e-01 : f32
      %jit3A_2070 = arith.constant 0.000000e+00 : f32
      %broadcast_in_dim3A_2071 = vector.broadcast %jit3A_2069 : f32 to vector<16xf32>
      %broadcast_in_dim3A_2072 = vector.broadcast %jit3A_2070 : f32 to vector<16xf32>
      %select_n3A_2073 = arith.select %gt3A_2068, %broadcast_in_dim3A_2071, %broadcast_in_dim3A_2072 : vector<16xi1>, vector<16xf32>
      %add3A_2074 = arith.addf %broadcast_in_dim3A_2065, %select_n3A_2073 : vector<16xf32>
      %gt3A_2075 = arith.constant 2.71828175 : f32
      %gt3A_2076 = vector.broadcast %gt3A_2075 : f32 to vector<16xf32>
      %gt3A_2077 = arith.cmpf ogt, %scan3A_2062#1, %gt3A_2076 : vector<16xf32>
      %jit3A_2078 = arith.constant 5.000000e-01 : f32
      %jit3A_2079 = arith.constant 0.000000e+00 : f32
      %broadcast_in_dim3A_2080 = vector.broadcast %jit3A_2078 : f32 to vector<16xf32>
      %broadcast_in_dim3A_2081 = vector.broadcast %jit3A_2079 : f32 to vector<16xf32>
      %select_n3A_2082 = arith.select %gt3A_2077, %broadcast_in_dim3A_2080, %broadcast_in_dim3A_2081 : vector<16xi1>, vector<16xf32>
      %add3A_2083 = arith.addf %add3A_2074, %select_n3A_2082 : vector<16xf32>
      %gt3A_2084 = arith.constant 4.48168898 : f32
      %gt3A_2085 = vector.broadcast %gt3A_2084 : f32 to vector<16xf32>
      %gt3A_2086 = arith.cmpf ogt, %scan3A_2062#1, %gt3A_2085 : vector<16xf32>
      %jit3A_2087 = arith.constant 5.000000e-01 : f32
      %jit3A_2088 = arith.constant 0.000000e+00 : f32
      %broadcast_in_dim3A_2089 = vector.broadcast %jit3A_2087 : f32 to vector<16xf32>
      %broadcast_in_dim3A_2090 = vector.broadcast %jit3A_2088 : f32 to vector<16xf32>
      %select_n3A_2091 = arith.select %gt3A_2086, %broadcast_in_dim3A_2089, %broadcast_in_dim3A_2090 : vector<16xi1>, vector<16xf32>
      %add3A_2092 = arith.addf %add3A_2083, %select_n3A_2091 : vector<16xf32>
      %gt3A_2093 = arith.constant 7.3890562 : f32
      %gt3A_2094 = vector.broadcast %gt3A_2093 : f32 to vector<16xf32>
      %gt3A_2095 = arith.cmpf ogt, %scan3A_2062#1, %gt3A_2094 : vector<16xf32>
      %jit3A_2096 = arith.constant 5.000000e-01 : f32
      %jit3A_2097 = arith.constant 0.000000e+00 : f32
      %broadcast_in_dim3A_2098 = vector.broadcast %jit3A_2096 : f32 to vector<16xf32>
      %broadcast_in_dim3A_2099 = vector.broadcast %jit3A_2097 : f32 to vector<16xf32>
      %select_n3A_2100 = arith.select %gt3A_2095, %broadcast_in_dim3A_2098, %broadcast_in_dim3A_2099 : vector<16xi1>, vector<16xf32>
      %add3A_2101 = arith.addf %add3A_2092, %select_n3A_2100 : vector<16xf32>
      %gt3A_2102 = arith.constant 12.1824942 : f32
      %gt3A_2103 = vector.broadcast %gt3A_2102 : f32 to vector<16xf32>
      %gt3A_2104 = arith.cmpf ogt, %scan3A_2062#1, %gt3A_2103 : vector<16xf32>
      %jit3A_2105 = arith.constant 5.000000e-01 : f32
      %jit3A_2106 = arith.constant 0.000000e+00 : f32
      %broadcast_in_dim3A_2107 = vector.broadcast %jit3A_2105 : f32 to vector<16xf32>
      %broadcast_in_dim3A_2108 = vector.broadcast %jit3A_2106 : f32 to vector<16xf32>
      %select_n3A_2109 = arith.select %gt3A_2104, %broadcast_in_dim3A_2107, %broadcast_in_dim3A_2108 : vector<16xi1>, vector<16xf32>
      %add3A_2110 = arith.addf %add3A_2101, %select_n3A_2109 : vector<16xf32>
      %gt3A_2111 = arith.constant 20.085537 : f32
      %gt3A_2112 = vector.broadcast %gt3A_2111 : f32 to vector<16xf32>
      %gt3A_2113 = arith.cmpf ogt, %scan3A_2062#1, %gt3A_2112 : vector<16xf32>
      %jit3A_2114 = arith.constant 5.000000e-01 : f32
      %jit3A_2115 = arith.constant 0.000000e+00 : f32
      %broadcast_in_dim3A_2116 = vector.broadcast %jit3A_2114 : f32 to vector<16xf32>
      %broadcast_in_dim3A_2117 = vector.broadcast %jit3A_2115 : f32 to vector<16xf32>
      %select_n3A_2118 = arith.select %gt3A_2113, %broadcast_in_dim3A_2116, %broadcast_in_dim3A_2117 : vector<16xi1>, vector<16xf32>
      %add3A_2119 = arith.addf %add3A_2110, %select_n3A_2118 : vector<16xf32>
      %gt3A_2120 = arith.constant 33.1154518 : f32
      %gt3A_2121 = vector.broadcast %gt3A_2120 : f32 to vector<16xf32>
      %gt3A_2122 = arith.cmpf ogt, %scan3A_2062#1, %gt3A_2121 : vector<16xf32>
      %jit3A_2123 = arith.constant 5.000000e-01 : f32
      %jit3A_2124 = arith.constant 0.000000e+00 : f32
      %broadcast_in_dim3A_2125 = vector.broadcast %jit3A_2123 : f32 to vector<16xf32>
      %broadcast_in_dim3A_2126 = vector.broadcast %jit3A_2124 : f32 to vector<16xf32>
      %select_n3A_2127 = arith.select %gt3A_2122, %broadcast_in_dim3A_2125, %broadcast_in_dim3A_2126 : vector<16xi1>, vector<16xf32>
      %add3A_2128 = arith.addf %add3A_2119, %select_n3A_2127 : vector<16xf32>
      %gt3A_2129 = arith.constant 54.5981483 : f32
      %gt3A_2130 = vector.broadcast %gt3A_2129 : f32 to vector<16xf32>
      %gt3A_2131 = arith.cmpf ogt, %scan3A_2062#1, %gt3A_2130 : vector<16xf32>
      %jit3A_2132 = arith.constant 5.000000e-01 : f32
      %jit3A_2133 = arith.constant 0.000000e+00 : f32
      %broadcast_in_dim3A_2134 = vector.broadcast %jit3A_2132 : f32 to vector<16xf32>
      %broadcast_in_dim3A_2135 = vector.broadcast %jit3A_2133 : f32 to vector<16xf32>
      %select_n3A_2136 = arith.select %gt3A_2131, %broadcast_in_dim3A_2134, %broadcast_in_dim3A_2135 : vector<16xi1>, vector<16xf32>
      %add3A_2137 = arith.addf %add3A_2128, %select_n3A_2136 : vector<16xf32>
      %gt3A_2138 = arith.constant 90.017128 : f32
      %gt3A_2139 = vector.broadcast %gt3A_2138 : f32 to vector<16xf32>
      %gt3A_2140 = arith.cmpf ogt, %scan3A_2062#1, %gt3A_2139 : vector<16xf32>
      %jit3A_2141 = arith.constant 5.000000e-01 : f32
      %jit3A_2142 = arith.constant 0.000000e+00 : f32
      %broadcast_in_dim3A_2143 = vector.broadcast %jit3A_2141 : f32 to vector<16xf32>
      %broadcast_in_dim3A_2144 = vector.broadcast %jit3A_2142 : f32 to vector<16xf32>
      %select_n3A_2145 = arith.select %gt3A_2140, %broadcast_in_dim3A_2143, %broadcast_in_dim3A_2144 : vector<16xi1>, vector<16xf32>
      %add3A_2146 = arith.addf %add3A_2137, %select_n3A_2145 : vector<16xf32>
      %sub3A_2147 = arith.constant 1.000000e+00 : f32
      %sub3A_2148 = vector.broadcast %sub3A_2147 : f32 to vector<16xf32>
      %sub3A_2149 = arith.subf %add3A_2146, %sub3A_2148 : vector<16xf32>
      %neg3A_2150 = arith.constant 0.000000e+00 : f32
      %neg3A_2151 = vector.broadcast %neg3A_2150 : f32 to vector<16xf32>
      %neg3A_2152 = arith.subf %neg3A_2151, %add3A_2146 : vector<16xf32>
      %exp3A_2153 = math.exp %neg3A_2152 : vector<16xf32>
      %mul3A_2154 = arith.mulf %scan3A_2062#1, %exp3A_2153 : vector<16xf32>
      %add3A_2155 = arith.addf %sub3A_2149, %mul3A_2154 : vector<16xf32>
      %sub3A_2156 = arith.constant 1.000000e+00 : f32
      %sub3A_2157 = vector.broadcast %sub3A_2156 : f32 to vector<16xf32>
      %sub3A_2158 = arith.subf %add3A_2155, %sub3A_2157 : vector<16xf32>
      %neg3A_2159 = arith.constant 0.000000e+00 : f32
      %neg3A_2160 = vector.broadcast %neg3A_2159 : f32 to vector<16xf32>
      %neg3A_2161 = arith.subf %neg3A_2160, %add3A_2155 : vector<16xf32>
      %exp3A_2162 = math.exp %neg3A_2161 : vector<16xf32>
      %mul3A_2163 = arith.mulf %scan3A_2062#1, %exp3A_2162 : vector<16xf32>
      %add3A_2164 = arith.addf %sub3A_2158, %mul3A_2163 : vector<16xf32>
      %sub3A_2165 = arith.constant 1.000000e+00 : f32
      %sub3A_2166 = vector.broadcast %sub3A_2165 : f32 to vector<16xf32>
      %sub3A_2167 = arith.subf %add3A_2164, %sub3A_2166 : vector<16xf32>
      %neg3A_2168 = arith.constant 0.000000e+00 : f32
      %neg3A_2169 = vector.broadcast %neg3A_2168 : f32 to vector<16xf32>
      %neg3A_2170 = arith.subf %neg3A_2169, %add3A_2164 : vector<16xf32>
      %exp3A_2171 = math.exp %neg3A_2170 : vector<16xf32>
      %mul3A_2172 = arith.mulf %scan3A_2062#1, %exp3A_2171 : vector<16xf32>
      %add3A_2173 = arith.addf %sub3A_2167, %mul3A_2172 : vector<16xf32>
      %sub3A_2174 = arith.constant 1.000000e+00 : f32
      %sub3A_2175 = vector.broadcast %sub3A_2174 : f32 to vector<16xf32>
      %sub3A_2176 = arith.subf %add3A_2173, %sub3A_2175 : vector<16xf32>
      %neg3A_2177 = arith.constant 0.000000e+00 : f32
      %neg3A_2178 = vector.broadcast %neg3A_2177 : f32 to vector<16xf32>
      %neg3A_2179 = arith.subf %neg3A_2178, %add3A_2173 : vector<16xf32>
      %exp3A_2180 = math.exp %neg3A_2179 : vector<16xf32>
      %mul3A_2181 = arith.mulf %scan3A_2062#1, %exp3A_2180 : vector<16xf32>
      %add3A_2182 = arith.addf %sub3A_2176, %mul3A_2181 : vector<16xf32>
      %add3A_2183 = arith.addf %scan3A_2062#0, %add3A_2182 : vector<16xf32>
      %sub3A_2184 = arith.subf %add3A_2183, %scan3A_2062#2 : vector<16xf32>
      %mul3A_2185 = arith.mulf %div3A_1965, %div3A_1965 : vector<16xf32>
      %mul3A_2186 = arith.constant 5.000000e+00 : f32
      %mul3A_2187 = vector.broadcast %mul3A_2186 : f32 to vector<16xf32>
      %mul3A_2188 = arith.mulf %div3A_1965, %mul3A_2187 : vector<16xf32>
      %mul3A_2189 = arith.constant 5.000000e+00 : f32
      %mul3A_2190 = vector.broadcast %mul3A_2189 : f32 to vector<16xf32>
      %mul3A_2191 = arith.mulf %scan3A_2039, %mul3A_2190 : vector<16xf32>
      %sub3A_2192 = arith.subf %mul3A_2188, %mul3A_2191 : vector<16xf32>
      %mul3A_2193 = arith.mulf %sub3A_2192, %sub3A_2192 : vector<16xf32>
      %lt3A_2194 = arith.constant 0.699999988 : f32
      %lt3A_2195 = vector.broadcast %lt3A_2194 : f32 to vector<16xf32>
      %lt3A_2196 = arith.cmpf olt, %scan3A_2039, %lt3A_2195 : vector<16xf32>
      %jit3A_2197 = arith.constant 0.000000e+00 : f32
      %broadcast_in_dim3A_2198 = vector.broadcast %jit3A_2197 : f32 to vector<16xf32>
      %select_n3A_2199 = arith.select %lt3A_2196, %mul3A_2185, %broadcast_in_dim3A_2198 : vector<16xi1>, vector<16xf32>
      %jit3A_2200 = arith.constant 0.000000e+00 : f32
      %broadcast_in_dim3A_2201 = vector.broadcast %jit3A_2200 : f32 to vector<16xf32>
      %select_n3A_2202 = arith.select %eq3A_1908, %add3A_2009, %broadcast_in_dim3A_2201 : vector<16xi1>, vector<16xf32>
      %swap3A_2203 = arith.constant 0 : i32
      %swap3A_2204 = arith.index_cast %swap3A_2203 : i32 to index
      %swap3A_2205 = arith.constant 32 : index
      %swap3A_2206 = tpu.vector_load %arg10[%swap3A_2204, %swap3A_2205] {strides = array<i32>} : memref<5x48xf32, #tpu.memory_space<vmem>>, vector<1x16xf32>,
      %swap3A_2207 = vector.shape_cast %swap3A_2206 : vector<1x16xf32> to vector<16xf32>
      %swap3A_2208 = vector.shape_cast %select_n3A_2202 : vector<16xf32> to vector<1x16xf32>
      tpu.vector_store %arg10[%swap3A_2204, %swap3A_2205], %swap3A_2208 {strides = array<i32>} : memref<5x48xf32, #tpu.memory_space<vmem>>, vector<1x16xf32>,
      %jit3A_2209 = arith.constant 0.000000e+00 : f32
      %broadcast_in_dim3A_2210 = vector.broadcast %jit3A_2209 : f32 to vector<16xf32>
      %select_n3A_2211 = arith.select %eq3A_1908, %sub3A_2184, %broadcast_in_dim3A_2210 : vector<16xi1>, vector<16xf32>
      %swap3A_2212 = arith.constant 1 : i32
      %swap3A_2213 = arith.index_cast %swap3A_2212 : i32 to index
      %swap3A_2214 = arith.constant 32 : index
      %swap3A_2215 = tpu.vector_load %arg10[%swap3A_2213, %swap3A_2214] {strides = array<i32>} : memref<5x48xf32, #tpu.memory_space<vmem>>, vector<1x16xf32>,
      %swap3A_2216 = vector.shape_cast %swap3A_2215 : vector<1x16xf32> to vector<16xf32>
      %swap3A_2217 = vector.shape_cast %select_n3A_2211 : vector<16xf32> to vector<1x16xf32>
      tpu.vector_store %arg10[%swap3A_2213, %swap3A_2214], %swap3A_2217 {strides = array<i32>} : memref<5x48xf32, #tpu.memory_space<vmem>>, vector<1x16xf32>,
      %jit3A_2218 = arith.constant 0.000000e+00 : f32
      %broadcast_in_dim3A_2219 = vector.broadcast %jit3A_2218 : f32 to vector<16xf32>
      %select_n3A_2220 = arith.select %eq3A_1908, %select_n3A_2199, %broadcast_in_dim3A_2219 : vector<16xi1>, vector<16xf32>
      %swap3A_2221 = arith.constant 2 : i32
      %swap3A_2222 = arith.index_cast %swap3A_2221 : i32 to index
      %swap3A_2223 = arith.constant 32 : index
      %swap3A_2224 = tpu.vector_load %arg10[%swap3A_2222, %swap3A_2223] {strides = array<i32>} : memref<5x48xf32, #tpu.memory_space<vmem>>, vector<1x16xf32>,
      %swap3A_2225 = vector.shape_cast %swap3A_2224 : vector<1x16xf32> to vector<16xf32>
      %swap3A_2226 = vector.shape_cast %select_n3A_2220 : vector<16xf32> to vector<1x16xf32>
      tpu.vector_store %arg10[%swap3A_2222, %swap3A_2223], %swap3A_2226 {strides = array<i32>} : memref<5x48xf32, #tpu.memory_space<vmem>>, vector<1x16xf32>,
      %jit3A_2227 = arith.constant 0.000000e+00 : f32
      %broadcast_in_dim3A_2228 = vector.broadcast %jit3A_2227 : f32 to vector<16xf32>
      %select_n3A_2229 = arith.select %eq3A_1908, %mul3A_2185, %broadcast_in_dim3A_2228 : vector<16xi1>, vector<16xf32>
      %swap3A_2230 = arith.constant 3 : i32
      %swap3A_2231 = arith.index_cast %swap3A_2230 : i32 to index
      %swap3A_2232 = arith.constant 32 : index
      %swap3A_2233 = tpu.vector_load %arg10[%swap3A_2231, %swap3A_2232] {strides = array<i32>} : memref<5x48xf32, #tpu.memory_space<vmem>>, vector<1x16xf32>,
      %swap3A_2234 = vector.shape_cast %swap3A_2233 : vector<1x16xf32> to vector<16xf32>
      %swap3A_2235 = vector.shape_cast %select_n3A_2229 : vector<16xf32> to vector<1x16xf32>
      tpu.vector_store %arg10[%swap3A_2231, %swap3A_2232], %swap3A_2235 {strides = array<i32>} : memref<5x48xf32, #tpu.memory_space<vmem>>, vector<1x16xf32>,
      %jit3A_2236 = arith.constant 0.000000e+00 : f32
      %broadcast_in_dim3A_2237 = vector.broadcast %jit3A_2236 : f32 to vector<16xf32>
      %select_n3A_2238 = arith.select %eq3A_1908, %mul3A_2193, %broadcast_in_dim3A_2237 : vector<16xi1>, vector<16xf32>
      %swap3A_2239 = arith.constant 4 : i32
      %swap3A_2240 = arith.index_cast %swap3A_2239 : i32 to index
      %swap3A_2241 = arith.constant 32 : index
      %swap3A_2242 = tpu.vector_load %arg10[%swap3A_2240, %swap3A_2241] {strides = array<i32>} : memref<5x48xf32, #tpu.memory_space<vmem>>, vector<1x16xf32>,
      %swap3A_2243 = vector.shape_cast %swap3A_2242 : vector<1x16xf32> to vector<16xf32>
      %swap3A_2244 = vector.shape_cast %select_n3A_2238 : vector<16xf32> to vector<1x16xf32>
      tpu.vector_store %arg10[%swap3A_2240, %swap3A_2241], %swap3A_2244 {strides = array<i32>} : memref<5x48xf32, #tpu.memory_space<vmem>>, vector<1x16xf32>,
      "tpu.region"() ({
        %run_scoped3A = tpu.sem_alloc : memref<!tpu.dma_semaphore, #tpu.memory_space<semaphore_mem>>
        %dma_start3A = arith.constant 0 : i32
        %dma_start3A_2245 = arith.constant 0 : i32
        %dma_start3A_2246 = tpu.memref_slice %arg5[%add3A, %dma_start3A, %dma_start3A_2245] : memref<8x5x48xf32, #tpu.memory_space<hbm>> -> memref<1x5x48xf32, #tpu.memory_space<hbm>>
        %dma_start3A_2247 = tpu.memref_squeeze %dma_start3A_2246 : memref<1x5x48xf32, #tpu.memory_space<hbm>> -> memref<5x48xf32, #tpu.memory_space<hbm>>
        %dma_start3A_2248 = arith.constant 0 : i32
        %dma_start3A_2249 = arith.constant 0 : i32
        %dma_start3A_2250 = tpu.memref_slice %arg5[%add3A, %dma_start3A_2248, %dma_start3A_2249] : memref<8x5x48xf32, #tpu.memory_space<hbm>> -> memref<1x5x48xf32, #tpu.memory_space<hbm>>
        %dma_start3A_2251 = tpu.memref_squeeze %dma_start3A_2250 : memref<1x5x48xf32, #tpu.memory_space<hbm>> -> memref<5x48xf32, #tpu.memory_space<hbm>>
        tpu.enqueue_dma source(%arg10 : memref<5x48xf32, #tpu.memory_space<vmem>>) target(%dma_start3A_2251 : memref<5x48xf32, #tpu.memory_space<hbm>>) target_semaphore(%run_scoped3A : memref<!tpu.dma_semaphore, #tpu.memory_space<semaphore_mem>>)
        %dma_wait3A = arith.constant 0 : i32
        %dma_wait3A_2252 = arith.constant 0 : i32
        %dma_wait3A_2253 = tpu.memref_slice %arg5[%add3A, %dma_wait3A, %dma_wait3A_2252] : memref<8x5x48xf32, #tpu.memory_space<hbm>> -> memref<1x5x48xf32, #tpu.memory_space<hbm>>
        %dma_wait3A_2254 = tpu.memref_squeeze %dma_wait3A_2253 : memref<1x5x48xf32, #tpu.memory_space<hbm>> -> memref<5x48xf32, #tpu.memory_space<hbm>>
        %dma_wait3A_2255 = arith.constant 0 : i32
        %dma_wait3A_2256 = arith.constant 0 : i32
        %dma_wait3A_2257 = tpu.memref_slice %arg5[%add3A, %dma_wait3A_2255, %dma_wait3A_2256] : memref<8x5x48xf32, #tpu.memory_space<hbm>> -> memref<1x5x48xf32, #tpu.memory_space<hbm>>
        %dma_wait3A_2258 = tpu.memref_squeeze %dma_wait3A_2257 : memref<1x5x48xf32, #tpu.memory_space<hbm>> -> memref<5x48xf32, #tpu.memory_space<hbm>>
        tpu.wait_dma2 semaphore(%run_scoped3A : memref<!tpu.dma_semaphore, #tpu.memory_space<semaphore_mem>>) src(%arg10 : memref<5x48xf32, #tpu.memory_space<vmem>>) dst(%dma_wait3A_2258 : memref<5x48xf32, #tpu.memory_space<hbm>>)
        tpu.yield
      }) : () -> ()
    } else {
    }
    return
  }
}

module attributes {stable_mosaic.version = 14 : i64} {
  func.func @_dense_body(%arg0: i32, %arg1: memref<1x40x5xf32, #tpu.memory_space<smem>>, %arg2: memref<3x2xf32, #tpu.memory_space<smem>>, %arg3: memref<1x1x52x52xf32, #tpu.memory_space<vmem>>, %arg4: memref<1x1x52x52xf32, #tpu.memory_space<vmem>>, %arg5: memref<1x1x52x52xf32, #tpu.memory_space<vmem>>, %arg6: memref<1x1x52x52xf32, #tpu.memory_space<vmem>>, %arg7: memref<1x1x52x52xf32, #tpu.memory_space<vmem>>, %arg8: memref<1x1x52x52xf32, #tpu.memory_space<vmem>>, %arg9: memref<1x1x52x52xf32, #tpu.memory_space<vmem>>, %arg10: memref<1x1x52x52xf32, #tpu.memory_space<vmem>>, %arg11: memref<1x1x52x52xf32, #tpu.memory_space<vmem>>, %arg12: memref<1x1x52x52xf32, #tpu.memory_space<vmem>>, %arg13: memref<1x1x52x52xf32, #tpu.memory_space<vmem>>, %arg14: memref<1x1x52x52xf32, #tpu.memory_space<vmem>>, %arg15: memref<1x1x52x52xf32, #tpu.memory_space<vmem>>, %arg16: memref<1x1x52x52xf32, #tpu.memory_space<vmem>>, %arg17: memref<1x1x52x52xf32, #tpu.memory_space<vmem>>, %arg18: memref<1x3x128xf32, #tpu.memory_space<vmem>>) attributes {dimension_semantics = [#tpu.dimension_semantics<arbitrary>], iteration_bounds = array<i64: 8>, scalar_prefetch = 0 : i64, scratch_operands = 0 : i64, tpu.core_type = #tpu.core_type<tc>, window_params = [{transform_indices = @transform_0, window_bounds = array<i64: 1, 40, 5>}, {transform_indices = @transform_1, window_bounds = array<i64: 3, 2>}, {transform_indices = @transform_2, window_bounds = array<i64: 1, 1, 52, 52>}, {transform_indices = @transform_3, window_bounds = array<i64: 1, 1, 52, 52>}, {transform_indices = @transform_4, window_bounds = array<i64: 1, 1, 52, 52>}, {transform_indices = @transform_5, window_bounds = array<i64: 1, 1, 52, 52>}, {transform_indices = @transform_6, window_bounds = array<i64: 1, 1, 52, 52>}, {transform_indices = @transform_7, window_bounds = array<i64: 1, 1, 52, 52>}, {transform_indices = @transform_8, window_bounds = array<i64: 1, 1, 52, 52>}, {transform_indices = @transform_9, window_bounds = array<i64: 1, 1, 52, 52>}, {transform_indices = @transform_10, window_bounds = array<i64: 1, 1, 52, 52>}, {transform_indices = @transform_11, window_bounds = array<i64: 1, 1, 52, 52>}, {transform_indices = @transform_12, window_bounds = array<i64: 1, 1, 52, 52>}, {transform_indices = @transform_13, window_bounds = array<i64: 1, 1, 52, 52>}, {transform_indices = @transform_14, window_bounds = array<i64: 1, 1, 52, 52>}, {transform_indices = @transform_15, window_bounds = array<i64: 1, 1, 52, 52>}, {transform_indices = @transform_16, window_bounds = array<i64: 1, 1, 52, 52>}, {transform_indices = @transform_17, window_bounds = array<i64: 1, 3, 128>}]} {
    %iota3A = tpu.iota {dimensions = array<i32: 0>} : vector<52x52xi32>
    %convert_element_type3A = arith.sitofp %iota3A : vector<52x52xi32> to vector<52x52xf32>
    %iota3A_0 = tpu.iota {dimensions = array<i32: 1>} : vector<52x52xi32>
    %convert_element_type3A_1 = arith.sitofp %iota3A_0 : vector<52x52xi32> to vector<52x52xf32>
    %get3A = arith.constant 0 : index
    %get3A_2 = arith.constant 0 : index
    %get3A_3 = arith.constant 0 : index
    %get3A_4 = arith.constant 0 : index
    %get3A_5 = vector.load %arg3[%get3A, %get3A_2, %get3A_3, %get3A_4] : memref<1x1x52x52xf32, #tpu.memory_space<vmem>>, vector<1x1x52x52xf32>
    %get3A_6 = vector.shape_cast %get3A_5 : vector<1x1x52x52xf32> to vector<52x52xf32>
    %get3A_7 = arith.constant 0 : index
    %get3A_8 = arith.constant 0 : index
    %get3A_9 = arith.constant 0 : index
    %get3A_10 = arith.constant 0 : index
    %get3A_11 = vector.load %arg4[%get3A_7, %get3A_8, %get3A_9, %get3A_10] : memref<1x1x52x52xf32, #tpu.memory_space<vmem>>, vector<1x1x52x52xf32>
    %get3A_12 = vector.shape_cast %get3A_11 : vector<1x1x52x52xf32> to vector<52x52xf32>
    %get3A_13 = arith.constant 0 : index
    %get3A_14 = arith.constant 0 : index
    %get3A_15 = arith.constant 0 : index
    %get3A_16 = arith.constant 0 : index
    %get3A_17 = vector.load %arg5[%get3A_13, %get3A_14, %get3A_15, %get3A_16] : memref<1x1x52x52xf32, #tpu.memory_space<vmem>>, vector<1x1x52x52xf32>
    %get3A_18 = vector.shape_cast %get3A_17 : vector<1x1x52x52xf32> to vector<52x52xf32>
    %get3A_19 = arith.constant 0 : index
    %get3A_20 = arith.constant 0 : index
    %get3A_21 = arith.constant 0 : index
    %get3A_22 = arith.constant 0 : index
    %get3A_23 = vector.load %arg6[%get3A_19, %get3A_20, %get3A_21, %get3A_22] : memref<1x1x52x52xf32, #tpu.memory_space<vmem>>, vector<1x1x52x52xf32>
    %get3A_24 = vector.shape_cast %get3A_23 : vector<1x1x52x52xf32> to vector<52x52xf32>
    %get3A_25 = arith.constant 0 : index
    %get3A_26 = arith.constant 0 : index
    %get3A_27 = arith.constant 0 : index
    %get3A_28 = arith.constant 0 : index
    %get3A_29 = vector.load %arg7[%get3A_25, %get3A_26, %get3A_27, %get3A_28] : memref<1x1x52x52xf32, #tpu.memory_space<vmem>>, vector<1x1x52x52xf32>
    %get3A_30 = vector.shape_cast %get3A_29 : vector<1x1x52x52xf32> to vector<52x52xf32>
    %get3A_31 = arith.constant 0 : index
    %get3A_32 = arith.constant 0 : index
    %get3A_33 = memref.load %arg2[%get3A_31, %get3A_32] : memref<3x2xf32, #tpu.memory_space<smem>>
    %get3A_34 = arith.constant 0 : index
    %get3A_35 = arith.constant 1 : index
    %get3A_36 = memref.load %arg2[%get3A_34, %get3A_35] : memref<3x2xf32, #tpu.memory_space<smem>>
    %logistic3A = arith.negf %get3A_6 : vector<52x52xf32>
    %logistic3A_37 = math.exp %logistic3A : vector<52x52xf32>
    %logistic3A_38 = arith.constant 1.000000e+00 : f32
    %logistic3A_39 = vector.broadcast %logistic3A_38 : f32 to vector<52x52xf32>
    %logistic3A_40 = arith.addf %logistic3A_39, %logistic3A_37 : vector<52x52xf32>
    %logistic3A_41 = arith.divf %logistic3A_39, %logistic3A_40 : vector<52x52xf32>
    %add3A = arith.addf %logistic3A_41, %convert_element_type3A_1 : vector<52x52xf32>
    %logistic3A_42 = arith.negf %get3A_12 : vector<52x52xf32>
    %logistic3A_43 = math.exp %logistic3A_42 : vector<52x52xf32>
    %logistic3A_44 = arith.constant 1.000000e+00 : f32
    %logistic3A_45 = vector.broadcast %logistic3A_44 : f32 to vector<52x52xf32>
    %logistic3A_46 = arith.addf %logistic3A_45, %logistic3A_43 : vector<52x52xf32>
    %logistic3A_47 = arith.divf %logistic3A_45, %logistic3A_46 : vector<52x52xf32>
    %add3A_48 = arith.addf %logistic3A_47, %convert_element_type3A : vector<52x52xf32>
    %exp3A = math.exp %get3A_18 : vector<52x52xf32>
    %mul3A = vector.broadcast %get3A_33 : f32 to vector<52x52xf32>
    %mul3A_49 = arith.mulf %exp3A, %mul3A : vector<52x52xf32>
    %exp3A_50 = math.exp %get3A_24 : vector<52x52xf32>
    %mul3A_51 = vector.broadcast %get3A_36 : f32 to vector<52x52xf32>
    %mul3A_52 = arith.mulf %exp3A_50, %mul3A_51 : vector<52x52xf32>
    %div3A = arith.constant 2.000000e+00 : f32
    %div3A_53 = vector.broadcast %div3A : f32 to vector<52x52xf32>
    %div3A_54 = arith.divf %mul3A_49, %div3A_53 : vector<52x52xf32>
    %sub3A = arith.subf %add3A, %div3A_54 : vector<52x52xf32>
    %div3A_55 = arith.constant 2.000000e+00 : f32
    %div3A_56 = vector.broadcast %div3A_55 : f32 to vector<52x52xf32>
    %div3A_57 = arith.divf %mul3A_52, %div3A_56 : vector<52x52xf32>
    %sub3A_58 = arith.subf %add3A_48, %div3A_57 : vector<52x52xf32>
    %div3A_59 = arith.constant 2.000000e+00 : f32
    %div3A_60 = vector.broadcast %div3A_59 : f32 to vector<52x52xf32>
    %div3A_61 = arith.divf %mul3A_49, %div3A_60 : vector<52x52xf32>
    %add3A_62 = arith.addf %add3A, %div3A_61 : vector<52x52xf32>
    %div3A_63 = arith.constant 2.000000e+00 : f32
    %div3A_64 = vector.broadcast %div3A_63 : f32 to vector<52x52xf32>
    %div3A_65 = arith.divf %mul3A_52, %div3A_64 : vector<52x52xf32>
    %add3A_66 = arith.addf %add3A_48, %div3A_65 : vector<52x52xf32>
    %sub3A_67 = arith.subf %add3A_62, %sub3A : vector<52x52xf32>
    %sub3A_68 = arith.subf %add3A_66, %sub3A_58 : vector<52x52xf32>
    %mul3A_69 = arith.mulf %sub3A_67, %sub3A_68 : vector<52x52xf32>
    %broadcast_in_dim3A = arith.constant 0.000000e+00 : f32
    %broadcast_in_dim3A_70 = vector.broadcast %broadcast_in_dim3A : f32 to vector<52x52xf32>
    %scan3A = arith.constant 0.411764711 : f32
    %scan3A_71 = arith.constant 0 : i32
    %scan3A_72 = arith.constant 5 : i32
    %scan3A_73 = arith.addi %scan3A_71, %scan3A_72 : i32
    %scan3A_74 = arith.constant 1 : i32
    %scan3A_75:2 = scf.for %scan3A_383 = %scan3A_71 to %scan3A_73 step %scan3A_74 iter_args(%scan3A_384 = %broadcast_in_dim3A_70, %scan3A_385 = %broadcast_in_dim3A_70) -> (vector<52x52xf32>, vector<52x52xf32>)  : i32 {
      %mul3A_386 = arith.constant 8 : i32
      %mul3A_387 = arith.muli %scan3A_383, %mul3A_386 : i32
      %add3A_388 = arith.constant 0 : i32
      %add3A_389 = arith.addi %mul3A_387, %add3A_388 : i32
      %get3A_390 = arith.constant 0 : index
      %get3A_391 = arith.index_cast %add3A_389 : i32 to index
      %get3A_392 = arith.constant 0 : index
      %get3A_393 = memref.load %arg1[%get3A_390, %get3A_391, %get3A_392] : memref<1x40x5xf32, #tpu.memory_space<smem>>
      %mul3A_394 = arith.constant 5.200000e+01 : f32
      %mul3A_395 = arith.mulf %get3A_393, %mul3A_394 : f32
      %get3A_396 = arith.constant 0 : index
      %get3A_397 = arith.index_cast %add3A_389 : i32 to index
      %get3A_398 = arith.constant 1 : index
      %get3A_399 = memref.load %arg1[%get3A_396, %get3A_397, %get3A_398] : memref<1x40x5xf32, #tpu.memory_space<smem>>
      %mul3A_400 = arith.constant 5.200000e+01 : f32
      %mul3A_401 = arith.mulf %get3A_399, %mul3A_400 : f32
      %get3A_402 = arith.constant 0 : index
      %get3A_403 = arith.index_cast %add3A_389 : i32 to index
      %get3A_404 = arith.constant 2 : index
      %get3A_405 = memref.load %arg1[%get3A_402, %get3A_403, %get3A_404] : memref<1x40x5xf32, #tpu.memory_space<smem>>
      %mul3A_406 = arith.constant 5.200000e+01 : f32
      %mul3A_407 = arith.mulf %get3A_405, %mul3A_406 : f32
      %get3A_408 = arith.constant 0 : index
      %get3A_409 = arith.index_cast %add3A_389 : i32 to index
      %get3A_410 = arith.constant 3 : index
      %get3A_411 = memref.load %arg1[%get3A_408, %get3A_409, %get3A_410] : memref<1x40x5xf32, #tpu.memory_space<smem>>
      %mul3A_412 = arith.constant 5.200000e+01 : f32
      %mul3A_413 = arith.mulf %get3A_411, %mul3A_412 : f32
      %div3A_414 = arith.constant 2.000000e+00 : f32
      %div3A_415 = arith.divf %mul3A_407, %div3A_414 : f32
      %sub3A_416 = arith.subf %mul3A_395, %div3A_415 : f32
      %div3A_417 = arith.constant 2.000000e+00 : f32
      %div3A_418 = arith.divf %mul3A_413, %div3A_417 : f32
      %sub3A_419 = arith.subf %mul3A_401, %div3A_418 : f32
      %div3A_420 = arith.constant 2.000000e+00 : f32
      %div3A_421 = arith.divf %mul3A_407, %div3A_420 : f32
      %add3A_422 = arith.addf %mul3A_395, %div3A_421 : f32
      %div3A_423 = arith.constant 2.000000e+00 : f32
      %div3A_424 = arith.divf %mul3A_413, %div3A_423 : f32
      %add3A_425 = arith.addf %mul3A_401, %div3A_424 : f32
      %sub3A_426 = arith.subf %add3A_422, %sub3A_416 : f32
      %sub3A_427 = arith.subf %add3A_425, %sub3A_419 : f32
      %mul3A_428 = arith.mulf %sub3A_426, %sub3A_427 : f32
      %add3A_429 = arith.constant 9.99999996E-13 : f32
      %add3A_430 = arith.addf %mul3A_428, %add3A_429 : f32
      %max3A = vector.broadcast %sub3A_416 : f32 to vector<52x52xf32>
      %max3A_431 = arith.maximumf %sub3A, %max3A : vector<52x52xf32>
      %max3A_432 = vector.broadcast %sub3A_419 : f32 to vector<52x52xf32>
      %max3A_433 = arith.maximumf %sub3A_58, %max3A_432 : vector<52x52xf32>
      %min3A = vector.broadcast %add3A_422 : f32 to vector<52x52xf32>
      %min3A_434 = arith.minimumf %add3A_62, %min3A : vector<52x52xf32>
      %min3A_435 = vector.broadcast %add3A_425 : f32 to vector<52x52xf32>
      %min3A_436 = arith.minimumf %add3A_66, %min3A_435 : vector<52x52xf32>
      %sub3A_437 = arith.subf %min3A_434, %max3A_431 : vector<52x52xf32>
      %max3A_438 = arith.constant 0.000000e+00 : f32
      %max3A_439 = vector.broadcast %max3A_438 : f32 to vector<52x52xf32>
      %max3A_440 = arith.maximumf %sub3A_437, %max3A_439 : vector<52x52xf32>
      %sub3A_441 = arith.subf %min3A_436, %max3A_433 : vector<52x52xf32>
      %max3A_442 = arith.constant 0.000000e+00 : f32
      %max3A_443 = vector.broadcast %max3A_442 : f32 to vector<52x52xf32>
      %max3A_444 = arith.maximumf %sub3A_441, %max3A_443 : vector<52x52xf32>
      %mul3A_445 = arith.mulf %max3A_440, %max3A_444 : vector<52x52xf32>
      %add3A_446 = vector.broadcast %add3A_430 : f32 to vector<52x52xf32>
      %add3A_447 = arith.addf %mul3A_69, %add3A_446 : vector<52x52xf32>
      %mul3A_448 = vector.broadcast %scan3A : f32 to vector<52x52xf32>
      %mul3A_449 = arith.mulf %mul3A_448, %add3A_447 : vector<52x52xf32>
      %ge3A = arith.cmpf oge, %mul3A_445, %mul3A_449 : vector<52x52xf32>
      %gt3A_450 = arith.cmpf ogt, %mul3A_445, %mul3A_449 : vector<52x52xf32>
      %mul3A_451 = arith.constant 8 : i32
      %mul3A_452 = arith.muli %scan3A_383, %mul3A_451 : i32
      %add3A_453 = arith.constant 1 : i32
      %add3A_454 = arith.addi %mul3A_452, %add3A_453 : i32
      %get3A_455 = arith.constant 0 : index
      %get3A_456 = arith.index_cast %add3A_454 : i32 to index
      %get3A_457 = arith.constant 0 : index
      %get3A_458 = memref.load %arg1[%get3A_455, %get3A_456, %get3A_457] : memref<1x40x5xf32, #tpu.memory_space<smem>>
      %mul3A_459 = arith.constant 5.200000e+01 : f32
      %mul3A_460 = arith.mulf %get3A_458, %mul3A_459 : f32
      %get3A_461 = arith.constant 0 : index
      %get3A_462 = arith.index_cast %add3A_454 : i32 to index
      %get3A_463 = arith.constant 1 : index
      %get3A_464 = memref.load %arg1[%get3A_461, %get3A_462, %get3A_463] : memref<1x40x5xf32, #tpu.memory_space<smem>>
      %mul3A_465 = arith.constant 5.200000e+01 : f32
      %mul3A_466 = arith.mulf %get3A_464, %mul3A_465 : f32
      %get3A_467 = arith.constant 0 : index
      %get3A_468 = arith.index_cast %add3A_454 : i32 to index
      %get3A_469 = arith.constant 2 : index
      %get3A_470 = memref.load %arg1[%get3A_467, %get3A_468, %get3A_469] : memref<1x40x5xf32, #tpu.memory_space<smem>>
      %mul3A_471 = arith.constant 5.200000e+01 : f32
      %mul3A_472 = arith.mulf %get3A_470, %mul3A_471 : f32
      %get3A_473 = arith.constant 0 : index
      %get3A_474 = arith.index_cast %add3A_454 : i32 to index
      %get3A_475 = arith.constant 3 : index
      %get3A_476 = memref.load %arg1[%get3A_473, %get3A_474, %get3A_475] : memref<1x40x5xf32, #tpu.memory_space<smem>>
      %mul3A_477 = arith.constant 5.200000e+01 : f32
      %mul3A_478 = arith.mulf %get3A_476, %mul3A_477 : f32
      %div3A_479 = arith.constant 2.000000e+00 : f32
      %div3A_480 = arith.divf %mul3A_472, %div3A_479 : f32
      %sub3A_481 = arith.subf %mul3A_460, %div3A_480 : f32
      %div3A_482 = arith.constant 2.000000e+00 : f32
      %div3A_483 = arith.divf %mul3A_478, %div3A_482 : f32
      %sub3A_484 = arith.subf %mul3A_466, %div3A_483 : f32
      %div3A_485 = arith.constant 2.000000e+00 : f32
      %div3A_486 = arith.divf %mul3A_472, %div3A_485 : f32
      %add3A_487 = arith.addf %mul3A_460, %div3A_486 : f32
      %div3A_488 = arith.constant 2.000000e+00 : f32
      %div3A_489 = arith.divf %mul3A_478, %div3A_488 : f32
      %add3A_490 = arith.addf %mul3A_466, %div3A_489 : f32
      %sub3A_491 = arith.subf %add3A_487, %sub3A_481 : f32
      %sub3A_492 = arith.subf %add3A_490, %sub3A_484 : f32
      %mul3A_493 = arith.mulf %sub3A_491, %sub3A_492 : f32
      %add3A_494 = arith.constant 9.99999996E-13 : f32
      %add3A_495 = arith.addf %mul3A_493, %add3A_494 : f32
      %max3A_496 = vector.broadcast %sub3A_481 : f32 to vector<52x52xf32>
      %max3A_497 = arith.maximumf %sub3A, %max3A_496 : vector<52x52xf32>
      %max3A_498 = vector.broadcast %sub3A_484 : f32 to vector<52x52xf32>
      %max3A_499 = arith.maximumf %sub3A_58, %max3A_498 : vector<52x52xf32>
      %min3A_500 = vector.broadcast %add3A_487 : f32 to vector<52x52xf32>
      %min3A_501 = arith.minimumf %add3A_62, %min3A_500 : vector<52x52xf32>
      %min3A_502 = vector.broadcast %add3A_490 : f32 to vector<52x52xf32>
      %min3A_503 = arith.minimumf %add3A_66, %min3A_502 : vector<52x52xf32>
      %sub3A_504 = arith.subf %min3A_501, %max3A_497 : vector<52x52xf32>
      %max3A_505 = arith.constant 0.000000e+00 : f32
      %max3A_506 = vector.broadcast %max3A_505 : f32 to vector<52x52xf32>
      %max3A_507 = arith.maximumf %sub3A_504, %max3A_506 : vector<52x52xf32>
      %sub3A_508 = arith.subf %min3A_503, %max3A_499 : vector<52x52xf32>
      %max3A_509 = arith.constant 0.000000e+00 : f32
      %max3A_510 = vector.broadcast %max3A_509 : f32 to vector<52x52xf32>
      %max3A_511 = arith.maximumf %sub3A_508, %max3A_510 : vector<52x52xf32>
      %mul3A_512 = arith.mulf %max3A_507, %max3A_511 : vector<52x52xf32>
      %add3A_513 = vector.broadcast %add3A_495 : f32 to vector<52x52xf32>
      %add3A_514 = arith.addf %mul3A_69, %add3A_513 : vector<52x52xf32>
      %mul3A_515 = vector.broadcast %scan3A : f32 to vector<52x52xf32>
      %mul3A_516 = arith.mulf %mul3A_515, %add3A_514 : vector<52x52xf32>
      %ge3A_517 = arith.cmpf oge, %mul3A_512, %mul3A_516 : vector<52x52xf32>
      %gt3A_518 = arith.cmpf ogt, %mul3A_512, %mul3A_516 : vector<52x52xf32>
      %or3A = arith.ori %ge3A, %ge3A_517 : vector<52x52xi1>
      %or3A_519 = arith.ori %gt3A_450, %gt3A_518 : vector<52x52xi1>
      %mul3A_520 = arith.constant 8 : i32
      %mul3A_521 = arith.muli %scan3A_383, %mul3A_520 : i32
      %add3A_522 = arith.constant 2 : i32
      %add3A_523 = arith.addi %mul3A_521, %add3A_522 : i32
      %get3A_524 = arith.constant 0 : index
      %get3A_525 = arith.index_cast %add3A_523 : i32 to index
      %get3A_526 = arith.constant 0 : index
      %get3A_527 = memref.load %arg1[%get3A_524, %get3A_525, %get3A_526] : memref<1x40x5xf32, #tpu.memory_space<smem>>
      %mul3A_528 = arith.constant 5.200000e+01 : f32
      %mul3A_529 = arith.mulf %get3A_527, %mul3A_528 : f32
      %get3A_530 = arith.constant 0 : index
      %get3A_531 = arith.index_cast %add3A_523 : i32 to index
      %get3A_532 = arith.constant 1 : index
      %get3A_533 = memref.load %arg1[%get3A_530, %get3A_531, %get3A_532] : memref<1x40x5xf32, #tpu.memory_space<smem>>
      %mul3A_534 = arith.constant 5.200000e+01 : f32
      %mul3A_535 = arith.mulf %get3A_533, %mul3A_534 : f32
      %get3A_536 = arith.constant 0 : index
      %get3A_537 = arith.index_cast %add3A_523 : i32 to index
      %get3A_538 = arith.constant 2 : index
      %get3A_539 = memref.load %arg1[%get3A_536, %get3A_537, %get3A_538] : memref<1x40x5xf32, #tpu.memory_space<smem>>
      %mul3A_540 = arith.constant 5.200000e+01 : f32
      %mul3A_541 = arith.mulf %get3A_539, %mul3A_540 : f32
      %get3A_542 = arith.constant 0 : index
      %get3A_543 = arith.index_cast %add3A_523 : i32 to index
      %get3A_544 = arith.constant 3 : index
      %get3A_545 = memref.load %arg1[%get3A_542, %get3A_543, %get3A_544] : memref<1x40x5xf32, #tpu.memory_space<smem>>
      %mul3A_546 = arith.constant 5.200000e+01 : f32
      %mul3A_547 = arith.mulf %get3A_545, %mul3A_546 : f32
      %div3A_548 = arith.constant 2.000000e+00 : f32
      %div3A_549 = arith.divf %mul3A_541, %div3A_548 : f32
      %sub3A_550 = arith.subf %mul3A_529, %div3A_549 : f32
      %div3A_551 = arith.constant 2.000000e+00 : f32
      %div3A_552 = arith.divf %mul3A_547, %div3A_551 : f32
      %sub3A_553 = arith.subf %mul3A_535, %div3A_552 : f32
      %div3A_554 = arith.constant 2.000000e+00 : f32
      %div3A_555 = arith.divf %mul3A_541, %div3A_554 : f32
      %add3A_556 = arith.addf %mul3A_529, %div3A_555 : f32
      %div3A_557 = arith.constant 2.000000e+00 : f32
      %div3A_558 = arith.divf %mul3A_547, %div3A_557 : f32
      %add3A_559 = arith.addf %mul3A_535, %div3A_558 : f32
      %sub3A_560 = arith.subf %add3A_556, %sub3A_550 : f32
      %sub3A_561 = arith.subf %add3A_559, %sub3A_553 : f32
      %mul3A_562 = arith.mulf %sub3A_560, %sub3A_561 : f32
      %add3A_563 = arith.constant 9.99999996E-13 : f32
      %add3A_564 = arith.addf %mul3A_562, %add3A_563 : f32
      %max3A_565 = vector.broadcast %sub3A_550 : f32 to vector<52x52xf32>
      %max3A_566 = arith.maximumf %sub3A, %max3A_565 : vector<52x52xf32>
      %max3A_567 = vector.broadcast %sub3A_553 : f32 to vector<52x52xf32>
      %max3A_568 = arith.maximumf %sub3A_58, %max3A_567 : vector<52x52xf32>
      %min3A_569 = vector.broadcast %add3A_556 : f32 to vector<52x52xf32>
      %min3A_570 = arith.minimumf %add3A_62, %min3A_569 : vector<52x52xf32>
      %min3A_571 = vector.broadcast %add3A_559 : f32 to vector<52x52xf32>
      %min3A_572 = arith.minimumf %add3A_66, %min3A_571 : vector<52x52xf32>
      %sub3A_573 = arith.subf %min3A_570, %max3A_566 : vector<52x52xf32>
      %max3A_574 = arith.constant 0.000000e+00 : f32
      %max3A_575 = vector.broadcast %max3A_574 : f32 to vector<52x52xf32>
      %max3A_576 = arith.maximumf %sub3A_573, %max3A_575 : vector<52x52xf32>
      %sub3A_577 = arith.subf %min3A_572, %max3A_568 : vector<52x52xf32>
      %max3A_578 = arith.constant 0.000000e+00 : f32
      %max3A_579 = vector.broadcast %max3A_578 : f32 to vector<52x52xf32>
      %max3A_580 = arith.maximumf %sub3A_577, %max3A_579 : vector<52x52xf32>
      %mul3A_581 = arith.mulf %max3A_576, %max3A_580 : vector<52x52xf32>
      %add3A_582 = vector.broadcast %add3A_564 : f32 to vector<52x52xf32>
      %add3A_583 = arith.addf %mul3A_69, %add3A_582 : vector<52x52xf32>
      %mul3A_584 = vector.broadcast %scan3A : f32 to vector<52x52xf32>
      %mul3A_585 = arith.mulf %mul3A_584, %add3A_583 : vector<52x52xf32>
      %ge3A_586 = arith.cmpf oge, %mul3A_581, %mul3A_585 : vector<52x52xf32>
      %gt3A_587 = arith.cmpf ogt, %mul3A_581, %mul3A_585 : vector<52x52xf32>
      %or3A_588 = arith.ori %or3A, %ge3A_586 : vector<52x52xi1>
      %or3A_589 = arith.ori %or3A_519, %gt3A_587 : vector<52x52xi1>
      %mul3A_590 = arith.constant 8 : i32
      %mul3A_591 = arith.muli %scan3A_383, %mul3A_590 : i32
      %add3A_592 = arith.constant 3 : i32
      %add3A_593 = arith.addi %mul3A_591, %add3A_592 : i32
      %get3A_594 = arith.constant 0 : index
      %get3A_595 = arith.index_cast %add3A_593 : i32 to index
      %get3A_596 = arith.constant 0 : index
      %get3A_597 = memref.load %arg1[%get3A_594, %get3A_595, %get3A_596] : memref<1x40x5xf32, #tpu.memory_space<smem>>
      %mul3A_598 = arith.constant 5.200000e+01 : f32
      %mul3A_599 = arith.mulf %get3A_597, %mul3A_598 : f32
      %get3A_600 = arith.constant 0 : index
      %get3A_601 = arith.index_cast %add3A_593 : i32 to index
      %get3A_602 = arith.constant 1 : index
      %get3A_603 = memref.load %arg1[%get3A_600, %get3A_601, %get3A_602] : memref<1x40x5xf32, #tpu.memory_space<smem>>
      %mul3A_604 = arith.constant 5.200000e+01 : f32
      %mul3A_605 = arith.mulf %get3A_603, %mul3A_604 : f32
      %get3A_606 = arith.constant 0 : index
      %get3A_607 = arith.index_cast %add3A_593 : i32 to index
      %get3A_608 = arith.constant 2 : index
      %get3A_609 = memref.load %arg1[%get3A_606, %get3A_607, %get3A_608] : memref<1x40x5xf32, #tpu.memory_space<smem>>
      %mul3A_610 = arith.constant 5.200000e+01 : f32
      %mul3A_611 = arith.mulf %get3A_609, %mul3A_610 : f32
      %get3A_612 = arith.constant 0 : index
      %get3A_613 = arith.index_cast %add3A_593 : i32 to index
      %get3A_614 = arith.constant 3 : index
      %get3A_615 = memref.load %arg1[%get3A_612, %get3A_613, %get3A_614] : memref<1x40x5xf32, #tpu.memory_space<smem>>
      %mul3A_616 = arith.constant 5.200000e+01 : f32
      %mul3A_617 = arith.mulf %get3A_615, %mul3A_616 : f32
      %div3A_618 = arith.constant 2.000000e+00 : f32
      %div3A_619 = arith.divf %mul3A_611, %div3A_618 : f32
      %sub3A_620 = arith.subf %mul3A_599, %div3A_619 : f32
      %div3A_621 = arith.constant 2.000000e+00 : f32
      %div3A_622 = arith.divf %mul3A_617, %div3A_621 : f32
      %sub3A_623 = arith.subf %mul3A_605, %div3A_622 : f32
      %div3A_624 = arith.constant 2.000000e+00 : f32
      %div3A_625 = arith.divf %mul3A_611, %div3A_624 : f32
      %add3A_626 = arith.addf %mul3A_599, %div3A_625 : f32
      %div3A_627 = arith.constant 2.000000e+00 : f32
      %div3A_628 = arith.divf %mul3A_617, %div3A_627 : f32
      %add3A_629 = arith.addf %mul3A_605, %div3A_628 : f32
      %sub3A_630 = arith.subf %add3A_626, %sub3A_620 : f32
      %sub3A_631 = arith.subf %add3A_629, %sub3A_623 : f32
      %mul3A_632 = arith.mulf %sub3A_630, %sub3A_631 : f32
      %add3A_633 = arith.constant 9.99999996E-13 : f32
      %add3A_634 = arith.addf %mul3A_632, %add3A_633 : f32
      %max3A_635 = vector.broadcast %sub3A_620 : f32 to vector<52x52xf32>
      %max3A_636 = arith.maximumf %sub3A, %max3A_635 : vector<52x52xf32>
      %max3A_637 = vector.broadcast %sub3A_623 : f32 to vector<52x52xf32>
      %max3A_638 = arith.maximumf %sub3A_58, %max3A_637 : vector<52x52xf32>
      %min3A_639 = vector.broadcast %add3A_626 : f32 to vector<52x52xf32>
      %min3A_640 = arith.minimumf %add3A_62, %min3A_639 : vector<52x52xf32>
      %min3A_641 = vector.broadcast %add3A_629 : f32 to vector<52x52xf32>
      %min3A_642 = arith.minimumf %add3A_66, %min3A_641 : vector<52x52xf32>
      %sub3A_643 = arith.subf %min3A_640, %max3A_636 : vector<52x52xf32>
      %max3A_644 = arith.constant 0.000000e+00 : f32
      %max3A_645 = vector.broadcast %max3A_644 : f32 to vector<52x52xf32>
      %max3A_646 = arith.maximumf %sub3A_643, %max3A_645 : vector<52x52xf32>
      %sub3A_647 = arith.subf %min3A_642, %max3A_638 : vector<52x52xf32>
      %max3A_648 = arith.constant 0.000000e+00 : f32
      %max3A_649 = vector.broadcast %max3A_648 : f32 to vector<52x52xf32>
      %max3A_650 = arith.maximumf %sub3A_647, %max3A_649 : vector<52x52xf32>
      %mul3A_651 = arith.mulf %max3A_646, %max3A_650 : vector<52x52xf32>
      %add3A_652 = vector.broadcast %add3A_634 : f32 to vector<52x52xf32>
      %add3A_653 = arith.addf %mul3A_69, %add3A_652 : vector<52x52xf32>
      %mul3A_654 = vector.broadcast %scan3A : f32 to vector<52x52xf32>
      %mul3A_655 = arith.mulf %mul3A_654, %add3A_653 : vector<52x52xf32>
      %ge3A_656 = arith.cmpf oge, %mul3A_651, %mul3A_655 : vector<52x52xf32>
      %gt3A_657 = arith.cmpf ogt, %mul3A_651, %mul3A_655 : vector<52x52xf32>
      %or3A_658 = arith.ori %or3A_588, %ge3A_656 : vector<52x52xi1>
      %or3A_659 = arith.ori %or3A_589, %gt3A_657 : vector<52x52xi1>
      %mul3A_660 = arith.constant 8 : i32
      %mul3A_661 = arith.muli %scan3A_383, %mul3A_660 : i32
      %add3A_662 = arith.constant 4 : i32
      %add3A_663 = arith.addi %mul3A_661, %add3A_662 : i32
      %get3A_664 = arith.constant 0 : index
      %get3A_665 = arith.index_cast %add3A_663 : i32 to index
      %get3A_666 = arith.constant 0 : index
      %get3A_667 = memref.load %arg1[%get3A_664, %get3A_665, %get3A_666] : memref<1x40x5xf32, #tpu.memory_space<smem>>
      %mul3A_668 = arith.constant 5.200000e+01 : f32
      %mul3A_669 = arith.mulf %get3A_667, %mul3A_668 : f32
      %get3A_670 = arith.constant 0 : index
      %get3A_671 = arith.index_cast %add3A_663 : i32 to index
      %get3A_672 = arith.constant 1 : index
      %get3A_673 = memref.load %arg1[%get3A_670, %get3A_671, %get3A_672] : memref<1x40x5xf32, #tpu.memory_space<smem>>
      %mul3A_674 = arith.constant 5.200000e+01 : f32
      %mul3A_675 = arith.mulf %get3A_673, %mul3A_674 : f32
      %get3A_676 = arith.constant 0 : index
      %get3A_677 = arith.index_cast %add3A_663 : i32 to index
      %get3A_678 = arith.constant 2 : index
      %get3A_679 = memref.load %arg1[%get3A_676, %get3A_677, %get3A_678] : memref<1x40x5xf32, #tpu.memory_space<smem>>
      %mul3A_680 = arith.constant 5.200000e+01 : f32
      %mul3A_681 = arith.mulf %get3A_679, %mul3A_680 : f32
      %get3A_682 = arith.constant 0 : index
      %get3A_683 = arith.index_cast %add3A_663 : i32 to index
      %get3A_684 = arith.constant 3 : index
      %get3A_685 = memref.load %arg1[%get3A_682, %get3A_683, %get3A_684] : memref<1x40x5xf32, #tpu.memory_space<smem>>
      %mul3A_686 = arith.constant 5.200000e+01 : f32
      %mul3A_687 = arith.mulf %get3A_685, %mul3A_686 : f32
      %div3A_688 = arith.constant 2.000000e+00 : f32
      %div3A_689 = arith.divf %mul3A_681, %div3A_688 : f32
      %sub3A_690 = arith.subf %mul3A_669, %div3A_689 : f32
      %div3A_691 = arith.constant 2.000000e+00 : f32
      %div3A_692 = arith.divf %mul3A_687, %div3A_691 : f32
      %sub3A_693 = arith.subf %mul3A_675, %div3A_692 : f32
      %div3A_694 = arith.constant 2.000000e+00 : f32
      %div3A_695 = arith.divf %mul3A_681, %div3A_694 : f32
      %add3A_696 = arith.addf %mul3A_669, %div3A_695 : f32
      %div3A_697 = arith.constant 2.000000e+00 : f32
      %div3A_698 = arith.divf %mul3A_687, %div3A_697 : f32
      %add3A_699 = arith.addf %mul3A_675, %div3A_698 : f32
      %sub3A_700 = arith.subf %add3A_696, %sub3A_690 : f32
      %sub3A_701 = arith.subf %add3A_699, %sub3A_693 : f32
      %mul3A_702 = arith.mulf %sub3A_700, %sub3A_701 : f32
      %add3A_703 = arith.constant 9.99999996E-13 : f32
      %add3A_704 = arith.addf %mul3A_702, %add3A_703 : f32
      %max3A_705 = vector.broadcast %sub3A_690 : f32 to vector<52x52xf32>
      %max3A_706 = arith.maximumf %sub3A, %max3A_705 : vector<52x52xf32>
      %max3A_707 = vector.broadcast %sub3A_693 : f32 to vector<52x52xf32>
      %max3A_708 = arith.maximumf %sub3A_58, %max3A_707 : vector<52x52xf32>
      %min3A_709 = vector.broadcast %add3A_696 : f32 to vector<52x52xf32>
      %min3A_710 = arith.minimumf %add3A_62, %min3A_709 : vector<52x52xf32>
      %min3A_711 = vector.broadcast %add3A_699 : f32 to vector<52x52xf32>
      %min3A_712 = arith.minimumf %add3A_66, %min3A_711 : vector<52x52xf32>
      %sub3A_713 = arith.subf %min3A_710, %max3A_706 : vector<52x52xf32>
      %max3A_714 = arith.constant 0.000000e+00 : f32
      %max3A_715 = vector.broadcast %max3A_714 : f32 to vector<52x52xf32>
      %max3A_716 = arith.maximumf %sub3A_713, %max3A_715 : vector<52x52xf32>
      %sub3A_717 = arith.subf %min3A_712, %max3A_708 : vector<52x52xf32>
      %max3A_718 = arith.constant 0.000000e+00 : f32
      %max3A_719 = vector.broadcast %max3A_718 : f32 to vector<52x52xf32>
      %max3A_720 = arith.maximumf %sub3A_717, %max3A_719 : vector<52x52xf32>
      %mul3A_721 = arith.mulf %max3A_716, %max3A_720 : vector<52x52xf32>
      %add3A_722 = vector.broadcast %add3A_704 : f32 to vector<52x52xf32>
      %add3A_723 = arith.addf %mul3A_69, %add3A_722 : vector<52x52xf32>
      %mul3A_724 = vector.broadcast %scan3A : f32 to vector<52x52xf32>
      %mul3A_725 = arith.mulf %mul3A_724, %add3A_723 : vector<52x52xf32>
      %ge3A_726 = arith.cmpf oge, %mul3A_721, %mul3A_725 : vector<52x52xf32>
      %gt3A_727 = arith.cmpf ogt, %mul3A_721, %mul3A_725 : vector<52x52xf32>
      %or3A_728 = arith.ori %or3A_658, %ge3A_726 : vector<52x52xi1>
      %or3A_729 = arith.ori %or3A_659, %gt3A_727 : vector<52x52xi1>
      %mul3A_730 = arith.constant 8 : i32
      %mul3A_731 = arith.muli %scan3A_383, %mul3A_730 : i32
      %add3A_732 = arith.constant 5 : i32
      %add3A_733 = arith.addi %mul3A_731, %add3A_732 : i32
      %get3A_734 = arith.constant 0 : index
      %get3A_735 = arith.index_cast %add3A_733 : i32 to index
      %get3A_736 = arith.constant 0 : index
      %get3A_737 = memref.load %arg1[%get3A_734, %get3A_735, %get3A_736] : memref<1x40x5xf32, #tpu.memory_space<smem>>
      %mul3A_738 = arith.constant 5.200000e+01 : f32
      %mul3A_739 = arith.mulf %get3A_737, %mul3A_738 : f32
      %get3A_740 = arith.constant 0 : index
      %get3A_741 = arith.index_cast %add3A_733 : i32 to index
      %get3A_742 = arith.constant 1 : index
      %get3A_743 = memref.load %arg1[%get3A_740, %get3A_741, %get3A_742] : memref<1x40x5xf32, #tpu.memory_space<smem>>
      %mul3A_744 = arith.constant 5.200000e+01 : f32
      %mul3A_745 = arith.mulf %get3A_743, %mul3A_744 : f32
      %get3A_746 = arith.constant 0 : index
      %get3A_747 = arith.index_cast %add3A_733 : i32 to index
      %get3A_748 = arith.constant 2 : index
      %get3A_749 = memref.load %arg1[%get3A_746, %get3A_747, %get3A_748] : memref<1x40x5xf32, #tpu.memory_space<smem>>
      %mul3A_750 = arith.constant 5.200000e+01 : f32
      %mul3A_751 = arith.mulf %get3A_749, %mul3A_750 : f32
      %get3A_752 = arith.constant 0 : index
      %get3A_753 = arith.index_cast %add3A_733 : i32 to index
      %get3A_754 = arith.constant 3 : index
      %get3A_755 = memref.load %arg1[%get3A_752, %get3A_753, %get3A_754] : memref<1x40x5xf32, #tpu.memory_space<smem>>
      %mul3A_756 = arith.constant 5.200000e+01 : f32
      %mul3A_757 = arith.mulf %get3A_755, %mul3A_756 : f32
      %div3A_758 = arith.constant 2.000000e+00 : f32
      %div3A_759 = arith.divf %mul3A_751, %div3A_758 : f32
      %sub3A_760 = arith.subf %mul3A_739, %div3A_759 : f32
      %div3A_761 = arith.constant 2.000000e+00 : f32
      %div3A_762 = arith.divf %mul3A_757, %div3A_761 : f32
      %sub3A_763 = arith.subf %mul3A_745, %div3A_762 : f32
      %div3A_764 = arith.constant 2.000000e+00 : f32
      %div3A_765 = arith.divf %mul3A_751, %div3A_764 : f32
      %add3A_766 = arith.addf %mul3A_739, %div3A_765 : f32
      %div3A_767 = arith.constant 2.000000e+00 : f32
      %div3A_768 = arith.divf %mul3A_757, %div3A_767 : f32
      %add3A_769 = arith.addf %mul3A_745, %div3A_768 : f32
      %sub3A_770 = arith.subf %add3A_766, %sub3A_760 : f32
      %sub3A_771 = arith.subf %add3A_769, %sub3A_763 : f32
      %mul3A_772 = arith.mulf %sub3A_770, %sub3A_771 : f32
      %add3A_773 = arith.constant 9.99999996E-13 : f32
      %add3A_774 = arith.addf %mul3A_772, %add3A_773 : f32
      %max3A_775 = vector.broadcast %sub3A_760 : f32 to vector<52x52xf32>
      %max3A_776 = arith.maximumf %sub3A, %max3A_775 : vector<52x52xf32>
      %max3A_777 = vector.broadcast %sub3A_763 : f32 to vector<52x52xf32>
      %max3A_778 = arith.maximumf %sub3A_58, %max3A_777 : vector<52x52xf32>
      %min3A_779 = vector.broadcast %add3A_766 : f32 to vector<52x52xf32>
      %min3A_780 = arith.minimumf %add3A_62, %min3A_779 : vector<52x52xf32>
      %min3A_781 = vector.broadcast %add3A_769 : f32 to vector<52x52xf32>
      %min3A_782 = arith.minimumf %add3A_66, %min3A_781 : vector<52x52xf32>
      %sub3A_783 = arith.subf %min3A_780, %max3A_776 : vector<52x52xf32>
      %max3A_784 = arith.constant 0.000000e+00 : f32
      %max3A_785 = vector.broadcast %max3A_784 : f32 to vector<52x52xf32>
      %max3A_786 = arith.maximumf %sub3A_783, %max3A_785 : vector<52x52xf32>
      %sub3A_787 = arith.subf %min3A_782, %max3A_778 : vector<52x52xf32>
      %max3A_788 = arith.constant 0.000000e+00 : f32
      %max3A_789 = vector.broadcast %max3A_788 : f32 to vector<52x52xf32>
      %max3A_790 = arith.maximumf %sub3A_787, %max3A_789 : vector<52x52xf32>
      %mul3A_791 = arith.mulf %max3A_786, %max3A_790 : vector<52x52xf32>
      %add3A_792 = vector.broadcast %add3A_774 : f32 to vector<52x52xf32>
      %add3A_793 = arith.addf %mul3A_69, %add3A_792 : vector<52x52xf32>
      %mul3A_794 = vector.broadcast %scan3A : f32 to vector<52x52xf32>
      %mul3A_795 = arith.mulf %mul3A_794, %add3A_793 : vector<52x52xf32>
      %ge3A_796 = arith.cmpf oge, %mul3A_791, %mul3A_795 : vector<52x52xf32>
      %gt3A_797 = arith.cmpf ogt, %mul3A_791, %mul3A_795 : vector<52x52xf32>
      %or3A_798 = arith.ori %or3A_728, %ge3A_796 : vector<52x52xi1>
      %or3A_799 = arith.ori %or3A_729, %gt3A_797 : vector<52x52xi1>
      %mul3A_800 = arith.constant 8 : i32
      %mul3A_801 = arith.muli %scan3A_383, %mul3A_800 : i32
      %add3A_802 = arith.constant 6 : i32
      %add3A_803 = arith.addi %mul3A_801, %add3A_802 : i32
      %get3A_804 = arith.constant 0 : index
      %get3A_805 = arith.index_cast %add3A_803 : i32 to index
      %get3A_806 = arith.constant 0 : index
      %get3A_807 = memref.load %arg1[%get3A_804, %get3A_805, %get3A_806] : memref<1x40x5xf32, #tpu.memory_space<smem>>
      %mul3A_808 = arith.constant 5.200000e+01 : f32
      %mul3A_809 = arith.mulf %get3A_807, %mul3A_808 : f32
      %get3A_810 = arith.constant 0 : index
      %get3A_811 = arith.index_cast %add3A_803 : i32 to index
      %get3A_812 = arith.constant 1 : index
      %get3A_813 = memref.load %arg1[%get3A_810, %get3A_811, %get3A_812] : memref<1x40x5xf32, #tpu.memory_space<smem>>
      %mul3A_814 = arith.constant 5.200000e+01 : f32
      %mul3A_815 = arith.mulf %get3A_813, %mul3A_814 : f32
      %get3A_816 = arith.constant 0 : index
      %get3A_817 = arith.index_cast %add3A_803 : i32 to index
      %get3A_818 = arith.constant 2 : index
      %get3A_819 = memref.load %arg1[%get3A_816, %get3A_817, %get3A_818] : memref<1x40x5xf32, #tpu.memory_space<smem>>
      %mul3A_820 = arith.constant 5.200000e+01 : f32
      %mul3A_821 = arith.mulf %get3A_819, %mul3A_820 : f32
      %get3A_822 = arith.constant 0 : index
      %get3A_823 = arith.index_cast %add3A_803 : i32 to index
      %get3A_824 = arith.constant 3 : index
      %get3A_825 = memref.load %arg1[%get3A_822, %get3A_823, %get3A_824] : memref<1x40x5xf32, #tpu.memory_space<smem>>
      %mul3A_826 = arith.constant 5.200000e+01 : f32
      %mul3A_827 = arith.mulf %get3A_825, %mul3A_826 : f32
      %div3A_828 = arith.constant 2.000000e+00 : f32
      %div3A_829 = arith.divf %mul3A_821, %div3A_828 : f32
      %sub3A_830 = arith.subf %mul3A_809, %div3A_829 : f32
      %div3A_831 = arith.constant 2.000000e+00 : f32
      %div3A_832 = arith.divf %mul3A_827, %div3A_831 : f32
      %sub3A_833 = arith.subf %mul3A_815, %div3A_832 : f32
      %div3A_834 = arith.constant 2.000000e+00 : f32
      %div3A_835 = arith.divf %mul3A_821, %div3A_834 : f32
      %add3A_836 = arith.addf %mul3A_809, %div3A_835 : f32
      %div3A_837 = arith.constant 2.000000e+00 : f32
      %div3A_838 = arith.divf %mul3A_827, %div3A_837 : f32
      %add3A_839 = arith.addf %mul3A_815, %div3A_838 : f32
      %sub3A_840 = arith.subf %add3A_836, %sub3A_830 : f32
      %sub3A_841 = arith.subf %add3A_839, %sub3A_833 : f32
      %mul3A_842 = arith.mulf %sub3A_840, %sub3A_841 : f32
      %add3A_843 = arith.constant 9.99999996E-13 : f32
      %add3A_844 = arith.addf %mul3A_842, %add3A_843 : f32
      %max3A_845 = vector.broadcast %sub3A_830 : f32 to vector<52x52xf32>
      %max3A_846 = arith.maximumf %sub3A, %max3A_845 : vector<52x52xf32>
      %max3A_847 = vector.broadcast %sub3A_833 : f32 to vector<52x52xf32>
      %max3A_848 = arith.maximumf %sub3A_58, %max3A_847 : vector<52x52xf32>
      %min3A_849 = vector.broadcast %add3A_836 : f32 to vector<52x52xf32>
      %min3A_850 = arith.minimumf %add3A_62, %min3A_849 : vector<52x52xf32>
      %min3A_851 = vector.broadcast %add3A_839 : f32 to vector<52x52xf32>
      %min3A_852 = arith.minimumf %add3A_66, %min3A_851 : vector<52x52xf32>
      %sub3A_853 = arith.subf %min3A_850, %max3A_846 : vector<52x52xf32>
      %max3A_854 = arith.constant 0.000000e+00 : f32
      %max3A_855 = vector.broadcast %max3A_854 : f32 to vector<52x52xf32>
      %max3A_856 = arith.maximumf %sub3A_853, %max3A_855 : vector<52x52xf32>
      %sub3A_857 = arith.subf %min3A_852, %max3A_848 : vector<52x52xf32>
      %max3A_858 = arith.constant 0.000000e+00 : f32
      %max3A_859 = vector.broadcast %max3A_858 : f32 to vector<52x52xf32>
      %max3A_860 = arith.maximumf %sub3A_857, %max3A_859 : vector<52x52xf32>
      %mul3A_861 = arith.mulf %max3A_856, %max3A_860 : vector<52x52xf32>
      %add3A_862 = vector.broadcast %add3A_844 : f32 to vector<52x52xf32>
      %add3A_863 = arith.addf %mul3A_69, %add3A_862 : vector<52x52xf32>
      %mul3A_864 = vector.broadcast %scan3A : f32 to vector<52x52xf32>
      %mul3A_865 = arith.mulf %mul3A_864, %add3A_863 : vector<52x52xf32>
      %ge3A_866 = arith.cmpf oge, %mul3A_861, %mul3A_865 : vector<52x52xf32>
      %gt3A_867 = arith.cmpf ogt, %mul3A_861, %mul3A_865 : vector<52x52xf32>
      %or3A_868 = arith.ori %or3A_798, %ge3A_866 : vector<52x52xi1>
      %or3A_869 = arith.ori %or3A_799, %gt3A_867 : vector<52x52xi1>
      %mul3A_870 = arith.constant 8 : i32
      %mul3A_871 = arith.muli %scan3A_383, %mul3A_870 : i32
      %add3A_872 = arith.constant 7 : i32
      %add3A_873 = arith.addi %mul3A_871, %add3A_872 : i32
      %get3A_874 = arith.constant 0 : index
      %get3A_875 = arith.index_cast %add3A_873 : i32 to index
      %get3A_876 = arith.constant 0 : index
      %get3A_877 = memref.load %arg1[%get3A_874, %get3A_875, %get3A_876] : memref<1x40x5xf32, #tpu.memory_space<smem>>
      %mul3A_878 = arith.constant 5.200000e+01 : f32
      %mul3A_879 = arith.mulf %get3A_877, %mul3A_878 : f32
      %get3A_880 = arith.constant 0 : index
      %get3A_881 = arith.index_cast %add3A_873 : i32 to index
      %get3A_882 = arith.constant 1 : index
      %get3A_883 = memref.load %arg1[%get3A_880, %get3A_881, %get3A_882] : memref<1x40x5xf32, #tpu.memory_space<smem>>
      %mul3A_884 = arith.constant 5.200000e+01 : f32
      %mul3A_885 = arith.mulf %get3A_883, %mul3A_884 : f32
      %get3A_886 = arith.constant 0 : index
      %get3A_887 = arith.index_cast %add3A_873 : i32 to index
      %get3A_888 = arith.constant 2 : index
      %get3A_889 = memref.load %arg1[%get3A_886, %get3A_887, %get3A_888] : memref<1x40x5xf32, #tpu.memory_space<smem>>
      %mul3A_890 = arith.constant 5.200000e+01 : f32
      %mul3A_891 = arith.mulf %get3A_889, %mul3A_890 : f32
      %get3A_892 = arith.constant 0 : index
      %get3A_893 = arith.index_cast %add3A_873 : i32 to index
      %get3A_894 = arith.constant 3 : index
      %get3A_895 = memref.load %arg1[%get3A_892, %get3A_893, %get3A_894] : memref<1x40x5xf32, #tpu.memory_space<smem>>
      %mul3A_896 = arith.constant 5.200000e+01 : f32
      %mul3A_897 = arith.mulf %get3A_895, %mul3A_896 : f32
      %div3A_898 = arith.constant 2.000000e+00 : f32
      %div3A_899 = arith.divf %mul3A_891, %div3A_898 : f32
      %sub3A_900 = arith.subf %mul3A_879, %div3A_899 : f32
      %div3A_901 = arith.constant 2.000000e+00 : f32
      %div3A_902 = arith.divf %mul3A_897, %div3A_901 : f32
      %sub3A_903 = arith.subf %mul3A_885, %div3A_902 : f32
      %div3A_904 = arith.constant 2.000000e+00 : f32
      %div3A_905 = arith.divf %mul3A_891, %div3A_904 : f32
      %add3A_906 = arith.addf %mul3A_879, %div3A_905 : f32
      %div3A_907 = arith.constant 2.000000e+00 : f32
      %div3A_908 = arith.divf %mul3A_897, %div3A_907 : f32
      %add3A_909 = arith.addf %mul3A_885, %div3A_908 : f32
      %sub3A_910 = arith.subf %add3A_906, %sub3A_900 : f32
      %sub3A_911 = arith.subf %add3A_909, %sub3A_903 : f32
      %mul3A_912 = arith.mulf %sub3A_910, %sub3A_911 : f32
      %add3A_913 = arith.constant 9.99999996E-13 : f32
      %add3A_914 = arith.addf %mul3A_912, %add3A_913 : f32
      %max3A_915 = vector.broadcast %sub3A_900 : f32 to vector<52x52xf32>
      %max3A_916 = arith.maximumf %sub3A, %max3A_915 : vector<52x52xf32>
      %max3A_917 = vector.broadcast %sub3A_903 : f32 to vector<52x52xf32>
      %max3A_918 = arith.maximumf %sub3A_58, %max3A_917 : vector<52x52xf32>
      %min3A_919 = vector.broadcast %add3A_906 : f32 to vector<52x52xf32>
      %min3A_920 = arith.minimumf %add3A_62, %min3A_919 : vector<52x52xf32>
      %min3A_921 = vector.broadcast %add3A_909 : f32 to vector<52x52xf32>
      %min3A_922 = arith.minimumf %add3A_66, %min3A_921 : vector<52x52xf32>
      %sub3A_923 = arith.subf %min3A_920, %max3A_916 : vector<52x52xf32>
      %max3A_924 = arith.constant 0.000000e+00 : f32
      %max3A_925 = vector.broadcast %max3A_924 : f32 to vector<52x52xf32>
      %max3A_926 = arith.maximumf %sub3A_923, %max3A_925 : vector<52x52xf32>
      %sub3A_927 = arith.subf %min3A_922, %max3A_918 : vector<52x52xf32>
      %max3A_928 = arith.constant 0.000000e+00 : f32
      %max3A_929 = vector.broadcast %max3A_928 : f32 to vector<52x52xf32>
      %max3A_930 = arith.maximumf %sub3A_927, %max3A_929 : vector<52x52xf32>
      %mul3A_931 = arith.mulf %max3A_926, %max3A_930 : vector<52x52xf32>
      %add3A_932 = vector.broadcast %add3A_914 : f32 to vector<52x52xf32>
      %add3A_933 = arith.addf %mul3A_69, %add3A_932 : vector<52x52xf32>
      %mul3A_934 = vector.broadcast %scan3A : f32 to vector<52x52xf32>
      %mul3A_935 = arith.mulf %mul3A_934, %add3A_933 : vector<52x52xf32>
      %ge3A_936 = arith.cmpf oge, %mul3A_931, %mul3A_935 : vector<52x52xf32>
      %gt3A_937 = arith.cmpf ogt, %mul3A_931, %mul3A_935 : vector<52x52xf32>
      %or3A_938 = arith.ori %or3A_868, %ge3A_936 : vector<52x52xi1>
      %or3A_939 = arith.ori %or3A_869, %gt3A_937 : vector<52x52xi1>
      %jit3A_940 = arith.constant 1.000000e+00 : f32
      %broadcast_in_dim3A_941 = vector.broadcast %jit3A_940 : f32 to vector<52x52xf32>
      %select_n3A_942 = arith.select %or3A_938, %broadcast_in_dim3A_941, %scan3A_384 : vector<52x52xi1>, vector<52x52xf32>
      %jit3A_943 = arith.constant 1.000000e+00 : f32
      %broadcast_in_dim3A_944 = vector.broadcast %jit3A_943 : f32 to vector<52x52xf32>
      %select_n3A_945 = arith.select %or3A_939, %broadcast_in_dim3A_944, %scan3A_385 : vector<52x52xi1>, vector<52x52xf32>
      scf.yield %select_n3A_942, %select_n3A_945 : vector<52x52xf32>, vector<52x52xf32>
    }
    %scan3A_76 = arith.constant 5 : i32
    %logistic3A_77 = arith.negf %get3A_30 : vector<52x52xf32>
    %logistic3A_78 = math.exp %logistic3A_77 : vector<52x52xf32>
    %logistic3A_79 = arith.constant 1.000000e+00 : f32
    %logistic3A_80 = vector.broadcast %logistic3A_79 : f32 to vector<52x52xf32>
    %logistic3A_81 = arith.addf %logistic3A_80, %logistic3A_78 : vector<52x52xf32>
    %logistic3A_82 = arith.divf %logistic3A_80, %logistic3A_81 : vector<52x52xf32>
    %mul3A_83 = arith.mulf %logistic3A_82, %logistic3A_82 : vector<52x52xf32>
    %reduce_sum3A = vector.shape_cast %mul3A_83 : vector<52x52xf32> to vector<1x52x52xf32>
    %reduce_sum3A_84 = arith.constant dense<0.000000e+00> : vector<1xf32>
    %reduce_sum3A_85 = vector.multi_reduction <add>, %reduce_sum3A, %reduce_sum3A_84 [1, 2] : vector<1x52x52xf32> to vector<1xf32>
    %reduce_sum3A_86 = vector.shape_cast %reduce_sum3A_85 : vector<1xf32> to vector<1x1x1xf32>
    %reduce_sum3A_87 = vector.extract %reduce_sum3A_86[0, 0, 0] : f32 from vector<1x1x1xf32>
    %gt3A = arith.constant 0.000000e+00 : f32
    %gt3A_88 = vector.broadcast %gt3A : f32 to vector<52x52xf32>
    %gt3A_89 = arith.cmpf ogt, %scan3A_75#0, %gt3A_88 : vector<52x52xf32>
    %jit3A = arith.constant 0.000000e+00 : f32
    %broadcast_in_dim3A_90 = vector.broadcast %jit3A : f32 to vector<52x52xf32>
    %select_n3A = arith.select %gt3A_89, %broadcast_in_dim3A_90, %mul3A_83 : vector<52x52xi1>, vector<52x52xf32>
    %reduce_sum3A_91 = vector.shape_cast %select_n3A : vector<52x52xf32> to vector<1x52x52xf32>
    %reduce_sum3A_92 = arith.constant dense<0.000000e+00> : vector<1xf32>
    %reduce_sum3A_93 = vector.multi_reduction <add>, %reduce_sum3A_91, %reduce_sum3A_92 [1, 2] : vector<1x52x52xf32> to vector<1xf32>
    %reduce_sum3A_94 = vector.shape_cast %reduce_sum3A_93 : vector<1xf32> to vector<1x1x1xf32>
    %reduce_sum3A_95 = vector.extract %reduce_sum3A_94[0, 0, 0] : f32 from vector<1x1x1xf32>
    %reduce_sum3A_96 = vector.shape_cast %scan3A_75#1 : vector<52x52xf32> to vector<1x52x52xf32>
    %reduce_sum3A_97 = arith.constant dense<0.000000e+00> : vector<1xf32>
    %reduce_sum3A_98 = vector.multi_reduction <add>, %reduce_sum3A_96, %reduce_sum3A_97 [1, 2] : vector<1x52x52xf32> to vector<1xf32>
    %reduce_sum3A_99 = vector.shape_cast %reduce_sum3A_98 : vector<1xf32> to vector<1x1x1xf32>
    %reduce_sum3A_100 = vector.extract %reduce_sum3A_99[0, 0, 0] : f32 from vector<1x1x1xf32>
    %iota3A_101 = tpu.iota {dimensions = array<i32: 1>} : vector<1x128xi32>
    %eq3A = arith.constant 0 : i32
    %eq3A_102 = vector.broadcast %eq3A : i32 to vector<1x128xi32>
    %eq3A_103 = arith.cmpi eq, %iota3A_101, %eq3A_102 : vector<1x128xi32>
    %eq3A_104 = arith.constant 1 : i32
    %eq3A_105 = vector.broadcast %eq3A_104 : i32 to vector<1x128xi32>
    %eq3A_106 = arith.cmpi eq, %iota3A_101, %eq3A_105 : vector<1x128xi32>
    %eq3A_107 = arith.constant 2 : i32
    %eq3A_108 = vector.broadcast %eq3A_107 : i32 to vector<1x128xi32>
    %eq3A_109 = arith.cmpi eq, %iota3A_101, %eq3A_108 : vector<1x128xi32>
    %jit3A_110 = arith.constant 0.000000e+00 : f32
    %broadcast_in_dim3A_111 = vector.broadcast %reduce_sum3A_100 : f32 to vector<1x128xf32>
    %broadcast_in_dim3A_112 = vector.broadcast %jit3A_110 : f32 to vector<1x128xf32>
    %select_n3A_113 = arith.select %eq3A_109, %broadcast_in_dim3A_111, %broadcast_in_dim3A_112 : vector<1x128xi1>, vector<1x128xf32>
    %broadcast_in_dim3A_114 = vector.broadcast %reduce_sum3A_95 : f32 to vector<1x128xf32>
    %select_n3A_115 = arith.select %eq3A_106, %broadcast_in_dim3A_114, %select_n3A_113 : vector<1x128xi1>, vector<1x128xf32>
    %broadcast_in_dim3A_116 = vector.broadcast %reduce_sum3A_87 : f32 to vector<1x128xf32>
    %select_n3A_117 = arith.select %eq3A_103, %broadcast_in_dim3A_116, %select_n3A_115 : vector<1x128xi1>, vector<1x128xf32>
    %get3A_118 = arith.constant 0 : index
    %get3A_119 = arith.constant 0 : index
    %get3A_120 = arith.constant 0 : index
    %get3A_121 = arith.constant 0 : index
    %get3A_122 = vector.load %arg8[%get3A_118, %get3A_119, %get3A_120, %get3A_121] : memref<1x1x52x52xf32, #tpu.memory_space<vmem>>, vector<1x1x52x52xf32>
    %get3A_123 = vector.shape_cast %get3A_122 : vector<1x1x52x52xf32> to vector<52x52xf32>
    %get3A_124 = arith.constant 0 : index
    %get3A_125 = arith.constant 0 : index
    %get3A_126 = arith.constant 0 : index
    %get3A_127 = arith.constant 0 : index
    %get3A_128 = vector.load %arg9[%get3A_124, %get3A_125, %get3A_126, %get3A_127] : memref<1x1x52x52xf32, #tpu.memory_space<vmem>>, vector<1x1x52x52xf32>
    %get3A_129 = vector.shape_cast %get3A_128 : vector<1x1x52x52xf32> to vector<52x52xf32>
    %get3A_130 = arith.constant 0 : index
    %get3A_131 = arith.constant 0 : index
    %get3A_132 = arith.constant 0 : index
    %get3A_133 = arith.constant 0 : index
    %get3A_134 = vector.load %arg10[%get3A_130, %get3A_131, %get3A_132, %get3A_133] : memref<1x1x52x52xf32, #tpu.memory_space<vmem>>, vector<1x1x52x52xf32>
    %get3A_135 = vector.shape_cast %get3A_134 : vector<1x1x52x52xf32> to vector<52x52xf32>
    %get3A_136 = arith.constant 0 : index
    %get3A_137 = arith.constant 0 : index
    %get3A_138 = arith.constant 0 : index
    %get3A_139 = arith.constant 0 : index
    %get3A_140 = vector.load %arg11[%get3A_136, %get3A_137, %get3A_138, %get3A_139] : memref<1x1x52x52xf32, #tpu.memory_space<vmem>>, vector<1x1x52x52xf32>
    %get3A_141 = vector.shape_cast %get3A_140 : vector<1x1x52x52xf32> to vector<52x52xf32>
    %get3A_142 = arith.constant 0 : index
    %get3A_143 = arith.constant 0 : index
    %get3A_144 = arith.constant 0 : index
    %get3A_145 = arith.constant 0 : index
    %get3A_146 = vector.load %arg12[%get3A_142, %get3A_143, %get3A_144, %get3A_145] : memref<1x1x52x52xf32, #tpu.memory_space<vmem>>, vector<1x1x52x52xf32>
    %get3A_147 = vector.shape_cast %get3A_146 : vector<1x1x52x52xf32> to vector<52x52xf32>
    %get3A_148 = arith.constant 1 : index
    %get3A_149 = arith.constant 0 : index
    %get3A_150 = memref.load %arg2[%get3A_148, %get3A_149] : memref<3x2xf32, #tpu.memory_space<smem>>
    %get3A_151 = arith.constant 1 : index
    %get3A_152 = arith.constant 1 : index
    %get3A_153 = memref.load %arg2[%get3A_151, %get3A_152] : memref<3x2xf32, #tpu.memory_space<smem>>
    %logistic3A_154 = arith.negf %get3A_123 : vector<52x52xf32>
    %logistic3A_155 = math.exp %logistic3A_154 : vector<52x52xf32>
    %logistic3A_156 = arith.constant 1.000000e+00 : f32
    %logistic3A_157 = vector.broadcast %logistic3A_156 : f32 to vector<52x52xf32>
    %logistic3A_158 = arith.addf %logistic3A_157, %logistic3A_155 : vector<52x52xf32>
    %logistic3A_159 = arith.divf %logistic3A_157, %logistic3A_158 : vector<52x52xf32>
    %add3A_160 = arith.addf %logistic3A_159, %convert_element_type3A_1 : vector<52x52xf32>
    %logistic3A_161 = arith.negf %get3A_129 : vector<52x52xf32>
    %logistic3A_162 = math.exp %logistic3A_161 : vector<52x52xf32>
    %logistic3A_163 = arith.constant 1.000000e+00 : f32
    %logistic3A_164 = vector.broadcast %logistic3A_163 : f32 to vector<52x52xf32>
    %logistic3A_165 = arith.addf %logistic3A_164, %logistic3A_162 : vector<52x52xf32>
    %logistic3A_166 = arith.divf %logistic3A_164, %logistic3A_165 : vector<52x52xf32>
    %add3A_167 = arith.addf %logistic3A_166, %convert_element_type3A : vector<52x52xf32>
    %exp3A_168 = math.exp %get3A_135 : vector<52x52xf32>
    %mul3A_169 = vector.broadcast %get3A_150 : f32 to vector<52x52xf32>
    %mul3A_170 = arith.mulf %exp3A_168, %mul3A_169 : vector<52x52xf32>
    %exp3A_171 = math.exp %get3A_141 : vector<52x52xf32>
    %mul3A_172 = vector.broadcast %get3A_153 : f32 to vector<52x52xf32>
    %mul3A_173 = arith.mulf %exp3A_171, %mul3A_172 : vector<52x52xf32>
    %div3A_174 = arith.constant 2.000000e+00 : f32
    %div3A_175 = vector.broadcast %div3A_174 : f32 to vector<52x52xf32>
    %div3A_176 = arith.divf %mul3A_170, %div3A_175 : vector<52x52xf32>
    %sub3A_177 = arith.subf %add3A_160, %div3A_176 : vector<52x52xf32>
    %div3A_178 = arith.constant 2.000000e+00 : f32
    %div3A_179 = vector.broadcast %div3A_178 : f32 to vector<52x52xf32>
    %div3A_180 = arith.divf %mul3A_173, %div3A_179 : vector<52x52xf32>
    %sub3A_181 = arith.subf %add3A_167, %div3A_180 : vector<52x52xf32>
    %div3A_182 = arith.constant 2.000000e+00 : f32
    %div3A_183 = vector.broadcast %div3A_182 : f32 to vector<52x52xf32>
    %div3A_184 = arith.divf %mul3A_170, %div3A_183 : vector<52x52xf32>
    %add3A_185 = arith.addf %add3A_160, %div3A_184 : vector<52x52xf32>
    %div3A_186 = arith.constant 2.000000e+00 : f32
    %div3A_187 = vector.broadcast %div3A_186 : f32 to vector<52x52xf32>
    %div3A_188 = arith.divf %mul3A_173, %div3A_187 : vector<52x52xf32>
    %add3A_189 = arith.addf %add3A_167, %div3A_188 : vector<52x52xf32>
    %sub3A_190 = arith.subf %add3A_185, %sub3A_177 : vector<52x52xf32>
    %sub3A_191 = arith.subf %add3A_189, %sub3A_181 : vector<52x52xf32>
    %mul3A_192 = arith.mulf %sub3A_190, %sub3A_191 : vector<52x52xf32>
    %broadcast_in_dim3A_193 = arith.constant 0.000000e+00 : f32
    %broadcast_in_dim3A_194 = vector.broadcast %broadcast_in_dim3A_193 : f32 to vector<52x52xf32>
    %scan3A_195 = arith.constant 0.411764711 : f32
    %scan3A_196 = arith.constant 0 : i32
    %scan3A_197 = arith.constant 5 : i32
    %scan3A_198 = arith.addi %scan3A_196, %scan3A_197 : i32
    %scan3A_199 = arith.constant 1 : i32
    %scan3A_200:2 = scf.for %scan3A_383 = %scan3A_196 to %scan3A_198 step %scan3A_199 iter_args(%scan3A_384 = %broadcast_in_dim3A_194, %scan3A_385 = %broadcast_in_dim3A_194) -> (vector<52x52xf32>, vector<52x52xf32>)  : i32 {
      %mul3A_386 = arith.constant 8 : i32
      %mul3A_387 = arith.muli %scan3A_383, %mul3A_386 : i32
      %add3A_388 = arith.constant 0 : i32
      %add3A_389 = arith.addi %mul3A_387, %add3A_388 : i32
      %get3A_390 = arith.constant 0 : index
      %get3A_391 = arith.index_cast %add3A_389 : i32 to index
      %get3A_392 = arith.constant 0 : index
      %get3A_393 = memref.load %arg1[%get3A_390, %get3A_391, %get3A_392] : memref<1x40x5xf32, #tpu.memory_space<smem>>
      %mul3A_394 = arith.constant 5.200000e+01 : f32
      %mul3A_395 = arith.mulf %get3A_393, %mul3A_394 : f32
      %get3A_396 = arith.constant 0 : index
      %get3A_397 = arith.index_cast %add3A_389 : i32 to index
      %get3A_398 = arith.constant 1 : index
      %get3A_399 = memref.load %arg1[%get3A_396, %get3A_397, %get3A_398] : memref<1x40x5xf32, #tpu.memory_space<smem>>
      %mul3A_400 = arith.constant 5.200000e+01 : f32
      %mul3A_401 = arith.mulf %get3A_399, %mul3A_400 : f32
      %get3A_402 = arith.constant 0 : index
      %get3A_403 = arith.index_cast %add3A_389 : i32 to index
      %get3A_404 = arith.constant 2 : index
      %get3A_405 = memref.load %arg1[%get3A_402, %get3A_403, %get3A_404] : memref<1x40x5xf32, #tpu.memory_space<smem>>
      %mul3A_406 = arith.constant 5.200000e+01 : f32
      %mul3A_407 = arith.mulf %get3A_405, %mul3A_406 : f32
      %get3A_408 = arith.constant 0 : index
      %get3A_409 = arith.index_cast %add3A_389 : i32 to index
      %get3A_410 = arith.constant 3 : index
      %get3A_411 = memref.load %arg1[%get3A_408, %get3A_409, %get3A_410] : memref<1x40x5xf32, #tpu.memory_space<smem>>
      %mul3A_412 = arith.constant 5.200000e+01 : f32
      %mul3A_413 = arith.mulf %get3A_411, %mul3A_412 : f32
      %div3A_414 = arith.constant 2.000000e+00 : f32
      %div3A_415 = arith.divf %mul3A_407, %div3A_414 : f32
      %sub3A_416 = arith.subf %mul3A_395, %div3A_415 : f32
      %div3A_417 = arith.constant 2.000000e+00 : f32
      %div3A_418 = arith.divf %mul3A_413, %div3A_417 : f32
      %sub3A_419 = arith.subf %mul3A_401, %div3A_418 : f32
      %div3A_420 = arith.constant 2.000000e+00 : f32
      %div3A_421 = arith.divf %mul3A_407, %div3A_420 : f32
      %add3A_422 = arith.addf %mul3A_395, %div3A_421 : f32
      %div3A_423 = arith.constant 2.000000e+00 : f32
      %div3A_424 = arith.divf %mul3A_413, %div3A_423 : f32
      %add3A_425 = arith.addf %mul3A_401, %div3A_424 : f32
      %sub3A_426 = arith.subf %add3A_422, %sub3A_416 : f32
      %sub3A_427 = arith.subf %add3A_425, %sub3A_419 : f32
      %mul3A_428 = arith.mulf %sub3A_426, %sub3A_427 : f32
      %add3A_429 = arith.constant 9.99999996E-13 : f32
      %add3A_430 = arith.addf %mul3A_428, %add3A_429 : f32
      %max3A = vector.broadcast %sub3A_416 : f32 to vector<52x52xf32>
      %max3A_431 = arith.maximumf %sub3A_177, %max3A : vector<52x52xf32>
      %max3A_432 = vector.broadcast %sub3A_419 : f32 to vector<52x52xf32>
      %max3A_433 = arith.maximumf %sub3A_181, %max3A_432 : vector<52x52xf32>
      %min3A = vector.broadcast %add3A_422 : f32 to vector<52x52xf32>
      %min3A_434 = arith.minimumf %add3A_185, %min3A : vector<52x52xf32>
      %min3A_435 = vector.broadcast %add3A_425 : f32 to vector<52x52xf32>
      %min3A_436 = arith.minimumf %add3A_189, %min3A_435 : vector<52x52xf32>
      %sub3A_437 = arith.subf %min3A_434, %max3A_431 : vector<52x52xf32>
      %max3A_438 = arith.constant 0.000000e+00 : f32
      %max3A_439 = vector.broadcast %max3A_438 : f32 to vector<52x52xf32>
      %max3A_440 = arith.maximumf %sub3A_437, %max3A_439 : vector<52x52xf32>
      %sub3A_441 = arith.subf %min3A_436, %max3A_433 : vector<52x52xf32>
      %max3A_442 = arith.constant 0.000000e+00 : f32
      %max3A_443 = vector.broadcast %max3A_442 : f32 to vector<52x52xf32>
      %max3A_444 = arith.maximumf %sub3A_441, %max3A_443 : vector<52x52xf32>
      %mul3A_445 = arith.mulf %max3A_440, %max3A_444 : vector<52x52xf32>
      %add3A_446 = vector.broadcast %add3A_430 : f32 to vector<52x52xf32>
      %add3A_447 = arith.addf %mul3A_192, %add3A_446 : vector<52x52xf32>
      %mul3A_448 = vector.broadcast %scan3A_195 : f32 to vector<52x52xf32>
      %mul3A_449 = arith.mulf %mul3A_448, %add3A_447 : vector<52x52xf32>
      %ge3A = arith.cmpf oge, %mul3A_445, %mul3A_449 : vector<52x52xf32>
      %gt3A_450 = arith.cmpf ogt, %mul3A_445, %mul3A_449 : vector<52x52xf32>
      %mul3A_451 = arith.constant 8 : i32
      %mul3A_452 = arith.muli %scan3A_383, %mul3A_451 : i32
      %add3A_453 = arith.constant 1 : i32
      %add3A_454 = arith.addi %mul3A_452, %add3A_453 : i32
      %get3A_455 = arith.constant 0 : index
      %get3A_456 = arith.index_cast %add3A_454 : i32 to index
      %get3A_457 = arith.constant 0 : index
      %get3A_458 = memref.load %arg1[%get3A_455, %get3A_456, %get3A_457] : memref<1x40x5xf32, #tpu.memory_space<smem>>
      %mul3A_459 = arith.constant 5.200000e+01 : f32
      %mul3A_460 = arith.mulf %get3A_458, %mul3A_459 : f32
      %get3A_461 = arith.constant 0 : index
      %get3A_462 = arith.index_cast %add3A_454 : i32 to index
      %get3A_463 = arith.constant 1 : index
      %get3A_464 = memref.load %arg1[%get3A_461, %get3A_462, %get3A_463] : memref<1x40x5xf32, #tpu.memory_space<smem>>
      %mul3A_465 = arith.constant 5.200000e+01 : f32
      %mul3A_466 = arith.mulf %get3A_464, %mul3A_465 : f32
      %get3A_467 = arith.constant 0 : index
      %get3A_468 = arith.index_cast %add3A_454 : i32 to index
      %get3A_469 = arith.constant 2 : index
      %get3A_470 = memref.load %arg1[%get3A_467, %get3A_468, %get3A_469] : memref<1x40x5xf32, #tpu.memory_space<smem>>
      %mul3A_471 = arith.constant 5.200000e+01 : f32
      %mul3A_472 = arith.mulf %get3A_470, %mul3A_471 : f32
      %get3A_473 = arith.constant 0 : index
      %get3A_474 = arith.index_cast %add3A_454 : i32 to index
      %get3A_475 = arith.constant 3 : index
      %get3A_476 = memref.load %arg1[%get3A_473, %get3A_474, %get3A_475] : memref<1x40x5xf32, #tpu.memory_space<smem>>
      %mul3A_477 = arith.constant 5.200000e+01 : f32
      %mul3A_478 = arith.mulf %get3A_476, %mul3A_477 : f32
      %div3A_479 = arith.constant 2.000000e+00 : f32
      %div3A_480 = arith.divf %mul3A_472, %div3A_479 : f32
      %sub3A_481 = arith.subf %mul3A_460, %div3A_480 : f32
      %div3A_482 = arith.constant 2.000000e+00 : f32
      %div3A_483 = arith.divf %mul3A_478, %div3A_482 : f32
      %sub3A_484 = arith.subf %mul3A_466, %div3A_483 : f32
      %div3A_485 = arith.constant 2.000000e+00 : f32
      %div3A_486 = arith.divf %mul3A_472, %div3A_485 : f32
      %add3A_487 = arith.addf %mul3A_460, %div3A_486 : f32
      %div3A_488 = arith.constant 2.000000e+00 : f32
      %div3A_489 = arith.divf %mul3A_478, %div3A_488 : f32
      %add3A_490 = arith.addf %mul3A_466, %div3A_489 : f32
      %sub3A_491 = arith.subf %add3A_487, %sub3A_481 : f32
      %sub3A_492 = arith.subf %add3A_490, %sub3A_484 : f32
      %mul3A_493 = arith.mulf %sub3A_491, %sub3A_492 : f32
      %add3A_494 = arith.constant 9.99999996E-13 : f32
      %add3A_495 = arith.addf %mul3A_493, %add3A_494 : f32
      %max3A_496 = vector.broadcast %sub3A_481 : f32 to vector<52x52xf32>
      %max3A_497 = arith.maximumf %sub3A_177, %max3A_496 : vector<52x52xf32>
      %max3A_498 = vector.broadcast %sub3A_484 : f32 to vector<52x52xf32>
      %max3A_499 = arith.maximumf %sub3A_181, %max3A_498 : vector<52x52xf32>
      %min3A_500 = vector.broadcast %add3A_487 : f32 to vector<52x52xf32>
      %min3A_501 = arith.minimumf %add3A_185, %min3A_500 : vector<52x52xf32>
      %min3A_502 = vector.broadcast %add3A_490 : f32 to vector<52x52xf32>
      %min3A_503 = arith.minimumf %add3A_189, %min3A_502 : vector<52x52xf32>
      %sub3A_504 = arith.subf %min3A_501, %max3A_497 : vector<52x52xf32>
      %max3A_505 = arith.constant 0.000000e+00 : f32
      %max3A_506 = vector.broadcast %max3A_505 : f32 to vector<52x52xf32>
      %max3A_507 = arith.maximumf %sub3A_504, %max3A_506 : vector<52x52xf32>
      %sub3A_508 = arith.subf %min3A_503, %max3A_499 : vector<52x52xf32>
      %max3A_509 = arith.constant 0.000000e+00 : f32
      %max3A_510 = vector.broadcast %max3A_509 : f32 to vector<52x52xf32>
      %max3A_511 = arith.maximumf %sub3A_508, %max3A_510 : vector<52x52xf32>
      %mul3A_512 = arith.mulf %max3A_507, %max3A_511 : vector<52x52xf32>
      %add3A_513 = vector.broadcast %add3A_495 : f32 to vector<52x52xf32>
      %add3A_514 = arith.addf %mul3A_192, %add3A_513 : vector<52x52xf32>
      %mul3A_515 = vector.broadcast %scan3A_195 : f32 to vector<52x52xf32>
      %mul3A_516 = arith.mulf %mul3A_515, %add3A_514 : vector<52x52xf32>
      %ge3A_517 = arith.cmpf oge, %mul3A_512, %mul3A_516 : vector<52x52xf32>
      %gt3A_518 = arith.cmpf ogt, %mul3A_512, %mul3A_516 : vector<52x52xf32>
      %or3A = arith.ori %ge3A, %ge3A_517 : vector<52x52xi1>
      %or3A_519 = arith.ori %gt3A_450, %gt3A_518 : vector<52x52xi1>
      %mul3A_520 = arith.constant 8 : i32
      %mul3A_521 = arith.muli %scan3A_383, %mul3A_520 : i32
      %add3A_522 = arith.constant 2 : i32
      %add3A_523 = arith.addi %mul3A_521, %add3A_522 : i32
      %get3A_524 = arith.constant 0 : index
      %get3A_525 = arith.index_cast %add3A_523 : i32 to index
      %get3A_526 = arith.constant 0 : index
      %get3A_527 = memref.load %arg1[%get3A_524, %get3A_525, %get3A_526] : memref<1x40x5xf32, #tpu.memory_space<smem>>
      %mul3A_528 = arith.constant 5.200000e+01 : f32
      %mul3A_529 = arith.mulf %get3A_527, %mul3A_528 : f32
      %get3A_530 = arith.constant 0 : index
      %get3A_531 = arith.index_cast %add3A_523 : i32 to index
      %get3A_532 = arith.constant 1 : index
      %get3A_533 = memref.load %arg1[%get3A_530, %get3A_531, %get3A_532] : memref<1x40x5xf32, #tpu.memory_space<smem>>
      %mul3A_534 = arith.constant 5.200000e+01 : f32
      %mul3A_535 = arith.mulf %get3A_533, %mul3A_534 : f32
      %get3A_536 = arith.constant 0 : index
      %get3A_537 = arith.index_cast %add3A_523 : i32 to index
      %get3A_538 = arith.constant 2 : index
      %get3A_539 = memref.load %arg1[%get3A_536, %get3A_537, %get3A_538] : memref<1x40x5xf32, #tpu.memory_space<smem>>
      %mul3A_540 = arith.constant 5.200000e+01 : f32
      %mul3A_541 = arith.mulf %get3A_539, %mul3A_540 : f32
      %get3A_542 = arith.constant 0 : index
      %get3A_543 = arith.index_cast %add3A_523 : i32 to index
      %get3A_544 = arith.constant 3 : index
      %get3A_545 = memref.load %arg1[%get3A_542, %get3A_543, %get3A_544] : memref<1x40x5xf32, #tpu.memory_space<smem>>
      %mul3A_546 = arith.constant 5.200000e+01 : f32
      %mul3A_547 = arith.mulf %get3A_545, %mul3A_546 : f32
      %div3A_548 = arith.constant 2.000000e+00 : f32
      %div3A_549 = arith.divf %mul3A_541, %div3A_548 : f32
      %sub3A_550 = arith.subf %mul3A_529, %div3A_549 : f32
      %div3A_551 = arith.constant 2.000000e+00 : f32
      %div3A_552 = arith.divf %mul3A_547, %div3A_551 : f32
      %sub3A_553 = arith.subf %mul3A_535, %div3A_552 : f32
      %div3A_554 = arith.constant 2.000000e+00 : f32
      %div3A_555 = arith.divf %mul3A_541, %div3A_554 : f32
      %add3A_556 = arith.addf %mul3A_529, %div3A_555 : f32
      %div3A_557 = arith.constant 2.000000e+00 : f32
      %div3A_558 = arith.divf %mul3A_547, %div3A_557 : f32
      %add3A_559 = arith.addf %mul3A_535, %div3A_558 : f32
      %sub3A_560 = arith.subf %add3A_556, %sub3A_550 : f32
      %sub3A_561 = arith.subf %add3A_559, %sub3A_553 : f32
      %mul3A_562 = arith.mulf %sub3A_560, %sub3A_561 : f32
      %add3A_563 = arith.constant 9.99999996E-13 : f32
      %add3A_564 = arith.addf %mul3A_562, %add3A_563 : f32
      %max3A_565 = vector.broadcast %sub3A_550 : f32 to vector<52x52xf32>
      %max3A_566 = arith.maximumf %sub3A_177, %max3A_565 : vector<52x52xf32>
      %max3A_567 = vector.broadcast %sub3A_553 : f32 to vector<52x52xf32>
      %max3A_568 = arith.maximumf %sub3A_181, %max3A_567 : vector<52x52xf32>
      %min3A_569 = vector.broadcast %add3A_556 : f32 to vector<52x52xf32>
      %min3A_570 = arith.minimumf %add3A_185, %min3A_569 : vector<52x52xf32>
      %min3A_571 = vector.broadcast %add3A_559 : f32 to vector<52x52xf32>
      %min3A_572 = arith.minimumf %add3A_189, %min3A_571 : vector<52x52xf32>
      %sub3A_573 = arith.subf %min3A_570, %max3A_566 : vector<52x52xf32>
      %max3A_574 = arith.constant 0.000000e+00 : f32
      %max3A_575 = vector.broadcast %max3A_574 : f32 to vector<52x52xf32>
      %max3A_576 = arith.maximumf %sub3A_573, %max3A_575 : vector<52x52xf32>
      %sub3A_577 = arith.subf %min3A_572, %max3A_568 : vector<52x52xf32>
      %max3A_578 = arith.constant 0.000000e+00 : f32
      %max3A_579 = vector.broadcast %max3A_578 : f32 to vector<52x52xf32>
      %max3A_580 = arith.maximumf %sub3A_577, %max3A_579 : vector<52x52xf32>
      %mul3A_581 = arith.mulf %max3A_576, %max3A_580 : vector<52x52xf32>
      %add3A_582 = vector.broadcast %add3A_564 : f32 to vector<52x52xf32>
      %add3A_583 = arith.addf %mul3A_192, %add3A_582 : vector<52x52xf32>
      %mul3A_584 = vector.broadcast %scan3A_195 : f32 to vector<52x52xf32>
      %mul3A_585 = arith.mulf %mul3A_584, %add3A_583 : vector<52x52xf32>
      %ge3A_586 = arith.cmpf oge, %mul3A_581, %mul3A_585 : vector<52x52xf32>
      %gt3A_587 = arith.cmpf ogt, %mul3A_581, %mul3A_585 : vector<52x52xf32>
      %or3A_588 = arith.ori %or3A, %ge3A_586 : vector<52x52xi1>
      %or3A_589 = arith.ori %or3A_519, %gt3A_587 : vector<52x52xi1>
      %mul3A_590 = arith.constant 8 : i32
      %mul3A_591 = arith.muli %scan3A_383, %mul3A_590 : i32
      %add3A_592 = arith.constant 3 : i32
      %add3A_593 = arith.addi %mul3A_591, %add3A_592 : i32
      %get3A_594 = arith.constant 0 : index
      %get3A_595 = arith.index_cast %add3A_593 : i32 to index
      %get3A_596 = arith.constant 0 : index
      %get3A_597 = memref.load %arg1[%get3A_594, %get3A_595, %get3A_596] : memref<1x40x5xf32, #tpu.memory_space<smem>>
      %mul3A_598 = arith.constant 5.200000e+01 : f32
      %mul3A_599 = arith.mulf %get3A_597, %mul3A_598 : f32
      %get3A_600 = arith.constant 0 : index
      %get3A_601 = arith.index_cast %add3A_593 : i32 to index
      %get3A_602 = arith.constant 1 : index
      %get3A_603 = memref.load %arg1[%get3A_600, %get3A_601, %get3A_602] : memref<1x40x5xf32, #tpu.memory_space<smem>>
      %mul3A_604 = arith.constant 5.200000e+01 : f32
      %mul3A_605 = arith.mulf %get3A_603, %mul3A_604 : f32
      %get3A_606 = arith.constant 0 : index
      %get3A_607 = arith.index_cast %add3A_593 : i32 to index
      %get3A_608 = arith.constant 2 : index
      %get3A_609 = memref.load %arg1[%get3A_606, %get3A_607, %get3A_608] : memref<1x40x5xf32, #tpu.memory_space<smem>>
      %mul3A_610 = arith.constant 5.200000e+01 : f32
      %mul3A_611 = arith.mulf %get3A_609, %mul3A_610 : f32
      %get3A_612 = arith.constant 0 : index
      %get3A_613 = arith.index_cast %add3A_593 : i32 to index
      %get3A_614 = arith.constant 3 : index
      %get3A_615 = memref.load %arg1[%get3A_612, %get3A_613, %get3A_614] : memref<1x40x5xf32, #tpu.memory_space<smem>>
      %mul3A_616 = arith.constant 5.200000e+01 : f32
      %mul3A_617 = arith.mulf %get3A_615, %mul3A_616 : f32
      %div3A_618 = arith.constant 2.000000e+00 : f32
      %div3A_619 = arith.divf %mul3A_611, %div3A_618 : f32
      %sub3A_620 = arith.subf %mul3A_599, %div3A_619 : f32
      %div3A_621 = arith.constant 2.000000e+00 : f32
      %div3A_622 = arith.divf %mul3A_617, %div3A_621 : f32
      %sub3A_623 = arith.subf %mul3A_605, %div3A_622 : f32
      %div3A_624 = arith.constant 2.000000e+00 : f32
      %div3A_625 = arith.divf %mul3A_611, %div3A_624 : f32
      %add3A_626 = arith.addf %mul3A_599, %div3A_625 : f32
      %div3A_627 = arith.constant 2.000000e+00 : f32
      %div3A_628 = arith.divf %mul3A_617, %div3A_627 : f32
      %add3A_629 = arith.addf %mul3A_605, %div3A_628 : f32
      %sub3A_630 = arith.subf %add3A_626, %sub3A_620 : f32
      %sub3A_631 = arith.subf %add3A_629, %sub3A_623 : f32
      %mul3A_632 = arith.mulf %sub3A_630, %sub3A_631 : f32
      %add3A_633 = arith.constant 9.99999996E-13 : f32
      %add3A_634 = arith.addf %mul3A_632, %add3A_633 : f32
      %max3A_635 = vector.broadcast %sub3A_620 : f32 to vector<52x52xf32>
      %max3A_636 = arith.maximumf %sub3A_177, %max3A_635 : vector<52x52xf32>
      %max3A_637 = vector.broadcast %sub3A_623 : f32 to vector<52x52xf32>
      %max3A_638 = arith.maximumf %sub3A_181, %max3A_637 : vector<52x52xf32>
      %min3A_639 = vector.broadcast %add3A_626 : f32 to vector<52x52xf32>
      %min3A_640 = arith.minimumf %add3A_185, %min3A_639 : vector<52x52xf32>
      %min3A_641 = vector.broadcast %add3A_629 : f32 to vector<52x52xf32>
      %min3A_642 = arith.minimumf %add3A_189, %min3A_641 : vector<52x52xf32>
      %sub3A_643 = arith.subf %min3A_640, %max3A_636 : vector<52x52xf32>
      %max3A_644 = arith.constant 0.000000e+00 : f32
      %max3A_645 = vector.broadcast %max3A_644 : f32 to vector<52x52xf32>
      %max3A_646 = arith.maximumf %sub3A_643, %max3A_645 : vector<52x52xf32>
      %sub3A_647 = arith.subf %min3A_642, %max3A_638 : vector<52x52xf32>
      %max3A_648 = arith.constant 0.000000e+00 : f32
      %max3A_649 = vector.broadcast %max3A_648 : f32 to vector<52x52xf32>
      %max3A_650 = arith.maximumf %sub3A_647, %max3A_649 : vector<52x52xf32>
      %mul3A_651 = arith.mulf %max3A_646, %max3A_650 : vector<52x52xf32>
      %add3A_652 = vector.broadcast %add3A_634 : f32 to vector<52x52xf32>
      %add3A_653 = arith.addf %mul3A_192, %add3A_652 : vector<52x52xf32>
      %mul3A_654 = vector.broadcast %scan3A_195 : f32 to vector<52x52xf32>
      %mul3A_655 = arith.mulf %mul3A_654, %add3A_653 : vector<52x52xf32>
      %ge3A_656 = arith.cmpf oge, %mul3A_651, %mul3A_655 : vector<52x52xf32>
      %gt3A_657 = arith.cmpf ogt, %mul3A_651, %mul3A_655 : vector<52x52xf32>
      %or3A_658 = arith.ori %or3A_588, %ge3A_656 : vector<52x52xi1>
      %or3A_659 = arith.ori %or3A_589, %gt3A_657 : vector<52x52xi1>
      %mul3A_660 = arith.constant 8 : i32
      %mul3A_661 = arith.muli %scan3A_383, %mul3A_660 : i32
      %add3A_662 = arith.constant 4 : i32
      %add3A_663 = arith.addi %mul3A_661, %add3A_662 : i32
      %get3A_664 = arith.constant 0 : index
      %get3A_665 = arith.index_cast %add3A_663 : i32 to index
      %get3A_666 = arith.constant 0 : index
      %get3A_667 = memref.load %arg1[%get3A_664, %get3A_665, %get3A_666] : memref<1x40x5xf32, #tpu.memory_space<smem>>
      %mul3A_668 = arith.constant 5.200000e+01 : f32
      %mul3A_669 = arith.mulf %get3A_667, %mul3A_668 : f32
      %get3A_670 = arith.constant 0 : index
      %get3A_671 = arith.index_cast %add3A_663 : i32 to index
      %get3A_672 = arith.constant 1 : index
      %get3A_673 = memref.load %arg1[%get3A_670, %get3A_671, %get3A_672] : memref<1x40x5xf32, #tpu.memory_space<smem>>
      %mul3A_674 = arith.constant 5.200000e+01 : f32
      %mul3A_675 = arith.mulf %get3A_673, %mul3A_674 : f32
      %get3A_676 = arith.constant 0 : index
      %get3A_677 = arith.index_cast %add3A_663 : i32 to index
      %get3A_678 = arith.constant 2 : index
      %get3A_679 = memref.load %arg1[%get3A_676, %get3A_677, %get3A_678] : memref<1x40x5xf32, #tpu.memory_space<smem>>
      %mul3A_680 = arith.constant 5.200000e+01 : f32
      %mul3A_681 = arith.mulf %get3A_679, %mul3A_680 : f32
      %get3A_682 = arith.constant 0 : index
      %get3A_683 = arith.index_cast %add3A_663 : i32 to index
      %get3A_684 = arith.constant 3 : index
      %get3A_685 = memref.load %arg1[%get3A_682, %get3A_683, %get3A_684] : memref<1x40x5xf32, #tpu.memory_space<smem>>
      %mul3A_686 = arith.constant 5.200000e+01 : f32
      %mul3A_687 = arith.mulf %get3A_685, %mul3A_686 : f32
      %div3A_688 = arith.constant 2.000000e+00 : f32
      %div3A_689 = arith.divf %mul3A_681, %div3A_688 : f32
      %sub3A_690 = arith.subf %mul3A_669, %div3A_689 : f32
      %div3A_691 = arith.constant 2.000000e+00 : f32
      %div3A_692 = arith.divf %mul3A_687, %div3A_691 : f32
      %sub3A_693 = arith.subf %mul3A_675, %div3A_692 : f32
      %div3A_694 = arith.constant 2.000000e+00 : f32
      %div3A_695 = arith.divf %mul3A_681, %div3A_694 : f32
      %add3A_696 = arith.addf %mul3A_669, %div3A_695 : f32
      %div3A_697 = arith.constant 2.000000e+00 : f32
      %div3A_698 = arith.divf %mul3A_687, %div3A_697 : f32
      %add3A_699 = arith.addf %mul3A_675, %div3A_698 : f32
      %sub3A_700 = arith.subf %add3A_696, %sub3A_690 : f32
      %sub3A_701 = arith.subf %add3A_699, %sub3A_693 : f32
      %mul3A_702 = arith.mulf %sub3A_700, %sub3A_701 : f32
      %add3A_703 = arith.constant 9.99999996E-13 : f32
      %add3A_704 = arith.addf %mul3A_702, %add3A_703 : f32
      %max3A_705 = vector.broadcast %sub3A_690 : f32 to vector<52x52xf32>
      %max3A_706 = arith.maximumf %sub3A_177, %max3A_705 : vector<52x52xf32>
      %max3A_707 = vector.broadcast %sub3A_693 : f32 to vector<52x52xf32>
      %max3A_708 = arith.maximumf %sub3A_181, %max3A_707 : vector<52x52xf32>
      %min3A_709 = vector.broadcast %add3A_696 : f32 to vector<52x52xf32>
      %min3A_710 = arith.minimumf %add3A_185, %min3A_709 : vector<52x52xf32>
      %min3A_711 = vector.broadcast %add3A_699 : f32 to vector<52x52xf32>
      %min3A_712 = arith.minimumf %add3A_189, %min3A_711 : vector<52x52xf32>
      %sub3A_713 = arith.subf %min3A_710, %max3A_706 : vector<52x52xf32>
      %max3A_714 = arith.constant 0.000000e+00 : f32
      %max3A_715 = vector.broadcast %max3A_714 : f32 to vector<52x52xf32>
      %max3A_716 = arith.maximumf %sub3A_713, %max3A_715 : vector<52x52xf32>
      %sub3A_717 = arith.subf %min3A_712, %max3A_708 : vector<52x52xf32>
      %max3A_718 = arith.constant 0.000000e+00 : f32
      %max3A_719 = vector.broadcast %max3A_718 : f32 to vector<52x52xf32>
      %max3A_720 = arith.maximumf %sub3A_717, %max3A_719 : vector<52x52xf32>
      %mul3A_721 = arith.mulf %max3A_716, %max3A_720 : vector<52x52xf32>
      %add3A_722 = vector.broadcast %add3A_704 : f32 to vector<52x52xf32>
      %add3A_723 = arith.addf %mul3A_192, %add3A_722 : vector<52x52xf32>
      %mul3A_724 = vector.broadcast %scan3A_195 : f32 to vector<52x52xf32>
      %mul3A_725 = arith.mulf %mul3A_724, %add3A_723 : vector<52x52xf32>
      %ge3A_726 = arith.cmpf oge, %mul3A_721, %mul3A_725 : vector<52x52xf32>
      %gt3A_727 = arith.cmpf ogt, %mul3A_721, %mul3A_725 : vector<52x52xf32>
      %or3A_728 = arith.ori %or3A_658, %ge3A_726 : vector<52x52xi1>
      %or3A_729 = arith.ori %or3A_659, %gt3A_727 : vector<52x52xi1>
      %mul3A_730 = arith.constant 8 : i32
      %mul3A_731 = arith.muli %scan3A_383, %mul3A_730 : i32
      %add3A_732 = arith.constant 5 : i32
      %add3A_733 = arith.addi %mul3A_731, %add3A_732 : i32
      %get3A_734 = arith.constant 0 : index
      %get3A_735 = arith.index_cast %add3A_733 : i32 to index
      %get3A_736 = arith.constant 0 : index
      %get3A_737 = memref.load %arg1[%get3A_734, %get3A_735, %get3A_736] : memref<1x40x5xf32, #tpu.memory_space<smem>>
      %mul3A_738 = arith.constant 5.200000e+01 : f32
      %mul3A_739 = arith.mulf %get3A_737, %mul3A_738 : f32
      %get3A_740 = arith.constant 0 : index
      %get3A_741 = arith.index_cast %add3A_733 : i32 to index
      %get3A_742 = arith.constant 1 : index
      %get3A_743 = memref.load %arg1[%get3A_740, %get3A_741, %get3A_742] : memref<1x40x5xf32, #tpu.memory_space<smem>>
      %mul3A_744 = arith.constant 5.200000e+01 : f32
      %mul3A_745 = arith.mulf %get3A_743, %mul3A_744 : f32
      %get3A_746 = arith.constant 0 : index
      %get3A_747 = arith.index_cast %add3A_733 : i32 to index
      %get3A_748 = arith.constant 2 : index
      %get3A_749 = memref.load %arg1[%get3A_746, %get3A_747, %get3A_748] : memref<1x40x5xf32, #tpu.memory_space<smem>>
      %mul3A_750 = arith.constant 5.200000e+01 : f32
      %mul3A_751 = arith.mulf %get3A_749, %mul3A_750 : f32
      %get3A_752 = arith.constant 0 : index
      %get3A_753 = arith.index_cast %add3A_733 : i32 to index
      %get3A_754 = arith.constant 3 : index
      %get3A_755 = memref.load %arg1[%get3A_752, %get3A_753, %get3A_754] : memref<1x40x5xf32, #tpu.memory_space<smem>>
      %mul3A_756 = arith.constant 5.200000e+01 : f32
      %mul3A_757 = arith.mulf %get3A_755, %mul3A_756 : f32
      %div3A_758 = arith.constant 2.000000e+00 : f32
      %div3A_759 = arith.divf %mul3A_751, %div3A_758 : f32
      %sub3A_760 = arith.subf %mul3A_739, %div3A_759 : f32
      %div3A_761 = arith.constant 2.000000e+00 : f32
      %div3A_762 = arith.divf %mul3A_757, %div3A_761 : f32
      %sub3A_763 = arith.subf %mul3A_745, %div3A_762 : f32
      %div3A_764 = arith.constant 2.000000e+00 : f32
      %div3A_765 = arith.divf %mul3A_751, %div3A_764 : f32
      %add3A_766 = arith.addf %mul3A_739, %div3A_765 : f32
      %div3A_767 = arith.constant 2.000000e+00 : f32
      %div3A_768 = arith.divf %mul3A_757, %div3A_767 : f32
      %add3A_769 = arith.addf %mul3A_745, %div3A_768 : f32
      %sub3A_770 = arith.subf %add3A_766, %sub3A_760 : f32
      %sub3A_771 = arith.subf %add3A_769, %sub3A_763 : f32
      %mul3A_772 = arith.mulf %sub3A_770, %sub3A_771 : f32
      %add3A_773 = arith.constant 9.99999996E-13 : f32
      %add3A_774 = arith.addf %mul3A_772, %add3A_773 : f32
      %max3A_775 = vector.broadcast %sub3A_760 : f32 to vector<52x52xf32>
      %max3A_776 = arith.maximumf %sub3A_177, %max3A_775 : vector<52x52xf32>
      %max3A_777 = vector.broadcast %sub3A_763 : f32 to vector<52x52xf32>
      %max3A_778 = arith.maximumf %sub3A_181, %max3A_777 : vector<52x52xf32>
      %min3A_779 = vector.broadcast %add3A_766 : f32 to vector<52x52xf32>
      %min3A_780 = arith.minimumf %add3A_185, %min3A_779 : vector<52x52xf32>
      %min3A_781 = vector.broadcast %add3A_769 : f32 to vector<52x52xf32>
      %min3A_782 = arith.minimumf %add3A_189, %min3A_781 : vector<52x52xf32>
      %sub3A_783 = arith.subf %min3A_780, %max3A_776 : vector<52x52xf32>
      %max3A_784 = arith.constant 0.000000e+00 : f32
      %max3A_785 = vector.broadcast %max3A_784 : f32 to vector<52x52xf32>
      %max3A_786 = arith.maximumf %sub3A_783, %max3A_785 : vector<52x52xf32>
      %sub3A_787 = arith.subf %min3A_782, %max3A_778 : vector<52x52xf32>
      %max3A_788 = arith.constant 0.000000e+00 : f32
      %max3A_789 = vector.broadcast %max3A_788 : f32 to vector<52x52xf32>
      %max3A_790 = arith.maximumf %sub3A_787, %max3A_789 : vector<52x52xf32>
      %mul3A_791 = arith.mulf %max3A_786, %max3A_790 : vector<52x52xf32>
      %add3A_792 = vector.broadcast %add3A_774 : f32 to vector<52x52xf32>
      %add3A_793 = arith.addf %mul3A_192, %add3A_792 : vector<52x52xf32>
      %mul3A_794 = vector.broadcast %scan3A_195 : f32 to vector<52x52xf32>
      %mul3A_795 = arith.mulf %mul3A_794, %add3A_793 : vector<52x52xf32>
      %ge3A_796 = arith.cmpf oge, %mul3A_791, %mul3A_795 : vector<52x52xf32>
      %gt3A_797 = arith.cmpf ogt, %mul3A_791, %mul3A_795 : vector<52x52xf32>
      %or3A_798 = arith.ori %or3A_728, %ge3A_796 : vector<52x52xi1>
      %or3A_799 = arith.ori %or3A_729, %gt3A_797 : vector<52x52xi1>
      %mul3A_800 = arith.constant 8 : i32
      %mul3A_801 = arith.muli %scan3A_383, %mul3A_800 : i32
      %add3A_802 = arith.constant 6 : i32
      %add3A_803 = arith.addi %mul3A_801, %add3A_802 : i32
      %get3A_804 = arith.constant 0 : index
      %get3A_805 = arith.index_cast %add3A_803 : i32 to index
      %get3A_806 = arith.constant 0 : index
      %get3A_807 = memref.load %arg1[%get3A_804, %get3A_805, %get3A_806] : memref<1x40x5xf32, #tpu.memory_space<smem>>
      %mul3A_808 = arith.constant 5.200000e+01 : f32
      %mul3A_809 = arith.mulf %get3A_807, %mul3A_808 : f32
      %get3A_810 = arith.constant 0 : index
      %get3A_811 = arith.index_cast %add3A_803 : i32 to index
      %get3A_812 = arith.constant 1 : index
      %get3A_813 = memref.load %arg1[%get3A_810, %get3A_811, %get3A_812] : memref<1x40x5xf32, #tpu.memory_space<smem>>
      %mul3A_814 = arith.constant 5.200000e+01 : f32
      %mul3A_815 = arith.mulf %get3A_813, %mul3A_814 : f32
      %get3A_816 = arith.constant 0 : index
      %get3A_817 = arith.index_cast %add3A_803 : i32 to index
      %get3A_818 = arith.constant 2 : index
      %get3A_819 = memref.load %arg1[%get3A_816, %get3A_817, %get3A_818] : memref<1x40x5xf32, #tpu.memory_space<smem>>
      %mul3A_820 = arith.constant 5.200000e+01 : f32
      %mul3A_821 = arith.mulf %get3A_819, %mul3A_820 : f32
      %get3A_822 = arith.constant 0 : index
      %get3A_823 = arith.index_cast %add3A_803 : i32 to index
      %get3A_824 = arith.constant 3 : index
      %get3A_825 = memref.load %arg1[%get3A_822, %get3A_823, %get3A_824] : memref<1x40x5xf32, #tpu.memory_space<smem>>
      %mul3A_826 = arith.constant 5.200000e+01 : f32
      %mul3A_827 = arith.mulf %get3A_825, %mul3A_826 : f32
      %div3A_828 = arith.constant 2.000000e+00 : f32
      %div3A_829 = arith.divf %mul3A_821, %div3A_828 : f32
      %sub3A_830 = arith.subf %mul3A_809, %div3A_829 : f32
      %div3A_831 = arith.constant 2.000000e+00 : f32
      %div3A_832 = arith.divf %mul3A_827, %div3A_831 : f32
      %sub3A_833 = arith.subf %mul3A_815, %div3A_832 : f32
      %div3A_834 = arith.constant 2.000000e+00 : f32
      %div3A_835 = arith.divf %mul3A_821, %div3A_834 : f32
      %add3A_836 = arith.addf %mul3A_809, %div3A_835 : f32
      %div3A_837 = arith.constant 2.000000e+00 : f32
      %div3A_838 = arith.divf %mul3A_827, %div3A_837 : f32
      %add3A_839 = arith.addf %mul3A_815, %div3A_838 : f32
      %sub3A_840 = arith.subf %add3A_836, %sub3A_830 : f32
      %sub3A_841 = arith.subf %add3A_839, %sub3A_833 : f32
      %mul3A_842 = arith.mulf %sub3A_840, %sub3A_841 : f32
      %add3A_843 = arith.constant 9.99999996E-13 : f32
      %add3A_844 = arith.addf %mul3A_842, %add3A_843 : f32
      %max3A_845 = vector.broadcast %sub3A_830 : f32 to vector<52x52xf32>
      %max3A_846 = arith.maximumf %sub3A_177, %max3A_845 : vector<52x52xf32>
      %max3A_847 = vector.broadcast %sub3A_833 : f32 to vector<52x52xf32>
      %max3A_848 = arith.maximumf %sub3A_181, %max3A_847 : vector<52x52xf32>
      %min3A_849 = vector.broadcast %add3A_836 : f32 to vector<52x52xf32>
      %min3A_850 = arith.minimumf %add3A_185, %min3A_849 : vector<52x52xf32>
      %min3A_851 = vector.broadcast %add3A_839 : f32 to vector<52x52xf32>
      %min3A_852 = arith.minimumf %add3A_189, %min3A_851 : vector<52x52xf32>
      %sub3A_853 = arith.subf %min3A_850, %max3A_846 : vector<52x52xf32>
      %max3A_854 = arith.constant 0.000000e+00 : f32
      %max3A_855 = vector.broadcast %max3A_854 : f32 to vector<52x52xf32>
      %max3A_856 = arith.maximumf %sub3A_853, %max3A_855 : vector<52x52xf32>
      %sub3A_857 = arith.subf %min3A_852, %max3A_848 : vector<52x52xf32>
      %max3A_858 = arith.constant 0.000000e+00 : f32
      %max3A_859 = vector.broadcast %max3A_858 : f32 to vector<52x52xf32>
      %max3A_860 = arith.maximumf %sub3A_857, %max3A_859 : vector<52x52xf32>
      %mul3A_861 = arith.mulf %max3A_856, %max3A_860 : vector<52x52xf32>
      %add3A_862 = vector.broadcast %add3A_844 : f32 to vector<52x52xf32>
      %add3A_863 = arith.addf %mul3A_192, %add3A_862 : vector<52x52xf32>
      %mul3A_864 = vector.broadcast %scan3A_195 : f32 to vector<52x52xf32>
      %mul3A_865 = arith.mulf %mul3A_864, %add3A_863 : vector<52x52xf32>
      %ge3A_866 = arith.cmpf oge, %mul3A_861, %mul3A_865 : vector<52x52xf32>
      %gt3A_867 = arith.cmpf ogt, %mul3A_861, %mul3A_865 : vector<52x52xf32>
      %or3A_868 = arith.ori %or3A_798, %ge3A_866 : vector<52x52xi1>
      %or3A_869 = arith.ori %or3A_799, %gt3A_867 : vector<52x52xi1>
      %mul3A_870 = arith.constant 8 : i32
      %mul3A_871 = arith.muli %scan3A_383, %mul3A_870 : i32
      %add3A_872 = arith.constant 7 : i32
      %add3A_873 = arith.addi %mul3A_871, %add3A_872 : i32
      %get3A_874 = arith.constant 0 : index
      %get3A_875 = arith.index_cast %add3A_873 : i32 to index
      %get3A_876 = arith.constant 0 : index
      %get3A_877 = memref.load %arg1[%get3A_874, %get3A_875, %get3A_876] : memref<1x40x5xf32, #tpu.memory_space<smem>>
      %mul3A_878 = arith.constant 5.200000e+01 : f32
      %mul3A_879 = arith.mulf %get3A_877, %mul3A_878 : f32
      %get3A_880 = arith.constant 0 : index
      %get3A_881 = arith.index_cast %add3A_873 : i32 to index
      %get3A_882 = arith.constant 1 : index
      %get3A_883 = memref.load %arg1[%get3A_880, %get3A_881, %get3A_882] : memref<1x40x5xf32, #tpu.memory_space<smem>>
      %mul3A_884 = arith.constant 5.200000e+01 : f32
      %mul3A_885 = arith.mulf %get3A_883, %mul3A_884 : f32
      %get3A_886 = arith.constant 0 : index
      %get3A_887 = arith.index_cast %add3A_873 : i32 to index
      %get3A_888 = arith.constant 2 : index
      %get3A_889 = memref.load %arg1[%get3A_886, %get3A_887, %get3A_888] : memref<1x40x5xf32, #tpu.memory_space<smem>>
      %mul3A_890 = arith.constant 5.200000e+01 : f32
      %mul3A_891 = arith.mulf %get3A_889, %mul3A_890 : f32
      %get3A_892 = arith.constant 0 : index
      %get3A_893 = arith.index_cast %add3A_873 : i32 to index
      %get3A_894 = arith.constant 3 : index
      %get3A_895 = memref.load %arg1[%get3A_892, %get3A_893, %get3A_894] : memref<1x40x5xf32, #tpu.memory_space<smem>>
      %mul3A_896 = arith.constant 5.200000e+01 : f32
      %mul3A_897 = arith.mulf %get3A_895, %mul3A_896 : f32
      %div3A_898 = arith.constant 2.000000e+00 : f32
      %div3A_899 = arith.divf %mul3A_891, %div3A_898 : f32
      %sub3A_900 = arith.subf %mul3A_879, %div3A_899 : f32
      %div3A_901 = arith.constant 2.000000e+00 : f32
      %div3A_902 = arith.divf %mul3A_897, %div3A_901 : f32
      %sub3A_903 = arith.subf %mul3A_885, %div3A_902 : f32
      %div3A_904 = arith.constant 2.000000e+00 : f32
      %div3A_905 = arith.divf %mul3A_891, %div3A_904 : f32
      %add3A_906 = arith.addf %mul3A_879, %div3A_905 : f32
      %div3A_907 = arith.constant 2.000000e+00 : f32
      %div3A_908 = arith.divf %mul3A_897, %div3A_907 : f32
      %add3A_909 = arith.addf %mul3A_885, %div3A_908 : f32
      %sub3A_910 = arith.subf %add3A_906, %sub3A_900 : f32
      %sub3A_911 = arith.subf %add3A_909, %sub3A_903 : f32
      %mul3A_912 = arith.mulf %sub3A_910, %sub3A_911 : f32
      %add3A_913 = arith.constant 9.99999996E-13 : f32
      %add3A_914 = arith.addf %mul3A_912, %add3A_913 : f32
      %max3A_915 = vector.broadcast %sub3A_900 : f32 to vector<52x52xf32>
      %max3A_916 = arith.maximumf %sub3A_177, %max3A_915 : vector<52x52xf32>
      %max3A_917 = vector.broadcast %sub3A_903 : f32 to vector<52x52xf32>
      %max3A_918 = arith.maximumf %sub3A_181, %max3A_917 : vector<52x52xf32>
      %min3A_919 = vector.broadcast %add3A_906 : f32 to vector<52x52xf32>
      %min3A_920 = arith.minimumf %add3A_185, %min3A_919 : vector<52x52xf32>
      %min3A_921 = vector.broadcast %add3A_909 : f32 to vector<52x52xf32>
      %min3A_922 = arith.minimumf %add3A_189, %min3A_921 : vector<52x52xf32>
      %sub3A_923 = arith.subf %min3A_920, %max3A_916 : vector<52x52xf32>
      %max3A_924 = arith.constant 0.000000e+00 : f32
      %max3A_925 = vector.broadcast %max3A_924 : f32 to vector<52x52xf32>
      %max3A_926 = arith.maximumf %sub3A_923, %max3A_925 : vector<52x52xf32>
      %sub3A_927 = arith.subf %min3A_922, %max3A_918 : vector<52x52xf32>
      %max3A_928 = arith.constant 0.000000e+00 : f32
      %max3A_929 = vector.broadcast %max3A_928 : f32 to vector<52x52xf32>
      %max3A_930 = arith.maximumf %sub3A_927, %max3A_929 : vector<52x52xf32>
      %mul3A_931 = arith.mulf %max3A_926, %max3A_930 : vector<52x52xf32>
      %add3A_932 = vector.broadcast %add3A_914 : f32 to vector<52x52xf32>
      %add3A_933 = arith.addf %mul3A_192, %add3A_932 : vector<52x52xf32>
      %mul3A_934 = vector.broadcast %scan3A_195 : f32 to vector<52x52xf32>
      %mul3A_935 = arith.mulf %mul3A_934, %add3A_933 : vector<52x52xf32>
      %ge3A_936 = arith.cmpf oge, %mul3A_931, %mul3A_935 : vector<52x52xf32>
      %gt3A_937 = arith.cmpf ogt, %mul3A_931, %mul3A_935 : vector<52x52xf32>
      %or3A_938 = arith.ori %or3A_868, %ge3A_936 : vector<52x52xi1>
      %or3A_939 = arith.ori %or3A_869, %gt3A_937 : vector<52x52xi1>
      %jit3A_940 = arith.constant 1.000000e+00 : f32
      %broadcast_in_dim3A_941 = vector.broadcast %jit3A_940 : f32 to vector<52x52xf32>
      %select_n3A_942 = arith.select %or3A_938, %broadcast_in_dim3A_941, %scan3A_384 : vector<52x52xi1>, vector<52x52xf32>
      %jit3A_943 = arith.constant 1.000000e+00 : f32
      %broadcast_in_dim3A_944 = vector.broadcast %jit3A_943 : f32 to vector<52x52xf32>
      %select_n3A_945 = arith.select %or3A_939, %broadcast_in_dim3A_944, %scan3A_385 : vector<52x52xi1>, vector<52x52xf32>
      scf.yield %select_n3A_942, %select_n3A_945 : vector<52x52xf32>, vector<52x52xf32>
    }
    %scan3A_201 = arith.constant 5 : i32
    %logistic3A_202 = arith.negf %get3A_147 : vector<52x52xf32>
    %logistic3A_203 = math.exp %logistic3A_202 : vector<52x52xf32>
    %logistic3A_204 = arith.constant 1.000000e+00 : f32
    %logistic3A_205 = vector.broadcast %logistic3A_204 : f32 to vector<52x52xf32>
    %logistic3A_206 = arith.addf %logistic3A_205, %logistic3A_203 : vector<52x52xf32>
    %logistic3A_207 = arith.divf %logistic3A_205, %logistic3A_206 : vector<52x52xf32>
    %mul3A_208 = arith.mulf %logistic3A_207, %logistic3A_207 : vector<52x52xf32>
    %reduce_sum3A_209 = vector.shape_cast %mul3A_208 : vector<52x52xf32> to vector<1x52x52xf32>
    %reduce_sum3A_210 = arith.constant dense<0.000000e+00> : vector<1xf32>
    %reduce_sum3A_211 = vector.multi_reduction <add>, %reduce_sum3A_209, %reduce_sum3A_210 [1, 2] : vector<1x52x52xf32> to vector<1xf32>
    %reduce_sum3A_212 = vector.shape_cast %reduce_sum3A_211 : vector<1xf32> to vector<1x1x1xf32>
    %reduce_sum3A_213 = vector.extract %reduce_sum3A_212[0, 0, 0] : f32 from vector<1x1x1xf32>
    %gt3A_214 = arith.constant 0.000000e+00 : f32
    %gt3A_215 = vector.broadcast %gt3A_214 : f32 to vector<52x52xf32>
    %gt3A_216 = arith.cmpf ogt, %scan3A_200#0, %gt3A_215 : vector<52x52xf32>
    %jit3A_217 = arith.constant 0.000000e+00 : f32
    %broadcast_in_dim3A_218 = vector.broadcast %jit3A_217 : f32 to vector<52x52xf32>
    %select_n3A_219 = arith.select %gt3A_216, %broadcast_in_dim3A_218, %mul3A_208 : vector<52x52xi1>, vector<52x52xf32>
    %reduce_sum3A_220 = vector.shape_cast %select_n3A_219 : vector<52x52xf32> to vector<1x52x52xf32>
    %reduce_sum3A_221 = arith.constant dense<0.000000e+00> : vector<1xf32>
    %reduce_sum3A_222 = vector.multi_reduction <add>, %reduce_sum3A_220, %reduce_sum3A_221 [1, 2] : vector<1x52x52xf32> to vector<1xf32>
    %reduce_sum3A_223 = vector.shape_cast %reduce_sum3A_222 : vector<1xf32> to vector<1x1x1xf32>
    %reduce_sum3A_224 = vector.extract %reduce_sum3A_223[0, 0, 0] : f32 from vector<1x1x1xf32>
    %reduce_sum3A_225 = vector.shape_cast %scan3A_200#1 : vector<52x52xf32> to vector<1x52x52xf32>
    %reduce_sum3A_226 = arith.constant dense<0.000000e+00> : vector<1xf32>
    %reduce_sum3A_227 = vector.multi_reduction <add>, %reduce_sum3A_225, %reduce_sum3A_226 [1, 2] : vector<1x52x52xf32> to vector<1xf32>
    %reduce_sum3A_228 = vector.shape_cast %reduce_sum3A_227 : vector<1xf32> to vector<1x1x1xf32>
    %reduce_sum3A_229 = vector.extract %reduce_sum3A_228[0, 0, 0] : f32 from vector<1x1x1xf32>
    %iota3A_230 = tpu.iota {dimensions = array<i32: 1>} : vector<1x128xi32>
    %eq3A_231 = arith.constant 0 : i32
    %eq3A_232 = vector.broadcast %eq3A_231 : i32 to vector<1x128xi32>
    %eq3A_233 = arith.cmpi eq, %iota3A_230, %eq3A_232 : vector<1x128xi32>
    %eq3A_234 = arith.constant 1 : i32
    %eq3A_235 = vector.broadcast %eq3A_234 : i32 to vector<1x128xi32>
    %eq3A_236 = arith.cmpi eq, %iota3A_230, %eq3A_235 : vector<1x128xi32>
    %eq3A_237 = arith.constant 2 : i32
    %eq3A_238 = vector.broadcast %eq3A_237 : i32 to vector<1x128xi32>
    %eq3A_239 = arith.cmpi eq, %iota3A_230, %eq3A_238 : vector<1x128xi32>
    %jit3A_240 = arith.constant 0.000000e+00 : f32
    %broadcast_in_dim3A_241 = vector.broadcast %reduce_sum3A_229 : f32 to vector<1x128xf32>
    %broadcast_in_dim3A_242 = vector.broadcast %jit3A_240 : f32 to vector<1x128xf32>
    %select_n3A_243 = arith.select %eq3A_239, %broadcast_in_dim3A_241, %broadcast_in_dim3A_242 : vector<1x128xi1>, vector<1x128xf32>
    %broadcast_in_dim3A_244 = vector.broadcast %reduce_sum3A_224 : f32 to vector<1x128xf32>
    %select_n3A_245 = arith.select %eq3A_236, %broadcast_in_dim3A_244, %select_n3A_243 : vector<1x128xi1>, vector<1x128xf32>
    %broadcast_in_dim3A_246 = vector.broadcast %reduce_sum3A_213 : f32 to vector<1x128xf32>
    %select_n3A_247 = arith.select %eq3A_233, %broadcast_in_dim3A_246, %select_n3A_245 : vector<1x128xi1>, vector<1x128xf32>
    %get3A_248 = arith.constant 0 : index
    %get3A_249 = arith.constant 0 : index
    %get3A_250 = arith.constant 0 : index
    %get3A_251 = arith.constant 0 : index
    %get3A_252 = vector.load %arg13[%get3A_248, %get3A_249, %get3A_250, %get3A_251] : memref<1x1x52x52xf32, #tpu.memory_space<vmem>>, vector<1x1x52x52xf32>
    %get3A_253 = vector.shape_cast %get3A_252 : vector<1x1x52x52xf32> to vector<52x52xf32>
    %get3A_254 = arith.constant 0 : index
    %get3A_255 = arith.constant 0 : index
    %get3A_256 = arith.constant 0 : index
    %get3A_257 = arith.constant 0 : index
    %get3A_258 = vector.load %arg14[%get3A_254, %get3A_255, %get3A_256, %get3A_257] : memref<1x1x52x52xf32, #tpu.memory_space<vmem>>, vector<1x1x52x52xf32>
    %get3A_259 = vector.shape_cast %get3A_258 : vector<1x1x52x52xf32> to vector<52x52xf32>
    %get3A_260 = arith.constant 0 : index
    %get3A_261 = arith.constant 0 : index
    %get3A_262 = arith.constant 0 : index
    %get3A_263 = arith.constant 0 : index
    %get3A_264 = vector.load %arg15[%get3A_260, %get3A_261, %get3A_262, %get3A_263] : memref<1x1x52x52xf32, #tpu.memory_space<vmem>>, vector<1x1x52x52xf32>
    %get3A_265 = vector.shape_cast %get3A_264 : vector<1x1x52x52xf32> to vector<52x52xf32>
    %get3A_266 = arith.constant 0 : index
    %get3A_267 = arith.constant 0 : index
    %get3A_268 = arith.constant 0 : index
    %get3A_269 = arith.constant 0 : index
    %get3A_270 = vector.load %arg16[%get3A_266, %get3A_267, %get3A_268, %get3A_269] : memref<1x1x52x52xf32, #tpu.memory_space<vmem>>, vector<1x1x52x52xf32>
    %get3A_271 = vector.shape_cast %get3A_270 : vector<1x1x52x52xf32> to vector<52x52xf32>
    %get3A_272 = arith.constant 0 : index
    %get3A_273 = arith.constant 0 : index
    %get3A_274 = arith.constant 0 : index
    %get3A_275 = arith.constant 0 : index
    %get3A_276 = vector.load %arg17[%get3A_272, %get3A_273, %get3A_274, %get3A_275] : memref<1x1x52x52xf32, #tpu.memory_space<vmem>>, vector<1x1x52x52xf32>
    %get3A_277 = vector.shape_cast %get3A_276 : vector<1x1x52x52xf32> to vector<52x52xf32>
    %get3A_278 = arith.constant 2 : index
    %get3A_279 = arith.constant 0 : index
    %get3A_280 = memref.load %arg2[%get3A_278, %get3A_279] : memref<3x2xf32, #tpu.memory_space<smem>>
    %get3A_281 = arith.constant 2 : index
    %get3A_282 = arith.constant 1 : index
    %get3A_283 = memref.load %arg2[%get3A_281, %get3A_282] : memref<3x2xf32, #tpu.memory_space<smem>>
    %logistic3A_284 = arith.negf %get3A_253 : vector<52x52xf32>
    %logistic3A_285 = math.exp %logistic3A_284 : vector<52x52xf32>
    %logistic3A_286 = arith.constant 1.000000e+00 : f32
    %logistic3A_287 = vector.broadcast %logistic3A_286 : f32 to vector<52x52xf32>
    %logistic3A_288 = arith.addf %logistic3A_287, %logistic3A_285 : vector<52x52xf32>
    %logistic3A_289 = arith.divf %logistic3A_287, %logistic3A_288 : vector<52x52xf32>
    %add3A_290 = arith.addf %logistic3A_289, %convert_element_type3A_1 : vector<52x52xf32>
    %logistic3A_291 = arith.negf %get3A_259 : vector<52x52xf32>
    %logistic3A_292 = math.exp %logistic3A_291 : vector<52x52xf32>
    %logistic3A_293 = arith.constant 1.000000e+00 : f32
    %logistic3A_294 = vector.broadcast %logistic3A_293 : f32 to vector<52x52xf32>
    %logistic3A_295 = arith.addf %logistic3A_294, %logistic3A_292 : vector<52x52xf32>
    %logistic3A_296 = arith.divf %logistic3A_294, %logistic3A_295 : vector<52x52xf32>
    %add3A_297 = arith.addf %logistic3A_296, %convert_element_type3A : vector<52x52xf32>
    %exp3A_298 = math.exp %get3A_265 : vector<52x52xf32>
    %mul3A_299 = vector.broadcast %get3A_280 : f32 to vector<52x52xf32>
    %mul3A_300 = arith.mulf %exp3A_298, %mul3A_299 : vector<52x52xf32>
    %exp3A_301 = math.exp %get3A_271 : vector<52x52xf32>
    %mul3A_302 = vector.broadcast %get3A_283 : f32 to vector<52x52xf32>
    %mul3A_303 = arith.mulf %exp3A_301, %mul3A_302 : vector<52x52xf32>
    %div3A_304 = arith.constant 2.000000e+00 : f32
    %div3A_305 = vector.broadcast %div3A_304 : f32 to vector<52x52xf32>
    %div3A_306 = arith.divf %mul3A_300, %div3A_305 : vector<52x52xf32>
    %sub3A_307 = arith.subf %add3A_290, %div3A_306 : vector<52x52xf32>
    %div3A_308 = arith.constant 2.000000e+00 : f32
    %div3A_309 = vector.broadcast %div3A_308 : f32 to vector<52x52xf32>
    %div3A_310 = arith.divf %mul3A_303, %div3A_309 : vector<52x52xf32>
    %sub3A_311 = arith.subf %add3A_297, %div3A_310 : vector<52x52xf32>
    %div3A_312 = arith.constant 2.000000e+00 : f32
    %div3A_313 = vector.broadcast %div3A_312 : f32 to vector<52x52xf32>
    %div3A_314 = arith.divf %mul3A_300, %div3A_313 : vector<52x52xf32>
    %add3A_315 = arith.addf %add3A_290, %div3A_314 : vector<52x52xf32>
    %div3A_316 = arith.constant 2.000000e+00 : f32
    %div3A_317 = vector.broadcast %div3A_316 : f32 to vector<52x52xf32>
    %div3A_318 = arith.divf %mul3A_303, %div3A_317 : vector<52x52xf32>
    %add3A_319 = arith.addf %add3A_297, %div3A_318 : vector<52x52xf32>
    %sub3A_320 = arith.subf %add3A_315, %sub3A_307 : vector<52x52xf32>
    %sub3A_321 = arith.subf %add3A_319, %sub3A_311 : vector<52x52xf32>
    %mul3A_322 = arith.mulf %sub3A_320, %sub3A_321 : vector<52x52xf32>
    %broadcast_in_dim3A_323 = arith.constant 0.000000e+00 : f32
    %broadcast_in_dim3A_324 = vector.broadcast %broadcast_in_dim3A_323 : f32 to vector<52x52xf32>
    %scan3A_325 = arith.constant 0.411764711 : f32
    %scan3A_326 = arith.constant 0 : i32
    %scan3A_327 = arith.constant 5 : i32
    %scan3A_328 = arith.addi %scan3A_326, %scan3A_327 : i32
    %scan3A_329 = arith.constant 1 : i32
    %scan3A_330:2 = scf.for %scan3A_383 = %scan3A_326 to %scan3A_328 step %scan3A_329 iter_args(%scan3A_384 = %broadcast_in_dim3A_324, %scan3A_385 = %broadcast_in_dim3A_324) -> (vector<52x52xf32>, vector<52x52xf32>)  : i32 {
      %mul3A_386 = arith.constant 8 : i32
      %mul3A_387 = arith.muli %scan3A_383, %mul3A_386 : i32
      %add3A_388 = arith.constant 0 : i32
      %add3A_389 = arith.addi %mul3A_387, %add3A_388 : i32
      %get3A_390 = arith.constant 0 : index
      %get3A_391 = arith.index_cast %add3A_389 : i32 to index
      %get3A_392 = arith.constant 0 : index
      %get3A_393 = memref.load %arg1[%get3A_390, %get3A_391, %get3A_392] : memref<1x40x5xf32, #tpu.memory_space<smem>>
      %mul3A_394 = arith.constant 5.200000e+01 : f32
      %mul3A_395 = arith.mulf %get3A_393, %mul3A_394 : f32
      %get3A_396 = arith.constant 0 : index
      %get3A_397 = arith.index_cast %add3A_389 : i32 to index
      %get3A_398 = arith.constant 1 : index
      %get3A_399 = memref.load %arg1[%get3A_396, %get3A_397, %get3A_398] : memref<1x40x5xf32, #tpu.memory_space<smem>>
      %mul3A_400 = arith.constant 5.200000e+01 : f32
      %mul3A_401 = arith.mulf %get3A_399, %mul3A_400 : f32
      %get3A_402 = arith.constant 0 : index
      %get3A_403 = arith.index_cast %add3A_389 : i32 to index
      %get3A_404 = arith.constant 2 : index
      %get3A_405 = memref.load %arg1[%get3A_402, %get3A_403, %get3A_404] : memref<1x40x5xf32, #tpu.memory_space<smem>>
      %mul3A_406 = arith.constant 5.200000e+01 : f32
      %mul3A_407 = arith.mulf %get3A_405, %mul3A_406 : f32
      %get3A_408 = arith.constant 0 : index
      %get3A_409 = arith.index_cast %add3A_389 : i32 to index
      %get3A_410 = arith.constant 3 : index
      %get3A_411 = memref.load %arg1[%get3A_408, %get3A_409, %get3A_410] : memref<1x40x5xf32, #tpu.memory_space<smem>>
      %mul3A_412 = arith.constant 5.200000e+01 : f32
      %mul3A_413 = arith.mulf %get3A_411, %mul3A_412 : f32
      %div3A_414 = arith.constant 2.000000e+00 : f32
      %div3A_415 = arith.divf %mul3A_407, %div3A_414 : f32
      %sub3A_416 = arith.subf %mul3A_395, %div3A_415 : f32
      %div3A_417 = arith.constant 2.000000e+00 : f32
      %div3A_418 = arith.divf %mul3A_413, %div3A_417 : f32
      %sub3A_419 = arith.subf %mul3A_401, %div3A_418 : f32
      %div3A_420 = arith.constant 2.000000e+00 : f32
      %div3A_421 = arith.divf %mul3A_407, %div3A_420 : f32
      %add3A_422 = arith.addf %mul3A_395, %div3A_421 : f32
      %div3A_423 = arith.constant 2.000000e+00 : f32
      %div3A_424 = arith.divf %mul3A_413, %div3A_423 : f32
      %add3A_425 = arith.addf %mul3A_401, %div3A_424 : f32
      %sub3A_426 = arith.subf %add3A_422, %sub3A_416 : f32
      %sub3A_427 = arith.subf %add3A_425, %sub3A_419 : f32
      %mul3A_428 = arith.mulf %sub3A_426, %sub3A_427 : f32
      %add3A_429 = arith.constant 9.99999996E-13 : f32
      %add3A_430 = arith.addf %mul3A_428, %add3A_429 : f32
      %max3A = vector.broadcast %sub3A_416 : f32 to vector<52x52xf32>
      %max3A_431 = arith.maximumf %sub3A_307, %max3A : vector<52x52xf32>
      %max3A_432 = vector.broadcast %sub3A_419 : f32 to vector<52x52xf32>
      %max3A_433 = arith.maximumf %sub3A_311, %max3A_432 : vector<52x52xf32>
      %min3A = vector.broadcast %add3A_422 : f32 to vector<52x52xf32>
      %min3A_434 = arith.minimumf %add3A_315, %min3A : vector<52x52xf32>
      %min3A_435 = vector.broadcast %add3A_425 : f32 to vector<52x52xf32>
      %min3A_436 = arith.minimumf %add3A_319, %min3A_435 : vector<52x52xf32>
      %sub3A_437 = arith.subf %min3A_434, %max3A_431 : vector<52x52xf32>
      %max3A_438 = arith.constant 0.000000e+00 : f32
      %max3A_439 = vector.broadcast %max3A_438 : f32 to vector<52x52xf32>
      %max3A_440 = arith.maximumf %sub3A_437, %max3A_439 : vector<52x52xf32>
      %sub3A_441 = arith.subf %min3A_436, %max3A_433 : vector<52x52xf32>
      %max3A_442 = arith.constant 0.000000e+00 : f32
      %max3A_443 = vector.broadcast %max3A_442 : f32 to vector<52x52xf32>
      %max3A_444 = arith.maximumf %sub3A_441, %max3A_443 : vector<52x52xf32>
      %mul3A_445 = arith.mulf %max3A_440, %max3A_444 : vector<52x52xf32>
      %add3A_446 = vector.broadcast %add3A_430 : f32 to vector<52x52xf32>
      %add3A_447 = arith.addf %mul3A_322, %add3A_446 : vector<52x52xf32>
      %mul3A_448 = vector.broadcast %scan3A_325 : f32 to vector<52x52xf32>
      %mul3A_449 = arith.mulf %mul3A_448, %add3A_447 : vector<52x52xf32>
      %ge3A = arith.cmpf oge, %mul3A_445, %mul3A_449 : vector<52x52xf32>
      %gt3A_450 = arith.cmpf ogt, %mul3A_445, %mul3A_449 : vector<52x52xf32>
      %mul3A_451 = arith.constant 8 : i32
      %mul3A_452 = arith.muli %scan3A_383, %mul3A_451 : i32
      %add3A_453 = arith.constant 1 : i32
      %add3A_454 = arith.addi %mul3A_452, %add3A_453 : i32
      %get3A_455 = arith.constant 0 : index
      %get3A_456 = arith.index_cast %add3A_454 : i32 to index
      %get3A_457 = arith.constant 0 : index
      %get3A_458 = memref.load %arg1[%get3A_455, %get3A_456, %get3A_457] : memref<1x40x5xf32, #tpu.memory_space<smem>>
      %mul3A_459 = arith.constant 5.200000e+01 : f32
      %mul3A_460 = arith.mulf %get3A_458, %mul3A_459 : f32
      %get3A_461 = arith.constant 0 : index
      %get3A_462 = arith.index_cast %add3A_454 : i32 to index
      %get3A_463 = arith.constant 1 : index
      %get3A_464 = memref.load %arg1[%get3A_461, %get3A_462, %get3A_463] : memref<1x40x5xf32, #tpu.memory_space<smem>>
      %mul3A_465 = arith.constant 5.200000e+01 : f32
      %mul3A_466 = arith.mulf %get3A_464, %mul3A_465 : f32
      %get3A_467 = arith.constant 0 : index
      %get3A_468 = arith.index_cast %add3A_454 : i32 to index
      %get3A_469 = arith.constant 2 : index
      %get3A_470 = memref.load %arg1[%get3A_467, %get3A_468, %get3A_469] : memref<1x40x5xf32, #tpu.memory_space<smem>>
      %mul3A_471 = arith.constant 5.200000e+01 : f32
      %mul3A_472 = arith.mulf %get3A_470, %mul3A_471 : f32
      %get3A_473 = arith.constant 0 : index
      %get3A_474 = arith.index_cast %add3A_454 : i32 to index
      %get3A_475 = arith.constant 3 : index
      %get3A_476 = memref.load %arg1[%get3A_473, %get3A_474, %get3A_475] : memref<1x40x5xf32, #tpu.memory_space<smem>>
      %mul3A_477 = arith.constant 5.200000e+01 : f32
      %mul3A_478 = arith.mulf %get3A_476, %mul3A_477 : f32
      %div3A_479 = arith.constant 2.000000e+00 : f32
      %div3A_480 = arith.divf %mul3A_472, %div3A_479 : f32
      %sub3A_481 = arith.subf %mul3A_460, %div3A_480 : f32
      %div3A_482 = arith.constant 2.000000e+00 : f32
      %div3A_483 = arith.divf %mul3A_478, %div3A_482 : f32
      %sub3A_484 = arith.subf %mul3A_466, %div3A_483 : f32
      %div3A_485 = arith.constant 2.000000e+00 : f32
      %div3A_486 = arith.divf %mul3A_472, %div3A_485 : f32
      %add3A_487 = arith.addf %mul3A_460, %div3A_486 : f32
      %div3A_488 = arith.constant 2.000000e+00 : f32
      %div3A_489 = arith.divf %mul3A_478, %div3A_488 : f32
      %add3A_490 = arith.addf %mul3A_466, %div3A_489 : f32
      %sub3A_491 = arith.subf %add3A_487, %sub3A_481 : f32
      %sub3A_492 = arith.subf %add3A_490, %sub3A_484 : f32
      %mul3A_493 = arith.mulf %sub3A_491, %sub3A_492 : f32
      %add3A_494 = arith.constant 9.99999996E-13 : f32
      %add3A_495 = arith.addf %mul3A_493, %add3A_494 : f32
      %max3A_496 = vector.broadcast %sub3A_481 : f32 to vector<52x52xf32>
      %max3A_497 = arith.maximumf %sub3A_307, %max3A_496 : vector<52x52xf32>
      %max3A_498 = vector.broadcast %sub3A_484 : f32 to vector<52x52xf32>
      %max3A_499 = arith.maximumf %sub3A_311, %max3A_498 : vector<52x52xf32>
      %min3A_500 = vector.broadcast %add3A_487 : f32 to vector<52x52xf32>
      %min3A_501 = arith.minimumf %add3A_315, %min3A_500 : vector<52x52xf32>
      %min3A_502 = vector.broadcast %add3A_490 : f32 to vector<52x52xf32>
      %min3A_503 = arith.minimumf %add3A_319, %min3A_502 : vector<52x52xf32>
      %sub3A_504 = arith.subf %min3A_501, %max3A_497 : vector<52x52xf32>
      %max3A_505 = arith.constant 0.000000e+00 : f32
      %max3A_506 = vector.broadcast %max3A_505 : f32 to vector<52x52xf32>
      %max3A_507 = arith.maximumf %sub3A_504, %max3A_506 : vector<52x52xf32>
      %sub3A_508 = arith.subf %min3A_503, %max3A_499 : vector<52x52xf32>
      %max3A_509 = arith.constant 0.000000e+00 : f32
      %max3A_510 = vector.broadcast %max3A_509 : f32 to vector<52x52xf32>
      %max3A_511 = arith.maximumf %sub3A_508, %max3A_510 : vector<52x52xf32>
      %mul3A_512 = arith.mulf %max3A_507, %max3A_511 : vector<52x52xf32>
      %add3A_513 = vector.broadcast %add3A_495 : f32 to vector<52x52xf32>
      %add3A_514 = arith.addf %mul3A_322, %add3A_513 : vector<52x52xf32>
      %mul3A_515 = vector.broadcast %scan3A_325 : f32 to vector<52x52xf32>
      %mul3A_516 = arith.mulf %mul3A_515, %add3A_514 : vector<52x52xf32>
      %ge3A_517 = arith.cmpf oge, %mul3A_512, %mul3A_516 : vector<52x52xf32>
      %gt3A_518 = arith.cmpf ogt, %mul3A_512, %mul3A_516 : vector<52x52xf32>
      %or3A = arith.ori %ge3A, %ge3A_517 : vector<52x52xi1>
      %or3A_519 = arith.ori %gt3A_450, %gt3A_518 : vector<52x52xi1>
      %mul3A_520 = arith.constant 8 : i32
      %mul3A_521 = arith.muli %scan3A_383, %mul3A_520 : i32
      %add3A_522 = arith.constant 2 : i32
      %add3A_523 = arith.addi %mul3A_521, %add3A_522 : i32
      %get3A_524 = arith.constant 0 : index
      %get3A_525 = arith.index_cast %add3A_523 : i32 to index
      %get3A_526 = arith.constant 0 : index
      %get3A_527 = memref.load %arg1[%get3A_524, %get3A_525, %get3A_526] : memref<1x40x5xf32, #tpu.memory_space<smem>>
      %mul3A_528 = arith.constant 5.200000e+01 : f32
      %mul3A_529 = arith.mulf %get3A_527, %mul3A_528 : f32
      %get3A_530 = arith.constant 0 : index
      %get3A_531 = arith.index_cast %add3A_523 : i32 to index
      %get3A_532 = arith.constant 1 : index
      %get3A_533 = memref.load %arg1[%get3A_530, %get3A_531, %get3A_532] : memref<1x40x5xf32, #tpu.memory_space<smem>>
      %mul3A_534 = arith.constant 5.200000e+01 : f32
      %mul3A_535 = arith.mulf %get3A_533, %mul3A_534 : f32
      %get3A_536 = arith.constant 0 : index
      %get3A_537 = arith.index_cast %add3A_523 : i32 to index
      %get3A_538 = arith.constant 2 : index
      %get3A_539 = memref.load %arg1[%get3A_536, %get3A_537, %get3A_538] : memref<1x40x5xf32, #tpu.memory_space<smem>>
      %mul3A_540 = arith.constant 5.200000e+01 : f32
      %mul3A_541 = arith.mulf %get3A_539, %mul3A_540 : f32
      %get3A_542 = arith.constant 0 : index
      %get3A_543 = arith.index_cast %add3A_523 : i32 to index
      %get3A_544 = arith.constant 3 : index
      %get3A_545 = memref.load %arg1[%get3A_542, %get3A_543, %get3A_544] : memref<1x40x5xf32, #tpu.memory_space<smem>>
      %mul3A_546 = arith.constant 5.200000e+01 : f32
      %mul3A_547 = arith.mulf %get3A_545, %mul3A_546 : f32
      %div3A_548 = arith.constant 2.000000e+00 : f32
      %div3A_549 = arith.divf %mul3A_541, %div3A_548 : f32
      %sub3A_550 = arith.subf %mul3A_529, %div3A_549 : f32
      %div3A_551 = arith.constant 2.000000e+00 : f32
      %div3A_552 = arith.divf %mul3A_547, %div3A_551 : f32
      %sub3A_553 = arith.subf %mul3A_535, %div3A_552 : f32
      %div3A_554 = arith.constant 2.000000e+00 : f32
      %div3A_555 = arith.divf %mul3A_541, %div3A_554 : f32
      %add3A_556 = arith.addf %mul3A_529, %div3A_555 : f32
      %div3A_557 = arith.constant 2.000000e+00 : f32
      %div3A_558 = arith.divf %mul3A_547, %div3A_557 : f32
      %add3A_559 = arith.addf %mul3A_535, %div3A_558 : f32
      %sub3A_560 = arith.subf %add3A_556, %sub3A_550 : f32
      %sub3A_561 = arith.subf %add3A_559, %sub3A_553 : f32
      %mul3A_562 = arith.mulf %sub3A_560, %sub3A_561 : f32
      %add3A_563 = arith.constant 9.99999996E-13 : f32
      %add3A_564 = arith.addf %mul3A_562, %add3A_563 : f32
      %max3A_565 = vector.broadcast %sub3A_550 : f32 to vector<52x52xf32>
      %max3A_566 = arith.maximumf %sub3A_307, %max3A_565 : vector<52x52xf32>
      %max3A_567 = vector.broadcast %sub3A_553 : f32 to vector<52x52xf32>
      %max3A_568 = arith.maximumf %sub3A_311, %max3A_567 : vector<52x52xf32>
      %min3A_569 = vector.broadcast %add3A_556 : f32 to vector<52x52xf32>
      %min3A_570 = arith.minimumf %add3A_315, %min3A_569 : vector<52x52xf32>
      %min3A_571 = vector.broadcast %add3A_559 : f32 to vector<52x52xf32>
      %min3A_572 = arith.minimumf %add3A_319, %min3A_571 : vector<52x52xf32>
      %sub3A_573 = arith.subf %min3A_570, %max3A_566 : vector<52x52xf32>
      %max3A_574 = arith.constant 0.000000e+00 : f32
      %max3A_575 = vector.broadcast %max3A_574 : f32 to vector<52x52xf32>
      %max3A_576 = arith.maximumf %sub3A_573, %max3A_575 : vector<52x52xf32>
      %sub3A_577 = arith.subf %min3A_572, %max3A_568 : vector<52x52xf32>
      %max3A_578 = arith.constant 0.000000e+00 : f32
      %max3A_579 = vector.broadcast %max3A_578 : f32 to vector<52x52xf32>
      %max3A_580 = arith.maximumf %sub3A_577, %max3A_579 : vector<52x52xf32>
      %mul3A_581 = arith.mulf %max3A_576, %max3A_580 : vector<52x52xf32>
      %add3A_582 = vector.broadcast %add3A_564 : f32 to vector<52x52xf32>
      %add3A_583 = arith.addf %mul3A_322, %add3A_582 : vector<52x52xf32>
      %mul3A_584 = vector.broadcast %scan3A_325 : f32 to vector<52x52xf32>
      %mul3A_585 = arith.mulf %mul3A_584, %add3A_583 : vector<52x52xf32>
      %ge3A_586 = arith.cmpf oge, %mul3A_581, %mul3A_585 : vector<52x52xf32>
      %gt3A_587 = arith.cmpf ogt, %mul3A_581, %mul3A_585 : vector<52x52xf32>
      %or3A_588 = arith.ori %or3A, %ge3A_586 : vector<52x52xi1>
      %or3A_589 = arith.ori %or3A_519, %gt3A_587 : vector<52x52xi1>
      %mul3A_590 = arith.constant 8 : i32
      %mul3A_591 = arith.muli %scan3A_383, %mul3A_590 : i32
      %add3A_592 = arith.constant 3 : i32
      %add3A_593 = arith.addi %mul3A_591, %add3A_592 : i32
      %get3A_594 = arith.constant 0 : index
      %get3A_595 = arith.index_cast %add3A_593 : i32 to index
      %get3A_596 = arith.constant 0 : index
      %get3A_597 = memref.load %arg1[%get3A_594, %get3A_595, %get3A_596] : memref<1x40x5xf32, #tpu.memory_space<smem>>
      %mul3A_598 = arith.constant 5.200000e+01 : f32
      %mul3A_599 = arith.mulf %get3A_597, %mul3A_598 : f32
      %get3A_600 = arith.constant 0 : index
      %get3A_601 = arith.index_cast %add3A_593 : i32 to index
      %get3A_602 = arith.constant 1 : index
      %get3A_603 = memref.load %arg1[%get3A_600, %get3A_601, %get3A_602] : memref<1x40x5xf32, #tpu.memory_space<smem>>
      %mul3A_604 = arith.constant 5.200000e+01 : f32
      %mul3A_605 = arith.mulf %get3A_603, %mul3A_604 : f32
      %get3A_606 = arith.constant 0 : index
      %get3A_607 = arith.index_cast %add3A_593 : i32 to index
      %get3A_608 = arith.constant 2 : index
      %get3A_609 = memref.load %arg1[%get3A_606, %get3A_607, %get3A_608] : memref<1x40x5xf32, #tpu.memory_space<smem>>
      %mul3A_610 = arith.constant 5.200000e+01 : f32
      %mul3A_611 = arith.mulf %get3A_609, %mul3A_610 : f32
      %get3A_612 = arith.constant 0 : index
      %get3A_613 = arith.index_cast %add3A_593 : i32 to index
      %get3A_614 = arith.constant 3 : index
      %get3A_615 = memref.load %arg1[%get3A_612, %get3A_613, %get3A_614] : memref<1x40x5xf32, #tpu.memory_space<smem>>
      %mul3A_616 = arith.constant 5.200000e+01 : f32
      %mul3A_617 = arith.mulf %get3A_615, %mul3A_616 : f32
      %div3A_618 = arith.constant 2.000000e+00 : f32
      %div3A_619 = arith.divf %mul3A_611, %div3A_618 : f32
      %sub3A_620 = arith.subf %mul3A_599, %div3A_619 : f32
      %div3A_621 = arith.constant 2.000000e+00 : f32
      %div3A_622 = arith.divf %mul3A_617, %div3A_621 : f32
      %sub3A_623 = arith.subf %mul3A_605, %div3A_622 : f32
      %div3A_624 = arith.constant 2.000000e+00 : f32
      %div3A_625 = arith.divf %mul3A_611, %div3A_624 : f32
      %add3A_626 = arith.addf %mul3A_599, %div3A_625 : f32
      %div3A_627 = arith.constant 2.000000e+00 : f32
      %div3A_628 = arith.divf %mul3A_617, %div3A_627 : f32
      %add3A_629 = arith.addf %mul3A_605, %div3A_628 : f32
      %sub3A_630 = arith.subf %add3A_626, %sub3A_620 : f32
      %sub3A_631 = arith.subf %add3A_629, %sub3A_623 : f32
      %mul3A_632 = arith.mulf %sub3A_630, %sub3A_631 : f32
      %add3A_633 = arith.constant 9.99999996E-13 : f32
      %add3A_634 = arith.addf %mul3A_632, %add3A_633 : f32
      %max3A_635 = vector.broadcast %sub3A_620 : f32 to vector<52x52xf32>
      %max3A_636 = arith.maximumf %sub3A_307, %max3A_635 : vector<52x52xf32>
      %max3A_637 = vector.broadcast %sub3A_623 : f32 to vector<52x52xf32>
      %max3A_638 = arith.maximumf %sub3A_311, %max3A_637 : vector<52x52xf32>
      %min3A_639 = vector.broadcast %add3A_626 : f32 to vector<52x52xf32>
      %min3A_640 = arith.minimumf %add3A_315, %min3A_639 : vector<52x52xf32>
      %min3A_641 = vector.broadcast %add3A_629 : f32 to vector<52x52xf32>
      %min3A_642 = arith.minimumf %add3A_319, %min3A_641 : vector<52x52xf32>
      %sub3A_643 = arith.subf %min3A_640, %max3A_636 : vector<52x52xf32>
      %max3A_644 = arith.constant 0.000000e+00 : f32
      %max3A_645 = vector.broadcast %max3A_644 : f32 to vector<52x52xf32>
      %max3A_646 = arith.maximumf %sub3A_643, %max3A_645 : vector<52x52xf32>
      %sub3A_647 = arith.subf %min3A_642, %max3A_638 : vector<52x52xf32>
      %max3A_648 = arith.constant 0.000000e+00 : f32
      %max3A_649 = vector.broadcast %max3A_648 : f32 to vector<52x52xf32>
      %max3A_650 = arith.maximumf %sub3A_647, %max3A_649 : vector<52x52xf32>
      %mul3A_651 = arith.mulf %max3A_646, %max3A_650 : vector<52x52xf32>
      %add3A_652 = vector.broadcast %add3A_634 : f32 to vector<52x52xf32>
      %add3A_653 = arith.addf %mul3A_322, %add3A_652 : vector<52x52xf32>
      %mul3A_654 = vector.broadcast %scan3A_325 : f32 to vector<52x52xf32>
      %mul3A_655 = arith.mulf %mul3A_654, %add3A_653 : vector<52x52xf32>
      %ge3A_656 = arith.cmpf oge, %mul3A_651, %mul3A_655 : vector<52x52xf32>
      %gt3A_657 = arith.cmpf ogt, %mul3A_651, %mul3A_655 : vector<52x52xf32>
      %or3A_658 = arith.ori %or3A_588, %ge3A_656 : vector<52x52xi1>
      %or3A_659 = arith.ori %or3A_589, %gt3A_657 : vector<52x52xi1>
      %mul3A_660 = arith.constant 8 : i32
      %mul3A_661 = arith.muli %scan3A_383, %mul3A_660 : i32
      %add3A_662 = arith.constant 4 : i32
      %add3A_663 = arith.addi %mul3A_661, %add3A_662 : i32
      %get3A_664 = arith.constant 0 : index
      %get3A_665 = arith.index_cast %add3A_663 : i32 to index
      %get3A_666 = arith.constant 0 : index
      %get3A_667 = memref.load %arg1[%get3A_664, %get3A_665, %get3A_666] : memref<1x40x5xf32, #tpu.memory_space<smem>>
      %mul3A_668 = arith.constant 5.200000e+01 : f32
      %mul3A_669 = arith.mulf %get3A_667, %mul3A_668 : f32
      %get3A_670 = arith.constant 0 : index
      %get3A_671 = arith.index_cast %add3A_663 : i32 to index
      %get3A_672 = arith.constant 1 : index
      %get3A_673 = memref.load %arg1[%get3A_670, %get3A_671, %get3A_672] : memref<1x40x5xf32, #tpu.memory_space<smem>>
      %mul3A_674 = arith.constant 5.200000e+01 : f32
      %mul3A_675 = arith.mulf %get3A_673, %mul3A_674 : f32
      %get3A_676 = arith.constant 0 : index
      %get3A_677 = arith.index_cast %add3A_663 : i32 to index
      %get3A_678 = arith.constant 2 : index
      %get3A_679 = memref.load %arg1[%get3A_676, %get3A_677, %get3A_678] : memref<1x40x5xf32, #tpu.memory_space<smem>>
      %mul3A_680 = arith.constant 5.200000e+01 : f32
      %mul3A_681 = arith.mulf %get3A_679, %mul3A_680 : f32
      %get3A_682 = arith.constant 0 : index
      %get3A_683 = arith.index_cast %add3A_663 : i32 to index
      %get3A_684 = arith.constant 3 : index
      %get3A_685 = memref.load %arg1[%get3A_682, %get3A_683, %get3A_684] : memref<1x40x5xf32, #tpu.memory_space<smem>>
      %mul3A_686 = arith.constant 5.200000e+01 : f32
      %mul3A_687 = arith.mulf %get3A_685, %mul3A_686 : f32
      %div3A_688 = arith.constant 2.000000e+00 : f32
      %div3A_689 = arith.divf %mul3A_681, %div3A_688 : f32
      %sub3A_690 = arith.subf %mul3A_669, %div3A_689 : f32
      %div3A_691 = arith.constant 2.000000e+00 : f32
      %div3A_692 = arith.divf %mul3A_687, %div3A_691 : f32
      %sub3A_693 = arith.subf %mul3A_675, %div3A_692 : f32
      %div3A_694 = arith.constant 2.000000e+00 : f32
      %div3A_695 = arith.divf %mul3A_681, %div3A_694 : f32
      %add3A_696 = arith.addf %mul3A_669, %div3A_695 : f32
      %div3A_697 = arith.constant 2.000000e+00 : f32
      %div3A_698 = arith.divf %mul3A_687, %div3A_697 : f32
      %add3A_699 = arith.addf %mul3A_675, %div3A_698 : f32
      %sub3A_700 = arith.subf %add3A_696, %sub3A_690 : f32
      %sub3A_701 = arith.subf %add3A_699, %sub3A_693 : f32
      %mul3A_702 = arith.mulf %sub3A_700, %sub3A_701 : f32
      %add3A_703 = arith.constant 9.99999996E-13 : f32
      %add3A_704 = arith.addf %mul3A_702, %add3A_703 : f32
      %max3A_705 = vector.broadcast %sub3A_690 : f32 to vector<52x52xf32>
      %max3A_706 = arith.maximumf %sub3A_307, %max3A_705 : vector<52x52xf32>
      %max3A_707 = vector.broadcast %sub3A_693 : f32 to vector<52x52xf32>
      %max3A_708 = arith.maximumf %sub3A_311, %max3A_707 : vector<52x52xf32>
      %min3A_709 = vector.broadcast %add3A_696 : f32 to vector<52x52xf32>
      %min3A_710 = arith.minimumf %add3A_315, %min3A_709 : vector<52x52xf32>
      %min3A_711 = vector.broadcast %add3A_699 : f32 to vector<52x52xf32>
      %min3A_712 = arith.minimumf %add3A_319, %min3A_711 : vector<52x52xf32>
      %sub3A_713 = arith.subf %min3A_710, %max3A_706 : vector<52x52xf32>
      %max3A_714 = arith.constant 0.000000e+00 : f32
      %max3A_715 = vector.broadcast %max3A_714 : f32 to vector<52x52xf32>
      %max3A_716 = arith.maximumf %sub3A_713, %max3A_715 : vector<52x52xf32>
      %sub3A_717 = arith.subf %min3A_712, %max3A_708 : vector<52x52xf32>
      %max3A_718 = arith.constant 0.000000e+00 : f32
      %max3A_719 = vector.broadcast %max3A_718 : f32 to vector<52x52xf32>
      %max3A_720 = arith.maximumf %sub3A_717, %max3A_719 : vector<52x52xf32>
      %mul3A_721 = arith.mulf %max3A_716, %max3A_720 : vector<52x52xf32>
      %add3A_722 = vector.broadcast %add3A_704 : f32 to vector<52x52xf32>
      %add3A_723 = arith.addf %mul3A_322, %add3A_722 : vector<52x52xf32>
      %mul3A_724 = vector.broadcast %scan3A_325 : f32 to vector<52x52xf32>
      %mul3A_725 = arith.mulf %mul3A_724, %add3A_723 : vector<52x52xf32>
      %ge3A_726 = arith.cmpf oge, %mul3A_721, %mul3A_725 : vector<52x52xf32>
      %gt3A_727 = arith.cmpf ogt, %mul3A_721, %mul3A_725 : vector<52x52xf32>
      %or3A_728 = arith.ori %or3A_658, %ge3A_726 : vector<52x52xi1>
      %or3A_729 = arith.ori %or3A_659, %gt3A_727 : vector<52x52xi1>
      %mul3A_730 = arith.constant 8 : i32
      %mul3A_731 = arith.muli %scan3A_383, %mul3A_730 : i32
      %add3A_732 = arith.constant 5 : i32
      %add3A_733 = arith.addi %mul3A_731, %add3A_732 : i32
      %get3A_734 = arith.constant 0 : index
      %get3A_735 = arith.index_cast %add3A_733 : i32 to index
      %get3A_736 = arith.constant 0 : index
      %get3A_737 = memref.load %arg1[%get3A_734, %get3A_735, %get3A_736] : memref<1x40x5xf32, #tpu.memory_space<smem>>
      %mul3A_738 = arith.constant 5.200000e+01 : f32
      %mul3A_739 = arith.mulf %get3A_737, %mul3A_738 : f32
      %get3A_740 = arith.constant 0 : index
      %get3A_741 = arith.index_cast %add3A_733 : i32 to index
      %get3A_742 = arith.constant 1 : index
      %get3A_743 = memref.load %arg1[%get3A_740, %get3A_741, %get3A_742] : memref<1x40x5xf32, #tpu.memory_space<smem>>
      %mul3A_744 = arith.constant 5.200000e+01 : f32
      %mul3A_745 = arith.mulf %get3A_743, %mul3A_744 : f32
      %get3A_746 = arith.constant 0 : index
      %get3A_747 = arith.index_cast %add3A_733 : i32 to index
      %get3A_748 = arith.constant 2 : index
      %get3A_749 = memref.load %arg1[%get3A_746, %get3A_747, %get3A_748] : memref<1x40x5xf32, #tpu.memory_space<smem>>
      %mul3A_750 = arith.constant 5.200000e+01 : f32
      %mul3A_751 = arith.mulf %get3A_749, %mul3A_750 : f32
      %get3A_752 = arith.constant 0 : index
      %get3A_753 = arith.index_cast %add3A_733 : i32 to index
      %get3A_754 = arith.constant 3 : index
      %get3A_755 = memref.load %arg1[%get3A_752, %get3A_753, %get3A_754] : memref<1x40x5xf32, #tpu.memory_space<smem>>
      %mul3A_756 = arith.constant 5.200000e+01 : f32
      %mul3A_757 = arith.mulf %get3A_755, %mul3A_756 : f32
      %div3A_758 = arith.constant 2.000000e+00 : f32
      %div3A_759 = arith.divf %mul3A_751, %div3A_758 : f32
      %sub3A_760 = arith.subf %mul3A_739, %div3A_759 : f32
      %div3A_761 = arith.constant 2.000000e+00 : f32
      %div3A_762 = arith.divf %mul3A_757, %div3A_761 : f32
      %sub3A_763 = arith.subf %mul3A_745, %div3A_762 : f32
      %div3A_764 = arith.constant 2.000000e+00 : f32
      %div3A_765 = arith.divf %mul3A_751, %div3A_764 : f32
      %add3A_766 = arith.addf %mul3A_739, %div3A_765 : f32
      %div3A_767 = arith.constant 2.000000e+00 : f32
      %div3A_768 = arith.divf %mul3A_757, %div3A_767 : f32
      %add3A_769 = arith.addf %mul3A_745, %div3A_768 : f32
      %sub3A_770 = arith.subf %add3A_766, %sub3A_760 : f32
      %sub3A_771 = arith.subf %add3A_769, %sub3A_763 : f32
      %mul3A_772 = arith.mulf %sub3A_770, %sub3A_771 : f32
      %add3A_773 = arith.constant 9.99999996E-13 : f32
      %add3A_774 = arith.addf %mul3A_772, %add3A_773 : f32
      %max3A_775 = vector.broadcast %sub3A_760 : f32 to vector<52x52xf32>
      %max3A_776 = arith.maximumf %sub3A_307, %max3A_775 : vector<52x52xf32>
      %max3A_777 = vector.broadcast %sub3A_763 : f32 to vector<52x52xf32>
      %max3A_778 = arith.maximumf %sub3A_311, %max3A_777 : vector<52x52xf32>
      %min3A_779 = vector.broadcast %add3A_766 : f32 to vector<52x52xf32>
      %min3A_780 = arith.minimumf %add3A_315, %min3A_779 : vector<52x52xf32>
      %min3A_781 = vector.broadcast %add3A_769 : f32 to vector<52x52xf32>
      %min3A_782 = arith.minimumf %add3A_319, %min3A_781 : vector<52x52xf32>
      %sub3A_783 = arith.subf %min3A_780, %max3A_776 : vector<52x52xf32>
      %max3A_784 = arith.constant 0.000000e+00 : f32
      %max3A_785 = vector.broadcast %max3A_784 : f32 to vector<52x52xf32>
      %max3A_786 = arith.maximumf %sub3A_783, %max3A_785 : vector<52x52xf32>
      %sub3A_787 = arith.subf %min3A_782, %max3A_778 : vector<52x52xf32>
      %max3A_788 = arith.constant 0.000000e+00 : f32
      %max3A_789 = vector.broadcast %max3A_788 : f32 to vector<52x52xf32>
      %max3A_790 = arith.maximumf %sub3A_787, %max3A_789 : vector<52x52xf32>
      %mul3A_791 = arith.mulf %max3A_786, %max3A_790 : vector<52x52xf32>
      %add3A_792 = vector.broadcast %add3A_774 : f32 to vector<52x52xf32>
      %add3A_793 = arith.addf %mul3A_322, %add3A_792 : vector<52x52xf32>
      %mul3A_794 = vector.broadcast %scan3A_325 : f32 to vector<52x52xf32>
      %mul3A_795 = arith.mulf %mul3A_794, %add3A_793 : vector<52x52xf32>
      %ge3A_796 = arith.cmpf oge, %mul3A_791, %mul3A_795 : vector<52x52xf32>
      %gt3A_797 = arith.cmpf ogt, %mul3A_791, %mul3A_795 : vector<52x52xf32>
      %or3A_798 = arith.ori %or3A_728, %ge3A_796 : vector<52x52xi1>
      %or3A_799 = arith.ori %or3A_729, %gt3A_797 : vector<52x52xi1>
      %mul3A_800 = arith.constant 8 : i32
      %mul3A_801 = arith.muli %scan3A_383, %mul3A_800 : i32
      %add3A_802 = arith.constant 6 : i32
      %add3A_803 = arith.addi %mul3A_801, %add3A_802 : i32
      %get3A_804 = arith.constant 0 : index
      %get3A_805 = arith.index_cast %add3A_803 : i32 to index
      %get3A_806 = arith.constant 0 : index
      %get3A_807 = memref.load %arg1[%get3A_804, %get3A_805, %get3A_806] : memref<1x40x5xf32, #tpu.memory_space<smem>>
      %mul3A_808 = arith.constant 5.200000e+01 : f32
      %mul3A_809 = arith.mulf %get3A_807, %mul3A_808 : f32
      %get3A_810 = arith.constant 0 : index
      %get3A_811 = arith.index_cast %add3A_803 : i32 to index
      %get3A_812 = arith.constant 1 : index
      %get3A_813 = memref.load %arg1[%get3A_810, %get3A_811, %get3A_812] : memref<1x40x5xf32, #tpu.memory_space<smem>>
      %mul3A_814 = arith.constant 5.200000e+01 : f32
      %mul3A_815 = arith.mulf %get3A_813, %mul3A_814 : f32
      %get3A_816 = arith.constant 0 : index
      %get3A_817 = arith.index_cast %add3A_803 : i32 to index
      %get3A_818 = arith.constant 2 : index
      %get3A_819 = memref.load %arg1[%get3A_816, %get3A_817, %get3A_818] : memref<1x40x5xf32, #tpu.memory_space<smem>>
      %mul3A_820 = arith.constant 5.200000e+01 : f32
      %mul3A_821 = arith.mulf %get3A_819, %mul3A_820 : f32
      %get3A_822 = arith.constant 0 : index
      %get3A_823 = arith.index_cast %add3A_803 : i32 to index
      %get3A_824 = arith.constant 3 : index
      %get3A_825 = memref.load %arg1[%get3A_822, %get3A_823, %get3A_824] : memref<1x40x5xf32, #tpu.memory_space<smem>>
      %mul3A_826 = arith.constant 5.200000e+01 : f32
      %mul3A_827 = arith.mulf %get3A_825, %mul3A_826 : f32
      %div3A_828 = arith.constant 2.000000e+00 : f32
      %div3A_829 = arith.divf %mul3A_821, %div3A_828 : f32
      %sub3A_830 = arith.subf %mul3A_809, %div3A_829 : f32
      %div3A_831 = arith.constant 2.000000e+00 : f32
      %div3A_832 = arith.divf %mul3A_827, %div3A_831 : f32
      %sub3A_833 = arith.subf %mul3A_815, %div3A_832 : f32
      %div3A_834 = arith.constant 2.000000e+00 : f32
      %div3A_835 = arith.divf %mul3A_821, %div3A_834 : f32
      %add3A_836 = arith.addf %mul3A_809, %div3A_835 : f32
      %div3A_837 = arith.constant 2.000000e+00 : f32
      %div3A_838 = arith.divf %mul3A_827, %div3A_837 : f32
      %add3A_839 = arith.addf %mul3A_815, %div3A_838 : f32
      %sub3A_840 = arith.subf %add3A_836, %sub3A_830 : f32
      %sub3A_841 = arith.subf %add3A_839, %sub3A_833 : f32
      %mul3A_842 = arith.mulf %sub3A_840, %sub3A_841 : f32
      %add3A_843 = arith.constant 9.99999996E-13 : f32
      %add3A_844 = arith.addf %mul3A_842, %add3A_843 : f32
      %max3A_845 = vector.broadcast %sub3A_830 : f32 to vector<52x52xf32>
      %max3A_846 = arith.maximumf %sub3A_307, %max3A_845 : vector<52x52xf32>
      %max3A_847 = vector.broadcast %sub3A_833 : f32 to vector<52x52xf32>
      %max3A_848 = arith.maximumf %sub3A_311, %max3A_847 : vector<52x52xf32>
      %min3A_849 = vector.broadcast %add3A_836 : f32 to vector<52x52xf32>
      %min3A_850 = arith.minimumf %add3A_315, %min3A_849 : vector<52x52xf32>
      %min3A_851 = vector.broadcast %add3A_839 : f32 to vector<52x52xf32>
      %min3A_852 = arith.minimumf %add3A_319, %min3A_851 : vector<52x52xf32>
      %sub3A_853 = arith.subf %min3A_850, %max3A_846 : vector<52x52xf32>
      %max3A_854 = arith.constant 0.000000e+00 : f32
      %max3A_855 = vector.broadcast %max3A_854 : f32 to vector<52x52xf32>
      %max3A_856 = arith.maximumf %sub3A_853, %max3A_855 : vector<52x52xf32>
      %sub3A_857 = arith.subf %min3A_852, %max3A_848 : vector<52x52xf32>
      %max3A_858 = arith.constant 0.000000e+00 : f32
      %max3A_859 = vector.broadcast %max3A_858 : f32 to vector<52x52xf32>
      %max3A_860 = arith.maximumf %sub3A_857, %max3A_859 : vector<52x52xf32>
      %mul3A_861 = arith.mulf %max3A_856, %max3A_860 : vector<52x52xf32>
      %add3A_862 = vector.broadcast %add3A_844 : f32 to vector<52x52xf32>
      %add3A_863 = arith.addf %mul3A_322, %add3A_862 : vector<52x52xf32>
      %mul3A_864 = vector.broadcast %scan3A_325 : f32 to vector<52x52xf32>
      %mul3A_865 = arith.mulf %mul3A_864, %add3A_863 : vector<52x52xf32>
      %ge3A_866 = arith.cmpf oge, %mul3A_861, %mul3A_865 : vector<52x52xf32>
      %gt3A_867 = arith.cmpf ogt, %mul3A_861, %mul3A_865 : vector<52x52xf32>
      %or3A_868 = arith.ori %or3A_798, %ge3A_866 : vector<52x52xi1>
      %or3A_869 = arith.ori %or3A_799, %gt3A_867 : vector<52x52xi1>
      %mul3A_870 = arith.constant 8 : i32
      %mul3A_871 = arith.muli %scan3A_383, %mul3A_870 : i32
      %add3A_872 = arith.constant 7 : i32
      %add3A_873 = arith.addi %mul3A_871, %add3A_872 : i32
      %get3A_874 = arith.constant 0 : index
      %get3A_875 = arith.index_cast %add3A_873 : i32 to index
      %get3A_876 = arith.constant 0 : index
      %get3A_877 = memref.load %arg1[%get3A_874, %get3A_875, %get3A_876] : memref<1x40x5xf32, #tpu.memory_space<smem>>
      %mul3A_878 = arith.constant 5.200000e+01 : f32
      %mul3A_879 = arith.mulf %get3A_877, %mul3A_878 : f32
      %get3A_880 = arith.constant 0 : index
      %get3A_881 = arith.index_cast %add3A_873 : i32 to index
      %get3A_882 = arith.constant 1 : index
      %get3A_883 = memref.load %arg1[%get3A_880, %get3A_881, %get3A_882] : memref<1x40x5xf32, #tpu.memory_space<smem>>
      %mul3A_884 = arith.constant 5.200000e+01 : f32
      %mul3A_885 = arith.mulf %get3A_883, %mul3A_884 : f32
      %get3A_886 = arith.constant 0 : index
      %get3A_887 = arith.index_cast %add3A_873 : i32 to index
      %get3A_888 = arith.constant 2 : index
      %get3A_889 = memref.load %arg1[%get3A_886, %get3A_887, %get3A_888] : memref<1x40x5xf32, #tpu.memory_space<smem>>
      %mul3A_890 = arith.constant 5.200000e+01 : f32
      %mul3A_891 = arith.mulf %get3A_889, %mul3A_890 : f32
      %get3A_892 = arith.constant 0 : index
      %get3A_893 = arith.index_cast %add3A_873 : i32 to index
      %get3A_894 = arith.constant 3 : index
      %get3A_895 = memref.load %arg1[%get3A_892, %get3A_893, %get3A_894] : memref<1x40x5xf32, #tpu.memory_space<smem>>
      %mul3A_896 = arith.constant 5.200000e+01 : f32
      %mul3A_897 = arith.mulf %get3A_895, %mul3A_896 : f32
      %div3A_898 = arith.constant 2.000000e+00 : f32
      %div3A_899 = arith.divf %mul3A_891, %div3A_898 : f32
      %sub3A_900 = arith.subf %mul3A_879, %div3A_899 : f32
      %div3A_901 = arith.constant 2.000000e+00 : f32
      %div3A_902 = arith.divf %mul3A_897, %div3A_901 : f32
      %sub3A_903 = arith.subf %mul3A_885, %div3A_902 : f32
      %div3A_904 = arith.constant 2.000000e+00 : f32
      %div3A_905 = arith.divf %mul3A_891, %div3A_904 : f32
      %add3A_906 = arith.addf %mul3A_879, %div3A_905 : f32
      %div3A_907 = arith.constant 2.000000e+00 : f32
      %div3A_908 = arith.divf %mul3A_897, %div3A_907 : f32
      %add3A_909 = arith.addf %mul3A_885, %div3A_908 : f32
      %sub3A_910 = arith.subf %add3A_906, %sub3A_900 : f32
      %sub3A_911 = arith.subf %add3A_909, %sub3A_903 : f32
      %mul3A_912 = arith.mulf %sub3A_910, %sub3A_911 : f32
      %add3A_913 = arith.constant 9.99999996E-13 : f32
      %add3A_914 = arith.addf %mul3A_912, %add3A_913 : f32
      %max3A_915 = vector.broadcast %sub3A_900 : f32 to vector<52x52xf32>
      %max3A_916 = arith.maximumf %sub3A_307, %max3A_915 : vector<52x52xf32>
      %max3A_917 = vector.broadcast %sub3A_903 : f32 to vector<52x52xf32>
      %max3A_918 = arith.maximumf %sub3A_311, %max3A_917 : vector<52x52xf32>
      %min3A_919 = vector.broadcast %add3A_906 : f32 to vector<52x52xf32>
      %min3A_920 = arith.minimumf %add3A_315, %min3A_919 : vector<52x52xf32>
      %min3A_921 = vector.broadcast %add3A_909 : f32 to vector<52x52xf32>
      %min3A_922 = arith.minimumf %add3A_319, %min3A_921 : vector<52x52xf32>
      %sub3A_923 = arith.subf %min3A_920, %max3A_916 : vector<52x52xf32>
      %max3A_924 = arith.constant 0.000000e+00 : f32
      %max3A_925 = vector.broadcast %max3A_924 : f32 to vector<52x52xf32>
      %max3A_926 = arith.maximumf %sub3A_923, %max3A_925 : vector<52x52xf32>
      %sub3A_927 = arith.subf %min3A_922, %max3A_918 : vector<52x52xf32>
      %max3A_928 = arith.constant 0.000000e+00 : f32
      %max3A_929 = vector.broadcast %max3A_928 : f32 to vector<52x52xf32>
      %max3A_930 = arith.maximumf %sub3A_927, %max3A_929 : vector<52x52xf32>
      %mul3A_931 = arith.mulf %max3A_926, %max3A_930 : vector<52x52xf32>
      %add3A_932 = vector.broadcast %add3A_914 : f32 to vector<52x52xf32>
      %add3A_933 = arith.addf %mul3A_322, %add3A_932 : vector<52x52xf32>
      %mul3A_934 = vector.broadcast %scan3A_325 : f32 to vector<52x52xf32>
      %mul3A_935 = arith.mulf %mul3A_934, %add3A_933 : vector<52x52xf32>
      %ge3A_936 = arith.cmpf oge, %mul3A_931, %mul3A_935 : vector<52x52xf32>
      %gt3A_937 = arith.cmpf ogt, %mul3A_931, %mul3A_935 : vector<52x52xf32>
      %or3A_938 = arith.ori %or3A_868, %ge3A_936 : vector<52x52xi1>
      %or3A_939 = arith.ori %or3A_869, %gt3A_937 : vector<52x52xi1>
      %jit3A_940 = arith.constant 1.000000e+00 : f32
      %broadcast_in_dim3A_941 = vector.broadcast %jit3A_940 : f32 to vector<52x52xf32>
      %select_n3A_942 = arith.select %or3A_938, %broadcast_in_dim3A_941, %scan3A_384 : vector<52x52xi1>, vector<52x52xf32>
      %jit3A_943 = arith.constant 1.000000e+00 : f32
      %broadcast_in_dim3A_944 = vector.broadcast %jit3A_943 : f32 to vector<52x52xf32>
      %select_n3A_945 = arith.select %or3A_939, %broadcast_in_dim3A_944, %scan3A_385 : vector<52x52xi1>, vector<52x52xf32>
      scf.yield %select_n3A_942, %select_n3A_945 : vector<52x52xf32>, vector<52x52xf32>
    }
    %scan3A_331 = arith.constant 5 : i32
    %logistic3A_332 = arith.negf %get3A_277 : vector<52x52xf32>
    %logistic3A_333 = math.exp %logistic3A_332 : vector<52x52xf32>
    %logistic3A_334 = arith.constant 1.000000e+00 : f32
    %logistic3A_335 = vector.broadcast %logistic3A_334 : f32 to vector<52x52xf32>
    %logistic3A_336 = arith.addf %logistic3A_335, %logistic3A_333 : vector<52x52xf32>
    %logistic3A_337 = arith.divf %logistic3A_335, %logistic3A_336 : vector<52x52xf32>
    %mul3A_338 = arith.mulf %logistic3A_337, %logistic3A_337 : vector<52x52xf32>
    %reduce_sum3A_339 = vector.shape_cast %mul3A_338 : vector<52x52xf32> to vector<1x52x52xf32>
    %reduce_sum3A_340 = arith.constant dense<0.000000e+00> : vector<1xf32>
    %reduce_sum3A_341 = vector.multi_reduction <add>, %reduce_sum3A_339, %reduce_sum3A_340 [1, 2] : vector<1x52x52xf32> to vector<1xf32>
    %reduce_sum3A_342 = vector.shape_cast %reduce_sum3A_341 : vector<1xf32> to vector<1x1x1xf32>
    %reduce_sum3A_343 = vector.extract %reduce_sum3A_342[0, 0, 0] : f32 from vector<1x1x1xf32>
    %gt3A_344 = arith.constant 0.000000e+00 : f32
    %gt3A_345 = vector.broadcast %gt3A_344 : f32 to vector<52x52xf32>
    %gt3A_346 = arith.cmpf ogt, %scan3A_330#0, %gt3A_345 : vector<52x52xf32>
    %jit3A_347 = arith.constant 0.000000e+00 : f32
    %broadcast_in_dim3A_348 = vector.broadcast %jit3A_347 : f32 to vector<52x52xf32>
    %select_n3A_349 = arith.select %gt3A_346, %broadcast_in_dim3A_348, %mul3A_338 : vector<52x52xi1>, vector<52x52xf32>
    %reduce_sum3A_350 = vector.shape_cast %select_n3A_349 : vector<52x52xf32> to vector<1x52x52xf32>
    %reduce_sum3A_351 = arith.constant dense<0.000000e+00> : vector<1xf32>
    %reduce_sum3A_352 = vector.multi_reduction <add>, %reduce_sum3A_350, %reduce_sum3A_351 [1, 2] : vector<1x52x52xf32> to vector<1xf32>
    %reduce_sum3A_353 = vector.shape_cast %reduce_sum3A_352 : vector<1xf32> to vector<1x1x1xf32>
    %reduce_sum3A_354 = vector.extract %reduce_sum3A_353[0, 0, 0] : f32 from vector<1x1x1xf32>
    %reduce_sum3A_355 = vector.shape_cast %scan3A_330#1 : vector<52x52xf32> to vector<1x52x52xf32>
    %reduce_sum3A_356 = arith.constant dense<0.000000e+00> : vector<1xf32>
    %reduce_sum3A_357 = vector.multi_reduction <add>, %reduce_sum3A_355, %reduce_sum3A_356 [1, 2] : vector<1x52x52xf32> to vector<1xf32>
    %reduce_sum3A_358 = vector.shape_cast %reduce_sum3A_357 : vector<1xf32> to vector<1x1x1xf32>
    %reduce_sum3A_359 = vector.extract %reduce_sum3A_358[0, 0, 0] : f32 from vector<1x1x1xf32>
    %iota3A_360 = tpu.iota {dimensions = array<i32: 1>} : vector<1x128xi32>
    %eq3A_361 = arith.constant 0 : i32
    %eq3A_362 = vector.broadcast %eq3A_361 : i32 to vector<1x128xi32>
    %eq3A_363 = arith.cmpi eq, %iota3A_360, %eq3A_362 : vector<1x128xi32>
    %eq3A_364 = arith.constant 1 : i32
    %eq3A_365 = vector.broadcast %eq3A_364 : i32 to vector<1x128xi32>
    %eq3A_366 = arith.cmpi eq, %iota3A_360, %eq3A_365 : vector<1x128xi32>
    %eq3A_367 = arith.constant 2 : i32
    %eq3A_368 = vector.broadcast %eq3A_367 : i32 to vector<1x128xi32>
    %eq3A_369 = arith.cmpi eq, %iota3A_360, %eq3A_368 : vector<1x128xi32>
    %jit3A_370 = arith.constant 0.000000e+00 : f32
    %broadcast_in_dim3A_371 = vector.broadcast %reduce_sum3A_359 : f32 to vector<1x128xf32>
    %broadcast_in_dim3A_372 = vector.broadcast %jit3A_370 : f32 to vector<1x128xf32>
    %select_n3A_373 = arith.select %eq3A_369, %broadcast_in_dim3A_371, %broadcast_in_dim3A_372 : vector<1x128xi1>, vector<1x128xf32>
    %broadcast_in_dim3A_374 = vector.broadcast %reduce_sum3A_354 : f32 to vector<1x128xf32>
    %select_n3A_375 = arith.select %eq3A_366, %broadcast_in_dim3A_374, %select_n3A_373 : vector<1x128xi1>, vector<1x128xf32>
    %broadcast_in_dim3A_376 = vector.broadcast %reduce_sum3A_343 : f32 to vector<1x128xf32>
    %select_n3A_377 = arith.select %eq3A_363, %broadcast_in_dim3A_376, %select_n3A_375 : vector<1x128xi1>, vector<1x128xf32>
    %concatenate3A = tpu.concatenate %select_n3A_117, %select_n3A_247, %select_n3A_377 in 0 : vector<1x128xf32>, vector<1x128xf32>, vector<1x128xf32> -> vector<3x128xf32>
    %swap3A = arith.constant 0 : index
    %swap3A_378 = arith.constant 0 : index
    %swap3A_379 = arith.constant 0 : index
    %swap3A_380 = vector.load %arg18[%swap3A, %swap3A_378, %swap3A_379] : memref<1x3x128xf32, #tpu.memory_space<vmem>>, vector<1x3x128xf32>
    %swap3A_381 = vector.shape_cast %swap3A_380 : vector<1x3x128xf32> to vector<3x128xf32>
    %swap3A_382 = vector.shape_cast %concatenate3A : vector<3x128xf32> to vector<1x3x128xf32>
    tpu.vector_store %arg18[%swap3A, %swap3A_378, %swap3A_379], %swap3A_382 {strides = array<i32>} : memref<1x3x128xf32, #tpu.memory_space<vmem>>, vector<1x3x128xf32>,
    return
  }
  func.func @transform_0(%arg0: i32) -> (i32, i32, i32) {
    %c0_i32 = arith.constant 0 : i32
    %c0_i32_0 = arith.constant 0 : i32
    %c0_i32_1 = arith.constant 0 : i32
    return %arg0, %c0_i32, %c0_i32_0 : i32, i32, i32
  }
  func.func @transform_1(%arg0: i32) -> (i32, i32) {
    %c0_i32 = arith.constant 0 : i32
    %c0_i32_0 = arith.constant 0 : i32
    %c0_i32_1 = arith.constant 0 : i32
    return %c0_i32, %c0_i32_0 : i32, i32
  }
  func.func @transform_2(%arg0: i32) -> (i32, i32, i32, i32) {
    %c0_i32 = arith.constant 0 : i32
    %c0_i32_0 = arith.constant 0 : i32
    %c0_i32_1 = arith.constant 0 : i32
    %c0_i32_2 = arith.constant 0 : i32
    return %arg0, %c0_i32, %c0_i32_0, %c0_i32_1 : i32, i32, i32, i32
  }
  func.func @transform_3(%arg0: i32) -> (i32, i32, i32, i32) {
    %c1_i32 = arith.constant 1 : i32
    %c0_i32 = arith.constant 0 : i32
    %c0_i32_0 = arith.constant 0 : i32
    %c0_i32_1 = arith.constant 0 : i32
    return %arg0, %c1_i32, %c0_i32, %c0_i32_0 : i32, i32, i32, i32
  }
  func.func @transform_4(%arg0: i32) -> (i32, i32, i32, i32) {
    %c2_i32 = arith.constant 2 : i32
    %c0_i32 = arith.constant 0 : i32
    %c0_i32_0 = arith.constant 0 : i32
    %c0_i32_1 = arith.constant 0 : i32
    return %arg0, %c2_i32, %c0_i32, %c0_i32_0 : i32, i32, i32, i32
  }
  func.func @transform_5(%arg0: i32) -> (i32, i32, i32, i32) {
    %c3_i32 = arith.constant 3 : i32
    %c0_i32 = arith.constant 0 : i32
    %c0_i32_0 = arith.constant 0 : i32
    %c0_i32_1 = arith.constant 0 : i32
    return %arg0, %c3_i32, %c0_i32, %c0_i32_0 : i32, i32, i32, i32
  }
  func.func @transform_6(%arg0: i32) -> (i32, i32, i32, i32) {
    %c4_i32 = arith.constant 4 : i32
    %c0_i32 = arith.constant 0 : i32
    %c0_i32_0 = arith.constant 0 : i32
    %c0_i32_1 = arith.constant 0 : i32
    return %arg0, %c4_i32, %c0_i32, %c0_i32_0 : i32, i32, i32, i32
  }
  func.func @transform_7(%arg0: i32) -> (i32, i32, i32, i32) {
    %c85_i32 = arith.constant 85 : i32
    %c0_i32 = arith.constant 0 : i32
    %c0_i32_0 = arith.constant 0 : i32
    %c0_i32_1 = arith.constant 0 : i32
    return %arg0, %c85_i32, %c0_i32, %c0_i32_0 : i32, i32, i32, i32
  }
  func.func @transform_8(%arg0: i32) -> (i32, i32, i32, i32) {
    %c86_i32 = arith.constant 86 : i32
    %c0_i32 = arith.constant 0 : i32
    %c0_i32_0 = arith.constant 0 : i32
    %c0_i32_1 = arith.constant 0 : i32
    return %arg0, %c86_i32, %c0_i32, %c0_i32_0 : i32, i32, i32, i32
  }
  func.func @transform_9(%arg0: i32) -> (i32, i32, i32, i32) {
    %c87_i32 = arith.constant 87 : i32
    %c0_i32 = arith.constant 0 : i32
    %c0_i32_0 = arith.constant 0 : i32
    %c0_i32_1 = arith.constant 0 : i32
    return %arg0, %c87_i32, %c0_i32, %c0_i32_0 : i32, i32, i32, i32
  }
  func.func @transform_10(%arg0: i32) -> (i32, i32, i32, i32) {
    %c88_i32 = arith.constant 88 : i32
    %c0_i32 = arith.constant 0 : i32
    %c0_i32_0 = arith.constant 0 : i32
    %c0_i32_1 = arith.constant 0 : i32
    return %arg0, %c88_i32, %c0_i32, %c0_i32_0 : i32, i32, i32, i32
  }
  func.func @transform_11(%arg0: i32) -> (i32, i32, i32, i32) {
    %c89_i32 = arith.constant 89 : i32
    %c0_i32 = arith.constant 0 : i32
    %c0_i32_0 = arith.constant 0 : i32
    %c0_i32_1 = arith.constant 0 : i32
    return %arg0, %c89_i32, %c0_i32, %c0_i32_0 : i32, i32, i32, i32
  }
  func.func @transform_12(%arg0: i32) -> (i32, i32, i32, i32) {
    %c170_i32 = arith.constant 170 : i32
    %c0_i32 = arith.constant 0 : i32
    %c0_i32_0 = arith.constant 0 : i32
    %c0_i32_1 = arith.constant 0 : i32
    return %arg0, %c170_i32, %c0_i32, %c0_i32_0 : i32, i32, i32, i32
  }
  func.func @transform_13(%arg0: i32) -> (i32, i32, i32, i32) {
    %c171_i32 = arith.constant 171 : i32
    %c0_i32 = arith.constant 0 : i32
    %c0_i32_0 = arith.constant 0 : i32
    %c0_i32_1 = arith.constant 0 : i32
    return %arg0, %c171_i32, %c0_i32, %c0_i32_0 : i32, i32, i32, i32
  }
  func.func @transform_14(%arg0: i32) -> (i32, i32, i32, i32) {
    %c172_i32 = arith.constant 172 : i32
    %c0_i32 = arith.constant 0 : i32
    %c0_i32_0 = arith.constant 0 : i32
    %c0_i32_1 = arith.constant 0 : i32
    return %arg0, %c172_i32, %c0_i32, %c0_i32_0 : i32, i32, i32, i32
  }
  func.func @transform_15(%arg0: i32) -> (i32, i32, i32, i32) {
    %c173_i32 = arith.constant 173 : i32
    %c0_i32 = arith.constant 0 : i32
    %c0_i32_0 = arith.constant 0 : i32
    %c0_i32_1 = arith.constant 0 : i32
    return %arg0, %c173_i32, %c0_i32, %c0_i32_0 : i32, i32, i32, i32
  }
  func.func @transform_16(%arg0: i32) -> (i32, i32, i32, i32) {
    %c174_i32 = arith.constant 174 : i32
    %c0_i32 = arith.constant 0 : i32
    %c0_i32_0 = arith.constant 0 : i32
    %c0_i32_1 = arith.constant 0 : i32
    return %arg0, %c174_i32, %c0_i32, %c0_i32_0 : i32, i32, i32, i32
  }
  func.func @transform_17(%arg0: i32) -> (i32, i32, i32) {
    %c0_i32 = arith.constant 0 : i32
    %c0_i32_0 = arith.constant 0 : i32
    %c0_i32_1 = arith.constant 0 : i32
    return %arg0, %c0_i32, %c0_i32_0 : i32, i32, i32
  }
}

</mosaic_0001>

<sc_bundles>
// kernel: kernel.4.cloned.1.call-start
scs
__scs_entry_jumppad:
0x0: {  	(pc) =	sbr.rel $0x88, $3  }
0x1: {  	(tag) =	ssettag $0x0;
	lr =	simm.s32 $0x1  }
0x2: {  	[smem:$0x3F9E] =	sst lr;
	_ =	strace $0xD0000000  }
0x3: {  	_ = 	snop  }
0x4: {  	_ = 	snop  }
0x5: {  	_ = 	snop  }
0x6: {  	_ = 	snop  }
0x7: {  	_ = 	snop  }
__scs_overlays_trampoline_lowered:
0x8: {  	[smem:$0x3FAD] =	sst s0  }
0x9: {  	[smem:$0x3FAE] =	sst s1  }
0xa: {  	[smem:$0x3FAF] =	sst s2  }
0xb: {  	[smem:$0x3FB0] =	sst s3  }
0xc: {  	[smem:$0x3FB1] =	sst s4  }
0xd: {  	[smem:$0x3FB2] =	sst s5  }
0xe: {  	[smem:$0x3FB3] =	sst s6  }
0xf: {  	[smem:$0x3FB4] =	sst s7  }
0x10: {  	[smem:$0x3FB5] =	sst s8  }
0x11: {  	[smem:$0x3FB6] =	sst s9;
	s0 =	simm.s32 @!p0 $0x0  }
0x12: {  	s1 =	sld [smem:$0x3F9C];
	s0 =	simm.s32 @p0 $0x1  }
0x13: {  	[smem:$0x3FB7] =	sst s0;
	s0 =	simm.s32 @!p1 $0x0  }
0x14: {  	s2 =	sld [smem:$0x3F9B];
	s0 =	simm.s32 @p1 $0x1  }
0x15: {  	[smem:$0x3FB8] =	sst s0;
	s0 =	simm.s32 @!p2 $0x0  }
0x16: {  	s3 =	sld [smem:$0x3FDB];
	s0 =	simm.s32 @p2 $0x1  }
0x17: {  	s4 =	simm.s32 $0x1BF5;
	[smem:$0x3FBA] =	sst s0  }
0x18: {  	s0 =	sld [smem:$0x3F9D];
	_ =	swait.ge [sflag:s4], $0x0  }
0x19: {  	s7 =	sld [smem:$0x3F9E]  }
0x1a: {  	s8 =	sadd.s32 $0xFFFFE003, lr  }
0x1b: {  	s9 =	sadd.s32 $0xFFFFFEF7, lr;
	s5 =	simm.s32 $0xFFFFFFFF;
	p2 =	slt.u32 s8, $0xFFFFF086  }
0x1c: {  	p1 =	slt.u32 s9, $0xF7A;
	s5 =	simm.s32 @!p2 $0x0  }
0x1d: {  	s5 =	simm.s32 @p1 $0x1;
	p0 =	seq.s32 s7, s2  }
0x1e: {  	s7 =	smul.u32 @!p0 $0xF7A, s2;
	p2 =	seq.s32 @!p0 s5, $0x0  }
0x1f: {  	s9 =	smul.u32 $0xF7A, s1;
	s8 =	simm.s32 @!p0 $0x1BF5;
	p2 =	por !p2, p0  }
0x20: {  	[sflag:s8] =	ssyncset.s32 @!p0 $0xFFFFF086;
	s6 =	sadd.s32 @!p0 s3, s7;
	s7 =	simm.s32 @!p0 $0x108  }
0x21: {  	s3 =	sadd.s32 s3, s9;
	s6 =	sadd.s32 @!p0 $0x88, s6;
	s7 =	simm.s32 @p2 $0x1082  }
0x22: {  	[simem:s7], [sflag:s8] =	dma.local @!p0 [hbm:s6], $0xF7A  }
0x23: {  	s9 =	sor.u32 $0xD0000000, s2;
	s6 =	simm.s32 $0x108;
	_ =	swait.ge @!p0 [sflag:s8], $0x0  }
0x24: {  	s3 =	sadd.s32 $0x88, s3;
	s6 =	simm.s32 @!p1 $0x1082;
	[sflag:s4] =	ssyncset.s32 $0xFFFFF086  }
0x25: {  	[simem:s6], [sflag:s4] =	dma.local [hbm:s3], $0xF7A  }
0x26: {  	[smem:$0x3F9E] =	sst s1;
	(tag) =	ssettag s2;
	_ =	strace s9  }
0x27: {  	s1 =	sld [smem:$0x3FAE]  }
0x28: {  	s2 =	sld [smem:$0x3FAF]  }
0x29: {  	s4 =	sld [smem:$0x3FB1]  }
0x2a: {  	p0 =	seq.s32 s5, $0x0;
	s5 =	sld [smem:$0x3FB2]  }
0x2b: {  	s6 =	sld [smem:$0x3FB3]  }
0x2c: {  	s7 =	sld [smem:$0x3FB4]  }
0x2d: {  	s3 =	simm.s32 $0x108;
	s8 =	sld [smem:$0x3FB5]  }
0x2e: {  	s3 =	simm.s32 @!p0 $0x1082;
	s9 =	sld [smem:$0x3FB6]  }
0x2f: {  	lr =	sadd.s32 s0, s3;
	s0 =	sld [smem:$0x3FAD]  }
0x30: {  	s3 =	sld [smem:$0x3FB0]  }
0x31: {  	[smem:$0x3FB9] =	sst s10  }
0x32: {  	s10 =	sld [smem:$0x3FB7];
	_ =	sdelay $0x3  }
0x33: {  	p0 =	seq.s32 s10, $0x1;
	s10 =	sld [smem:$0x3FB9];
	_ =	sdelay $0x3  }
0x34: {  	[smem:$0x3FB9] =	sst s10  }
0x35: {  	s10 =	sld [smem:$0x3FB8];
	_ =	sdelay $0x3  }
0x36: {  	p1 =	seq.s32 s10, $0x1;
	s10 =	sld [smem:$0x3FB9];
	_ =	sdelay $0x3  }
0x37: {  	[smem:$0x3FB9] =	sst s10  }
0x38: {  	s10 =	sld [smem:$0x3FBA]  }
0x39: {  	_ = 	snop;
	(pc) =	sbr.ind lr, $3  }
0x3a: {  	_ = 	snop  }
0x3b: {  	_ = 	snop  }
0x3c: {  	p2 =	seq.s32 s10, $0x1;
	s10 =	sld [smem:$0x3FB9]  }
0x3d: {  	_ =	shalt  }
0x3e: {  	_ =	shalt  }
0x3f: {  	_ =	shalt  }
0x40: {  	_ =	shalt  }
0x41: {  	_ =	shalt  }
0x42: {  	_ =	shalt  }
0x43: {  	_ =	shalt  }
0x44: {  	_ =	shalt  }
0x45: {  	_ =	shalt  }
0x46: {  	_ =	shalt  }
0x47: {  	_ =	shalt  }
0x48: {  	_ =	shalt  }
0x49: {  	_ =	shalt  }
0x4a: {  	_ =	shalt  }
0x4b: {  	_ =	shalt  }
0x4c: {  	_ =	shalt  }
0x4d: {  	_ =	shalt  }
0x4e: {  	_ =	shalt  }
0x4f: {  	_ =	shalt  }
0x50: {  	_ =	shalt  }
0x51: {  	_ =	shalt  }
0x52: {  	_ =	shalt  }
0x53: {  	_ =	shalt  }
0x54: {  	_ =	shalt  }
0x55: {  	_ =	shalt  }
0x56: {  	_ =	shalt  }
0x57: {  	_ =	shalt  }
0x58: {  	_ =	shalt  }
0x59: {  	_ =	shalt  }
0x5a: {  	_ =	shalt  }
0x5b: {  	_ =	shalt  }
0x5c: {  	_ =	shalt  }
0x5d: {  	_ =	shalt  }
0x5e: {  	_ =	shalt  }
0x5f: {  	_ =	shalt  }
0x60: {  	_ =	shalt  }
0x61: {  	_ =	shalt  }
0x62: {  	_ =	shalt  }
0x63: {  	_ =	shalt  }
0x64: {  	_ =	shalt  }
0x65: {  	_ =	shalt  }
0x66: {  	_ =	shalt  }
0x67: {  	_ =	shalt  }
0x68: {  	_ =	shalt  }
0x69: {  	_ =	shalt  }
0x6a: {  	_ =	shalt  }
0x6b: {  	_ =	shalt  }
0x6c: {  	_ =	shalt  }
0x6d: {  	_ =	shalt  }
0x6e: {  	_ =	shalt  }
0x6f: {  	_ =	shalt  }
0x70: {  	_ =	shalt  }
0x71: {  	_ =	shalt  }
0x72: {  	_ =	shalt  }
0x73: {  	_ =	shalt  }
0x74: {  	_ =	shalt  }
0x75: {  	_ =	shalt  }
0x76: {  	_ =	shalt  }
0x77: {  	_ =	shalt  }
0x78: {  	_ =	shalt  }
0x79: {  	_ =	shalt  }
0x7a: {  	_ =	shalt  }
0x7b: {  	_ =	shalt  }
0x7c: {  	_ =	shalt  }
0x7d: {  	_ =	shalt  }
0x7e: {  	_ =	shalt  }
0x7f: {  	_ =	shalt  }
0x80: {  	_ =	shalt  }
0x81: {  	_ =	shalt  }
0x82: {  	_ =	shalt  }
0x83: {  	_ =	shalt  }
0x84: {  	_ =	shalt  }
0x85: {  	_ =	shalt  }
0x86: {  	_ =	shalt  }
0x87: {  	_ =	shalt  }
.Lfunc_end0:
.L_simem_size_0:
called_computation_lowered:
.L_overlay_start_0:
0x88: {  	s2 =	sld [smem:$0x3FD9]  }
0x89: {  	s3 =	sld [smem:$0x3FFE];
	_ =	sdelay $0x1  }
0x8a: {  	s1 =	srdreg.scid  }
0x8b: {  	s0 =	sand.u32 $0x1, s1  }
0x8c: {  	s17 =	sshll.u32 s0, $0xA;
	s2 =	sadd.s32 s3, s2  }
0x8d: {  	s2 =	sadd.s32 s2, s17  }
0x8e: {  	[smem:$0x3FC5] =	sst s2  }
0x8f: {  	_ = 	snop  }
0x90: {  	s2 =	sld [smem:$0x3FD0];
	(tm) =	ssettm $0x1  }
0x91: {  	s18 =	sld [smem:$0x3FFB];
	_ =	sdelay $0x3  }
0x92: {  	_ =	strace s18  }
0x93: {  	s3 =	sld [smem:$0x3FFC];
	_ =	sdelay $0x3  }
0x94: {  	_ =	strace s3  }
0x95: {  	s3 =	sld [smem:$0x3FFD];
	_ =	sdelay $0x3  }
0x96: {  	_ =	strace s3  }
0x97: {  	_ =	strace $0x8FFFFFFF  }
0x98: {  	s19 =	sld [smem:$0x3FDB];
	_ =	sdelay $0x1  }
0x99: {  	s4 =	simm.s32 $_scs_section_size  }
0x9a: {  	s5 =	simm.s32 $_size__tile_overlayer_lowered;
	s6 =	simm.s32 $_tile_overlayer_lowered  }
0x9b: {  	s22 =	simm.s32 $0x1BFF;
	s21 =	sshll.u32 s6, $0x1;
	s3 =	sadd.s32 s4, s19  }
0x9c: {  	s7 =	simm.s32 $0x0;
	s20 =	sshll.u32 s5, $0x1;
	s5 =	sadd.s32 s21, s3  }
0x9d: {  	[timem:s7], [sflag:s22] =	dma.local [hbm:s5], s20  }
0x9e: {  	_ =	swait.ge [sflag:s22], s20  }
0x9f: {  	s4 =	ssub.s32 $0x0, s20;
	[sflag:s22] =	ssyncset.done $0x0  }
0xa0: {  	[sflag:s22] =	ssyncadd.s32 s4;
	_ =	sdelay $0x1  }
0xa1: {  	s23 =	simm.s32 $0x1B8B  }
0xa2: {  	_ =	swait.ge [sflag:s23], $0x1  }
0xa3: {  	[sflag:s23] =	ssyncset.done $0x0  }
0xa4: {  	s25 =	simm.s32 $0x1B8E;
	s24 =	sld [smem:$0x3FFE];
	[sflag:s23] =	ssyncadd.s32 $0xFFFFFFFF  }
0xa5: {  	s26 =	simm.s32 $execute0_lowered;
	[smem:$0x3FD2] =	sst s25  }
0xa6: {  	s5 =	sshll.u32 s26, $0x1;
	_ =	strace $0x80000046;
	[dreg:$0x1] =	wrdreg $0xFFFFFFFF  }
0xa7: {  	s28 =	simm.s32 $_size_execute0_lowered;
	s3 =	sadd.s32 s3, s5;
	[dreg:$0x0] =	wrdreg $0x0  }
0xa8: {  	s5 =	sshll.u32 s28, $0x1;
	[dreg:$0x2] =	wrdreg s3  }
0xa9: {  	[dreg:$0x3] =	wrdreg s5  }
0xaa: {  	[dreg:$0x4] =	wrdreg $0xC0  }
0xab: {  	_ =	task [dreg:s7], $0x5FFFF  }
0xac: {  	[dreg:$0x1] =	wrdreg $0xFFFFFFFF  }
0xad: {  	[dreg:$0x0] =	wrdreg $0x60  }
0xae: {  	[dreg:$0x2] =	wrdreg s24  }
0xaf: {  	[dreg:$0x3] =	wrdreg s2  }
0xb0: {  	[dreg:$0x4] =	wrdreg $0x9  }
0xb1: {  	_ =	task.clear_ibuf [dreg:s7], $0x5FFFF;
	_ =	strace $0x90000046  }
0xb2: {  	s29 =	simm.s32 $0x9;
	_ =	strace $0x80000048  }
0xb3: {  	_ =	swait.ge [sflag:s29], $0x1  }
0xb4: {  	[sflag:s29] =	ssyncadd.s32 $0xFFFFFFFF  }
0xb5: {  	_ =	strace $0x90000048  }
0xb6: {  	_ =	sfence  }
0xb7: {  	s30 =	sld [smem:$0x0];
	_ =	sdelay $0x2  }
0xb8: {  	s31 =	sshll.u32 s1, $0xD;
	s1 =	sshrl.u32 s1, $0x2  }
0xb9: {  	s3 =	sand.u32 $0x4000, s31;
	s1 =	sadd.s32 s1, s30  }
0xba: {  	s0 =	sor.u32 s3, s0;
	s1 =	sshll.u32 s1, $0x11  }
0xbb: {  	s0 =	sor.u32 s1, s0  }
0xbc: {  	s0 =	sadd.s32 $0x8F2B, s0  }
0xbd: {  	[sflag:s0] =	ssyncadd.remote.s32 $0x1  }
0xbe: {  	_ =	sfence.sel $0xFFFF  }
0xbf: {  	[dreg:$0x0] =	wrdreg $0xFFFFFFFF;
	(pc) =	sbr.abs _section_cstart, $3  }
0xc0: {  	[dreg:$0x1] =	wrdreg $0xFFFFFFFF  }
0xc1: {  	_ =	task.clear_ibuf [dreg:s7], $0x2FFFF;
	_ =	strace $0x9FFFFFFF  }
0xc2: {  	(tm) =	ssettm $0x7FFFFFFF  }
0xc3: {  	_ =	shalt  }
tec
execute0_lowered:
.L_overlay_start_1:
0x0: {  	(tag) =	ssettag $0x1  }
0x1: {  	s6 =	rddreg [dreg:$0x0]  }
0x2: {  	s1 =	rddreg [dreg:$0x1];
	s2 =	simm.s32 $0x0  }
0x3: {  	[smem:$0x7FF] =	sst s2  }
0x4: {  	s0 =	rddreg [dreg:$0x2];
	v0 =	vimm.f32 $2.000000000e+00;
	_ =	strace $0x80000047  }
0x5: {  	(erf) = vrcp.f32 v0;
	_ =	sdelay $0x2  }
0x6: {  	s3 =	stileid.u32  }
0x7: {  	p0 =	sgt.u32 s3, $0x3  }
.Ltmp0:
0x8: {  	_ = 	snop;
	(pc) =	sbr.rel @p0 .LBB2_27-.Ltmp0, $2  }
0x9: {  	_ =	sdelay $0x2  }
0xa: {  	v0 =	vpop (erf)  }
0xb: {  	s4 =	srdreg.scid;
	s5 =	sshll.u32 s3, $0x1  }
0xc: {  	s11 =	simm.s32 $0x1;
	s12 =	simm.s32 $0x5C80;
	s4 =	sand.u32 $0x1, s4  }
0xd: {  	s13 =	simm.s32 $0x0;
	s5 =	sor.u32 s4, s5;
	s8 =	ssub.s32 $0x2, s4  }
0xe: {  	s4 =	sadd.s32 $0x1BE800, s6;
	s9 =	sshll.u32 s5, $0x7;
	s30 =	sshrl.u32 s8, $0x1  }
0xf: {  	v2 =	vimm.s32 $0x0;
	v4 =	vimm.s32 $0x2;
	v5 =	vimm.s32 $0x3;
	s7 =	smul.u32 $0xA8570, s5;
	s10 =	sadd.s32 s9, s6;
	s31 =	ssub.s32 s8, s30  }
0x10: {  	v6 =	vimm.s32 $0x4;
	v7 =	vimm.s32 $0x5;
	v8 =	vlaneseq.u32;
	s6 =	sadd.s32 s6, s9;
	s8 =	simm.s32 $0x2;
	s9 =	simm.s32 $0x400  }
0x11: {  	v9 =	vimm.f32 $0.0e+00;
	v10 =	vimm.f32 $2.500000000e-01;
	v1 =	vmov s7;
	s5 =	sadd.s32 $0x266E00, s10;
	s7 =	smax.u32 s31, $0x1;
	s10 =	simm.s32 $0x30  }
.LBB2_2:
0x12: {  	s14 =	simm.s32 $0x0  }
0x13: {  	[tilespmem:s14], [sflag:$0x2] =	stream.linear.gather [hbm4b:s6+s14], $0x280, $0x38;
	[tilespmem:$0x6080] =	vst v63  }
0x14: {  	_ =	swait.ge [sflag:s8], $0x280  }
0x15: {  	[sflag:s8] =	ssyncset.done $0x0  }
0x16: {  	[sflag:s8] =	ssyncadd.s32 $0xFFFFFD80  }
0x17: {  	[tilespmem:s9], [sflag:$0x2] =	stream.linear.gather [hbm4b:s1+s14], $0x80, $0x38;
	[tilespmem:$0x6080] =	vst v63  }
0x18: {  	_ =	swait.ge [sflag:s8], $0x80  }
0x19: {  	[sflag:s8] =	ssyncset.done $0x0  }
0x1a: {  	[sflag:s8] =	ssyncadd.s32 $0xFFFFFF80  }
0x1b: {  	v11 =	vld [tilespmem:$0x0]  }
0x1c: {  	v12 =	vld [tilespmem:$0x80]  }
0x1d: {  	v13 =	vld [tilespmem:$0x100]  }
0x1e: {  	v21 =	vld [tilespmem:$0x400];
	_ =	sdelay $0x1  }
0x1f: {  	v14 =	vld [tilespmem:$0x180]  }
0x20: {  	v15 =	vmul.f32 $5.200000000e+01, v11  }
0x21: {  	v3 =	vimm.s32 $0x1;
	v16 =	vmul.f32 $5.200000000e+01, v12;
	v12 =	vmul.f32 $5.200000000e+01, v13  }
0x22: {  	v19 =	vperm.xlane v21, v2;
	v20 =	vperm.xlane v21, v3  }
0x23: {  	v11 =	vtrunc.f32 v15;
	v13 =	vtrunc.f32 v16  }
0x24: {  	v27 =	vcvt.f32.s32 v11;
	v11 =	vmul.f32 $5.200000000e+01, v14  }
0x25: {  	v28 =	vcvt.f32.s32 v13;
	v13 =	vmul.f32 v12, v0  }
0x26: {  	v14 =	vcvt.s32.f32 v27;
	v17 =	vmul.f32 v11, v0  }
0x27: {  	v18 =	vcvt.s32.f32 v28;
	v11 =	vsub.f32 v15, v13;
	v13 =	vadd.f32 v13, v15  }
0x28: {  	v26 =	vmul.f32 v19, v0;
	v12 =	vsub.f32 v16, v17;
	v22 =	vadd.f32 $5.000000000e-01, v14  }
0x29: {  	v33 =	vmul.f32 v20, v0;
	v14 =	vadd.f32 v17, v16;
	v16 =	vadd.f32 $5.000000000e-01, v18  }
0x2a: {  	v15 =	vsub.f32 v13, v11;
	v17 =	vsub.f32 v22, v26  }
0x2b: {  	v18 =	vsub.f32 v16, v33;
	v19 =	vadd.f32 v26, v22  }
0x2c: {  	v20 =	vsub.f32 v14, v12;
	v23 =	vadd.f32 v33, v16  }
0x2d: {  	v24 =	vmax.f32 v17, v11;
	v25 =	vmax.f32 v18, v12;
	v29 =	vmin.f32 v19, v13  }
0x2e: {  	v30 =	vmin.f32 v23, v14;
	v17 =	vsub.f32 v19, v17;
	v18 =	vsub.f32 v23, v18  }
0x2f: {  	v19 =	vsub.f32 v29, v24;
	v23 =	vsub.f32 v30, v25  }
0x30: {  	v15 =	vmul.f32 v20, v15;
	v17 =	vmul.f32 v18, v17  }
0x31: {  	v25 =	vperm.xlane v21, v6;
	v18 =	vmax.f32 v19, $0.0e+00;
	v19 =	vmax.f32 v23, $0.0e+00  }
0x32: {  	v29 =	vmul.f32 v19, v18;
	v17 =	vadd.f32 v17, v15;
	v18 =	vperm.xlane v21, v4  }
0x33: {  	v38 =	vmul.f32 v25, v0;
	v25 =	vld [tilespmem:$0x190];
	v19 =	vperm.xlane v21, v5  }
0x34: {  	v17 =	vsub.f32 v17, v29;
	v36 =	vmul.f32 v18, v0  }
0x35: {  	v37 =	vmul.f32 v19, v0  }
0x36: {  	v35 =	vld [tilespmem:$0x10];
	v32 =	vperm.xlane v21, v7;
	v23 =	vadd.f32 $9.999999960e-13, v17;
	v17 =	vsub.f32 v22, v36  }
0x37: {  	v18 =	vsub.f32 v16, v37;
	v19 =	vadd.f32 v36, v22  }
0x38: {  	v34 =	vmul.f32 v32, v0;
	v20 =	vadd.f32 v37, v16;
	v25 =	vmul.f32 $5.200000000e+01, v25  }
0x39: {  	v24 =	vmax.f32 v17, v11;
	v30 =	vmax.f32 v18, v12;
	v31 =	vmin.f32 v19, v13  }
0x3a: {  	v17 =	vsub.f32 v19, v17;
	v18 =	vsub.f32 v20, v18;
	v20 =	vmin.f32 v20, v14  }
0x3b: {  	v35 =	vmul.f32 $5.200000000e+01, v35;
	v19 =	vld [tilespmem:$0x110];
	v24 =	vsub.f32 v31, v24;
	v20 =	vsub.f32 v20, v30  }
0x3c: {  	v25 =	vmul.f32 v25, v0;
	v30 =	vld [tilespmem:$0x90];
	v31 =	vsub.f32 v16, v34;
	v16 =	vadd.f32 v34, v16  }
0x3d: {  	v17 =	vmul.f32 v18, v17;
	v18 =	vsub.f32 v22, v38;
	v22 =	vadd.f32 v38, v22  }
0x3e: {  	v24 =	vmax.f32 v24, $0.0e+00;
	v20 =	vmax.f32 v20, $0.0e+00;
	v48 =	vmax.f32 v31, v12  }
0x3f: {  	v41 =	vmin.f32 v16, v14;
	v40 =	vadd.f32 v17, v15;
	v39 =	vmin.f32 v22, v13  }
0x40: {  	v32 =	vmul.f32 v20, v24;
	v20 =	vsub.f32 v22, v18;
	v22 =	vsub.f32 v16, v31  }
0x41: {  	v17 =	vmax.f32 v18, v11;
	v19 =	vmul.f32 $5.200000000e+01, v19;
	v42 =	vmul.f32 $5.200000000e+01, v30  }
0x42: {  	v41 =	vsub.f32 v41, v48;
	v20 =	vmul.f32 v22, v20;
	v40 =	vsub.f32 v40, v32  }
0x43: {  	v39 =	vsub.f32 v39, v17;
	v19 =	vmul.f32 v19, v0;
	v17 =	vsub.f32 v42, v25  }
0x44: {  	v45 =	vadd.f32 v20, v15;
	v40 =	vadd.f32 $9.999999960e-13, v40  }
0x45: {  	v30 =	vtrunc.f32 v35;
	v16 =	vsub.f32 v35, v19;
	v18 =	vadd.f32 v19, v35  }
0x46: {  	v31 =	vtrunc.f32 v42;
	v19 =	vadd.f32 v25, v42;
	v25 =	vadd.f32 $5.000000000e-01, v30  }
0x47: {  	v49 =	vmax.f32 v41, $0.0e+00;
	v42 =	vadd.f32 $5.000000000e-01, v31;
	v50 =	vsub.f32 v18, v16  }
0x48: {  	v24 =	vmax.f32 v39, $0.0e+00;
	v51 =	vsub.f32 v19, v17;
	v22 =	vsub.f32 v25, v26  }
0x49: {  	v35 =	vmul.f32 v49, v24;
	v43 =	vsub.f32 v42, v33;
	v24 =	vadd.f32 v25, v26  }
0x4a: {  	v44 =	vadd.f32 v42, v33;
	v55 =	vsub.f32 v42, v37  }
0x4b: {  	v56 =	vadd.f32 v25, v36;
	v46 =	vadd.f32 v42, v37  }
0x4c: {  	(erf) = vrcp.f32 v23;
	v45 =	vsub.f32 v45, v35;
	v63 =	vsub.f32 v25, v38  }
0x4d: {  	v20 =	vmul.f32 v51, v50;
	v52 =	vmax.f32 v22, v16;
	v53 =	vmin.f32 v24, v18  }
0x4e: {  	v22 =	vsub.f32 v24, v22;
	v24 =	vsub.f32 v44, v43;
	v43 =	vmax.f32 v43, v17  }
0x4f: {  	v44 =	vmin.f32 v44, v19;
	v48 =	vmax.f32 v55, v17;
	v49 =	vmin.f32 v56, v18  }
0x50: {  	v39 =	vsub.f32 v53, v52;
	v54 =	vsub.f32 v44, v43;
	v22 =	vmul.f32 v24, v22  }
0x51: {  	v50 =	vmin.f32 v46, v19;
	v43 =	vsub.f32 v46, v55;
	v24 =	vsub.f32 v25, v36  }
0x52: {  	v39 =	vmax.f32 v39, $0.0e+00;
	v41 =	vmax.f32 v54, $0.0e+00;
	v22 =	vadd.f32 v20, v22  }
0x53: {  	v61 =	vld [tilespmem:$0x120];
	v47 =	vmax.f32 v24, v16;
	v24 =	vsub.f32 v56, v24;
	v39 =	vmul.f32 v41, v39  }
0x54: {  	(erf) = vrcp.f32 v40;
	v58 =	vsub.f32 v50, v48;
	v57 =	vsub.f32 v49, v47  }
0x55: {  	v23 =	vadd.f32 v42, v34;
	v24 =	vmul.f32 v43, v24;
	v22 =	vsub.f32 v22, v39  }
0x56: {  	v60 =	vld [tilespmem:$0x20];
	v45 =	vadd.f32 $9.999999960e-13, v45;
	v59 =	vmax.f32 v58, $0.0e+00;
	v41 =	vmax.f32 v57, $0.0e+00  }
0x57: {  	v41 =	vmul.f32 v59, v41;
	v24 =	vadd.f32 v20, v24;
	v62 =	vadd.f32 $9.999999960e-13, v22;
	v22 =	vld [tilespmem:$0x1A0]  }
0x58: {  	v52 =	vmin.f32 v23, v19;
	v25 =	vadd.f32 v25, v38;
	v56 =	vld [tilespmem:$0xA0];
	v43 =	vmul.f32 $5.200000000e+01, v61  }
0x59: {  	(erf) = vrcp.f32 v45;
	v57 =	vsub.f32 v42, v34;
	v24 =	vsub.f32 v24, v41  }
0x5a: {  	v51 =	vmin.f32 v25, v18;
	v47 =	vsub.f32 v25, v63;
	v43 =	vmul.f32 v43, v0  }
0x5b: {  	v59 =	vmax.f32 v57, v17;
	v58 =	vadd.f32 $9.999999960e-13, v24;
	v24 =	vmax.f32 v63, v16  }
0x5c: {  	v22 =	vmul.f32 $5.200000000e+01, v22;
	v51 =	vsub.f32 v51, v24;
	v24 =	vmul.f32 $5.200000000e+01, v60  }
0x5d: {  	v49 =	vsub.f32 v23, v57;
	v42 =	vsub.f32 v52, v59;
	v60 =	vmul.f32 $5.200000000e+01, v56  }
0x5e: {  	v61 =	vmul.f32 v22, v0;
	v52 =	vtrunc.f32 v24;
	v22 =	vsub.f32 v24, v43  }
0x5f: {  	v53 =	vtrunc.f32 v60;
	v24 =	vadd.f32 v43, v24;
	v40 =	vadd.f32 $5.000000000e-01, v52  }
0x60: {  	(erf) = vrcp.f32 v62;
	v54 =	vadd.f32 $5.000000000e-01, v53;
	v23 =	vsub.f32 v60, v61  }
0x61: {  	v47 =	vmul.f32 v49, v47;
	v25 =	vadd.f32 v61, v60;
	v45 =	vsub.f32 v24, v22  }
0x62: {  	v42 =	vmax.f32 v42, $0.0e+00;
	v43 =	vsub.f32 v40, v26;
	v44 =	vsub.f32 v54, v33  }
0x63: {  	(erf) = vrcp.f32 v58;
	v26 =	vadd.f32 v40, v26;
	v33 =	vadd.f32 v54, v33  }
0x64: {  	v51 =	vmax.f32 v51, $0.0e+00;
	v60 =	vsub.f32 v40, v36;
	v61 =	vsub.f32 v54, v37  }
0x65: {  	v42 =	vmul.f32 v42, v51;
	v36 =	vadd.f32 v40, v36;
	v37 =	vadd.f32 v54, v37  }
0x66: {  	v46 =	vsub.f32 v25, v23;
	v62 =	vmax.f32 v43, v22;
	v63 =	vmax.f32 v44, v23  }
0x67: {  	v55 =	vmin.f32 v26, v24;
	v56 =	vmin.f32 v33, v25;
	v43 =	vsub.f32 v26, v43  }
0x68: {  	v33 =	vsub.f32 v33, v44;
	v57 =	vmin.f32 v37, v25;
	v37 =	vsub.f32 v37, v61  }
0x69: {  	v26 =	vmax.f32 v60, v22;
	v48 =	vsub.f32 v55, v62;
	v50 =	vsub.f32 v56, v63  }
0x6a: {  	v63 =	vmin.f32 v36, v24;
	v36 =	vsub.f32 v36, v60;
	v60 =	vsub.f32 v54, v34  }
0x6b: {  	v62 =	vmax.f32 v61, v23;
	v34 =	vadd.f32 v54, v34;
	v49 =	vsub.f32 v63, v26  }
0x6c: {  	v44 =	vsub.f32 v57, v62;
	v26 =	vmul.f32 v46, v45;
	v45 =	vsub.f32 v40, v38  }
0x6d: {  	v38 =	vadd.f32 v40, v38;
	v57 =	vadd.f32 v20, v47;
	v33 =	vmul.f32 v33, v43  }
0x6e: {  	v58 =	vmax.f32 v48, $0.0e+00;
	v59 =	vmax.f32 v50, $0.0e+00;
	v36 =	vmul.f32 v37, v36  }
0x6f: {  	v51 =	vmax.f32 v60, v23;
	v43 =	vsub.f32 v34, v60;
	v34 =	vmin.f32 v34, v25  }
0x70: {  	v61 =	vmax.f32 v45, v22;
	v62 =	vmin.f32 v38, v24;
	v46 =	vmul.f32 v59, v58  }
0x71: {  	v48 =	vsub.f32 v57, v42;
	v33 =	vadd.f32 v26, v33;
	v50 =	vmax.f32 v49, $0.0e+00  }
0x72: {  	v44 =	vmax.f32 v44, $0.0e+00;
	v38 =	vsub.f32 v38, v45;
	v34 =	vsub.f32 v34, v51  }
0x73: {  	v63 =	vsub.f32 v62, v61;
	v40 =	vmul.f32 v44, v50;
	v36 =	vadd.f32 v26, v36  }
0x74: {  	v33 =	vsub.f32 v33, v46;
	v38 =	vmul.f32 v43, v38;
	v37 =	vadd.f32 $9.999999960e-13, v48  }
0x75: {  	v34 =	vmax.f32 v34, $0.0e+00;
	v54 =	vmax.f32 v63, $0.0e+00;
	v36 =	vsub.f32 v36, v40  }
0x76: {  	v33 =	vadd.f32 $9.999999960e-13, v33;
	v34 =	vmul.f32 v34, v54;
	v38 =	vadd.f32 v26, v38  }
0x77: {  	(erf) = vrcp.f32 v37  }
0x78: {  	v55 =	vadd.f32 $9.999999960e-13, v36;
	(erf) = vrcp.f32 v33;
	v56 =	vsub.f32 v38, v34;
	_ =	sdelay $0x1  }
0x79: {  	v57 =	vpop (erf);
	(erf) = vrcp.f32 v55;
	v58 =	vadd.f32 $9.999999960e-13, v56  }
0x7a: {  	v28 =	vmul.u32 $0x34, v28  }
0x7b: {  	v59 =	vpop (erf);
	v29 =	vmul.f32 v57, v29;
	(erf) = vrcp.f32 v58  }
0x7c: {  	v28 =	vadd.s32 v27, v28;
	v31 =	vcvt.f32.s32 v31;
	v60 =	vpop (erf)  }
0x7d: {  	v30 =	vcvt.f32.s32 v30;
	v32 =	vmul.f32 v59, v32;
	v61 =	vpop (erf);
	vm0 =	vgt.f32 v29, $-Inf  }
0x7e: {  	v31 =	vmul.u32 $0x34, v31;
	v50 =	vcvt.f32.s32 v53;
	v29 =	vnsel vm0, $0xFF800000, v29;
	v62 =	vpop (erf)  }
0x7f: {  	v53 =	vcvt.f32.s32 v52;
	v35 =	vmul.f32 v60, v35;
	vm0 =	vgt.f32 v32, v29;
	v63 =	vpop (erf)  }
0x80: {  	v54 =	vmul.u32 $0x34, v50;
	v33 =	vmul.f32 v61, v39;
	v29 =	vsel vm0, v32, v29;
	v45 =	vpop (erf)  }
0x81: {  	v60 =	vadd.s32 v1, v28;
	vm11 =	vgt.f32 v35, v29;
	v29 =	vmul.f32 v45, v46  }
0x82: {  	v43 =	vmul.f32 v62, v41;
	vm1 =	vgt.f32 v33, $-Inf;
	v44 =	vsel vm0, $0x1, v2;
	v46 =	vpop (erf)  }
0x83: {  	v33 =	vnsel vm1, $0xFF800000, v33;
	v48 =	vmul.f32 v46, v40;
	vm13 =	vgt.f32 v29, $-Inf  }
0x84: {  	v37 =	vsel vm11, $0x2, v44;
	vm12 =	vgt.f32 v43, v33;
	v29 =	vnsel vm13, $0xFF800000, v29;
	v49 =	vpop (erf)  }
0x85: {  	v47 =	vsel vm12, $0x1, v2;
	vm0 =	vgt.f32 v48, v29;
	v34 =	vmul.f32 v49, v34  }
0x86: {  	v32 =	vsel vm12, v43, v33;
	v51 =	vmul.f32 v63, v42;
	v29 =	vsel vm0, v48, v29  }
0x87: {  	v57 =	vmul.u32 $0x381D0, v37;
	v55 =	vsel vm0, $0x1, v2;
	vm14 =	vgt.f32 v34, v29  }
0x88: {  	s15 =	smin.u32 s14, $0x54;
	vm15 =	vgt.f32 v51, v32;
	v29 =	vadd.s32 v30, v31;
	v27 =	vsel vm14, $0x2, v55  }
0x89: {  	s17 =	smul.u32 $0xA90, s15;
	v30 =	vadd.s32 v53, v54;
	v31 =	vsel vm15, $0x2, v47;
	v56 =	vmul.u32 $0x381D0, v27  }
0x8a: {  	v33 =	vadd.s32 v57, v60;
	v58 =	vadd.s32 v1, v30;
	v59 =	vmul.u32 $0x381D0, v31  }
0x8b: {  	s15 =	simm.s32 $0x4A0;
	v63 =	vadd.s32 s17, v33;
	v61 =	vadd.s32 v1, v29;
	v32 =	vadd.s32 v56, v58  }
0x8c: {  	[tilespmem:s15+$0xFFFFFFE0] =	vst v63;
	v34 =	vadd.s32 v59, v61;
	v62 =	vadd.s32 s17, v32  }
0x8d: {  	s16 =	simm.s32 $0x1;
	v35 =	vadd.s32 s17, v34;
	[tilespmem:s15+$0x0] =	vst v62  }
.LBB2_3:
0x8e: {  	s17 =	smin.u32 s16, $0x54  }
0x8f: {  	p0 =	sne.s32 s16, $0x57;
	s16 =	sadd.s32 $0x1, s16;
	[tilespmem:s15+$0xFFFFFFF0] =	vst v35;
	s17 =	smul.u32 $0xA90, s17  }
.Ltmp1:
0x90: {  	(pc) =	sbr.rel @p0 .LBB2_3-.Ltmp1, $4  }
0x91: {  	_ = 	snop  }
0x92: {  	s15 =	sadd.s32 $0x80, s15;
	v36 =	vadd.s32 s17, v33;
	v35 =	vadd.s32 s17, v34;
	v38 =	vadd.s32 s17, v32  }
0x93: {  	[tilespmem:s15+$0x0] =	vst v38  }
0x94: {  	[tilespmem:s15+$0xFFFFFFE0] =	vst v36  }
0x95: {  	[tilespmem:s15+$0xFFFFFFF0] =	vst v35  }
.LBB2_5:
0x96: {  	p0 =	sne.s32 s14, $0xAE00  }
.Ltmp2:
0x97: {  	_ = 	snop;
	(pc) =	sbr.rel @p0 .LBB2_5-.Ltmp2, $4  }
0x98: {  	_ = 	snop  }
0x99: {  	s15 =	sshra.s32 s14, $0x2  }
0x9a: {  	s14 =	sadd.s32 $0x200, s14;
	s16 =	sadd.s32 $0x3080, s15;
	s15 =	sadd.s32 $0x480, s15  }
0x9b: {  	[tilespmem:s16], [sflag:$0x1] =	stream.indirect.gather [hbm4b:s4+s10], $0x1, s15, s10, $0xb8;
	[tilespmem:$0x6080] =	vst v63  }
0x9c: {  	_ =	swait.ge [sflag:s11], $0x30  }
0x9d: {  	s14 =	simm.s32 $0x57;
	[sflag:s11] =	ssyncset.done $0x0  }
.LBB2_7:
0x9e: {  	p0 =	sne.s32 s14, $0x1;
	s14 =	sadd.s32 $0xFFFFFFFF, s14;
	[sflag:s11] =	ssyncadd.s32 $0xFFFFFFD0  }
.Ltmp3:
0x9f: {  	(pc) =	sbr.rel @p0 .LBB2_7-.Ltmp3, $3  }
0xa0: {  	_ =	sdelay $0x1  }
0xa1: {  	_ =	swait.ge [sflag:s11], $0x30  }
0xa2: {  	[sflag:s11] =	ssyncset.done $0x0  }
0xa3: {  	[sflag:s11] =	ssyncadd.s32 $0xFFFFFFD0  }
0xa4: {  	v29 =	vshll.u32 v29, $0x2;
	v30 =	vshll.u32 v30, $0x2;
	v35 =	vld [tilespmem:$0x0]  }
0xa5: {  	v32 =	vshll.u32 v28, $0x2;
	p0 =	por $0x0, $0x0;
	v29 =	vor.u32 v29, v31;
	v28 =	vor.u32 v30, v27;
	v36 =	vld [tilespmem:$0x80]  }
0xa6: {  	s14 =	simm.s32 $0x0;
	p1 =	por $0x1, $0x1;
	v30 =	vor.u32 v32, v37;
	v32 =	vld [tilespmem:$0x100];
	v34 =	vpsel p0, v29, v28  }
0xa7: {  	v33 =	vld [tilespmem:$0x180];
	v46 =	vmov s14;
	v34 =	vpsel p1, v30, v34  }
0xa8: {  	v42 =	vimm.s32 $0x0;
	v45 =	vld [tilespmem:$0x200];
	s14 =	simm.s32 $0x1;
	v51 =	vperm.xlane v34, v46  }
.LBB2_9:
0xa9: {  	s15 =	sshrl.u32 s14, $0x4;
	p0 =	sne.s32 s14, $0x27  }
.Ltmp4:
0xaa: {  	vm1 =	vgt.u32 v46, v8;
	s16 =	smov.u32 s14;
	s14 =	sadd.s32 $0x1, s14;
	vm0 =	veq.s32 v51, v30;
	(pc) =	sbr.rel @p0 .LBB2_9-.Ltmp4, $4  }
0xab: {  	p1 =	seq.s32 s15, $0x1;
	vm0 =	vmand vm1, vm0  }
0xac: {  	p2 =	seq.s32 s15, $0x0;
	v34 =	vpsel p1, v29, v28;
	v38 =	vsel vm0, $0x1, v2  }
0xad: {  	v46 =	vmov s16;
	v34 =	vpsel p2, v30, v34;
	v42 =	vadd.s32 v38, v42  }
0xae: {  	v51 =	vperm.xlane v34, v46  }
0xaf: {  	v34 =	vld [tilespmem:$0x3080];
	_ =	sdelay $0x4  }
0xb0: {  	v34 =	vsub.f32 $0.0e+00, v34;
	_ =	sdelay $0x1  }
0xb1: {  	v34 =	vmul.f32 $1.442695020e+00, v34;
	_ =	sdelay $0x1  }
0xb2: {  	(erf) = vpow2.f32 v34;
	_ =	sdelay $0x3  }
0xb3: {  	v53 =	vld [tilespmem:$0x3100];
	_ =	sdelay $0x4  }
0xb4: {  	v34 =	vsub.f32 $0.0e+00, v53;
	v38 =	vpop (erf)  }
0xb5: {  	v38 =	vadd.f32 $1.000000000e+00, v38  }
0xb6: {  	v34 =	vmul.f32 $1.442695020e+00, v34  }
0xb7: {  	(erf) = vrcp.f32 v38  }
0xb8: {  	(erf) = vpow2.f32 v34;
	_ =	sdelay $0x5  }
0xb9: {  	v54 =	vld [tilespmem:$0x3180]  }
0xba: {  	v39 =	vld [tilespmem:$0x3200]  }
0xbb: {  	v34 =	vpop (erf)  }
0xbc: {  	v40 =	vpop (erf)  }
0xbd: {  	v40 =	vadd.f32 $1.000000000e+00, v40  }
0xbe: {  	v38 =	vmul.f32 $1.442695020e+00, v54  }
0xbf: {  	v39 =	vmul.f32 $1.442695020e+00, v39;
	(erf) = vrcp.f32 v40  }
0xc0: {  	(erf) = vpow2.f32 v38  }
0xc1: {  	(erf) = vpow2.f32 v39;
	_ =	sdelay $0x1  }
0xc2: {  	v35 =	vmul.f32 $5.200000000e+01, v35;
	_ =	sdelay $0x1  }
0xc3: {  	v36 =	vmul.f32 $5.200000000e+01, v36;
	v57 =	vshll.u32 v37, $0x1;
	v55 =	vtrunc.f32 v35  }
0xc4: {  	vm1 =	vgt.u32 v46, v8;
	p0 =	por $0x0, $0x0;
	v43 =	vor.u32 $0x1, v57;
	v38 =	vcvt.f32.s32 v55  }
0xc5: {  	s14 =	simm.s32 $0x0;
	v44 =	vperm.xlane v21, v57;
	vm0 =	veq.s32 v51, v30;
	v61 =	vpsel p0, v16, v22  }
0xc6: {  	p3 =	por $0x0, $0x0;
	v62 =	vmov s14;
	v57 =	vpsel p0, v20, v26;
	v56 =	vtrunc.f32 v36;
	v37 =	vpop (erf)  }
0xc7: {  	p2 =	por $0x1, $0x1;
	v63 =	vpsel p3, v18, v24;
	v43 =	vperm.xlane v21, v43;
	v41 =	vcvt.f32.s32 v56;
	v39 =	vpop (erf)  }
0xc8: {  	vm0 =	vmand vm1, vm0;
	v46 =	vpsel p2, v11, v61;
	v40 =	vcvt.s32.f32 v38;
	v38 =	vpop (erf)  }
0xc9: {  	v57 =	vpsel p2, v15, v57;
	v41 =	vcvt.s32.f32 v41;
	v48 =	vmul.f32 v43, v38  }
0xca: {  	v61 =	vpsel p3, v19, v25;
	v60 =	vsel vm0, $0x1, v2;
	v47 =	vmul.f32 v44, v39  }
0xcb: {  	v56 =	vpsel p0, v19, v25;
	v50 =	vadd.f32 v41, v37;
	v53 =	vmul.f32 v48, v0  }
0xcc: {  	v56 =	vpsel p2, v14, v56;
	v49 =	vadd.f32 v40, v34;
	v52 =	vmul.f32 v47, v0  }
0xcd: {  	v48 =	vsub.f32 v50, v53;
	v50 =	vadd.f32 v53, v50;
	v53 =	vand.u32 $0xF, v62  }
0xce: {  	v54 =	vpsel p0, v17, v23;
	v55 =	vpsel p0, v18, v24;
	v53 =	vbroadcast v53, $0x0  }
0xcf: {  	v54 =	vpsel p2, v12, v54;
	v55 =	vpsel p2, v13, v55;
	v47 =	vsub.f32 v49, v52  }
0xd0: {  	v49 =	vadd.f32 v52, v49;
	v55 =	vperm.xlane v55, v53;
	v56 =	vperm.xlane v56, v53  }
0xd1: {  	v42 =	vadd.s32 v60, v42;
	v46 =	vperm.xlane v46, v53;
	v54 =	vperm.xlane v54, v53  }
0xd2: {  	v58 =	vsub.f32 v49, v47;
	v59 =	vsub.f32 v50, v48;
	v55 =	vmin.f32 v49, v55  }
0xd3: {  	v56 =	vmin.f32 v50, v56;
	v46 =	vmax.f32 v47, v46;
	v54 =	vmax.f32 v48, v54  }
0xd4: {  	v52 =	vimm.f32 $-Inf;
	v46 =	vsub.f32 v55, v46;
	v54 =	vsub.f32 v56, v54  }
0xd5: {  	s30 =	simm.s32 $0x1;
	v57 =	vperm.xlane v57, v53;
	v51 =	vmul.f32 v59, v58;
	v58 =	vpsel p3, v16, v22  }
0xd6: {  	v59 =	vmov s30;
	v46 =	vmax.f32 v46, $0.0e+00;
	v54 =	vmax.f32 v54, $0.0e+00  }
0xd7: {  	p4 =	por $0x1, $0x1;
	v59 =	vand.u32 $0xF, v59;
	v60 =	vadd.f32 v57, v51;
	v53 =	vmul.f32 v54, v46  }
0xd8: {  	v62 =	vpsel p3, v20, v26;
	v58 =	vpsel p4, v11, v58;
	v59 =	vbroadcast v59, $0x0  }
0xd9: {  	v55 =	vpsel p3, v17, v23;
	v56 =	vpsel p4, v13, v63;
	v46 =	vsub.f32 v60, v53  }
0xda: {  	v57 =	vpsel p4, v15, v62;
	v55 =	vpsel p4, v12, v55;
	v56 =	vperm.xlane v56, v59  }
0xdb: {  	p5 =	por $0x0, $0x0;
	v58 =	vperm.xlane v58, v59;
	v54 =	vpsel p4, v14, v61;
	v46 =	vadd.f32 $9.999999960e-13, v46  }
0xdc: {  	v62 =	vpsel p5, v18, v24;
	v55 =	vperm.xlane v55, v59;
	v54 =	vperm.xlane v54, v59  }
0xdd: {  	v57 =	vperm.xlane v57, v59;
	v56 =	vmin.f32 v49, v56;
	(erf) = vrcp.f32 v46  }
0xde: {  	v58 =	vmax.f32 v47, v58;
	v54 =	vmin.f32 v50, v54;
	v46 =	vmax.f32 v48, v55  }
0xdf: {  	s31 =	simm.s32 $0x2;
	v61 =	vpsel p5, v17, v23;
	v63 =	vsub.f32 v56, v58;
	v46 =	vsub.f32 v54, v46  }
0xe0: {  	v59 =	vmov s31;
	v60 =	vpsel p5, v16, v22;
	v58 =	vpsel p5, v19, v25  }
0xe1: {  	v56 =	vpsel p5, v20, v26;
	v55 =	vmax.f32 v63, $0.0e+00;
	v46 =	vmax.f32 v46, $0.0e+00  }
0xe2: {  	p6 =	por $0x1, $0x1;
	v63 =	vand.u32 $0xF, v59;
	v54 =	vmul.f32 v46, v55;
	v46 =	vadd.f32 v57, v51  }
0xe3: {  	v56 =	vpsel p6, v15, v56;
	v58 =	vpsel p6, v14, v58;
	v55 =	vbroadcast v63, $0x0  }
0xe4: {  	v59 =	vpsel p6, v11, v60;
	v57 =	vpsel p6, v13, v62;
	v3 =	vsub.f32 v46, v54  }
0xe5: {  	v63 =	vpsel p6, v12, v61;
	v61 =	vperm.xlane v57, v55;
	v62 =	vperm.xlane v58, v55  }
0xe6: {  	s14 =	simm.s32 $0x3;
	v46 =	vld [tilespmem:$0x3280];
	v59 =	vperm.xlane v59, v55;
	v60 =	vperm.xlane v63, v55;
	v57 =	vadd.f32 $9.999999960e-13, v3;
	v58 =	vpop (erf)  }
.LBB2_11:
0xe7: {  	s15 =	sshrl.u32 s14, $0x4  }
0xe8: {  	p0 =	sne.s32 s14, $0x27;
	v3 =	vmin.f32 v49, v61;
	v61 =	vmin.f32 v50, v62;
	v58 =	vmul.f32 v58, v53;
	v53 =	vmovc v54;
	s16 =	smov.u32 s14;
	s14 =	sadd.s32 $0x1, s14  }
0xe9: {  	p1 =	seq.s32 s15, $0x1;
	v54 =	vmax.f32 v47, v59;
	v59 =	vmax.f32 v48, v60;
	(erf) = vrcp.f32 v57  }
0xea: {  	v57 =	vpsel p1, v16, v22;
	v60 =	vpsel p1, v17, v23;
	v52 =	vmax.f32 v52, v58  }
0xeb: {  	v58 =	vpsel p1, v18, v24;
	v3 =	vsub.f32 v3, v54;
	v54 =	vsub.f32 v61, v59  }
0xec: {  	v55 =	vperm.xlane v56, v55;
	v59 =	vpsel p1, v19, v25;
	v61 =	vpsel p1, v20, v26  }
0xed: {  	v56 =	vmov s16;
	v3 =	vmax.f32 v3, $0.0e+00;
	v54 =	vmax.f32 v54, $0.0e+00  }
.Ltmp5:
0xee: {  	p1 =	seq.s32 s15, $0x0;
	v56 =	vand.u32 $0xF, v56;
	v54 =	vmul.f32 v54, v3;
	v3 =	vadd.f32 v55, v51;
	(pc) =	sbr.rel @p0 .LBB2_11-.Ltmp5, $4  }
0xef: {  	v58 =	vpsel p1, v13, v58;
	v55 =	vbroadcast v56, $0x0;
	v56 =	vpsel p1, v15, v61  }
0xf0: {  	v60 =	vpsel p1, v12, v60;
	v59 =	vpsel p1, v14, v59;
	v3 =	vsub.f32 v3, v54  }
0xf1: {  	v57 =	vpsel p1, v11, v57;
	v61 =	vperm.xlane v58, v55;
	v62 =	vperm.xlane v59, v55  }
0xf2: {  	v59 =	vperm.xlane v57, v55;
	v60 =	vperm.xlane v60, v55;
	v57 =	vadd.f32 $9.999999960e-13, v3;
	v58 =	vpop (erf)  }
0xf3: {  	v3 =	vmin.f32 v49, v61  }
0xf4: {  	v62 =	vmin.f32 v50, v62;
	v47 =	vmax.f32 v47, v59;
	v48 =	vmax.f32 v48, v60  }
0xf5: {  	v3 =	vsub.f32 v3, v47;
	v63 =	vsub.f32 v62, v48  }
0xf6: {  	v59 =	vperm.xlane v56, v55  }
0xf7: {  	v3 =	vmax.f32 v3, $0.0e+00;
	v47 =	vmax.f32 v63, $0.0e+00  }
0xf8: {  	v60 =	vadd.f32 v59, v51;
	v3 =	vmul.f32 v47, v3;
	_ =	sdelay $0x1  }
0xf9: {  	v47 =	vsub.f32 v60, v3;
	_ =	sdelay $0x1  }
0xfa: {  	v47 =	vadd.f32 $9.999999960e-13, v47  }
0xfb: {  	(erf) = vrcp.f32 v57  }
0xfc: {  	(erf) = vrcp.f32 v47;
	_ =	sdelay $0x3  }
0xfd: {  	s14 =	simm.s32 $0x3380  }
0xfe: {  	v63 =	vld [tilespmem:s14+$0x0]  }
0xff: {  	v47 =	vld [tilespmem:$0x3300]  }
0x100: {  	v45 =	vtrunc.f32 v45  }
0x101: {  	v61 =	vmul.f32 v58, v53;
	s28 =	simm.s32 $0x3400;
	v57 =	vcvt.f32.s32 v45;
	v62 =	vpop (erf)  }
0x102: {  	v58 =	vld [tilespmem:s28+$0x0];
	v49 =	vmul.f32 v62, v54;
	v56 =	vpop (erf)  }
0x103: {  	v48 =	vmax.f32 v52, v61;
	v50 =	vadd.s32 $0x5, v57;
	v3 =	vmul.f32 v56, v3  }
0x104: {  	vm0 =	veq.s32 v57, $0x0;
	v59 =	vmax.f32 v48, v49;
	v60 =	vmax.f32 v47, v63  }
0x105: {  	s29 =	simm.s32 $0x6;
	v45 =	vmax.f32 v59, v3;
	v3 =	vnsel vm0, $0x0, v47;
	v47 =	vsub.f32 v47, v60  }
0x106: {  	vm13 =	veq.s32 v50, s29  }
0x107: {  	s15 =	simm.s32 $0x7;
	v62 =	vsub.f32 v63, v60;
	v52 =	vmax.f32 v60, v58;
	v47 =	vmul.f32 $1.442695020e+00, v47  }
0x108: {  	vm14 =	veq.s32 v50, s15;
	v61 =	vnsel vm13, $0x0, v63;
	v48 =	vsub.f32 v60, v52  }
0x109: {  	v49 =	vmul.f32 $1.442695020e+00, v62;
	v3 =	vadd.f32 v61, v3;
	(erf) = vpow2.f32 v47  }
0x10a: {  	s30 =	simm.s32 $0x3480;
	v63 =	vnsel vm14, $0x0, v58  }
0x10b: {  	v53 =	vld [tilespmem:s30+$0x0];
	v47 =	vadd.f32 v63, v3;
	v3 =	vmul.f32 $1.442695020e+00, v48;
	(erf) = vpow2.f32 v49;
	_ =	sdelay $0x1  }
0x10c: {  	v54 =	vsub.f32 v58, v52;
	(erf) = vpow2.f32 v3  }
0x10d: {  	s31 =	simm.s32 $0x8  }
0x10e: {  	vm15 =	veq.s32 v50, s31;
	v54 =	vmul.f32 $1.442695020e+00, v54  }
0x10f: {  	v51 =	vimm.f32 $1.000000000e+00;
	s14 =	simm.s32 $0x9;
	s15 =	simm.s32 $0x3500;
	v48 =	vmax.f32 v52, v53;
	v49 =	vnsel vm15, $0x0, v53  }
.LBB2_13:
0x110: {  	v3 =	vld [tilespmem:s15+$0x0];
	p0 =	sne.s32 s14, $0x54;
	v55 =	vsub.f32 v52, v48;
	v47 =	vadd.f32 v49, v47;
	(erf) = vpow2.f32 v54;
	v52 =	vmovc v48;
	s16 =	smov.u32 s14;
	s14 =	sadd.s32 $0x1, s14  }
.Ltmp6:
0x111: {  	v49 =	vpop (erf);
	(pc) =	sbr.rel @p0 .LBB2_13-.Ltmp6, $4  }
0x112: {  	v56 =	vsub.f32 v53, v48;
	v55 =	vmul.f32 $1.442695020e+00, v55;
	v49 =	vmul.f32 v49, v51  }
0x113: {  	vm0 =	veq.s32 v50, s16;
	v51 =	vpop (erf)  }
0x114: {  	v54 =	vmul.f32 $1.442695020e+00, v56;
	(erf) = vpow2.f32 v55;
	v51 =	vadd.f32 v49, v51  }
0x115: {  	s15 =	sadd.s32 $0x80, s15;
	v48 =	vmax.f32 v48, v3;
	v49 =	vnsel vm0, $0x0, v3;
	v53 =	vmov v3  }
0x116: {  	v3 =	vsub.f32 v52, v48;
	_ =	sdelay $0x1  }
0x117: {  	v3 =	vmul.f32 $1.442695020e+00, v3  }
0x118: {  	(erf) = vpow2.f32 v54;
	v50 =	vsub.f32 v53, v48;
	_ =	sdelay $0x1  }
0x119: {  	v50 =	vmul.f32 $1.442695020e+00, v50;
	(erf) = vpow2.f32 v3  }
0x11a: {  	v3 =	vpop (erf)  }
0x11b: {  	(erf) = vpow2.f32 v50;
	v3 =	vmul.f32 v3, v51  }
0x11c: {  	v55 =	vpop (erf)  }
0x11d: {  	v3 =	vadd.f32 v3, v55  }
0x11e: {  	v56 =	vpop (erf)  }
0x11f: {  	v3 =	vmul.f32 v56, v3  }
0x120: {  	v57 =	vpop (erf)  }
0x121: {  	v3 =	vadd.f32 v3, v57  }
0x122: {  	v58 =	vpop (erf)  }
0x123: {  	v3 =	vmul.f32 v58, v3  }
0x124: {  	v59 =	vpop (erf)  }
0x125: {  	v3 =	vadd.f32 v3, v59;
	_ =	sdelay $0x1  }
0x126: {  	vm0 =	vgt.f32 v3, $1.648721220e+00;
	vm1 =	vgt.f32 v3, $2.718281750e+00  }
0x127: {  	v60 =	vsel vm0, $0x3F400000, v10;
	v61 =	vsel vm1, $0x3F000000, v9  }
0x128: {  	vm7 =	vgt.f32 v3, $4.481688980e+00;
	v50 =	vadd.f32 v61, v60  }
0x129: {  	v46 =	vsub.f32 $0.0e+00, v46;
	v62 =	vsel vm7, $0x3F000000, v9  }
0x12a: {  	vm8 =	vgt.f32 v3, $7.389056200e+00;
	v50 =	vadd.f32 v50, v62  }
0x12b: {  	v46 =	vmul.f32 $1.442695020e+00, v46;
	v63 =	vsel vm8, $0x3F000000, v9  }
0x12c: {  	vm9 =	vgt.f32 v3, $1.218249420e+01;
	v50 =	vadd.f32 v50, v63  }
0x12d: {  	(erf) = vpow2.f32 v46;
	v53 =	vsel vm9, $0x3F000000, v9  }
0x12e: {  	vm10 =	vgt.f32 v3, $2.008553700e+01;
	v46 =	vadd.f32 v50, v53  }
0x12f: {  	v54 =	vsel vm10, $0x3F000000, v9  }
0x130: {  	vm11 =	vgt.f32 v3, $3.311545180e+01;
	v46 =	vadd.f32 v46, v54  }
0x131: {  	v55 =	vsel vm11, $0x3F000000, v9  }
0x132: {  	vm12 =	vgt.f32 v3, $5.459814830e+01;
	v46 =	vadd.f32 v46, v55  }
0x133: {  	v56 =	vsel vm12, $0x3F000000, v9  }
0x134: {  	vm13 =	vgt.f32 v3, $9.001712800e+01;
	v46 =	vadd.f32 v46, v56  }
0x135: {  	v57 =	vsel vm13, $0x3F000000, v9  }
0x136: {  	v58 =	vpop (erf);
	v46 =	vadd.f32 v46, v57  }
0x137: {  	v59 =	vadd.f32 $1.000000000e+00, v58  }
0x138: {  	v60 =	vsub.f32 $0.0e+00, v46  }
0x139: {  	(erf) = vrcp.f32 v59  }
0x13a: {  	(erf) = vrcp.f32 v44;
	v61 =	vmul.f32 $1.442695020e+00, v60  }
0x13b: {  	(erf) = vrcp.f32 v43  }
0x13c: {  	(erf) = vpow2.f32 v61;
	_ =	sdelay $0x5  }
0x13d: {  	v62 =	vpop (erf)  }
0x13e: {  	v63 =	vpop (erf)  }
0x13f: {  	v54 =	vpop (erf)  }
0x140: {  	v55 =	vpop (erf)  }
0x141: {  	v46 =	vadd.f32 $-1.000000000e+00, v46;
	v51 =	vmul.f32 v55, v3;
	_ =	sdelay $0x1  }
0x142: {  	v46 =	vadd.f32 v51, v46;
	_ =	sdelay $0x1  }
0x143: {  	v51 =	vsub.f32 $0.0e+00, v46;
	_ =	sdelay $0x1  }
0x144: {  	v51 =	vmul.f32 $1.442695020e+00, v51;
	_ =	sdelay $0x1  }
0x145: {  	(erf) = vpow2.f32 v51;
	_ =	sdelay $0x8  }
0x146: {  	v51 =	vpop (erf)  }
0x147: {  	v46 =	vadd.f32 $-1.000000000e+00, v46;
	v51 =	vmul.f32 v51, v3;
	_ =	sdelay $0x1  }
0x148: {  	v46 =	vadd.f32 v51, v46;
	_ =	sdelay $0x1  }
0x149: {  	v51 =	vsub.f32 $0.0e+00, v46;
	_ =	sdelay $0x1  }
0x14a: {  	v51 =	vmul.f32 $1.442695020e+00, v51;
	_ =	sdelay $0x1  }
0x14b: {  	(erf) = vpow2.f32 v51;
	_ =	sdelay $0x8  }
0x14c: {  	v51 =	vpop (erf)  }
0x14d: {  	v46 =	vadd.f32 $-1.000000000e+00, v46;
	v51 =	vmul.f32 v51, v3;
	_ =	sdelay $0x1  }
0x14e: {  	v46 =	vadd.f32 v51, v46;
	_ =	sdelay $0x1  }
0x14f: {  	v51 =	vsub.f32 $0.0e+00, v46;
	_ =	sdelay $0x1  }
0x150: {  	v51 =	vmul.f32 $1.442695020e+00, v51;
	_ =	sdelay $0x1  }
0x151: {  	(erf) = vpow2.f32 v51;
	_ =	sdelay $0x3  }
0x152: {  	v35 =	vsub.f32 v35, v40  }
0x153: {  	v32 =	vmul.f32 $5.200000000e+01, v32;
	v36 =	vsub.f32 v36, v41  }
0x154: {  	v34 =	vsub.f32 v34, v35  }
0x155: {  	v33 =	vmul.f32 $5.200000000e+01, v33;
	v32 =	vmul.f32 v63, v32;
	v56 =	vsub.f32 v37, v36  }
0x156: {  	v34 =	vmul.f32 v34, v34  }
0x157: {  	v33 =	vmul.f32 v54, v33;
	v32 =	vsub.f32 v39, v32;
	v35 =	vmul.f32 v56, v56;
	v57 =	vpop (erf)  }
0x158: {  	v58 =	vadd.f32 $-1.000000000e+00, v46;
	v3 =	vmul.f32 v57, v3  }
0x159: {  	v33 =	vsub.f32 v38, v33;
	v32 =	vmul.f32 v32, v32;
	v34 =	vadd.f32 v35, v34  }
0x15a: {  	v3 =	vadd.f32 v3, v58  }
0x15b: {  	v33 =	vmul.f32 v33, v33;
	v32 =	vadd.f32 v32, v34  }
0x15c: {  	v59 =	vadd.f32 v49, v47;
	v3 =	vadd.f32 v3, v48  }
0x15d: {  	v60 =	vmul.f32 $5.000000000e+00, v62;
	v32 =	vadd.f32 v33, v32;
	v61 =	vmul.f32 $5.000000000e+00, v45  }
0x15e: {  	vm14 =	veq.s32 v42, $0x0;
	vm15 =	vlt.f32 v45, $6.999999880e-01;
	v3 =	vsub.f32 v3, v59  }
0x15f: {  	v62 =	vmul.f32 v62, v62;
	v33 =	vsub.f32 v60, v61;
	v32 =	vnsel vm14, $0x0, v32  }
0x160: {  	vm1 =	vmand vm14, vm15;
	v44 =	vld [tilespmem:$0x210];
	[tilespmem:$0x5C80] =	vst v32;
	v3 =	vnsel vm14, $0x0, v3  }
0x161: {  	p0 =	por $0x0, $0x0;
	v36 =	vld [tilespmem:$0x90];
	v33 =	vmul.f32 v33, v33;
	[tilespmem:$0x5D00] =	vst v3;
	v3 =	vnsel vm1, $0x0, v62  }
0x162: {  	s14 =	simm.s32 $0x0;
	p1 =	por $0x1, $0x1;
	v63 =	vpsel p0, v29, v28;
	v35 =	vld [tilespmem:$0x10];
	[tilespmem:$0x5D80] =	vst v3;
	v3 =	vnsel vm14, $0x0, v62  }
0x163: {  	v50 =	vmov s14;
	v34 =	vpsel p1, v30, v63;
	v32 =	vld [tilespmem:$0x110];
	[tilespmem:$0x5E00] =	vst v3;
	v3 =	vnsel vm14, $0x0, v33  }
0x164: {  	v41 =	vimm.s32 $0x0;
	s14 =	simm.s32 $0x1;
	v45 =	vor.u32 $0x10, v8;
	v51 =	vperm.xlane v34, v50;
	v33 =	vld [tilespmem:$0x190];
	[tilespmem:$0x5E80] =	vst v3  }
.LBB2_15:
0x165: {  	s15 =	sshrl.u32 s14, $0x4  }
0x166: {  	p0 =	sne.s32 s14, $0x27;
	vm0 =	veq.s32 v51, v29;
	vm1 =	vgt.u32 v50, v45;
	s16 =	smov.u32 s14;
	s14 =	sadd.s32 $0x1, s14  }
.Ltmp7:
0x167: {  	p1 =	seq.s32 s15, $0x1;
	vm0 =	vmand vm1, vm0;
	(pc) =	sbr.rel @p0 .LBB2_15-.Ltmp7, $3  }
0x168: {  	p2 =	seq.s32 s15, $0x0;
	v3 =	vpsel p1, v29, v28;
	v34 =	vsel vm0, $0x1, v2  }
0x169: {  	v50 =	vmov s16;
	v3 =	vpsel p2, v30, v3;
	v41 =	vadd.s32 v34, v41  }
0x16a: {  	v51 =	vperm.xlane v3, v50;
	_ =	sdelay $0x1  }
0x16b: {  	v3 =	vld [tilespmem:$0x3090];
	_ =	sdelay $0x4  }
0x16c: {  	v3 =	vsub.f32 $0.0e+00, v3;
	_ =	sdelay $0x1  }
0x16d: {  	v3 =	vmul.f32 $1.442695020e+00, v3;
	_ =	sdelay $0x1  }
0x16e: {  	(erf) = vpow2.f32 v3;
	_ =	sdelay $0x3  }
0x16f: {  	v3 =	vld [tilespmem:$0x3110];
	_ =	sdelay $0x4  }
0x170: {  	v3 =	vsub.f32 $0.0e+00, v3;
	v34 =	vpop (erf)  }
0x171: {  	v34 =	vadd.f32 $1.000000000e+00, v34  }
0x172: {  	v3 =	vmul.f32 $1.442695020e+00, v3  }
0x173: {  	(erf) = vrcp.f32 v34  }
0x174: {  	(erf) = vpow2.f32 v3;
	_ =	sdelay $0x5  }
0x175: {  	v3 =	vld [tilespmem:$0x3190]  }
0x176: {  	v37 =	vld [tilespmem:$0x3210]  }
0x177: {  	v34 =	vpop (erf)  }
0x178: {  	v38 =	vpop (erf)  }
0x179: {  	v38 =	vadd.f32 $1.000000000e+00, v38  }
0x17a: {  	v3 =	vmul.f32 $1.442695020e+00, v3  }
0x17b: {  	v37 =	vmul.f32 $1.442695020e+00, v37;
	(erf) = vrcp.f32 v38  }
0x17c: {  	(erf) = vpow2.f32 v3  }
0x17d: {  	(erf) = vpow2.f32 v37;
	_ =	sdelay $0x1  }
0x17e: {  	v36 =	vmul.f32 $5.200000000e+01, v36  }
0x17f: {  	v35 =	vmul.f32 $5.200000000e+01, v35  }
0x180: {  	v58 =	vtrunc.f32 v36  }
0x181: {  	v3 =	vtrunc.f32 v35;
	v37 =	vcvt.f32.s32 v58  }
0x182: {  	v39 =	vshll.u32 v31, $0x1;
	v3 =	vcvt.f32.s32 v3  }
0x183: {  	v40 =	vor.u32 $0x1, v39;
	v43 =	vperm.xlane v21, v39;
	v31 =	vpop (erf)  }
0x184: {  	v42 =	vperm.xlane v21, v40;
	v39 =	vcvt.s32.f32 v3;
	v38 =	vpop (erf)  }
0x185: {  	v40 =	vcvt.s32.f32 v37;
	v37 =	vpop (erf);
	v3 =	vmul.f32 v43, v38  }
0x186: {  	vm0 =	veq.s32 v51, v29;
	vm1 =	vgt.u32 v50, v45;
	v46 =	vmul.f32 v42, v37  }
0x187: {  	v51 =	vimm.f32 $-Inf;
	v48 =	vadd.f32 v39, v34;
	v3 =	vmul.f32 v3, v0  }
0x188: {  	s14 =	simm.s32 $0x0;
	vm0 =	vmand vm1, vm0;
	v49 =	vadd.f32 v40, v31;
	v52 =	vmul.f32 v46, v0  }
0x189: {  	p0 =	por $0x0, $0x0;
	v61 =	vmov s14;
	v46 =	vsub.f32 v48, v3;
	v48 =	vadd.f32 v3, v48  }
0x18a: {  	v62 =	vpsel p0, v17, v23;
	v47 =	vsub.f32 v49, v52;
	v49 =	vadd.f32 v52, v49  }
0x18b: {  	v53 =	vpsel p0, v18, v24;
	v54 =	vpsel p0, v19, v25;
	v45 =	vand.u32 $0xF, v61  }
0x18c: {  	p2 =	por $0x1, $0x1;
	v45 =	vbroadcast v45, $0x0;
	v3 =	vsub.f32 v48, v46;
	v59 =	vsub.f32 v49, v47  }
0x18d: {  	v55 =	vpsel p0, v20, v26;
	v53 =	vpsel p2, v13, v53;
	v54 =	vpsel p2, v14, v54  }
0x18e: {  	v53 =	vperm.xlane v53, v45;
	v50 =	vmul.f32 v59, v3;
	v3 =	vpsel p0, v16, v22  }
0x18f: {  	p3 =	por $0x0, $0x0;
	v54 =	vperm.xlane v54, v45;
	v52 =	vpsel p2, v12, v62;
	v3 =	vpsel p2, v11, v3  }
0x190: {  	v56 =	vpsel p3, v16, v22;
	v52 =	vperm.xlane v52, v45;
	v3 =	vperm.xlane v3, v45  }
0x191: {  	v63 =	vpsel p3, v17, v23;
	v57 =	vpsel p3, v20, v26;
	v53 =	vmin.f32 v48, v53  }
0x192: {  	v54 =	vmin.f32 v49, v54;
	v52 =	vmax.f32 v47, v52;
	v3 =	vmax.f32 v46, v3  }
0x193: {  	s30 =	simm.s32 $0x1;
	v55 =	vpsel p2, v15, v55;
	v52 =	vsub.f32 v54, v52;
	v3 =	vsub.f32 v53, v3  }
0x194: {  	p4 =	por $0x1, $0x1;
	v60 =	vsel vm0, $0x1, v2;
	v61 =	vmov s30;
	v45 =	vperm.xlane v55, v45  }
0x195: {  	v56 =	vpsel p4, v11, v56;
	v52 =	vmax.f32 v52, $0.0e+00;
	v3 =	vmax.f32 v3, $0.0e+00  }
0x196: {  	v55 =	vand.u32 $0xF, v61;
	v52 =	vmul.f32 v52, v3;
	v3 =	vadd.f32 v45, v50  }
0x197: {  	v41 =	vadd.s32 v60, v41;
	v60 =	vpsel p3, v18, v24;
	v55 =	vbroadcast v55, $0x0  }
0x198: {  	v57 =	vpsel p4, v15, v57;
	v54 =	vpsel p4, v13, v60;
	v3 =	vsub.f32 v3, v52  }
0x199: {  	v62 =	vpsel p3, v19, v25;
	v53 =	vpsel p4, v12, v63;
	v54 =	vperm.xlane v54, v55  }
0x19a: {  	p5 =	por $0x0, $0x0;
	v56 =	vperm.xlane v56, v55;
	v45 =	vpsel p4, v14, v62;
	v3 =	vadd.f32 $9.999999960e-13, v3  }
0x19b: {  	p6 =	por $0x1, $0x1;
	v58 =	vpsel p5, v16, v22;
	v53 =	vperm.xlane v53, v55;
	v45 =	vperm.xlane v45, v55  }
0x19c: {  	v58 =	vpsel p6, v11, v58;
	v54 =	vmin.f32 v48, v54;
	(erf) = vrcp.f32 v3  }
0x19d: {  	v56 =	vmax.f32 v46, v56;
	v45 =	vmin.f32 v49, v45;
	v3 =	vmax.f32 v47, v53  }
0x19e: {  	s31 =	simm.s32 $0x2;
	v59 =	vpsel p5, v17, v23;
	v63 =	vsub.f32 v54, v56;
	v3 =	vsub.f32 v45, v3  }
0x19f: {  	v61 =	vperm.xlane v57, v55;
	v56 =	vpsel p5, v20, v26;
	v62 =	vmov s31  }
0x1a0: {  	v55 =	vand.u32 $0xF, v62;
	v53 =	vmax.f32 v63, $0.0e+00;
	v3 =	vmax.f32 v3, $0.0e+00  }
0x1a1: {  	v54 =	vbroadcast v55, $0x0;
	v53 =	vmul.f32 v3, v53;
	v3 =	vadd.f32 v61, v50  }
0x1a2: {  	v60 =	vpsel p5, v18, v24;
	v55 =	vpsel p6, v15, v56;
	v56 =	vpsel p6, v12, v59  }
0x1a3: {  	v58 =	vperm.xlane v58, v54;
	v45 =	vpsel p5, v19, v25;
	v3 =	vsub.f32 v3, v53  }
0x1a4: {  	v59 =	vperm.xlane v56, v54;
	v63 =	vpsel p6, v13, v60;
	v45 =	vpsel p6, v14, v45  }
0x1a5: {  	s14 =	simm.s32 $0x3;
	v60 =	vperm.xlane v63, v54;
	v61 =	vperm.xlane v45, v54;
	v45 =	vld [tilespmem:$0x3290];
	v56 =	vadd.f32 $9.999999960e-13, v3;
	v57 =	vpop (erf)  }
.LBB2_17:
0x1a6: {  	s15 =	sshrl.u32 s14, $0x4  }
0x1a7: {  	p0 =	sne.s32 s14, $0x27;
	v3 =	vmin.f32 v48, v60;
	v60 =	vmin.f32 v49, v61;
	v57 =	vmul.f32 v57, v52;
	v52 =	vmovc v53;
	s16 =	smov.u32 s14;
	s14 =	sadd.s32 $0x1, s14  }
0x1a8: {  	p1 =	seq.s32 s15, $0x1;
	v53 =	vmax.f32 v46, v58;
	v58 =	vmax.f32 v47, v59;
	(erf) = vrcp.f32 v56  }
0x1a9: {  	v56 =	vpsel p1, v16, v22;
	v59 =	vpsel p1, v17, v23;
	v51 =	vmax.f32 v51, v57  }
0x1aa: {  	v57 =	vpsel p1, v18, v24;
	v3 =	vsub.f32 v3, v53;
	v53 =	vsub.f32 v60, v58  }
0x1ab: {  	v54 =	vperm.xlane v55, v54;
	v58 =	vpsel p1, v19, v25;
	v60 =	vpsel p1, v20, v26  }
0x1ac: {  	v55 =	vmov s16;
	v3 =	vmax.f32 v3, $0.0e+00;
	v53 =	vmax.f32 v53, $0.0e+00  }
.Ltmp8:
0x1ad: {  	p1 =	seq.s32 s15, $0x0;
	v55 =	vand.u32 $0xF, v55;
	v53 =	vmul.f32 v53, v3;
	v3 =	vadd.f32 v54, v50;
	(pc) =	sbr.rel @p0 .LBB2_17-.Ltmp8, $4  }
0x1ae: {  	v57 =	vpsel p1, v13, v57;
	v54 =	vbroadcast v55, $0x0;
	v55 =	vpsel p1, v15, v60  }
0x1af: {  	v59 =	vpsel p1, v12, v59;
	v58 =	vpsel p1, v14, v58;
	v3 =	vsub.f32 v3, v53  }
0x1b0: {  	v56 =	vpsel p1, v11, v56;
	v60 =	vperm.xlane v57, v54;
	v61 =	vperm.xlane v58, v54  }
0x1b1: {  	v58 =	vperm.xlane v56, v54;
	v59 =	vperm.xlane v59, v54;
	v56 =	vadd.f32 $9.999999960e-13, v3;
	v57 =	vpop (erf)  }
0x1b2: {  	v3 =	vmin.f32 v48, v60  }
0x1b3: {  	v63 =	vmin.f32 v49, v61;
	v46 =	vmax.f32 v46, v58;
	v47 =	vmax.f32 v47, v59  }
0x1b4: {  	v3 =	vsub.f32 v3, v46;
	v58 =	vsub.f32 v63, v47  }
0x1b5: {  	v59 =	vperm.xlane v55, v54  }
0x1b6: {  	v3 =	vmax.f32 v3, $0.0e+00;
	v46 =	vmax.f32 v58, $0.0e+00  }
0x1b7: {  	v60 =	vadd.f32 v59, v50;
	v3 =	vmul.f32 v46, v3;
	_ =	sdelay $0x1  }
0x1b8: {  	v46 =	vsub.f32 v60, v3;
	_ =	sdelay $0x1  }
0x1b9: {  	v46 =	vadd.f32 $9.999999960e-13, v46  }
0x1ba: {  	(erf) = vrcp.f32 v56  }
0x1bb: {  	(erf) = vrcp.f32 v46;
	_ =	sdelay $0x3  }
0x1bc: {  	s14 =	simm.s32 $0x3390  }
0x1bd: {  	v63 =	vld [tilespmem:s14+$0x0]  }
0x1be: {  	v46 =	vld [tilespmem:$0x3310]  }
0x1bf: {  	v44 =	vtrunc.f32 v44  }
0x1c0: {  	v61 =	vmul.f32 v57, v52;
	s28 =	simm.s32 $0x3410;
	v57 =	vcvt.f32.s32 v44;
	v62 =	vpop (erf)  }
0x1c1: {  	v58 =	vld [tilespmem:s28+$0x0];
	v48 =	vmul.f32 v62, v53;
	v56 =	vpop (erf)  }
0x1c2: {  	v47 =	vmax.f32 v51, v61;
	v49 =	vadd.s32 $0x5, v57;
	v3 =	vmul.f32 v56, v3  }
0x1c3: {  	vm0 =	veq.s32 v57, $0x0;
	v59 =	vmax.f32 v47, v48;
	v60 =	vmax.f32 v46, v63  }
0x1c4: {  	s29 =	simm.s32 $0x6;
	v44 =	vmax.f32 v59, v3;
	v3 =	vnsel vm0, $0x0, v46;
	v46 =	vsub.f32 v46, v60  }
0x1c5: {  	vm13 =	veq.s32 v49, s29  }
0x1c6: {  	s15 =	simm.s32 $0x7;
	v62 =	vsub.f32 v63, v60;
	v51 =	vmax.f32 v60, v58;
	v46 =	vmul.f32 $1.442695020e+00, v46  }
0x1c7: {  	vm14 =	veq.s32 v49, s15;
	v61 =	vnsel vm13, $0x0, v63;
	v47 =	vsub.f32 v60, v51  }
0x1c8: {  	v48 =	vmul.f32 $1.442695020e+00, v62;
	v3 =	vadd.f32 v61, v3;
	(erf) = vpow2.f32 v46  }
0x1c9: {  	s30 =	simm.s32 $0x3490;
	v63 =	vnsel vm14, $0x0, v58  }
0x1ca: {  	v52 =	vld [tilespmem:s30+$0x0];
	v46 =	vadd.f32 v63, v3;
	v3 =	vmul.f32 $1.442695020e+00, v47;
	(erf) = vpow2.f32 v48;
	_ =	sdelay $0x1  }
0x1cb: {  	v53 =	vsub.f32 v58, v51;
	(erf) = vpow2.f32 v3  }
0x1cc: {  	s31 =	simm.s32 $0x8  }
0x1cd: {  	vm15 =	veq.s32 v49, s31;
	v53 =	vmul.f32 $1.442695020e+00, v53  }
0x1ce: {  	s14 =	simm.s32 $0x9;
	v50 =	vimm.f32 $1.000000000e+00;
	s15 =	simm.s32 $0x3510;
	v47 =	vmax.f32 v51, v52;
	v48 =	vnsel vm15, $0x0, v52  }
.LBB2_19:
0x1cf: {  	v3 =	vld [tilespmem:s15+$0x0];
	p0 =	sne.s32 s14, $0x54;
	v54 =	vsub.f32 v51, v47;
	v46 =	vadd.f32 v48, v46;
	(erf) = vpow2.f32 v53;
	v51 =	vmovc v47;
	s16 =	smov.u32 s14;
	s14 =	sadd.s32 $0x1, s14  }
.Ltmp9:
0x1d0: {  	v48 =	vpop (erf);
	(pc) =	sbr.rel @p0 .LBB2_19-.Ltmp9, $4  }
0x1d1: {  	v55 =	vsub.f32 v52, v47;
	v54 =	vmul.f32 $1.442695020e+00, v54;
	v48 =	vmul.f32 v48, v50  }
0x1d2: {  	vm0 =	veq.s32 v49, s16;
	v50 =	vpop (erf)  }
0x1d3: {  	v53 =	vmul.f32 $1.442695020e+00, v55;
	(erf) = vpow2.f32 v54;
	v50 =	vadd.f32 v48, v50  }
0x1d4: {  	s15 =	sadd.s32 $0x80, s15;
	v47 =	vmax.f32 v47, v3;
	v48 =	vnsel vm0, $0x0, v3;
	v52 =	vmov v3  }
0x1d5: {  	v3 =	vsub.f32 v51, v47;
	_ =	sdelay $0x1  }
0x1d6: {  	v3 =	vmul.f32 $1.442695020e+00, v3  }
0x1d7: {  	(erf) = vpow2.f32 v53;
	v49 =	vsub.f32 v52, v47;
	_ =	sdelay $0x1  }
0x1d8: {  	v49 =	vmul.f32 $1.442695020e+00, v49;
	(erf) = vpow2.f32 v3  }
0x1d9: {  	v3 =	vpop (erf)  }
0x1da: {  	(erf) = vpow2.f32 v49;
	v3 =	vmul.f32 v3, v50  }
0x1db: {  	v59 =	vpop (erf)  }
0x1dc: {  	v3 =	vadd.f32 v3, v59  }
0x1dd: {  	v60 =	vpop (erf)  }
0x1de: {  	v3 =	vmul.f32 v60, v3  }
0x1df: {  	v61 =	vpop (erf)  }
0x1e0: {  	v3 =	vadd.f32 v3, v61  }
0x1e1: {  	v62 =	vpop (erf)  }
0x1e2: {  	v3 =	vmul.f32 v62, v3  }
0x1e3: {  	v63 =	vpop (erf)  }
0x1e4: {  	v3 =	vadd.f32 v3, v63;
	_ =	sdelay $0x1  }
0x1e5: {  	vm0 =	vgt.f32 v3, $1.648721220e+00;
	vm1 =	vgt.f32 v3, $2.718281750e+00  }
0x1e6: {  	v52 =	vsel vm0, $0x3F400000, v10;
	v53 =	vsel vm1, $0x3F000000, v9  }
0x1e7: {  	vm7 =	vgt.f32 v3, $4.481688980e+00;
	v49 =	vadd.f32 v53, v52  }
0x1e8: {  	v45 =	vsub.f32 $0.0e+00, v45;
	v54 =	vsel vm7, $0x3F000000, v9  }
0x1e9: {  	vm8 =	vgt.f32 v3, $7.389056200e+00;
	v49 =	vadd.f32 v49, v54  }
0x1ea: {  	v45 =	vmul.f32 $1.442695020e+00, v45;
	v55 =	vsel vm8, $0x3F000000, v9  }
0x1eb: {  	vm9 =	vgt.f32 v3, $1.218249420e+01;
	v49 =	vadd.f32 v49, v55  }
0x1ec: {  	(erf) = vpow2.f32 v45;
	v56 =	vsel vm9, $0x3F000000, v9  }
0x1ed: {  	vm10 =	vgt.f32 v3, $2.008553700e+01;
	v45 =	vadd.f32 v49, v56  }
0x1ee: {  	v57 =	vsel vm10, $0x3F000000, v9  }
0x1ef: {  	vm11 =	vgt.f32 v3, $3.311545180e+01;
	v45 =	vadd.f32 v45, v57  }
0x1f0: {  	v58 =	vsel vm11, $0x3F000000, v9  }
0x1f1: {  	vm12 =	vgt.f32 v3, $5.459814830e+01;
	v45 =	vadd.f32 v45, v58  }
0x1f2: {  	v59 =	vsel vm12, $0x3F000000, v9  }
0x1f3: {  	vm13 =	vgt.f32 v3, $9.001712800e+01;
	v45 =	vadd.f32 v45, v59  }
0x1f4: {  	v60 =	vsel vm13, $0x3F000000, v9  }
0x1f5: {  	v61 =	vpop (erf);
	v45 =	vadd.f32 v45, v60  }
0x1f6: {  	v62 =	vadd.f32 $1.000000000e+00, v61  }
0x1f7: {  	v63 =	vsub.f32 $0.0e+00, v45  }
0x1f8: {  	(erf) = vrcp.f32 v62  }
0x1f9: {  	(erf) = vrcp.f32 v43;
	v51 =	vmul.f32 $1.442695020e+00, v63  }
0x1fa: {  	(erf) = vrcp.f32 v42  }
0x1fb: {  	(erf) = vpow2.f32 v51;
	_ =	sdelay $0x5  }
0x1fc: {  	v52 =	vpop (erf)  }
0x1fd: {  	v53 =	vpop (erf)  }
0x1fe: {  	v54 =	vpop (erf)  }
0x1ff: {  	v55 =	vpop (erf)  }
0x200: {  	v45 =	vadd.f32 $-1.000000000e+00, v45;
	v50 =	vmul.f32 v55, v3;
	_ =	sdelay $0x1  }
0x201: {  	v45 =	vadd.f32 v50, v45;
	_ =	sdelay $0x1  }
0x202: {  	v50 =	vsub.f32 $0.0e+00, v45;
	_ =	sdelay $0x1  }
0x203: {  	v50 =	vmul.f32 $1.442695020e+00, v50;
	_ =	sdelay $0x1  }
0x204: {  	(erf) = vpow2.f32 v50;
	_ =	sdelay $0x8  }
0x205: {  	v50 =	vpop (erf)  }
0x206: {  	v45 =	vadd.f32 $-1.000000000e+00, v45;
	v50 =	vmul.f32 v50, v3;
	_ =	sdelay $0x1  }
0x207: {  	v45 =	vadd.f32 v50, v45;
	_ =	sdelay $0x1  }
0x208: {  	v50 =	vsub.f32 $0.0e+00, v45;
	_ =	sdelay $0x1  }
0x209: {  	v50 =	vmul.f32 $1.442695020e+00, v50;
	_ =	sdelay $0x1  }
0x20a: {  	(erf) = vpow2.f32 v50;
	_ =	sdelay $0x8  }
0x20b: {  	v50 =	vpop (erf)  }
0x20c: {  	v45 =	vadd.f32 $-1.000000000e+00, v45;
	v50 =	vmul.f32 v50, v3;
	_ =	sdelay $0x1  }
0x20d: {  	v45 =	vadd.f32 v50, v45;
	_ =	sdelay $0x1  }
0x20e: {  	v50 =	vsub.f32 $0.0e+00, v45;
	_ =	sdelay $0x1  }
0x20f: {  	v50 =	vmul.f32 $1.442695020e+00, v50;
	_ =	sdelay $0x1  }
0x210: {  	(erf) = vpow2.f32 v50;
	_ =	sdelay $0x3  }
0x211: {  	v35 =	vsub.f32 v35, v39  }
0x212: {  	v32 =	vmul.f32 $5.200000000e+01, v32;
	v36 =	vsub.f32 v36, v40  }
0x213: {  	v34 =	vsub.f32 v34, v35  }
0x214: {  	v33 =	vmul.f32 $5.200000000e+01, v33;
	v31 =	vsub.f32 v31, v36;
	v32 =	vmul.f32 v53, v32  }
0x215: {  	v34 =	vmul.f32 v34, v34  }
0x216: {  	v31 =	vmul.f32 v31, v31;
	v33 =	vmul.f32 v54, v33;
	v32 =	vsub.f32 v38, v32;
	v56 =	vpop (erf)  }
0x217: {  	v57 =	vadd.f32 $-1.000000000e+00, v45;
	v3 =	vmul.f32 v56, v3  }
0x218: {  	v31 =	vadd.f32 v31, v34;
	v33 =	vsub.f32 v37, v33;
	v32 =	vmul.f32 v32, v32  }
0x219: {  	v3 =	vadd.f32 v3, v57  }
0x21a: {  	v58 =	vmul.f32 v33, v33;
	v31 =	vadd.f32 v32, v31  }
0x21b: {  	v59 =	vadd.f32 v48, v46;
	v3 =	vadd.f32 v3, v47  }
0x21c: {  	v61 =	vmul.f32 $5.000000000e+00, v44;
	v60 =	vmul.f32 $5.000000000e+00, v52;
	v31 =	vadd.f32 v58, v31  }
0x21d: {  	vm14 =	veq.s32 v41, $0x0;
	vm15 =	vlt.f32 v44, $6.999999880e-01;
	v3 =	vsub.f32 v3, v59  }
0x21e: {  	v62 =	vmul.f32 v52, v52;
	v32 =	vsub.f32 v60, v61;
	v31 =	vnsel vm14, $0x0, v31  }
0x21f: {  	v39 =	vld [tilespmem:$0x220];
	vm1 =	vmand vm14, vm15;
	[tilespmem:$0x5C90] =	vst v31;
	v3 =	vnsel vm14, $0x0, v3  }
0x220: {  	p0 =	por $0x0, $0x0;
	v34 =	vld [tilespmem:$0xA0];
	v32 =	vmul.f32 v32, v32;
	[tilespmem:$0x5D10] =	vst v3;
	v3 =	vnsel vm1, $0x0, v62  }
0x221: {  	s14 =	simm.s32 $0x0;
	p1 =	por $0x1, $0x1;
	v33 =	vld [tilespmem:$0x20];
	v63 =	vpsel p0, v29, v28;
	[tilespmem:$0x5D90] =	vst v3;
	v3 =	vnsel vm14, $0x0, v62  }
0x222: {  	v46 =	vmov s14;
	v35 =	vpsel p1, v30, v63;
	v31 =	vld [tilespmem:$0x120];
	[tilespmem:$0x5E10] =	vst v3;
	v3 =	vnsel vm14, $0x0, v32  }
0x223: {  	v40 =	vshrl.u32 v8, $0x3;
	s14 =	simm.s32 $0x1;
	v45 =	vor.u32 $0x20, v8;
	v47 =	vperm.xlane v35, v46;
	v32 =	vld [tilespmem:$0x1A0];
	[tilespmem:$0x5E90] =	vst v3  }
.LBB2_21:
0x224: {  	s15 =	sshrl.u32 s14, $0x4  }
0x225: {  	p0 =	sne.s32 s14, $0x27;
	vm0 =	veq.s32 v47, v28;
	vm1 =	vgt.u32 v46, v45;
	s16 =	smov.u32 s14;
	s14 =	sadd.s32 $0x1, s14  }
.Ltmp10:
0x226: {  	p1 =	seq.s32 s15, $0x1;
	vm0 =	vmand vm1, vm0;
	(pc) =	sbr.rel @p0 .LBB2_21-.Ltmp10, $3  }
0x227: {  	p2 =	seq.s32 s15, $0x0;
	v3 =	vpsel p1, v29, v28;
	v35 =	vsel vm0, $0x1, v2  }
0x228: {  	v46 =	vmov s16;
	v3 =	vpsel p2, v30, v3;
	v40 =	vadd.s32 v35, v40  }
0x229: {  	v47 =	vperm.xlane v3, v46;
	_ =	sdelay $0x1  }
0x22a: {  	v3 =	vld [tilespmem:$0x30A0];
	_ =	sdelay $0x4  }
0x22b: {  	v3 =	vsub.f32 $0.0e+00, v3;
	_ =	sdelay $0x1  }
0x22c: {  	v3 =	vmul.f32 $1.442695020e+00, v3;
	_ =	sdelay $0x1  }
0x22d: {  	(erf) = vpow2.f32 v3;
	_ =	sdelay $0x3  }
0x22e: {  	v3 =	vld [tilespmem:$0x3120];
	_ =	sdelay $0x4  }
0x22f: {  	v3 =	vsub.f32 $0.0e+00, v3;
	v29 =	vpop (erf)  }
0x230: {  	v29 =	vadd.f32 $1.000000000e+00, v29  }
0x231: {  	v3 =	vmul.f32 $1.442695020e+00, v3  }
0x232: {  	(erf) = vrcp.f32 v29  }
0x233: {  	(erf) = vpow2.f32 v3;
	_ =	sdelay $0x5  }
0x234: {  	v3 =	vld [tilespmem:$0x31A0]  }
0x235: {  	v30 =	vld [tilespmem:$0x3220]  }
0x236: {  	v29 =	vpop (erf)  }
0x237: {  	v35 =	vpop (erf)  }
0x238: {  	v35 =	vadd.f32 $1.000000000e+00, v35  }
0x239: {  	v3 =	vmul.f32 $1.442695020e+00, v3  }
0x23a: {  	v30 =	vmul.f32 $1.442695020e+00, v30;
	(erf) = vrcp.f32 v35  }
0x23b: {  	(erf) = vpow2.f32 v3  }
0x23c: {  	(erf) = vpow2.f32 v30;
	_ =	sdelay $0x2  }
0x23d: {  	v30 =	vmul.f32 $5.200000000e+01, v33;
	v33 =	vmul.f32 $5.200000000e+01, v34;
	_ =	sdelay $0x1  }
0x23e: {  	v34 =	vtrunc.f32 v33  }
0x23f: {  	v61 =	vshll.u32 v27, $0x1;
	v3 =	vtrunc.f32 v30  }
0x240: {  	v37 =	vor.u32 $0x1, v61;
	v38 =	vperm.xlane v21, v61;
	v3 =	vcvt.f32.s32 v3;
	v27 =	vpop (erf)  }
0x241: {  	v37 =	vperm.xlane v21, v37;
	v36 =	vcvt.f32.s32 v34;
	v34 =	vpop (erf)  }
0x242: {  	v35 =	vcvt.s32.f32 v3;
	v21 =	vpop (erf);
	v3 =	vmul.f32 v38, v34  }
0x243: {  	v36 =	vcvt.s32.f32 v36;
	v41 =	vmul.f32 v37, v21  }
0x244: {  	v43 =	vadd.f32 v35, v29;
	v3 =	vmul.f32 v3, v0  }
0x245: {  	v44 =	vadd.f32 v36, v27;
	v48 =	vmul.f32 v41, v0  }
0x246: {  	v41 =	vsub.f32 v43, v3;
	v43 =	vadd.f32 v3, v43  }
0x247: {  	v42 =	vsub.f32 v44, v48;
	v44 =	vadd.f32 v48, v44  }
0x248: {  	vm0 =	veq.s32 v47, v28  }
0x249: {  	vm1 =	vgt.u32 v46, v45;
	v3 =	vsub.f32 v43, v41;
	v28 =	vsub.f32 v44, v42  }
0x24a: {  	s14 =	simm.s32 $0x0;
	p0 =	por $0x0, $0x0;
	v46 =	vimm.f32 $-Inf;
	vm0 =	vmand vm1, vm0  }
0x24b: {  	v63 =	vpsel p0, v17, v23;
	v45 =	vmul.f32 v28, v3;
	v28 =	vmov s14  }
0x24c: {  	p2 =	por $0x1, $0x1;
	v54 =	vpsel p0, v18, v24;
	v49 =	vpsel p0, v19, v25;
	v28 =	vand.u32 $0xF, v28  }
0x24d: {  	v50 =	vpsel p0, v20, v26;
	v47 =	vpsel p2, v12, v63;
	v51 =	vbroadcast v28, $0x0  }
0x24e: {  	v55 =	vpsel p2, v14, v49;
	v3 =	vpsel p0, v16, v22;
	v28 =	vpsel p2, v13, v54  }
0x24f: {  	v3 =	vpsel p2, v11, v3;
	v56 =	vperm.xlane v28, v51;
	v48 =	vperm.xlane v55, v51  }
0x250: {  	p3 =	por $0x0, $0x0;
	v62 =	vsel vm0, $0x1, v2;
	v3 =	vperm.xlane v3, v51;
	v57 =	vperm.xlane v47, v51  }
0x251: {  	v59 =	vpsel p3, v16, v22;
	v28 =	vadd.s32 v62, v40;
	v49 =	vmin.f32 v43, v56  }
0x252: {  	v48 =	vmin.f32 v44, v48;
	v3 =	vmax.f32 v41, v3;
	v40 =	vmax.f32 v42, v57  }
0x253: {  	v58 =	vpsel p2, v15, v50;
	v3 =	vsub.f32 v49, v3;
	v40 =	vsub.f32 v48, v40  }
0x254: {  	s30 =	simm.s32 $0x1;
	v60 =	vpsel p3, v17, v23;
	v61 =	vpsel p3, v18, v24;
	v51 =	vperm.xlane v58, v51  }
0x255: {  	v62 =	vmov s30;
	v3 =	vmax.f32 v3, $0.0e+00;
	v40 =	vmax.f32 v40, $0.0e+00  }
0x256: {  	p5 =	por $0x0, $0x0;
	v52 =	vand.u32 $0xF, v62;
	v47 =	vmul.f32 v40, v3;
	v3 =	vadd.f32 v51, v45  }
0x257: {  	p4 =	por $0x1, $0x1;
	v53 =	vpsel p5, v16, v22;
	v63 =	vpsel p3, v19, v25;
	v52 =	vbroadcast v52, $0x0  }
0x258: {  	v50 =	vpsel p4, v11, v59;
	v49 =	vpsel p4, v13, v61;
	v3 =	vsub.f32 v3, v47  }
0x259: {  	v59 =	vpsel p5, v20, v26;
	v48 =	vpsel p4, v12, v60;
	v49 =	vperm.xlane v49, v52  }
0x25a: {  	p6 =	por $0x1, $0x1;
	v50 =	vperm.xlane v50, v52;
	v40 =	vpsel p4, v14, v63;
	v3 =	vadd.f32 $9.999999960e-13, v3  }
0x25b: {  	v53 =	vpsel p6, v11, v53;
	v48 =	vperm.xlane v48, v52;
	v40 =	vperm.xlane v40, v52  }
0x25c: {  	v56 =	vpsel p3, v20, v26;
	v49 =	vmin.f32 v43, v49;
	(erf) = vrcp.f32 v3  }
0x25d: {  	v50 =	vmax.f32 v41, v50;
	v40 =	vmin.f32 v44, v40;
	v3 =	vmax.f32 v42, v48  }
0x25e: {  	v51 =	vpsel p4, v15, v56;
	v57 =	vsub.f32 v49, v50;
	v3 =	vsub.f32 v40, v3  }
0x25f: {  	s31 =	simm.s32 $0x2;
	v54 =	vpsel p5, v17, v23;
	v55 =	vpsel p5, v18, v24;
	v60 =	vperm.xlane v51, v52  }
0x260: {  	v61 =	vmov s31;
	v48 =	vmax.f32 v57, $0.0e+00;
	v3 =	vmax.f32 v3, $0.0e+00  }
0x261: {  	v51 =	vand.u32 $0xF, v61;
	v48 =	vmul.f32 v3, v48;
	v3 =	vadd.f32 v60, v45  }
0x262: {  	v58 =	vpsel p5, v19, v25;
	v62 =	vpsel p6, v13, v55;
	v49 =	vbroadcast v51, $0x0  }
0x263: {  	v63 =	vpsel p6, v12, v54;
	v50 =	vpsel p6, v15, v59;
	v3 =	vsub.f32 v3, v48  }
0x264: {  	v55 =	vperm.xlane v62, v49;
	v53 =	vperm.xlane v53, v49;
	v40 =	vpsel p6, v14, v58  }
0x265: {  	s14 =	simm.s32 $0x3;
	v54 =	vperm.xlane v63, v49;
	v56 =	vperm.xlane v40, v49;
	v40 =	vld [tilespmem:$0x32A0];
	v51 =	vadd.f32 $9.999999960e-13, v3;
	v52 =	vpop (erf)  }
.LBB2_23:
0x266: {  	s15 =	sshrl.u32 s14, $0x4  }
0x267: {  	p0 =	sne.s32 s14, $0x27;
	v3 =	vmin.f32 v43, v55;
	v55 =	vmin.f32 v44, v56;
	v52 =	vmul.f32 v52, v47;
	v47 =	vmovc v48;
	s16 =	smov.u32 s14;
	s14 =	sadd.s32 $0x1, s14  }
0x268: {  	p1 =	seq.s32 s15, $0x1;
	v48 =	vmax.f32 v41, v53;
	v53 =	vmax.f32 v42, v54;
	(erf) = vrcp.f32 v51  }
0x269: {  	v51 =	vpsel p1, v16, v22;
	v54 =	vpsel p1, v17, v23;
	v46 =	vmax.f32 v46, v52  }
0x26a: {  	v52 =	vpsel p1, v18, v24;
	v3 =	vsub.f32 v3, v48;
	v48 =	vsub.f32 v55, v53  }
0x26b: {  	v49 =	vperm.xlane v50, v49;
	v53 =	vpsel p1, v19, v25;
	v55 =	vpsel p1, v20, v26  }
0x26c: {  	v50 =	vmov s16;
	v3 =	vmax.f32 v3, $0.0e+00;
	v48 =	vmax.f32 v48, $0.0e+00  }
.Ltmp11:
0x26d: {  	p1 =	seq.s32 s15, $0x0;
	v50 =	vand.u32 $0xF, v50;
	v48 =	vmul.f32 v48, v3;
	v3 =	vadd.f32 v49, v45;
	(pc) =	sbr.rel @p0 .LBB2_23-.Ltmp11, $4  }
0x26e: {  	v52 =	vpsel p1, v13, v52;
	v49 =	vbroadcast v50, $0x0;
	v50 =	vpsel p1, v15, v55  }
0x26f: {  	v54 =	vpsel p1, v12, v54;
	v53 =	vpsel p1, v14, v53;
	v3 =	vsub.f32 v3, v48  }
0x270: {  	v51 =	vpsel p1, v11, v51;
	v55 =	vperm.xlane v52, v49;
	v56 =	vperm.xlane v53, v49  }
0x271: {  	v53 =	vperm.xlane v51, v49;
	v54 =	vperm.xlane v54, v49;
	v51 =	vadd.f32 $9.999999960e-13, v3;
	v52 =	vpop (erf)  }
0x272: {  	v3 =	vmin.f32 v43, v55  }
0x273: {  	v11 =	vmin.f32 v44, v56;
	v12 =	vmax.f32 v41, v53;
	v13 =	vmax.f32 v42, v54  }
0x274: {  	v3 =	vsub.f32 v3, v12;
	v11 =	vsub.f32 v11, v13  }
0x275: {  	v12 =	vperm.xlane v50, v49  }
0x276: {  	v3 =	vmax.f32 v3, $0.0e+00;
	v11 =	vmax.f32 v11, $0.0e+00  }
0x277: {  	v3 =	vmul.f32 v11, v3;
	v11 =	vadd.f32 v12, v45;
	_ =	sdelay $0x1  }
0x278: {  	v11 =	vsub.f32 v11, v3;
	_ =	sdelay $0x1  }
0x279: {  	v11 =	vadd.f32 $9.999999960e-13, v11  }
0x27a: {  	(erf) = vrcp.f32 v51  }
0x27b: {  	(erf) = vrcp.f32 v11;
	_ =	sdelay $0x3  }
0x27c: {  	s14 =	simm.s32 $0x33A0  }
0x27d: {  	v14 =	vld [tilespmem:s14+$0x0]  }
0x27e: {  	v12 =	vld [tilespmem:$0x3320]  }
0x27f: {  	v16 =	vtrunc.f32 v39  }
0x280: {  	v16 =	vcvt.f32.s32 v16;
	v13 =	vpop (erf);
	v11 =	vmul.f32 v52, v47  }
0x281: {  	s28 =	simm.s32 $0x3420;
	v13 =	vmul.f32 v13, v48;
	v15 =	vpop (erf)  }
0x282: {  	v19 =	vld [tilespmem:s28+$0x0];
	vm0 =	veq.s32 v16, $0x0;
	v11 =	vmax.f32 v46, v11;
	v3 =	vmul.f32 v15, v3  }
0x283: {  	v11 =	vmax.f32 v11, v13;
	v13 =	vmax.f32 v12, v14;
	v15 =	vadd.s32 $0x5, v16  }
0x284: {  	s29 =	simm.s32 $0x6;
	v11 =	vmax.f32 v11, v3;
	v3 =	vnsel vm0, $0x0, v12;
	v12 =	vsub.f32 v12, v13  }
0x285: {  	vm13 =	veq.s32 v15, s29  }
0x286: {  	s15 =	simm.s32 $0x7;
	v17 =	vnsel vm13, $0x0, v14;
	v14 =	vsub.f32 v14, v13;
	v12 =	vmul.f32 $1.442695020e+00, v12  }
0x287: {  	vm14 =	veq.s32 v15, s15;
	v3 =	vadd.f32 v17, v3;
	v17 =	vmax.f32 v13, v19  }
0x288: {  	v13 =	vsub.f32 v13, v17;
	v14 =	vmul.f32 $1.442695020e+00, v14;
	(erf) = vpow2.f32 v12  }
0x289: {  	s30 =	simm.s32 $0x34A0;
	v20 =	vnsel vm14, $0x0, v19  }
0x28a: {  	v18 =	vld [tilespmem:s30+$0x0];
	v12 =	vadd.f32 v20, v3;
	v3 =	vmul.f32 $1.442695020e+00, v13;
	(erf) = vpow2.f32 v14;
	_ =	sdelay $0x1  }
0x28b: {  	v19 =	vsub.f32 v19, v17;
	(erf) = vpow2.f32 v3  }
0x28c: {  	s31 =	simm.s32 $0x8  }
0x28d: {  	vm15 =	veq.s32 v15, s31;
	v19 =	vmul.f32 $1.442695020e+00, v19  }
0x28e: {  	s14 =	simm.s32 $0x9;
	v16 =	vimm.f32 $1.000000000e+00;
	s15 =	simm.s32 $0x3520;
	v13 =	vmax.f32 v17, v18;
	v14 =	vnsel vm15, $0x0, v18  }
.LBB2_25:
0x28f: {  	v3 =	vld [tilespmem:s15+$0x0];
	p0 =	sne.s32 s14, $0x54;
	v20 =	vsub.f32 v17, v13;
	v12 =	vadd.f32 v14, v12;
	(erf) = vpow2.f32 v19;
	v17 =	vmovc v13;
	s16 =	smov.u32 s14;
	s14 =	sadd.s32 $0x1, s14  }
.Ltmp12:
0x290: {  	v14 =	vpop (erf);
	(pc) =	sbr.rel @p0 .LBB2_25-.Ltmp12, $4  }
0x291: {  	v22 =	vsub.f32 v18, v13;
	v20 =	vmul.f32 $1.442695020e+00, v20;
	v14 =	vmul.f32 v14, v16  }
0x292: {  	vm0 =	veq.s32 v15, s16;
	v16 =	vpop (erf)  }
0x293: {  	v19 =	vmul.f32 $1.442695020e+00, v22;
	(erf) = vpow2.f32 v20;
	v16 =	vadd.f32 v14, v16  }
0x294: {  	s15 =	sadd.s32 $0x80, s15;
	v13 =	vmax.f32 v13, v3;
	v14 =	vnsel vm0, $0x0, v3;
	v18 =	vmov v3  }
0x295: {  	v3 =	vsub.f32 v17, v13;
	_ =	sdelay $0x1  }
0x296: {  	v3 =	vmul.f32 $1.442695020e+00, v3  }
0x297: {  	(erf) = vpow2.f32 v19;
	v15 =	vsub.f32 v18, v13;
	_ =	sdelay $0x1  }
0x298: {  	v15 =	vmul.f32 $1.442695020e+00, v15;
	(erf) = vpow2.f32 v3  }
0x299: {  	v3 =	vpop (erf)  }
0x29a: {  	(erf) = vpow2.f32 v15;
	v3 =	vmul.f32 v3, v16  }
0x29b: {  	v18 =	vpop (erf)  }
0x29c: {  	v3 =	vadd.f32 v3, v18  }
0x29d: {  	v19 =	vpop (erf)  }
0x29e: {  	v3 =	vmul.f32 v19, v3  }
0x29f: {  	v20 =	vpop (erf)  }
0x2a0: {  	v3 =	vadd.f32 v3, v20  }
0x2a1: {  	v22 =	vpop (erf)  }
0x2a2: {  	v3 =	vmul.f32 v22, v3  }
0x2a3: {  	v23 =	vpop (erf)  }
0x2a4: {  	v3 =	vadd.f32 v3, v23;
	_ =	sdelay $0x1  }
0x2a5: {  	vm0 =	vgt.f32 v3, $1.648721220e+00;
	vm1 =	vgt.f32 v3, $2.718281750e+00  }
0x2a6: {  	v24 =	vsel vm0, $0x3F400000, v10;
	v25 =	vsel vm1, $0x3F000000, v9  }
0x2a7: {  	vm7 =	vgt.f32 v3, $4.481688980e+00;
	v15 =	vadd.f32 v25, v24  }
0x2a8: {  	v26 =	vsub.f32 $0.0e+00, v40;
	v39 =	vsel vm7, $0x3F000000, v9  }
0x2a9: {  	vm8 =	vgt.f32 v3, $7.389056200e+00;
	v15 =	vadd.f32 v15, v39  }
0x2aa: {  	v16 =	vmul.f32 $1.442695020e+00, v26;
	v40 =	vsel vm8, $0x3F000000, v9  }
0x2ab: {  	vm9 =	vgt.f32 v3, $1.218249420e+01;
	v15 =	vadd.f32 v15, v40  }
0x2ac: {  	(erf) = vpow2.f32 v16;
	v41 =	vsel vm9, $0x3F000000, v9  }
0x2ad: {  	vm10 =	vgt.f32 v3, $2.008553700e+01;
	v15 =	vadd.f32 v15, v41  }
0x2ae: {  	v42 =	vsel vm10, $0x3F000000, v9  }
0x2af: {  	vm11 =	vgt.f32 v3, $3.311545180e+01;
	v15 =	vadd.f32 v15, v42  }
0x2b0: {  	v43 =	vsel vm11, $0x3F000000, v9  }
0x2b1: {  	vm12 =	vgt.f32 v3, $5.459814830e+01;
	v15 =	vadd.f32 v15, v43  }
0x2b2: {  	v44 =	vsel vm12, $0x3F000000, v9  }
0x2b3: {  	vm13 =	vgt.f32 v3, $9.001712800e+01;
	v15 =	vadd.f32 v15, v44  }
0x2b4: {  	v45 =	vsel vm13, $0x3F000000, v9  }
0x2b5: {  	v46 =	vpop (erf);
	v15 =	vadd.f32 v15, v45  }
0x2b6: {  	v47 =	vadd.f32 $1.000000000e+00, v46  }
0x2b7: {  	v48 =	vsub.f32 $0.0e+00, v15  }
0x2b8: {  	(erf) = vrcp.f32 v47  }
0x2b9: {  	(erf) = vrcp.f32 v38;
	v49 =	vmul.f32 $1.442695020e+00, v48  }
0x2ba: {  	(erf) = vrcp.f32 v37  }
0x2bb: {  	(erf) = vpow2.f32 v49;
	_ =	sdelay $0x5  }
0x2bc: {  	v50 =	vpop (erf)  }
0x2bd: {  	v51 =	vpop (erf)  }
0x2be: {  	v52 =	vpop (erf)  }
0x2bf: {  	v53 =	vpop (erf)  }
0x2c0: {  	v15 =	vadd.f32 $-1.000000000e+00, v15;
	v19 =	vmul.f32 v53, v3;
	_ =	sdelay $0x1  }
0x2c1: {  	v15 =	vadd.f32 v19, v15;
	_ =	sdelay $0x1  }
0x2c2: {  	v19 =	vsub.f32 $0.0e+00, v15;
	_ =	sdelay $0x1  }
0x2c3: {  	v19 =	vmul.f32 $1.442695020e+00, v19;
	_ =	sdelay $0x1  }
0x2c4: {  	(erf) = vpow2.f32 v19;
	_ =	sdelay $0x8  }
0x2c5: {  	v19 =	vpop (erf)  }
0x2c6: {  	v15 =	vadd.f32 $-1.000000000e+00, v15;
	v19 =	vmul.f32 v19, v3;
	_ =	sdelay $0x1  }
0x2c7: {  	v15 =	vadd.f32 v19, v15;
	_ =	sdelay $0x1  }
0x2c8: {  	v19 =	vsub.f32 $0.0e+00, v15;
	_ =	sdelay $0x1  }
0x2c9: {  	v19 =	vmul.f32 $1.442695020e+00, v19;
	_ =	sdelay $0x1  }
0x2ca: {  	(erf) = vpow2.f32 v19;
	_ =	sdelay $0x8  }
0x2cb: {  	v19 =	vpop (erf)  }
0x2cc: {  	v15 =	vadd.f32 $-1.000000000e+00, v15;
	v19 =	vmul.f32 v19, v3;
	_ =	sdelay $0x1  }
0x2cd: {  	v15 =	vadd.f32 v19, v15;
	_ =	sdelay $0x1  }
0x2ce: {  	v19 =	vsub.f32 $0.0e+00, v15;
	_ =	sdelay $0x1  }
0x2cf: {  	v19 =	vmul.f32 $1.442695020e+00, v19;
	_ =	sdelay $0x1  }
0x2d0: {  	(erf) = vpow2.f32 v19;
	_ =	sdelay $0x3  }
0x2d1: {  	v20 =	vsub.f32 v30, v35  }
0x2d2: {  	v54 =	vmul.f32 $5.200000000e+01, v31;
	v22 =	vsub.f32 v33, v36  }
0x2d3: {  	v20 =	vsub.f32 v29, v20  }
0x2d4: {  	v23 =	vmul.f32 $5.200000000e+01, v32;
	v22 =	vsub.f32 v27, v22;
	v17 =	vmul.f32 v51, v54  }
0x2d5: {  	v55 =	vmul.f32 v20, v20  }
0x2d6: {  	v56 =	vmul.f32 v22, v22;
	v18 =	vmul.f32 v52, v23;
	v17 =	vsub.f32 v34, v17;
	v57 =	vpop (erf)  }
0x2d7: {  	v15 =	vadd.f32 $-1.000000000e+00, v15;
	v3 =	vmul.f32 v57, v3  }
0x2d8: {  	v18 =	vsub.f32 v21, v18;
	v17 =	vmul.f32 v17, v17;
	v19 =	vadd.f32 v56, v55  }
0x2d9: {  	v3 =	vadd.f32 v3, v15  }
0x2da: {  	v59 =	vmul.f32 v18, v18;
	v58 =	vadd.f32 v17, v19  }
0x2db: {  	v12 =	vadd.f32 v14, v12;
	v3 =	vadd.f32 v3, v13  }
0x2dc: {  	v62 =	vmul.f32 $5.000000000e+00, v11;
	v61 =	vmul.f32 $5.000000000e+00, v50;
	v60 =	vadd.f32 v59, v58  }
0x2dd: {  	vm14 =	veq.s32 v28, $0x0;
	vm15 =	vlt.f32 v11, $6.999999880e-01;
	v3 =	vsub.f32 v3, v12  }
0x2de: {  	v63 =	vmul.f32 v50, v50;
	v14 =	vsub.f32 v61, v62;
	v11 =	vnsel vm14, $0x0, v60  }
0x2df: {  	vm1 =	vmand vm14, vm15;
	[tilespmem:$0x5CA0] =	vst v11;
	v3 =	vnsel vm14, $0x0, v3  }
0x2e0: {  	v11 =	vmul.f32 v14, v14;
	[tilespmem:$0x5D20] =	vst v3;
	v3 =	vnsel vm1, $0x0, v63  }
0x2e1: {  	s13 =	sadd.s32 $0x1, s13;
	[tilespmem:$0x5DA0] =	vst v3;
	v3 =	vnsel vm14, $0x0, v63  }
0x2e2: {  	p0 =	sne.s32 s13, s7;
	[tilespmem:$0x5E20] =	vst v3;
	v3 =	vnsel vm14, $0x0, v11  }
.Ltmp13:
0x2e3: {  	[tilespmem:$0x5EA0] =	vst v3;
	(pc) =	sbr.rel @p0 .LBB2_2-.Ltmp13, $4  }
0x2e4: {  	[hbm4b:s5+s2] =	stream.linear.scatter [tilespmem:s12], [sflag:$0x2], $0x280, $0x38;
	[tilespmem:$0x6080] =	vst v63  }
0x2e5: {  	_ =	swait.ge [sflag:s8], $0x280  }
0x2e6: {  	[sflag:s8] =	ssyncset.done $0x0  }
0x2e7: {  	[sflag:s8] =	ssyncadd.s32 $0xFFFFFD80  }
.LBB2_27:
0x2e8: {  	_ =	sfence.sel $0x180000  }
0x2e9: {  	[bflag:$0x0] =	sbarrier.arrive $0xFFFF  }
0x2ea: {  	p0 =	sne.s32 s3, $0x0;
	_ =	strace $0x90000047  }
0x2eb: {  	s0 =	sadd.s32 @!p0 $0x100000, s0;
	[bflag:$0x2] =	sbarrier.arrive $0xFFFF  }
0x2ec: {  	[sflag:s0] =	ssyncadd.tile.s32 @!p0 $0x1;
	_ =	shalt  }
.Lfunc_end2:
_tile_overlayer_lowered:
.L_overlay_start_2:
0x2ed: {  	(tag) =	ssettag $0x2  }
0x2ee: {  	s0 =	rddreg [dreg:$0x0];
	s2 =	stileid.u32  }
0x2ef: {  	s1 =	rddreg [dreg:$0x1];
	p0 =	sne.s32 s2, $0x0  }
0x2f0: {  	s3 =	rddreg [dreg:$0x2];
	[bflag:$0x3] =	sbarrier.arrive $0xFFFF;
	s2 =	simm.s32 @!p0 $0x1C02  }
0x2f1: {  	[timem:s3], [sflag:s2] =	dma.local @!p0 [hbm:s0], s1  }
0x2f2: {  	s0 =	simm.s32 @!p0 $0x2  }
0x2f3: {  	_ =	swait.ge @!p0 [sflag:s0], s1  }
0x2f4: {  	s1 =	ssub.s32 @!p0 $0x0, s1;
	[sflag:s0] =	ssyncset.done @!p0 $0x0  }
0x2f5: {  	[sflag:s0] =	ssyncadd.s32 @!p0 s1  }
0x2f6: {  	[bflag:$0x3] =	sbarrier.arrive $0xFFFF  }
0x2f7: {  	_ =	shalt  }

</sc_bundles>
